<compile_context>
chip_gen: v7x
topology: tpu7x:2x2x1
jax: 0.10.2.dev20260603
libtpu: 0.0.44.dev20260713+nightly
codegen_flags: <defaults>
</compile_context>

<pallas_src>
import functools

import jax
import jax.numpy as jnp
from jax import lax
from jax.experimental import pallas as pl
from jax.experimental.pallas import tpu as pltpu
from jax.experimental.pallas import tpu_sc as plsc

N = 10000
E = 320000
D = 128
G = 128
OUT = 128

NP = 10240
KC = 120
TOTC = 2688
EPAD = TOTC * KC
IR = 5
AC0 = 136
AC1 = 168 - AC0
CH_SC = TOTC // 16
ROWS_T = NP // 16
BM = 2048

_mesh = plsc.VectorSubcoreMesh(core_axis_name="c", subcore_axis_name="s")
_sc_params = pltpu.CompilerParams(needs_layout_passes=False)


def _rsqrt16(x):
    s = 0.5 * (1.0 + x)
    for _ in range(15):
        s = 0.5 * (s + x / s)
    return 1.0 / s


def _zero_fill(buf, nrows):
    def body(i, _):
        for j in range(8):
            buf[i, pl.ds(j * 16, 16)] = jnp.zeros((16,), jnp.float32)
        return 0
    lax.fori_loop(0, nrows, body, 0)


NSEM = 8


def _fire_drain(nchunks, fire):
    full = nchunks // NSEM
    rem = nchunks - full * NSEM

    def grp(g, _):
        base = g * NSEM
        ds_ = [fire(base + k, k) for k in range(NSEM)]
        for dsc in ds_:
            dsc.wait()
        return 0
    lax.fori_loop(0, full, grp, 0)
    ds_ = [fire(full * NSEM + k, k) for k in range(rem)]
    for dsc in ds_:
        dsc.wait()


@functools.partial(
    pl.kernel,
    out_type=(jax.ShapeDtypeStruct((NP,), jnp.float32),
              jax.ShapeDtypeStruct((NP,), jnp.float32)),
    mesh=_mesh,
    compiler_params=_sc_params,
    scratch_types=dict(
        deg_acc=pltpu.VMEM_SHARED((NP,), jnp.float32),
        cs_acc=pltpu.VMEM_SHARED((NP,), jnp.float32),
        dinv_sh=pltpu.VMEM_SHARED((NP,), jnp.float32),
        onesv=pltpu.VMEM((KC,), jnp.float32),
        srcv=pltpu.VMEM((CH_SC, KC), jnp.int32),
        dstv=pltpu.VMEM((CH_SC, KC), jnp.int32),
        valv=pltpu.VMEM((CH_SC, KC), jnp.float32),
        dv=pltpu.VMEM((NP,), jnp.float32),
        dslice=pltpu.VMEM((ROWS_T,), jnp.float32),
        csv=pltpu.VMEM((ROWS_T,), jnp.float32),
        sems=pltpu.SemaphoreType.DMA((NSEM,)),
    ),
)
def _sc_scalar(src_hbm, dst_hbm, dinv_out, cc_out, *, deg_acc, cs_acc,
               dinv_sh, onesv, srcv, dstv, valv, dv, dslice, csv, sems):
    c = lax.axis_index("c")
    s = lax.axis_index("s")

    @pl.when(c == 0)
    def _():
        r0 = s * ROWS_T
        def zb(i, _):
            dslice[pl.ds(i * 16, 16)] = jnp.zeros((16,), jnp.float32)
            return 0
        lax.fori_loop(0, ROWS_T // 16, zb, 0)
        pltpu.sync_copy(dslice, deg_acc.at[pl.ds(r0, ROWS_T)])
        pltpu.sync_copy(dslice, cs_acc.at[pl.ds(r0, ROWS_T)])

        def ob(i, _):
            onesv[pl.ds(i * 16, 16)] = jnp.ones((16,), jnp.float32)
            return 0
        lax.fori_loop(0, KC // 16, ob, 0)
        if KC % 16:
            onesv[pl.ds(KC - 16, 16)] = jnp.ones((16,), jnp.float32)
        plsc.subcore_barrier()

        pltpu.sync_copy(dst_hbm.at[pl.ds(s * CH_SC, CH_SC)], dstv)

        def fire_deg(i, k):
            return pltpu.async_copy(
                onesv, deg_acc.at[dstv.at[i]], sems.at[k], add=True)
        _fire_drain(CH_SC, fire_deg)
        plsc.subcore_barrier()

        pltpu.sync_copy(deg_acc.at[pl.ds(r0, ROWS_T)], csv)

        def rb(i, _):
            x = csv[pl.ds(i * 16, 16)] + 1.0
            dslice[pl.ds(i * 16, 16)] = _rsqrt16(x)
            return 0
        lax.fori_loop(0, ROWS_T // 16, rb, 0)
        pltpu.sync_copy(dslice, dinv_sh.at[pl.ds(r0, ROWS_T)])
        plsc.subcore_barrier()

        pltpu.sync_copy(dinv_sh, dv)
        pltpu.sync_copy(src_hbm.at[pl.ds(s * CH_SC, CH_SC)], srcv)

        def gb(i, _):
            offs = [j * 16 for j in range(KC // 16)]
            if KC % 16:
                offs.append(KC - 16)
            for o in offs:
                idx = srcv[i, pl.ds(o, 16)]
                valv[i, pl.ds(o, 16)] = plsc.load_gather(dv, [idx])
            return 0
        lax.fori_loop(0, CH_SC, gb, 0)

        def fire_cs(i, k):
            return pltpu.async_copy(
                valv.at[i], cs_acc.at[dstv.at[i]], sems.at[k], add=True)
        _fire_drain(CH_SC, fire_cs)
        plsc.subcore_barrier()

        pltpu.sync_copy(cs_acc.at[pl.ds(r0, ROWS_T)], csv)

        def cb(i, _):
            dvv = dslice[pl.ds(i * 16, 16)]
            csv[pl.ds(i * 16, 16)] = dvv * (csv[pl.ds(i * 16, 16)] + dvv)
            return 0
        lax.fori_loop(0, ROWS_T // 16, cb, 0)
        pltpu.sync_copy(dslice, dinv_out.at[pl.ds(r0, ROWS_T)])
        pltpu.sync_copy(csv, cc_out.at[pl.ds(r0, ROWS_T)])


RING = 3
NAGG = 10112
ROWS_A = NAGG // 16


@functools.partial(
    pl.kernel,
    out_type=jax.ShapeDtypeStruct((2, NP, D), jnp.float32),
    mesh=_mesh,
    compiler_params=_sc_params,
    scratch_types=dict(
        acc=pltpu.VMEM_SHARED((NAGG, D), jnp.float32),
        sidx=pltpu.VMEM((IR, KC), jnp.int32),
        didx=pltpu.VMEM((IR, KC), jnp.int32),
        rowbuf=pltpu.VMEM((RING, KC, D), jnp.float32),
        gsems=pltpu.SemaphoreType.DMA((RING,)),
        ssems=pltpu.SemaphoreType.DMA((RING,)),
        isems=pltpu.SemaphoreType.DMA((IR,)),
    ),
)
def _sc_agg(gsc_hbm, src_hbm, dst_hbm, out_hbm, *, acc, sidx, didx, rowbuf,
            gsems, ssems, isems):
    c = lax.axis_index("c")
    s = lax.axis_index("s")
    r0 = s * ROWS_A
    nc = jnp.where(c == 0, AC0, AC1)
    base = jnp.where(c == 0, s * AC0, 16 * AC0 + s * AC1)

    _zero_fill(rowbuf.at[0], KC)
    for k in range(ROWS_A // KC):
        pltpu.sync_copy(rowbuf.at[0], acc.at[pl.ds(r0 + k * KC, KC)])
    rem_rows = ROWS_A - (ROWS_A // KC) * KC
    pltpu.sync_copy(rowbuf.at[0, pl.ds(0, rem_rows)],
                    acc.at[pl.ds(r0 + (ROWS_A // KC) * KC, rem_rows)])
    plsc.subcore_barrier()

    pltpu.sync_copy(src_hbm.at[base], sidx.at[0])
    pltpu.sync_copy(dst_hbm.at[base], didx.at[0])
    for k in (1, 2):
        pltpu.async_copy(src_hbm.at[base + k], sidx.at[k], isems.at[k])
        pltpu.async_copy(dst_hbm.at[base + k], didx.at[k], isems.at[k])
    pltpu.async_copy(gsc_hbm.at[sidx.at[0]], rowbuf.at[0], gsems.at[0])

    def it(i, _):
        b = lax.rem(i, RING)
        nxt = lax.rem(i + 1, RING)
        m1 = lax.rem(i + 1, IR)
        m3 = lax.rem(i + 3, IR)

        @pl.when(jnp.logical_and(i >= 2, i <= nc - 2))
        def _():
            pltpu.make_async_copy(rowbuf.at[nxt], acc.at[didx.at[0]],
                                  ssems.at[nxt]).wait()

        @pl.when(i <= nc - 4)
        def _():
            pltpu.async_copy(src_hbm.at[base + i + 3], sidx.at[m3],
                             isems.at[m3])
            pltpu.async_copy(dst_hbm.at[base + i + 3], didx.at[m3],
                             isems.at[m3])

        @pl.when(i <= nc - 2)
        def _():
            pltpu.make_async_copy(src_hbm.at[base + i + 1], sidx.at[m1],
                                  isems.at[m1]).wait()
            pltpu.make_async_copy(dst_hbm.at[base + i + 1], didx.at[m1],
                                  isems.at[m1]).wait()
            pltpu.async_copy(gsc_hbm.at[sidx.at[m1]], rowbuf.at[nxt],
                             gsems.at[nxt])

        mi = lax.rem(i, IR)
        pltpu.make_async_copy(gsc_hbm.at[sidx.at[mi]], rowbuf.at[b],
                              gsems.at[b]).wait()
        pltpu.async_copy(rowbuf.at[b], acc.at[didx.at[mi]], ssems.at[b],
                         add=True)
        return 0

    lax.fori_loop(0, nc, it, 0)
    for v in range(RING):
        pltpu.make_async_copy(rowbuf.at[v], acc.at[didx.at[0]],
                              ssems.at[v]).wait()

    plsc.subcore_barrier()
    pltpu.sync_copy(acc.at[pl.ds(r0, ROWS_A)],
                    out_hbm.at[c, pl.ds(r0, ROWS_A)])


def _elu(z):
    return jnp.where(z > 0, z, jnp.exp(z) - 1.0)


def _tc_a_body(emb_r, w1_r, b1_r, w2_r, dinv_r, cc_r, h1_r, g2_r):
    e = emb_r[...]
    r1 = jnp.dot(e, w1_r[...], preferred_element_type=jnp.float32)
    h1 = _elu(cc_r[...] * r1 + b1_r[...])
    h1_r[...] = h1
    x2 = h1 + e
    g2_r[...] = dinv_r[...] * jnp.dot(x2, w2_r[...],
                                      preferred_element_type=jnp.float32)


def _tc_a(emb, W1, b1, W2, dinv_c, cc_c):
    grid = (NP // BM,)
    cst = lambda i: (0, 0)
    row = lambda i: (i, 0)
    return pl.pallas_call(
        _tc_a_body,
        grid=grid,
        in_specs=[
            pl.BlockSpec((1, D), cst),
            pl.BlockSpec((D, D), cst),
            pl.BlockSpec((1, D), cst),
            pl.BlockSpec((D, D), cst),
            pl.BlockSpec((BM, 1), row),
            pl.BlockSpec((BM, 1), row),
        ],
        out_specs=[pl.BlockSpec((BM, D), row), pl.BlockSpec((BM, D), row)],
        out_shape=[jax.ShapeDtypeStruct((NP, D), jnp.float32),
                   jax.ShapeDtypeStruct((NP, D), jnp.float32)],
    )(emb, W1, b1, W2, dinv_c, cc_c)


def _tc_b_body(p_r, g2_r, h1_r, dinv_r, emb_r, w3_r, b2_r, h2_r, g3_r):
    agg = dinv_r[...] * (p_r[0] + p_r[1] + g2_r[...])
    h2 = _elu(agg + b2_r[...])
    h2_r[...] = h2
    x3 = emb_r[...] + h1_r[...] + h2
    g3_r[...] = dinv_r[...] * jnp.dot(x3, w3_r[...],
                                      preferred_element_type=jnp.float32)


def _tc_b(p, g2, h1, dinv_c, emb, W3, b2):
    grid = (NP // BM,)
    cst = lambda i: (0, 0)
    row = lambda i: (i, 0)
    return pl.pallas_call(
        _tc_b_body,
        grid=grid,
        in_specs=[
            pl.BlockSpec((2, BM, D), lambda i: (0, i, 0)),
            pl.BlockSpec((BM, D), row),
            pl.BlockSpec((BM, D), row),
            pl.BlockSpec((BM, 1), row),
            pl.BlockSpec((1, D), cst),
            pl.BlockSpec((D, D), cst),
            pl.BlockSpec((1, D), cst),
        ],
        out_specs=[pl.BlockSpec((BM, D), row), pl.BlockSpec((BM, D), row)],
        out_shape=[jax.ShapeDtypeStruct((NP, D), jnp.float32),
                   jax.ShapeDtypeStruct((NP, D), jnp.float32)],
    )(p, g2, h1, dinv_c, emb, W3, b2)


def _tc_c_body(p_r, g3_r, h1_r, h2_r, dinv_r, emb_r, b3_r, lw_r, lb_r, pw_r,
               pb_r, batch_r, out_r, pooled):
    i = pl.program_id(0)
    h3 = _elu(dinv_r[...] * (p_r[0] + p_r[1] + g3_r[...]) + b3_r[...])
    xf = emb_r[...] + h1_r[...] + h2_r[...] + h3
    hf = _elu(jnp.dot(xf, lw_r[...], preferred_element_type=jnp.float32)
              + lb_r[...])
    rid = i * BM + lax.broadcasted_iota(jnp.int32, (BM, 1), 0)
    hf = jnp.where(rid < N, hf, 0.0)
    oh = (batch_r[...] == lax.broadcasted_iota(jnp.int32, (BM, G), 1)
          ).astype(jnp.float32)
    contrib = lax.dot_general(oh, hf, (((0,), (0,)), ((), ())),
                              preferred_element_type=jnp.float32)

    @pl.when(i == 0)
    def _():
        pooled[...] = jnp.zeros((G, D), jnp.float32)

    pooled[...] += contrib
    out_r[...] = (jnp.dot(pooled[...], pw_r[...],
                          preferred_element_type=jnp.float32)
                  + pb_r[...]) * 0.1


def _tc_c(p, g3, h1, h2, dinv_c, emb, b3, last_W, last_b, pred_W, pred_b,
          batch_c):
    grid = (NP // BM,)
    cst = lambda i: (0, 0)
    row = lambda i: (i, 0)
    return pl.pallas_call(
        _tc_c_body,
        grid=grid,
        in_specs=[
            pl.BlockSpec((2, BM, D), lambda i: (0, i, 0)),
            pl.BlockSpec((BM, D), row),
            pl.BlockSpec((BM, D), row),
            pl.BlockSpec((BM, D), row),
            pl.BlockSpec((BM, 1), row),
            pl.BlockSpec((1, D), cst),
            pl.BlockSpec((1, D), cst),
            pl.BlockSpec((D, D), cst),
            pl.BlockSpec((1, D), cst),
            pl.BlockSpec((D, OUT), cst),
            pl.BlockSpec((1, OUT), cst),
            pl.BlockSpec((BM, 1), row),
        ],
        out_specs=pl.BlockSpec((G, OUT), cst),
        out_shape=jax.ShapeDtypeStruct((G, OUT), jnp.float32),
        scratch_shapes=[pltpu.VMEM((G, D), jnp.float32)],
    )(p, g3, h1, h2, dinv_c, emb, b3, last_W, last_b, pred_W, pred_b, batch_c)


def kernel(x, edge_index, batch, edge_attr, emb, W1, b1, W2, b2, W3, b3,
           last_W, last_b, pred_W, pred_b):
    src = edge_index[0]
    dst = edge_index[1]
    srcp = jnp.concatenate(
        [src, jnp.zeros((EPAD - E,), jnp.int32)]).reshape(TOTC, KC)
    dstp = jnp.concatenate(
        [dst, jnp.full((EPAD - E,), N, jnp.int32)]).reshape(TOTC, KC)
    batch_c = jnp.concatenate(
        [batch, jnp.full((NP - N,), G, jnp.int32)]).reshape(NP, 1)

    dinv, cc = _sc_scalar(srcp, dstp)
    dinv_c = dinv.reshape(NP, 1)
    cc_c = cc.reshape(NP, 1)

    h1, g2 = _tc_a(emb, W1, b1.reshape(1, D), W2, dinv_c, cc_c)
    p2 = _sc_agg(g2, srcp, dstp)
    h2, g3 = _tc_b(p2, g2, h1, dinv_c, emb, W3, b2.reshape(1, D))
    p3 = _sc_agg(g3, srcp, dstp)
    out = _tc_c(p3, g3, h1, h2, dinv_c, emb, b3.reshape(1, D), last_W,
                last_b.reshape(1, D), pred_W, pred_b.reshape(1, OUT), batch_c)
    return out

# --- scband reference (transcript-rebuilt; emitter-appended) ---
"""Pipeline reference for scband-network-gnn-22634477650042 (READ-ONLY COPY).

The authoritative reference and input builder live on the scoring server;
editing this copy changes nothing except your own understanding.
"""

import jax, jax.numpy as jnp
import numpy as np

N = 10000
E = 320000
D = 128
G = 128
OUT = 128
NUM_LAYERS = 3


def setup_inputs(seed: int = 0) -> dict:
    key = jax.random.key(seed)
    ks = jax.random.split(key, 16)
    x = jnp.zeros((N,), dtype=jnp.int32)  # node_encoder has num_embeddings=1, so all indices are 0
    edge_index = jax.random.randint(ks[0], (2, E), 0, N, dtype=jnp.int32)
    batch = jnp.sort(jax.random.randint(ks[1], (N,), 0, G, dtype=jnp.int32))
    edge_attr = jax.random.normal(ks[2], (E, 4), dtype=jnp.float32)
    s = 1.0 / np.sqrt(D)
    emb = jax.random.normal(ks[3], (1, D), dtype=jnp.float32) * 0.02
    W1 = jax.random.normal(ks[4], (D, D), dtype=jnp.float32) * s
    b1 = jnp.zeros((D,), dtype=jnp.float32)
    W2 = jax.random.normal(ks[5], (D, D), dtype=jnp.float32) * s
    b2 = jnp.zeros((D,), dtype=jnp.float32)
    W3 = jax.random.normal(ks[6], (D, D), dtype=jnp.float32) * s
    b3 = jnp.zeros((D,), dtype=jnp.float32)
    last_W = jax.random.normal(ks[7], (D, D), dtype=jnp.float32) * s
    last_b = jnp.zeros((D,), dtype=jnp.float32)
    pred_W = jax.random.normal(ks[8], (D, OUT), dtype=jnp.float32) * s
    pred_b = jnp.zeros((OUT,), dtype=jnp.float32)
    return {"x": x, "edge_index": edge_index, "batch": batch, "edge_attr": edge_attr,
            "emb": emb, "W1": W1, "b1": b1, "W2": W2, "b2": b2, "W3": W3, "b3": b3,
            "last_W": last_W, "last_b": last_b, "pred_W": pred_W, "pred_b": pred_b}


def _gcn_conv(h, W, b, src, dst, n_nodes):
    # PyG GCNConv: linear transform, add self loops, symmetric normalization, scatter-add
    h = h @ W
    loop = jnp.arange(n_nodes, dtype=src.dtype)
    src2 = jnp.concatenate([src, loop])
    dst2 = jnp.concatenate([dst, loop])
    deg = jax.ops.segment_sum(jnp.ones_like(dst2, dtype=h.dtype), dst2, num_segments=n_nodes)
    dinv = jnp.where(deg > 0, 1.0 / jnp.sqrt(deg), 0.0)
    norm = dinv[src2] * dinv[dst2]
    msg = h[src2] * norm[:, None]
    out = jax.ops.segment_sum(msg, dst2, num_segments=n_nodes)
    return out + b


def reference(x, edge_index, batch, edge_attr, emb, W1, b1, W2, b2, W3, b3, last_W, last_b, pred_W, pred_b):
    src = edge_index[0]
    dst = edge_index[1]
    h = emb[x]  # node_encoder embedding lookup
    h_list = [h]
    params = [(W1, b1), (W2, b2), (W3, b3)]
    for i in range(NUM_LAYERS):
        # SeOp: all selections are 'true' -> keep all previous states; FuOp 'sum' -> elementwise sum
        x2 = h_list[0]
        for t in h_list[1:]:
            x2 = x2 + t
        W, b = params[i]
        h = _gcn_conv(x2, W, b, src, dst, N)  # NaOp with act='linear' (with_act=False)
        h = jax.nn.elu(h)
        h_list.append(h)
    x2 = h_list[0]
    for t in h_list[1:]:
        x2 = x2 + t
    h = jax.nn.elu(x2 @ last_W + last_b)
    # dropout is identity in eval mode
    pooled = jax.ops.segment_sum(h, batch, num_segments=G)  # global_add_pool
    out = pooled @ pred_W + pred_b
    return out / 10.0

if __name__ == "__main__":
    import jax
    _d = setup_inputs()
    print(jax.jit(kernel)(*tuple(_d.values())))

</pallas_src>

<mosaic_0001>
#map = affine_map<(d0, d1) -> (0, 0)>
#map1 = affine_map<(d0, d1) -> (0, 0, 0)>
module attributes {stable_mosaic.version = 14 : i64} {
  func.func @_sc_agg(%arg0: i32, %arg1: i32, %arg2: memref<10240x128xf32, #tpu.memory_space<hbm>>, %arg3: memref<2688x120xi32, #tpu.memory_space<hbm>>, %arg4: memref<2688x120xi32, #tpu.memory_space<hbm>>, %arg5: memref<2x10240x128xf32, #tpu.memory_space<hbm>>, %arg6: memref<10112x128xf32, #tpu.memory_space<vmem_shared>>, %arg7: memref<5x120xi32, #tpu.memory_space<vmem>>, %arg8: memref<3x!tpu.dma_semaphore, #tpu.memory_space<semaphore_mem>>, %arg9: memref<5x!tpu.dma_semaphore, #tpu.memory_space<semaphore_mem>>, %arg10: memref<3x120x128xf32, #tpu.memory_space<vmem>>, %arg11: memref<5x120xi32, #tpu.memory_space<vmem>>, %arg12: memref<3x!tpu.dma_semaphore, #tpu.memory_space<semaphore_mem>>) attributes {dimension_semantics = [#tpu.dimension_semantics<core_parallel>, #tpu.dimension_semantics<subcore_parallel>], iteration_bounds = array<i64: 2, 16>, scalar_prefetch = 0 : i64, scratch_operands = 7 : i64, tpu.core_type = #tpu.core_type<sc_vector_subcore>, window_params = [{transform_indices = #map}, {transform_indices = #map}, {transform_indices = #map}, {transform_indices = #map1}]} {
    %mul3A = arith.constant 632 : i32
    %mul3A_0 = arith.muli %arg1, %mul3A : i32
    %eq3A = arith.constant 0 : i32
    %eq3A_1 = arith.cmpi eq, %arg0, %eq3A : i32
    %jit3A = arith.constant 136 : i32
    %jit3A_2 = arith.constant 32 : i32
    %select_n3A = arith.select %eq3A_1, %jit3A, %jit3A_2 : i32
    %eq3A_3 = arith.constant 0 : i32
    %eq3A_4 = arith.cmpi eq, %arg0, %eq3A_3 : i32
    %mul3A_5 = arith.constant 136 : i32
    %mul3A_6 = arith.muli %arg1, %mul3A_5 : i32
    %mul3A_7 = arith.constant 32 : i32
    %mul3A_8 = arith.muli %arg1, %mul3A_7 : i32
    %add3A = arith.constant 2176 : i32
    %add3A_9 = arith.addi %add3A, %mul3A_8 : i32
    %select_n3A_10 = arith.select %eq3A_4, %mul3A_6, %add3A_9 : i32
    %scan3A = arith.constant 0 : i32
    %scan3A_11 = arith.constant 0 : i32
    %scan3A_12 = arith.constant 0 : i32
    %scan3A_13 = arith.constant 120 : i32
    %scan3A_14 = arith.addi %scan3A_12, %scan3A_13 : i32
    %scan3A_15 = arith.constant 1 : i32
    %scan3A_16 = scf.for %scan3A_179 = %scan3A_12 to %scan3A_14 step %scan3A_15 iter_args(%scan3A_180 = %scan3A_11) -> (i32)  : i32 {
      %broadcast_in_dim3A = arith.constant 0.000000e+00 : f32
      %broadcast_in_dim3A_181 = vector.broadcast %broadcast_in_dim3A : f32 to vector<16xf32>
      %swap3A = arith.constant 0 : i32
      %swap3A_182 = arith.constant 0 : i32
      %swap3A_183 = tpu.memref_slice %arg10[%scan3A, %swap3A, %swap3A_182] : memref<3x120x128xf32, #tpu.memory_space<vmem>> -> memref<1x120x128xf32, #tpu.memory_space<vmem>>
      %swap3A_184 = tpu.memref_squeeze %swap3A_183 : memref<1x120x128xf32, #tpu.memory_space<vmem>> -> memref<120x128xf32, #tpu.memory_space<vmem>>
      %swap3A_185 = arith.index_cast %scan3A_179 : i32 to index
      %swap3A_186 = arith.constant 0 : index
      %swap3A_187 = tpu.vector_load %swap3A_184[%swap3A_185, %swap3A_186] {strides = array<i32>} : memref<120x128xf32, #tpu.memory_space<vmem>>, vector<16xf32>,
      tpu.vector_store %swap3A_184[%swap3A_185, %swap3A_186], %broadcast_in_dim3A_181 {strides = array<i32>} : memref<120x128xf32, #tpu.memory_space<vmem>>, vector<16xf32>,
      %broadcast_in_dim3A_188 = arith.constant 0.000000e+00 : f32
      %broadcast_in_dim3A_189 = vector.broadcast %broadcast_in_dim3A_188 : f32 to vector<16xf32>
      %swap3A_190 = arith.constant 0 : i32
      %swap3A_191 = arith.constant 0 : i32
      %swap3A_192 = tpu.memref_slice %arg10[%scan3A, %swap3A_190, %swap3A_191] : memref<3x120x128xf32, #tpu.memory_space<vmem>> -> memref<1x120x128xf32, #tpu.memory_space<vmem>>
      %swap3A_193 = tpu.memref_squeeze %swap3A_192 : memref<1x120x128xf32, #tpu.memory_space<vmem>> -> memref<120x128xf32, #tpu.memory_space<vmem>>
      %swap3A_194 = arith.index_cast %scan3A_179 : i32 to index
      %swap3A_195 = arith.constant 16 : index
      %swap3A_196 = tpu.vector_load %swap3A_193[%swap3A_194, %swap3A_195] {strides = array<i32>} : memref<120x128xf32, #tpu.memory_space<vmem>>, vector<16xf32>,
      tpu.vector_store %swap3A_193[%swap3A_194, %swap3A_195], %broadcast_in_dim3A_189 {strides = array<i32>} : memref<120x128xf32, #tpu.memory_space<vmem>>, vector<16xf32>,
      %broadcast_in_dim3A_197 = arith.constant 0.000000e+00 : f32
      %broadcast_in_dim3A_198 = vector.broadcast %broadcast_in_dim3A_197 : f32 to vector<16xf32>
      %swap3A_199 = arith.constant 0 : i32
      %swap3A_200 = arith.constant 0 : i32
      %swap3A_201 = tpu.memref_slice %arg10[%scan3A, %swap3A_199, %swap3A_200] : memref<3x120x128xf32, #tpu.memory_space<vmem>> -> memref<1x120x128xf32, #tpu.memory_space<vmem>>
      %swap3A_202 = tpu.memref_squeeze %swap3A_201 : memref<1x120x128xf32, #tpu.memory_space<vmem>> -> memref<120x128xf32, #tpu.memory_space<vmem>>
      %swap3A_203 = arith.index_cast %scan3A_179 : i32 to index
      %swap3A_204 = arith.constant 32 : index
      %swap3A_205 = tpu.vector_load %swap3A_202[%swap3A_203, %swap3A_204] {strides = array<i32>} : memref<120x128xf32, #tpu.memory_space<vmem>>, vector<16xf32>,
      tpu.vector_store %swap3A_202[%swap3A_203, %swap3A_204], %broadcast_in_dim3A_198 {strides = array<i32>} : memref<120x128xf32, #tpu.memory_space<vmem>>, vector<16xf32>,
      %broadcast_in_dim3A_206 = arith.constant 0.000000e+00 : f32
      %broadcast_in_dim3A_207 = vector.broadcast %broadcast_in_dim3A_206 : f32 to vector<16xf32>
      %swap3A_208 = arith.constant 0 : i32
      %swap3A_209 = arith.constant 0 : i32
      %swap3A_210 = tpu.memref_slice %arg10[%scan3A, %swap3A_208, %swap3A_209] : memref<3x120x128xf32, #tpu.memory_space<vmem>> -> memref<1x120x128xf32, #tpu.memory_space<vmem>>
      %swap3A_211 = tpu.memref_squeeze %swap3A_210 : memref<1x120x128xf32, #tpu.memory_space<vmem>> -> memref<120x128xf32, #tpu.memory_space<vmem>>
      %swap3A_212 = arith.index_cast %scan3A_179 : i32 to index
      %swap3A_213 = arith.constant 48 : index
      %swap3A_214 = tpu.vector_load %swap3A_211[%swap3A_212, %swap3A_213] {strides = array<i32>} : memref<120x128xf32, #tpu.memory_space<vmem>>, vector<16xf32>,
      tpu.vector_store %swap3A_211[%swap3A_212, %swap3A_213], %broadcast_in_dim3A_207 {strides = array<i32>} : memref<120x128xf32, #tpu.memory_space<vmem>>, vector<16xf32>,
      %broadcast_in_dim3A_215 = arith.constant 0.000000e+00 : f32
      %broadcast_in_dim3A_216 = vector.broadcast %broadcast_in_dim3A_215 : f32 to vector<16xf32>
      %swap3A_217 = arith.constant 0 : i32
      %swap3A_218 = arith.constant 0 : i32
      %swap3A_219 = tpu.memref_slice %arg10[%scan3A, %swap3A_217, %swap3A_218] : memref<3x120x128xf32, #tpu.memory_space<vmem>> -> memref<1x120x128xf32, #tpu.memory_space<vmem>>
      %swap3A_220 = tpu.memref_squeeze %swap3A_219 : memref<1x120x128xf32, #tpu.memory_space<vmem>> -> memref<120x128xf32, #tpu.memory_space<vmem>>
      %swap3A_221 = arith.index_cast %scan3A_179 : i32 to index
      %swap3A_222 = arith.constant 64 : index
      %swap3A_223 = tpu.vector_load %swap3A_220[%swap3A_221, %swap3A_222] {strides = array<i32>} : memref<120x128xf32, #tpu.memory_space<vmem>>, vector<16xf32>,
      tpu.vector_store %swap3A_220[%swap3A_221, %swap3A_222], %broadcast_in_dim3A_216 {strides = array<i32>} : memref<120x128xf32, #tpu.memory_space<vmem>>, vector<16xf32>,
      %broadcast_in_dim3A_224 = arith.constant 0.000000e+00 : f32
      %broadcast_in_dim3A_225 = vector.broadcast %broadcast_in_dim3A_224 : f32 to vector<16xf32>
      %swap3A_226 = arith.constant 0 : i32
      %swap3A_227 = arith.constant 0 : i32
      %swap3A_228 = tpu.memref_slice %arg10[%scan3A, %swap3A_226, %swap3A_227] : memref<3x120x128xf32, #tpu.memory_space<vmem>> -> memref<1x120x128xf32, #tpu.memory_space<vmem>>
      %swap3A_229 = tpu.memref_squeeze %swap3A_228 : memref<1x120x128xf32, #tpu.memory_space<vmem>> -> memref<120x128xf32, #tpu.memory_space<vmem>>
      %swap3A_230 = arith.index_cast %scan3A_179 : i32 to index
      %swap3A_231 = arith.constant 80 : index
      %swap3A_232 = tpu.vector_load %swap3A_229[%swap3A_230, %swap3A_231] {strides = array<i32>} : memref<120x128xf32, #tpu.memory_space<vmem>>, vector<16xf32>,
      tpu.vector_store %swap3A_229[%swap3A_230, %swap3A_231], %broadcast_in_dim3A_225 {strides = array<i32>} : memref<120x128xf32, #tpu.memory_space<vmem>>, vector<16xf32>,
      %broadcast_in_dim3A_233 = arith.constant 0.000000e+00 : f32
      %broadcast_in_dim3A_234 = vector.broadcast %broadcast_in_dim3A_233 : f32 to vector<16xf32>
      %swap3A_235 = arith.constant 0 : i32
      %swap3A_236 = arith.constant 0 : i32
      %swap3A_237 = tpu.memref_slice %arg10[%scan3A, %swap3A_235, %swap3A_236] : memref<3x120x128xf32, #tpu.memory_space<vmem>> -> memref<1x120x128xf32, #tpu.memory_space<vmem>>
      %swap3A_238 = tpu.memref_squeeze %swap3A_237 : memref<1x120x128xf32, #tpu.memory_space<vmem>> -> memref<120x128xf32, #tpu.memory_space<vmem>>
      %swap3A_239 = arith.index_cast %scan3A_179 : i32 to index
      %swap3A_240 = arith.constant 96 : index
      %swap3A_241 = tpu.vector_load %swap3A_238[%swap3A_239, %swap3A_240] {strides = array<i32>} : memref<120x128xf32, #tpu.memory_space<vmem>>, vector<16xf32>,
      tpu.vector_store %swap3A_238[%swap3A_239, %swap3A_240], %broadcast_in_dim3A_234 {strides = array<i32>} : memref<120x128xf32, #tpu.memory_space<vmem>>, vector<16xf32>,
      %broadcast_in_dim3A_242 = arith.constant 0.000000e+00 : f32
      %broadcast_in_dim3A_243 = vector.broadcast %broadcast_in_dim3A_242 : f32 to vector<16xf32>
      %swap3A_244 = arith.constant 0 : i32
      %swap3A_245 = arith.constant 0 : i32
      %swap3A_246 = tpu.memref_slice %arg10[%scan3A, %swap3A_244, %swap3A_245] : memref<3x120x128xf32, #tpu.memory_space<vmem>> -> memref<1x120x128xf32, #tpu.memory_space<vmem>>
      %swap3A_247 = tpu.memref_squeeze %swap3A_246 : memref<1x120x128xf32, #tpu.memory_space<vmem>> -> memref<120x128xf32, #tpu.memory_space<vmem>>
      %swap3A_248 = arith.index_cast %scan3A_179 : i32 to index
      %swap3A_249 = arith.constant 112 : index
      %swap3A_250 = tpu.vector_load %swap3A_247[%swap3A_248, %swap3A_249] {strides = array<i32>} : memref<120x128xf32, #tpu.memory_space<vmem>>, vector<16xf32>,
      tpu.vector_store %swap3A_247[%swap3A_248, %swap3A_249], %broadcast_in_dim3A_243 {strides = array<i32>} : memref<120x128xf32, #tpu.memory_space<vmem>>, vector<16xf32>,
      %scan3A_251 = arith.constant 0 : i32
      scf.yield %scan3A_251 : i32
    }
    %scan3A_17 = arith.constant 120 : i32
    %add3A_18 = arith.constant 0 : i32
    %add3A_19 = arith.addi %mul3A_0, %add3A_18 : i32
    %run_scoped3A = arith.constant 0 : i32
    "tpu.region"() ({
      %run_scoped3A_179 = tpu.sem_alloc : memref<!tpu.dma_semaphore, #tpu.memory_space<semaphore_mem>>
      %dma_start3A_180 = arith.constant 0 : i32
      %dma_start3A_181 = arith.constant 0 : i32
      %dma_start3A_182 = tpu.memref_slice %arg10[%run_scoped3A, %dma_start3A_180, %dma_start3A_181] : memref<3x120x128xf32, #tpu.memory_space<vmem>> -> memref<1x120x128xf32, #tpu.memory_space<vmem>>
      %dma_start3A_183 = tpu.memref_squeeze %dma_start3A_182 : memref<1x120x128xf32, #tpu.memory_space<vmem>> -> memref<120x128xf32, #tpu.memory_space<vmem>>
      %dma_start3A_184 = arith.constant 0 : i32
      %dma_start3A_185 = tpu.memref_slice %arg6[%add3A_19, %dma_start3A_184] : memref<10112x128xf32, #tpu.memory_space<vmem_shared>> -> memref<120x128xf32, #tpu.memory_space<vmem_shared>>
      %dma_start3A_186 = arith.constant 0 : i32
      %dma_start3A_187 = tpu.memref_slice %arg6[%add3A_19, %dma_start3A_186] : memref<10112x128xf32, #tpu.memory_space<vmem_shared>> -> memref<120x128xf32, #tpu.memory_space<vmem_shared>>
      %dma_start3A_188 = arith.constant 0 : i32
      %dma_start3A_189 = arith.constant 0 : i32
      %dma_start3A_190 = tpu.memref_slice %arg10[%run_scoped3A, %dma_start3A_188, %dma_start3A_189] : memref<3x120x128xf32, #tpu.memory_space<vmem>> -> memref<1x120x128xf32, #tpu.memory_space<vmem>>
      %dma_start3A_191 = tpu.memref_squeeze %dma_start3A_190 : memref<1x120x128xf32, #tpu.memory_space<vmem>> -> memref<120x128xf32, #tpu.memory_space<vmem>>
      tpu.enqueue_dma source(%dma_start3A_191 : memref<120x128xf32, #tpu.memory_space<vmem>>) target(%dma_start3A_187 : memref<120x128xf32, #tpu.memory_space<vmem_shared>>) target_semaphore(%run_scoped3A_179 : memref<!tpu.dma_semaphore, #tpu.memory_space<semaphore_mem>>)
      %dma_wait3A_192 = arith.constant 0 : i32
      %dma_wait3A_193 = arith.constant 0 : i32
      %dma_wait3A_194 = tpu.memref_slice %arg10[%run_scoped3A, %dma_wait3A_192, %dma_wait3A_193] : memref<3x120x128xf32, #tpu.memory_space<vmem>> -> memref<1x120x128xf32, #tpu.memory_space<vmem>>
      %dma_wait3A_195 = tpu.memref_squeeze %dma_wait3A_194 : memref<1x120x128xf32, #tpu.memory_space<vmem>> -> memref<120x128xf32, #tpu.memory_space<vmem>>
      %dma_wait3A_196 = arith.constant 0 : i32
      %dma_wait3A_197 = tpu.memref_slice %arg6[%add3A_19, %dma_wait3A_196] : memref<10112x128xf32, #tpu.memory_space<vmem_shared>> -> memref<120x128xf32, #tpu.memory_space<vmem_shared>>
      %dma_wait3A_198 = arith.constant 0 : i32
      %dma_wait3A_199 = tpu.memref_slice %arg6[%add3A_19, %dma_wait3A_198] : memref<10112x128xf32, #tpu.memory_space<vmem_shared>> -> memref<120x128xf32, #tpu.memory_space<vmem_shared>>
      %dma_wait3A_200 = arith.constant 0 : i32
      %dma_wait3A_201 = arith.constant 0 : i32
      %dma_wait3A_202 = tpu.memref_slice %arg10[%run_scoped3A, %dma_wait3A_200, %dma_wait3A_201] : memref<3x120x128xf32, #tpu.memory_space<vmem>> -> memref<1x120x128xf32, #tpu.memory_space<vmem>>
      %dma_wait3A_203 = tpu.memref_squeeze %dma_wait3A_202 : memref<1x120x128xf32, #tpu.memory_space<vmem>> -> memref<120x128xf32, #tpu.memory_space<vmem>>
      tpu.wait_dma2 semaphore(%run_scoped3A_179 : memref<!tpu.dma_semaphore, #tpu.memory_space<semaphore_mem>>) src(%dma_wait3A_203 : memref<120x128xf32, #tpu.memory_space<vmem>>) dst(%dma_wait3A_199 : memref<120x128xf32, #tpu.memory_space<vmem_shared>>)
      tpu.yield
    }) : () -> ()
    %add3A_20 = arith.constant 120 : i32
    %add3A_21 = arith.addi %mul3A_0, %add3A_20 : i32
    %run_scoped3A_22 = arith.constant 0 : i32
    "tpu.region"() ({
      %run_scoped3A_179 = tpu.sem_alloc : memref<!tpu.dma_semaphore, #tpu.memory_space<semaphore_mem>>
      %dma_start3A_180 = arith.constant 0 : i32
      %dma_start3A_181 = arith.constant 0 : i32
      %dma_start3A_182 = tpu.memref_slice %arg10[%run_scoped3A_22, %dma_start3A_180, %dma_start3A_181] : memref<3x120x128xf32, #tpu.memory_space<vmem>> -> memref<1x120x128xf32, #tpu.memory_space<vmem>>
      %dma_start3A_183 = tpu.memref_squeeze %dma_start3A_182 : memref<1x120x128xf32, #tpu.memory_space<vmem>> -> memref<120x128xf32, #tpu.memory_space<vmem>>
      %dma_start3A_184 = arith.constant 0 : i32
      %dma_start3A_185 = tpu.memref_slice %arg6[%add3A_21, %dma_start3A_184] : memref<10112x128xf32, #tpu.memory_space<vmem_shared>> -> memref<120x128xf32, #tpu.memory_space<vmem_shared>>
      %dma_start3A_186 = arith.constant 0 : i32
      %dma_start3A_187 = tpu.memref_slice %arg6[%add3A_21, %dma_start3A_186] : memref<10112x128xf32, #tpu.memory_space<vmem_shared>> -> memref<120x128xf32, #tpu.memory_space<vmem_shared>>
      %dma_start3A_188 = arith.constant 0 : i32
      %dma_start3A_189 = arith.constant 0 : i32
      %dma_start3A_190 = tpu.memref_slice %arg10[%run_scoped3A_22, %dma_start3A_188, %dma_start3A_189] : memref<3x120x128xf32, #tpu.memory_space<vmem>> -> memref<1x120x128xf32, #tpu.memory_space<vmem>>
      %dma_start3A_191 = tpu.memref_squeeze %dma_start3A_190 : memref<1x120x128xf32, #tpu.memory_space<vmem>> -> memref<120x128xf32, #tpu.memory_space<vmem>>
      tpu.enqueue_dma source(%dma_start3A_191 : memref<120x128xf32, #tpu.memory_space<vmem>>) target(%dma_start3A_187 : memref<120x128xf32, #tpu.memory_space<vmem_shared>>) target_semaphore(%run_scoped3A_179 : memref<!tpu.dma_semaphore, #tpu.memory_space<semaphore_mem>>)
      %dma_wait3A_192 = arith.constant 0 : i32
      %dma_wait3A_193 = arith.constant 0 : i32
      %dma_wait3A_194 = tpu.memref_slice %arg10[%run_scoped3A_22, %dma_wait3A_192, %dma_wait3A_193] : memref<3x120x128xf32, #tpu.memory_space<vmem>> -> memref<1x120x128xf32, #tpu.memory_space<vmem>>
      %dma_wait3A_195 = tpu.memref_squeeze %dma_wait3A_194 : memref<1x120x128xf32, #tpu.memory_space<vmem>> -> memref<120x128xf32, #tpu.memory_space<vmem>>
      %dma_wait3A_196 = arith.constant 0 : i32
      %dma_wait3A_197 = tpu.memref_slice %arg6[%add3A_21, %dma_wait3A_196] : memref<10112x128xf32, #tpu.memory_space<vmem_shared>> -> memref<120x128xf32, #tpu.memory_space<vmem_shared>>
      %dma_wait3A_198 = arith.constant 0 : i32
      %dma_wait3A_199 = tpu.memref_slice %arg6[%add3A_21, %dma_wait3A_198] : memref<10112x128xf32, #tpu.memory_space<vmem_shared>> -> memref<120x128xf32, #tpu.memory_space<vmem_shared>>
      %dma_wait3A_200 = arith.constant 0 : i32
      %dma_wait3A_201 = arith.constant 0 : i32
      %dma_wait3A_202 = tpu.memref_slice %arg10[%run_scoped3A_22, %dma_wait3A_200, %dma_wait3A_201] : memref<3x120x128xf32, #tpu.memory_space<vmem>> -> memref<1x120x128xf32, #tpu.memory_space<vmem>>
      %dma_wait3A_203 = tpu.memref_squeeze %dma_wait3A_202 : memref<1x120x128xf32, #tpu.memory_space<vmem>> -> memref<120x128xf32, #tpu.memory_space<vmem>>
      tpu.wait_dma2 semaphore(%run_scoped3A_179 : memref<!tpu.dma_semaphore, #tpu.memory_space<semaphore_mem>>) src(%dma_wait3A_203 : memref<120x128xf32, #tpu.memory_space<vmem>>) dst(%dma_wait3A_199 : memref<120x128xf32, #tpu.memory_space<vmem_shared>>)
      tpu.yield
    }) : () -> ()
    %add3A_23 = arith.constant 240 : i32
    %add3A_24 = arith.addi %mul3A_0, %add3A_23 : i32
    %run_scoped3A_25 = arith.constant 0 : i32
    "tpu.region"() ({
      %run_scoped3A_179 = tpu.sem_alloc : memref<!tpu.dma_semaphore, #tpu.memory_space<semaphore_mem>>
      %dma_start3A_180 = arith.constant 0 : i32
      %dma_start3A_181 = arith.constant 0 : i32
      %dma_start3A_182 = tpu.memref_slice %arg10[%run_scoped3A_25, %dma_start3A_180, %dma_start3A_181] : memref<3x120x128xf32, #tpu.memory_space<vmem>> -> memref<1x120x128xf32, #tpu.memory_space<vmem>>
      %dma_start3A_183 = tpu.memref_squeeze %dma_start3A_182 : memref<1x120x128xf32, #tpu.memory_space<vmem>> -> memref<120x128xf32, #tpu.memory_space<vmem>>
      %dma_start3A_184 = arith.constant 0 : i32
      %dma_start3A_185 = tpu.memref_slice %arg6[%add3A_24, %dma_start3A_184] : memref<10112x128xf32, #tpu.memory_space<vmem_shared>> -> memref<120x128xf32, #tpu.memory_space<vmem_shared>>
      %dma_start3A_186 = arith.constant 0 : i32
      %dma_start3A_187 = tpu.memref_slice %arg6[%add3A_24, %dma_start3A_186] : memref<10112x128xf32, #tpu.memory_space<vmem_shared>> -> memref<120x128xf32, #tpu.memory_space<vmem_shared>>
      %dma_start3A_188 = arith.constant 0 : i32
      %dma_start3A_189 = arith.constant 0 : i32
      %dma_start3A_190 = tpu.memref_slice %arg10[%run_scoped3A_25, %dma_start3A_188, %dma_start3A_189] : memref<3x120x128xf32, #tpu.memory_space<vmem>> -> memref<1x120x128xf32, #tpu.memory_space<vmem>>
      %dma_start3A_191 = tpu.memref_squeeze %dma_start3A_190 : memref<1x120x128xf32, #tpu.memory_space<vmem>> -> memref<120x128xf32, #tpu.memory_space<vmem>>
      tpu.enqueue_dma source(%dma_start3A_191 : memref<120x128xf32, #tpu.memory_space<vmem>>) target(%dma_start3A_187 : memref<120x128xf32, #tpu.memory_space<vmem_shared>>) target_semaphore(%run_scoped3A_179 : memref<!tpu.dma_semaphore, #tpu.memory_space<semaphore_mem>>)
      %dma_wait3A_192 = arith.constant 0 : i32
      %dma_wait3A_193 = arith.constant 0 : i32
      %dma_wait3A_194 = tpu.memref_slice %arg10[%run_scoped3A_25, %dma_wait3A_192, %dma_wait3A_193] : memref<3x120x128xf32, #tpu.memory_space<vmem>> -> memref<1x120x128xf32, #tpu.memory_space<vmem>>
      %dma_wait3A_195 = tpu.memref_squeeze %dma_wait3A_194 : memref<1x120x128xf32, #tpu.memory_space<vmem>> -> memref<120x128xf32, #tpu.memory_space<vmem>>
      %dma_wait3A_196 = arith.constant 0 : i32
      %dma_wait3A_197 = tpu.memref_slice %arg6[%add3A_24, %dma_wait3A_196] : memref<10112x128xf32, #tpu.memory_space<vmem_shared>> -> memref<120x128xf32, #tpu.memory_space<vmem_shared>>
      %dma_wait3A_198 = arith.constant 0 : i32
      %dma_wait3A_199 = tpu.memref_slice %arg6[%add3A_24, %dma_wait3A_198] : memref<10112x128xf32, #tpu.memory_space<vmem_shared>> -> memref<120x128xf32, #tpu.memory_space<vmem_shared>>
      %dma_wait3A_200 = arith.constant 0 : i32
      %dma_wait3A_201 = arith.constant 0 : i32
      %dma_wait3A_202 = tpu.memref_slice %arg10[%run_scoped3A_25, %dma_wait3A_200, %dma_wait3A_201] : memref<3x120x128xf32, #tpu.memory_space<vmem>> -> memref<1x120x128xf32, #tpu.memory_space<vmem>>
      %dma_wait3A_203 = tpu.memref_squeeze %dma_wait3A_202 : memref<1x120x128xf32, #tpu.memory_space<vmem>> -> memref<120x128xf32, #tpu.memory_space<vmem>>
      tpu.wait_dma2 semaphore(%run_scoped3A_179 : memref<!tpu.dma_semaphore, #tpu.memory_space<semaphore_mem>>) src(%dma_wait3A_203 : memref<120x128xf32, #tpu.memory_space<vmem>>) dst(%dma_wait3A_199 : memref<120x128xf32, #tpu.memory_space<vmem_shared>>)
      tpu.yield
    }) : () -> ()
    %add3A_26 = arith.constant 360 : i32
    %add3A_27 = arith.addi %mul3A_0, %add3A_26 : i32
    %run_scoped3A_28 = arith.constant 0 : i32
    "tpu.region"() ({
      %run_scoped3A_179 = tpu.sem_alloc : memref<!tpu.dma_semaphore, #tpu.memory_space<semaphore_mem>>
      %dma_start3A_180 = arith.constant 0 : i32
      %dma_start3A_181 = arith.constant 0 : i32
      %dma_start3A_182 = tpu.memref_slice %arg10[%run_scoped3A_28, %dma_start3A_180, %dma_start3A_181] : memref<3x120x128xf32, #tpu.memory_space<vmem>> -> memref<1x120x128xf32, #tpu.memory_space<vmem>>
      %dma_start3A_183 = tpu.memref_squeeze %dma_start3A_182 : memref<1x120x128xf32, #tpu.memory_space<vmem>> -> memref<120x128xf32, #tpu.memory_space<vmem>>
      %dma_start3A_184 = arith.constant 0 : i32
      %dma_start3A_185 = tpu.memref_slice %arg6[%add3A_27, %dma_start3A_184] : memref<10112x128xf32, #tpu.memory_space<vmem_shared>> -> memref<120x128xf32, #tpu.memory_space<vmem_shared>>
      %dma_start3A_186 = arith.constant 0 : i32
      %dma_start3A_187 = tpu.memref_slice %arg6[%add3A_27, %dma_start3A_186] : memref<10112x128xf32, #tpu.memory_space<vmem_shared>> -> memref<120x128xf32, #tpu.memory_space<vmem_shared>>
      %dma_start3A_188 = arith.constant 0 : i32
      %dma_start3A_189 = arith.constant 0 : i32
      %dma_start3A_190 = tpu.memref_slice %arg10[%run_scoped3A_28, %dma_start3A_188, %dma_start3A_189] : memref<3x120x128xf32, #tpu.memory_space<vmem>> -> memref<1x120x128xf32, #tpu.memory_space<vmem>>
      %dma_start3A_191 = tpu.memref_squeeze %dma_start3A_190 : memref<1x120x128xf32, #tpu.memory_space<vmem>> -> memref<120x128xf32, #tpu.memory_space<vmem>>
      tpu.enqueue_dma source(%dma_start3A_191 : memref<120x128xf32, #tpu.memory_space<vmem>>) target(%dma_start3A_187 : memref<120x128xf32, #tpu.memory_space<vmem_shared>>) target_semaphore(%run_scoped3A_179 : memref<!tpu.dma_semaphore, #tpu.memory_space<semaphore_mem>>)
      %dma_wait3A_192 = arith.constant 0 : i32
      %dma_wait3A_193 = arith.constant 0 : i32
      %dma_wait3A_194 = tpu.memref_slice %arg10[%run_scoped3A_28, %dma_wait3A_192, %dma_wait3A_193] : memref<3x120x128xf32, #tpu.memory_space<vmem>> -> memref<1x120x128xf32, #tpu.memory_space<vmem>>
      %dma_wait3A_195 = tpu.memref_squeeze %dma_wait3A_194 : memref<1x120x128xf32, #tpu.memory_space<vmem>> -> memref<120x128xf32, #tpu.memory_space<vmem>>
      %dma_wait3A_196 = arith.constant 0 : i32
      %dma_wait3A_197 = tpu.memref_slice %arg6[%add3A_27, %dma_wait3A_196] : memref<10112x128xf32, #tpu.memory_space<vmem_shared>> -> memref<120x128xf32, #tpu.memory_space<vmem_shared>>
      %dma_wait3A_198 = arith.constant 0 : i32
      %dma_wait3A_199 = tpu.memref_slice %arg6[%add3A_27, %dma_wait3A_198] : memref<10112x128xf32, #tpu.memory_space<vmem_shared>> -> memref<120x128xf32, #tpu.memory_space<vmem_shared>>
      %dma_wait3A_200 = arith.constant 0 : i32
      %dma_wait3A_201 = arith.constant 0 : i32
      %dma_wait3A_202 = tpu.memref_slice %arg10[%run_scoped3A_28, %dma_wait3A_200, %dma_wait3A_201] : memref<3x120x128xf32, #tpu.memory_space<vmem>> -> memref<1x120x128xf32, #tpu.memory_space<vmem>>
      %dma_wait3A_203 = tpu.memref_squeeze %dma_wait3A_202 : memref<1x120x128xf32, #tpu.memory_space<vmem>> -> memref<120x128xf32, #tpu.memory_space<vmem>>
      tpu.wait_dma2 semaphore(%run_scoped3A_179 : memref<!tpu.dma_semaphore, #tpu.memory_space<semaphore_mem>>) src(%dma_wait3A_203 : memref<120x128xf32, #tpu.memory_space<vmem>>) dst(%dma_wait3A_199 : memref<120x128xf32, #tpu.memory_space<vmem_shared>>)
      tpu.yield
    }) : () -> ()
    %add3A_29 = arith.constant 480 : i32
    %add3A_30 = arith.addi %mul3A_0, %add3A_29 : i32
    %run_scoped3A_31 = arith.constant 0 : i32
    "tpu.region"() ({
      %run_scoped3A_179 = tpu.sem_alloc : memref<!tpu.dma_semaphore, #tpu.memory_space<semaphore_mem>>
      %dma_start3A_180 = arith.constant 0 : i32
      %dma_start3A_181 = arith.constant 0 : i32
      %dma_start3A_182 = tpu.memref_slice %arg10[%run_scoped3A_31, %dma_start3A_180, %dma_start3A_181] : memref<3x120x128xf32, #tpu.memory_space<vmem>> -> memref<1x120x128xf32, #tpu.memory_space<vmem>>
      %dma_start3A_183 = tpu.memref_squeeze %dma_start3A_182 : memref<1x120x128xf32, #tpu.memory_space<vmem>> -> memref<120x128xf32, #tpu.memory_space<vmem>>
      %dma_start3A_184 = arith.constant 0 : i32
      %dma_start3A_185 = tpu.memref_slice %arg6[%add3A_30, %dma_start3A_184] : memref<10112x128xf32, #tpu.memory_space<vmem_shared>> -> memref<120x128xf32, #tpu.memory_space<vmem_shared>>
      %dma_start3A_186 = arith.constant 0 : i32
      %dma_start3A_187 = tpu.memref_slice %arg6[%add3A_30, %dma_start3A_186] : memref<10112x128xf32, #tpu.memory_space<vmem_shared>> -> memref<120x128xf32, #tpu.memory_space<vmem_shared>>
      %dma_start3A_188 = arith.constant 0 : i32
      %dma_start3A_189 = arith.constant 0 : i32
      %dma_start3A_190 = tpu.memref_slice %arg10[%run_scoped3A_31, %dma_start3A_188, %dma_start3A_189] : memref<3x120x128xf32, #tpu.memory_space<vmem>> -> memref<1x120x128xf32, #tpu.memory_space<vmem>>
      %dma_start3A_191 = tpu.memref_squeeze %dma_start3A_190 : memref<1x120x128xf32, #tpu.memory_space<vmem>> -> memref<120x128xf32, #tpu.memory_space<vmem>>
      tpu.enqueue_dma source(%dma_start3A_191 : memref<120x128xf32, #tpu.memory_space<vmem>>) target(%dma_start3A_187 : memref<120x128xf32, #tpu.memory_space<vmem_shared>>) target_semaphore(%run_scoped3A_179 : memref<!tpu.dma_semaphore, #tpu.memory_space<semaphore_mem>>)
      %dma_wait3A_192 = arith.constant 0 : i32
      %dma_wait3A_193 = arith.constant 0 : i32
      %dma_wait3A_194 = tpu.memref_slice %arg10[%run_scoped3A_31, %dma_wait3A_192, %dma_wait3A_193] : memref<3x120x128xf32, #tpu.memory_space<vmem>> -> memref<1x120x128xf32, #tpu.memory_space<vmem>>
      %dma_wait3A_195 = tpu.memref_squeeze %dma_wait3A_194 : memref<1x120x128xf32, #tpu.memory_space<vmem>> -> memref<120x128xf32, #tpu.memory_space<vmem>>
      %dma_wait3A_196 = arith.constant 0 : i32
      %dma_wait3A_197 = tpu.memref_slice %arg6[%add3A_30, %dma_wait3A_196] : memref<10112x128xf32, #tpu.memory_space<vmem_shared>> -> memref<120x128xf32, #tpu.memory_space<vmem_shared>>
      %dma_wait3A_198 = arith.constant 0 : i32
      %dma_wait3A_199 = tpu.memref_slice %arg6[%add3A_30, %dma_wait3A_198] : memref<10112x128xf32, #tpu.memory_space<vmem_shared>> -> memref<120x128xf32, #tpu.memory_space<vmem_shared>>
      %dma_wait3A_200 = arith.constant 0 : i32
      %dma_wait3A_201 = arith.constant 0 : i32
      %dma_wait3A_202 = tpu.memref_slice %arg10[%run_scoped3A_31, %dma_wait3A_200, %dma_wait3A_201] : memref<3x120x128xf32, #tpu.memory_space<vmem>> -> memref<1x120x128xf32, #tpu.memory_space<vmem>>
      %dma_wait3A_203 = tpu.memref_squeeze %dma_wait3A_202 : memref<1x120x128xf32, #tpu.memory_space<vmem>> -> memref<120x128xf32, #tpu.memory_space<vmem>>
      tpu.wait_dma2 semaphore(%run_scoped3A_179 : memref<!tpu.dma_semaphore, #tpu.memory_space<semaphore_mem>>) src(%dma_wait3A_203 : memref<120x128xf32, #tpu.memory_space<vmem>>) dst(%dma_wait3A_199 : memref<120x128xf32, #tpu.memory_space<vmem_shared>>)
      tpu.yield
    }) : () -> ()
    %add3A_32 = arith.constant 600 : i32
    %add3A_33 = arith.addi %mul3A_0, %add3A_32 : i32
    %run_scoped3A_34 = arith.constant 0 : i32
    "tpu.region"() ({
      %run_scoped3A_179 = tpu.sem_alloc : memref<!tpu.dma_semaphore, #tpu.memory_space<semaphore_mem>>
      %dma_start3A_180 = arith.constant 0 : i32
      %dma_start3A_181 = arith.constant 0 : i32
      %dma_start3A_182 = tpu.memref_slice %arg10[%run_scoped3A_34, %dma_start3A_180, %dma_start3A_181] : memref<3x120x128xf32, #tpu.memory_space<vmem>> -> memref<1x32x128xf32, #tpu.memory_space<vmem>>
      %dma_start3A_183 = tpu.memref_squeeze %dma_start3A_182 : memref<1x32x128xf32, #tpu.memory_space<vmem>> -> memref<32x128xf32, #tpu.memory_space<vmem>>
      %dma_start3A_184 = arith.constant 0 : i32
      %dma_start3A_185 = tpu.memref_slice %arg6[%add3A_33, %dma_start3A_184] : memref<10112x128xf32, #tpu.memory_space<vmem_shared>> -> memref<32x128xf32, #tpu.memory_space<vmem_shared>>
      %dma_start3A_186 = arith.constant 0 : i32
      %dma_start3A_187 = tpu.memref_slice %arg6[%add3A_33, %dma_start3A_186] : memref<10112x128xf32, #tpu.memory_space<vmem_shared>> -> memref<32x128xf32, #tpu.memory_space<vmem_shared>>
      %dma_start3A_188 = arith.constant 0 : i32
      %dma_start3A_189 = arith.constant 0 : i32
      %dma_start3A_190 = tpu.memref_slice %arg10[%run_scoped3A_34, %dma_start3A_188, %dma_start3A_189] : memref<3x120x128xf32, #tpu.memory_space<vmem>> -> memref<1x32x128xf32, #tpu.memory_space<vmem>>
      %dma_start3A_191 = tpu.memref_squeeze %dma_start3A_190 : memref<1x32x128xf32, #tpu.memory_space<vmem>> -> memref<32x128xf32, #tpu.memory_space<vmem>>
      tpu.enqueue_dma source(%dma_start3A_191 : memref<32x128xf32, #tpu.memory_space<vmem>>) target(%dma_start3A_187 : memref<32x128xf32, #tpu.memory_space<vmem_shared>>) target_semaphore(%run_scoped3A_179 : memref<!tpu.dma_semaphore, #tpu.memory_space<semaphore_mem>>)
      %dma_wait3A_192 = arith.constant 0 : i32
      %dma_wait3A_193 = arith.constant 0 : i32
      %dma_wait3A_194 = tpu.memref_slice %arg10[%run_scoped3A_34, %dma_wait3A_192, %dma_wait3A_193] : memref<3x120x128xf32, #tpu.memory_space<vmem>> -> memref<1x32x128xf32, #tpu.memory_space<vmem>>
      %dma_wait3A_195 = tpu.memref_squeeze %dma_wait3A_194 : memref<1x32x128xf32, #tpu.memory_space<vmem>> -> memref<32x128xf32, #tpu.memory_space<vmem>>
      %dma_wait3A_196 = arith.constant 0 : i32
      %dma_wait3A_197 = tpu.memref_slice %arg6[%add3A_33, %dma_wait3A_196] : memref<10112x128xf32, #tpu.memory_space<vmem_shared>> -> memref<32x128xf32, #tpu.memory_space<vmem_shared>>
      %dma_wait3A_198 = arith.constant 0 : i32
      %dma_wait3A_199 = tpu.memref_slice %arg6[%add3A_33, %dma_wait3A_198] : memref<10112x128xf32, #tpu.memory_space<vmem_shared>> -> memref<32x128xf32, #tpu.memory_space<vmem_shared>>
      %dma_wait3A_200 = arith.constant 0 : i32
      %dma_wait3A_201 = arith.constant 0 : i32
      %dma_wait3A_202 = tpu.memref_slice %arg10[%run_scoped3A_34, %dma_wait3A_200, %dma_wait3A_201] : memref<3x120x128xf32, #tpu.memory_space<vmem>> -> memref<1x32x128xf32, #tpu.memory_space<vmem>>
      %dma_wait3A_203 = tpu.memref_squeeze %dma_wait3A_202 : memref<1x32x128xf32, #tpu.memory_space<vmem>> -> memref<32x128xf32, #tpu.memory_space<vmem>>
      tpu.wait_dma2 semaphore(%run_scoped3A_179 : memref<!tpu.dma_semaphore, #tpu.memory_space<semaphore_mem>>) src(%dma_wait3A_203 : memref<32x128xf32, #tpu.memory_space<vmem>>) dst(%dma_wait3A_199 : memref<32x128xf32, #tpu.memory_space<vmem_shared>>)
      tpu.yield
    }) : () -> ()
    %barrier3A = arith.constant 0 : index
    tpu.barrier barrier_id(%barrier3A)
    %run_scoped3A_35 = arith.constant 0 : i32
    "tpu.region"() ({
      %run_scoped3A_179 = tpu.sem_alloc : memref<!tpu.dma_semaphore, #tpu.memory_space<semaphore_mem>>
      %dma_start3A_180 = arith.constant 0 : i32
      %dma_start3A_181 = tpu.memref_slice %arg11[%run_scoped3A_35, %dma_start3A_180] : memref<5x120xi32, #tpu.memory_space<vmem>> -> memref<1x120xi32, #tpu.memory_space<vmem>>
      %dma_start3A_182 = tpu.memref_squeeze %dma_start3A_181 : memref<1x120xi32, #tpu.memory_space<vmem>> -> memref<120xi32, #tpu.memory_space<vmem>>
      %dma_start3A_183 = arith.constant 0 : i32
      %dma_start3A_184 = tpu.memref_slice %arg3[%select_n3A_10, %dma_start3A_183] : memref<2688x120xi32, #tpu.memory_space<hbm>> -> memref<1x120xi32, #tpu.memory_space<hbm>>
      %dma_start3A_185 = tpu.memref_squeeze %dma_start3A_184 : memref<1x120xi32, #tpu.memory_space<hbm>> -> memref<120xi32, #tpu.memory_space<hbm>>
      %dma_start3A_186 = arith.constant 0 : i32
      %dma_start3A_187 = tpu.memref_slice %arg11[%run_scoped3A_35, %dma_start3A_186] : memref<5x120xi32, #tpu.memory_space<vmem>> -> memref<1x120xi32, #tpu.memory_space<vmem>>
      %dma_start3A_188 = tpu.memref_squeeze %dma_start3A_187 : memref<1x120xi32, #tpu.memory_space<vmem>> -> memref<120xi32, #tpu.memory_space<vmem>>
      %dma_start3A_189 = arith.constant 0 : i32
      %dma_start3A_190 = tpu.memref_slice %arg3[%select_n3A_10, %dma_start3A_189] : memref<2688x120xi32, #tpu.memory_space<hbm>> -> memref<1x120xi32, #tpu.memory_space<hbm>>
      %dma_start3A_191 = tpu.memref_squeeze %dma_start3A_190 : memref<1x120xi32, #tpu.memory_space<hbm>> -> memref<120xi32, #tpu.memory_space<hbm>>
      tpu.enqueue_dma source(%dma_start3A_191 : memref<120xi32, #tpu.memory_space<hbm>>) target(%dma_start3A_188 : memref<120xi32, #tpu.memory_space<vmem>>) target_semaphore(%run_scoped3A_179 : memref<!tpu.dma_semaphore, #tpu.memory_space<semaphore_mem>>)
      %dma_wait3A_192 = arith.constant 0 : i32
      %dma_wait3A_193 = tpu.memref_slice %arg11[%run_scoped3A_35, %dma_wait3A_192] : memref<5x120xi32, #tpu.memory_space<vmem>> -> memref<1x120xi32, #tpu.memory_space<vmem>>
      %dma_wait3A_194 = tpu.memref_squeeze %dma_wait3A_193 : memref<1x120xi32, #tpu.memory_space<vmem>> -> memref<120xi32, #tpu.memory_space<vmem>>
      %dma_wait3A_195 = arith.constant 0 : i32
      %dma_wait3A_196 = tpu.memref_slice %arg3[%select_n3A_10, %dma_wait3A_195] : memref<2688x120xi32, #tpu.memory_space<hbm>> -> memref<1x120xi32, #tpu.memory_space<hbm>>
      %dma_wait3A_197 = tpu.memref_squeeze %dma_wait3A_196 : memref<1x120xi32, #tpu.memory_space<hbm>> -> memref<120xi32, #tpu.memory_space<hbm>>
      %dma_wait3A_198 = arith.constant 0 : i32
      %dma_wait3A_199 = tpu.memref_slice %arg11[%run_scoped3A_35, %dma_wait3A_198] : memref<5x120xi32, #tpu.memory_space<vmem>> -> memref<1x120xi32, #tpu.memory_space<vmem>>
      %dma_wait3A_200 = tpu.memref_squeeze %dma_wait3A_199 : memref<1x120xi32, #tpu.memory_space<vmem>> -> memref<120xi32, #tpu.memory_space<vmem>>
      %dma_wait3A_201 = arith.constant 0 : i32
      %dma_wait3A_202 = tpu.memref_slice %arg3[%select_n3A_10, %dma_wait3A_201] : memref<2688x120xi32, #tpu.memory_space<hbm>> -> memref<1x120xi32, #tpu.memory_space<hbm>>
      %dma_wait3A_203 = tpu.memref_squeeze %dma_wait3A_202 : memref<1x120xi32, #tpu.memory_space<hbm>> -> memref<120xi32, #tpu.memory_space<hbm>>
      tpu.wait_dma2 semaphore(%run_scoped3A_179 : memref<!tpu.dma_semaphore, #tpu.memory_space<semaphore_mem>>) src(%dma_wait3A_203 : memref<120xi32, #tpu.memory_space<hbm>>) dst(%dma_wait3A_200 : memref<120xi32, #tpu.memory_space<vmem>>)
      tpu.yield
    }) : () -> ()
    %run_scoped3A_36 = arith.constant 0 : i32
    "tpu.region"() ({
      %run_scoped3A_179 = tpu.sem_alloc : memref<!tpu.dma_semaphore, #tpu.memory_space<semaphore_mem>>
      %dma_start3A_180 = arith.constant 0 : i32
      %dma_start3A_181 = tpu.memref_slice %arg7[%run_scoped3A_36, %dma_start3A_180] : memref<5x120xi32, #tpu.memory_space<vmem>> -> memref<1x120xi32, #tpu.memory_space<vmem>>
      %dma_start3A_182 = tpu.memref_squeeze %dma_start3A_181 : memref<1x120xi32, #tpu.memory_space<vmem>> -> memref<120xi32, #tpu.memory_space<vmem>>
      %dma_start3A_183 = arith.constant 0 : i32
      %dma_start3A_184 = tpu.memref_slice %arg4[%select_n3A_10, %dma_start3A_183] : memref<2688x120xi32, #tpu.memory_space<hbm>> -> memref<1x120xi32, #tpu.memory_space<hbm>>
      %dma_start3A_185 = tpu.memref_squeeze %dma_start3A_184 : memref<1x120xi32, #tpu.memory_space<hbm>> -> memref<120xi32, #tpu.memory_space<hbm>>
      %dma_start3A_186 = arith.constant 0 : i32
      %dma_start3A_187 = tpu.memref_slice %arg7[%run_scoped3A_36, %dma_start3A_186] : memref<5x120xi32, #tpu.memory_space<vmem>> -> memref<1x120xi32, #tpu.memory_space<vmem>>
      %dma_start3A_188 = tpu.memref_squeeze %dma_start3A_187 : memref<1x120xi32, #tpu.memory_space<vmem>> -> memref<120xi32, #tpu.memory_space<vmem>>
      %dma_start3A_189 = arith.constant 0 : i32
      %dma_start3A_190 = tpu.memref_slice %arg4[%select_n3A_10, %dma_start3A_189] : memref<2688x120xi32, #tpu.memory_space<hbm>> -> memref<1x120xi32, #tpu.memory_space<hbm>>
      %dma_start3A_191 = tpu.memref_squeeze %dma_start3A_190 : memref<1x120xi32, #tpu.memory_space<hbm>> -> memref<120xi32, #tpu.memory_space<hbm>>
      tpu.enqueue_dma source(%dma_start3A_191 : memref<120xi32, #tpu.memory_space<hbm>>) target(%dma_start3A_188 : memref<120xi32, #tpu.memory_space<vmem>>) target_semaphore(%run_scoped3A_179 : memref<!tpu.dma_semaphore, #tpu.memory_space<semaphore_mem>>)
      %dma_wait3A_192 = arith.constant 0 : i32
      %dma_wait3A_193 = tpu.memref_slice %arg7[%run_scoped3A_36, %dma_wait3A_192] : memref<5x120xi32, #tpu.memory_space<vmem>> -> memref<1x120xi32, #tpu.memory_space<vmem>>
      %dma_wait3A_194 = tpu.memref_squeeze %dma_wait3A_193 : memref<1x120xi32, #tpu.memory_space<vmem>> -> memref<120xi32, #tpu.memory_space<vmem>>
      %dma_wait3A_195 = arith.constant 0 : i32
      %dma_wait3A_196 = tpu.memref_slice %arg4[%select_n3A_10, %dma_wait3A_195] : memref<2688x120xi32, #tpu.memory_space<hbm>> -> memref<1x120xi32, #tpu.memory_space<hbm>>
      %dma_wait3A_197 = tpu.memref_squeeze %dma_wait3A_196 : memref<1x120xi32, #tpu.memory_space<hbm>> -> memref<120xi32, #tpu.memory_space<hbm>>
      %dma_wait3A_198 = arith.constant 0 : i32
      %dma_wait3A_199 = tpu.memref_slice %arg7[%run_scoped3A_36, %dma_wait3A_198] : memref<5x120xi32, #tpu.memory_space<vmem>> -> memref<1x120xi32, #tpu.memory_space<vmem>>
      %dma_wait3A_200 = tpu.memref_squeeze %dma_wait3A_199 : memref<1x120xi32, #tpu.memory_space<vmem>> -> memref<120xi32, #tpu.memory_space<vmem>>
      %dma_wait3A_201 = arith.constant 0 : i32
      %dma_wait3A_202 = tpu.memref_slice %arg4[%select_n3A_10, %dma_wait3A_201] : memref<2688x120xi32, #tpu.memory_space<hbm>> -> memref<1x120xi32, #tpu.memory_space<hbm>>
      %dma_wait3A_203 = tpu.memref_squeeze %dma_wait3A_202 : memref<1x120xi32, #tpu.memory_space<hbm>> -> memref<120xi32, #tpu.memory_space<hbm>>
      tpu.wait_dma2 semaphore(%run_scoped3A_179 : memref<!tpu.dma_semaphore, #tpu.memory_space<semaphore_mem>>) src(%dma_wait3A_203 : memref<120xi32, #tpu.memory_space<hbm>>) dst(%dma_wait3A_200 : memref<120xi32, #tpu.memory_space<vmem>>)
      tpu.yield
    }) : () -> ()
    %add3A_37 = arith.constant 1 : i32
    %add3A_38 = arith.addi %select_n3A_10, %add3A_37 : i32
    %dma_start3A = arith.constant 1 : i32
    %dma_start3A_39 = arith.constant 1 : i32
    %dma_start3A_40 = arith.constant 0 : i32
    %dma_start3A_41 = tpu.memref_slice %arg11[%dma_start3A, %dma_start3A_40] : memref<5x120xi32, #tpu.memory_space<vmem>> -> memref<1x120xi32, #tpu.memory_space<vmem>>
    %dma_start3A_42 = tpu.memref_squeeze %dma_start3A_41 : memref<1x120xi32, #tpu.memory_space<vmem>> -> memref<120xi32, #tpu.memory_space<vmem>>
    %dma_start3A_43 = arith.constant 0 : i32
    %dma_start3A_44 = tpu.memref_slice %arg3[%add3A_38, %dma_start3A_43] : memref<2688x120xi32, #tpu.memory_space<hbm>> -> memref<1x120xi32, #tpu.memory_space<hbm>>
    %dma_start3A_45 = tpu.memref_squeeze %dma_start3A_44 : memref<1x120xi32, #tpu.memory_space<hbm>> -> memref<120xi32, #tpu.memory_space<hbm>>
    %dma_start3A_46 = tpu.memref_slice %arg9[%dma_start3A_39] : memref<5x!tpu.dma_semaphore, #tpu.memory_space<semaphore_mem>> -> memref<1x!tpu.dma_semaphore, #tpu.memory_space<semaphore_mem>>
    %dma_start3A_47 = tpu.memref_squeeze %dma_start3A_46 : memref<1x!tpu.dma_semaphore, #tpu.memory_space<semaphore_mem>> -> memref<!tpu.dma_semaphore, #tpu.memory_space<semaphore_mem>>
    %dma_start3A_48 = arith.constant 0 : i32
    %dma_start3A_49 = tpu.memref_slice %arg11[%dma_start3A, %dma_start3A_48] : memref<5x120xi32, #tpu.memory_space<vmem>> -> memref<1x120xi32, #tpu.memory_space<vmem>>
    %dma_start3A_50 = tpu.memref_squeeze %dma_start3A_49 : memref<1x120xi32, #tpu.memory_space<vmem>> -> memref<120xi32, #tpu.memory_space<vmem>>
    %dma_start3A_51 = arith.constant 0 : i32
    %dma_start3A_52 = tpu.memref_slice %arg3[%add3A_38, %dma_start3A_51] : memref<2688x120xi32, #tpu.memory_space<hbm>> -> memref<1x120xi32, #tpu.memory_space<hbm>>
    %dma_start3A_53 = tpu.memref_squeeze %dma_start3A_52 : memref<1x120xi32, #tpu.memory_space<hbm>> -> memref<120xi32, #tpu.memory_space<hbm>>
    tpu.enqueue_dma source(%dma_start3A_53 : memref<120xi32, #tpu.memory_space<hbm>>) target(%dma_start3A_50 : memref<120xi32, #tpu.memory_space<vmem>>) target_semaphore(%dma_start3A_47 : memref<!tpu.dma_semaphore, #tpu.memory_space<semaphore_mem>>)
    %add3A_54 = arith.constant 1 : i32
    %add3A_55 = arith.addi %select_n3A_10, %add3A_54 : i32
    %dma_start3A_56 = arith.constant 1 : i32
    %dma_start3A_57 = arith.constant 1 : i32
    %dma_start3A_58 = arith.constant 0 : i32
    %dma_start3A_59 = tpu.memref_slice %arg7[%dma_start3A_56, %dma_start3A_58] : memref<5x120xi32, #tpu.memory_space<vmem>> -> memref<1x120xi32, #tpu.memory_space<vmem>>
    %dma_start3A_60 = tpu.memref_squeeze %dma_start3A_59 : memref<1x120xi32, #tpu.memory_space<vmem>> -> memref<120xi32, #tpu.memory_space<vmem>>
    %dma_start3A_61 = arith.constant 0 : i32
    %dma_start3A_62 = tpu.memref_slice %arg4[%add3A_55, %dma_start3A_61] : memref<2688x120xi32, #tpu.memory_space<hbm>> -> memref<1x120xi32, #tpu.memory_space<hbm>>
    %dma_start3A_63 = tpu.memref_squeeze %dma_start3A_62 : memref<1x120xi32, #tpu.memory_space<hbm>> -> memref<120xi32, #tpu.memory_space<hbm>>
    %dma_start3A_64 = tpu.memref_slice %arg9[%dma_start3A_57] : memref<5x!tpu.dma_semaphore, #tpu.memory_space<semaphore_mem>> -> memref<1x!tpu.dma_semaphore, #tpu.memory_space<semaphore_mem>>
    %dma_start3A_65 = tpu.memref_squeeze %dma_start3A_64 : memref<1x!tpu.dma_semaphore, #tpu.memory_space<semaphore_mem>> -> memref<!tpu.dma_semaphore, #tpu.memory_space<semaphore_mem>>
    %dma_start3A_66 = arith.constant 0 : i32
    %dma_start3A_67 = tpu.memref_slice %arg7[%dma_start3A_56, %dma_start3A_66] : memref<5x120xi32, #tpu.memory_space<vmem>> -> memref<1x120xi32, #tpu.memory_space<vmem>>
    %dma_start3A_68 = tpu.memref_squeeze %dma_start3A_67 : memref<1x120xi32, #tpu.memory_space<vmem>> -> memref<120xi32, #tpu.memory_space<vmem>>
    %dma_start3A_69 = arith.constant 0 : i32
    %dma_start3A_70 = tpu.memref_slice %arg4[%add3A_55, %dma_start3A_69] : memref<2688x120xi32, #tpu.memory_space<hbm>> -> memref<1x120xi32, #tpu.memory_space<hbm>>
    %dma_start3A_71 = tpu.memref_squeeze %dma_start3A_70 : memref<1x120xi32, #tpu.memory_space<hbm>> -> memref<120xi32, #tpu.memory_space<hbm>>
    tpu.enqueue_dma source(%dma_start3A_71 : memref<120xi32, #tpu.memory_space<hbm>>) target(%dma_start3A_68 : memref<120xi32, #tpu.memory_space<vmem>>) target_semaphore(%dma_start3A_65 : memref<!tpu.dma_semaphore, #tpu.memory_space<semaphore_mem>>)
    %add3A_72 = arith.constant 2 : i32
    %add3A_73 = arith.addi %select_n3A_10, %add3A_72 : i32
    %dma_start3A_74 = arith.constant 2 : i32
    %dma_start3A_75 = arith.constant 2 : i32
    %dma_start3A_76 = arith.constant 0 : i32
    %dma_start3A_77 = tpu.memref_slice %arg11[%dma_start3A_74, %dma_start3A_76] : memref<5x120xi32, #tpu.memory_space<vmem>> -> memref<1x120xi32, #tpu.memory_space<vmem>>
    %dma_start3A_78 = tpu.memref_squeeze %dma_start3A_77 : memref<1x120xi32, #tpu.memory_space<vmem>> -> memref<120xi32, #tpu.memory_space<vmem>>
    %dma_start3A_79 = arith.constant 0 : i32
    %dma_start3A_80 = tpu.memref_slice %arg3[%add3A_73, %dma_start3A_79] : memref<2688x120xi32, #tpu.memory_space<hbm>> -> memref<1x120xi32, #tpu.memory_space<hbm>>
    %dma_start3A_81 = tpu.memref_squeeze %dma_start3A_80 : memref<1x120xi32, #tpu.memory_space<hbm>> -> memref<120xi32, #tpu.memory_space<hbm>>
    %dma_start3A_82 = tpu.memref_slice %arg9[%dma_start3A_75] : memref<5x!tpu.dma_semaphore, #tpu.memory_space<semaphore_mem>> -> memref<1x!tpu.dma_semaphore, #tpu.memory_space<semaphore_mem>>
    %dma_start3A_83 = tpu.memref_squeeze %dma_start3A_82 : memref<1x!tpu.dma_semaphore, #tpu.memory_space<semaphore_mem>> -> memref<!tpu.dma_semaphore, #tpu.memory_space<semaphore_mem>>
    %dma_start3A_84 = arith.constant 0 : i32
    %dma_start3A_85 = tpu.memref_slice %arg11[%dma_start3A_74, %dma_start3A_84] : memref<5x120xi32, #tpu.memory_space<vmem>> -> memref<1x120xi32, #tpu.memory_space<vmem>>
    %dma_start3A_86 = tpu.memref_squeeze %dma_start3A_85 : memref<1x120xi32, #tpu.memory_space<vmem>> -> memref<120xi32, #tpu.memory_space<vmem>>
    %dma_start3A_87 = arith.constant 0 : i32
    %dma_start3A_88 = tpu.memref_slice %arg3[%add3A_73, %dma_start3A_87] : memref<2688x120xi32, #tpu.memory_space<hbm>> -> memref<1x120xi32, #tpu.memory_space<hbm>>
    %dma_start3A_89 = tpu.memref_squeeze %dma_start3A_88 : memref<1x120xi32, #tpu.memory_space<hbm>> -> memref<120xi32, #tpu.memory_space<hbm>>
    tpu.enqueue_dma source(%dma_start3A_89 : memref<120xi32, #tpu.memory_space<hbm>>) target(%dma_start3A_86 : memref<120xi32, #tpu.memory_space<vmem>>) target_semaphore(%dma_start3A_83 : memref<!tpu.dma_semaphore, #tpu.memory_space<semaphore_mem>>)
    %add3A_90 = arith.constant 2 : i32
    %add3A_91 = arith.addi %select_n3A_10, %add3A_90 : i32
    %dma_start3A_92 = arith.constant 2 : i32
    %dma_start3A_93 = arith.constant 2 : i32
    %dma_start3A_94 = arith.constant 0 : i32
    %dma_start3A_95 = tpu.memref_slice %arg7[%dma_start3A_92, %dma_start3A_94] : memref<5x120xi32, #tpu.memory_space<vmem>> -> memref<1x120xi32, #tpu.memory_space<vmem>>
    %dma_start3A_96 = tpu.memref_squeeze %dma_start3A_95 : memref<1x120xi32, #tpu.memory_space<vmem>> -> memref<120xi32, #tpu.memory_space<vmem>>
    %dma_start3A_97 = arith.constant 0 : i32
    %dma_start3A_98 = tpu.memref_slice %arg4[%add3A_91, %dma_start3A_97] : memref<2688x120xi32, #tpu.memory_space<hbm>> -> memref<1x120xi32, #tpu.memory_space<hbm>>
    %dma_start3A_99 = tpu.memref_squeeze %dma_start3A_98 : memref<1x120xi32, #tpu.memory_space<hbm>> -> memref<120xi32, #tpu.memory_space<hbm>>
    %dma_start3A_100 = tpu.memref_slice %arg9[%dma_start3A_93] : memref<5x!tpu.dma_semaphore, #tpu.memory_space<semaphore_mem>> -> memref<1x!tpu.dma_semaphore, #tpu.memory_space<semaphore_mem>>
    %dma_start3A_101 = tpu.memref_squeeze %dma_start3A_100 : memref<1x!tpu.dma_semaphore, #tpu.memory_space<semaphore_mem>> -> memref<!tpu.dma_semaphore, #tpu.memory_space<semaphore_mem>>
    %dma_start3A_102 = arith.constant 0 : i32
    %dma_start3A_103 = tpu.memref_slice %arg7[%dma_start3A_92, %dma_start3A_102] : memref<5x120xi32, #tpu.memory_space<vmem>> -> memref<1x120xi32, #tpu.memory_space<vmem>>
    %dma_start3A_104 = tpu.memref_squeeze %dma_start3A_103 : memref<1x120xi32, #tpu.memory_space<vmem>> -> memref<120xi32, #tpu.memory_space<vmem>>
    %dma_start3A_105 = arith.constant 0 : i32
    %dma_start3A_106 = tpu.memref_slice %arg4[%add3A_91, %dma_start3A_105] : memref<2688x120xi32, #tpu.memory_space<hbm>> -> memref<1x120xi32, #tpu.memory_space<hbm>>
    %dma_start3A_107 = tpu.memref_squeeze %dma_start3A_106 : memref<1x120xi32, #tpu.memory_space<hbm>> -> memref<120xi32, #tpu.memory_space<hbm>>
    tpu.enqueue_dma source(%dma_start3A_107 : memref<120xi32, #tpu.memory_space<hbm>>) target(%dma_start3A_104 : memref<120xi32, #tpu.memory_space<vmem>>) target_semaphore(%dma_start3A_101 : memref<!tpu.dma_semaphore, #tpu.memory_space<semaphore_mem>>)
    %dma_start3A_108 = arith.constant 0 : i32
    %dma_start3A_109 = arith.constant 0 : i32
    %dma_start3A_110 = arith.constant 0 : i32
    %dma_start3A_111 = arith.constant 0 : i32
    %dma_start3A_112 = arith.constant 0 : i32
    %dma_start3A_113 = tpu.memref_slice %arg10[%dma_start3A_109, %dma_start3A_111, %dma_start3A_112] : memref<3x120x128xf32, #tpu.memory_space<vmem>> -> memref<1x120x128xf32, #tpu.memory_space<vmem>>
    %dma_start3A_114 = tpu.memref_squeeze %dma_start3A_113 : memref<1x120x128xf32, #tpu.memory_space<vmem>> -> memref<120x128xf32, #tpu.memory_space<vmem>>
    %dma_start3A_115 = arith.constant 0 : i32
    %dma_start3A_116 = tpu.memref_slice %arg11[%dma_start3A_108, %dma_start3A_115] : memref<5x120xi32, #tpu.memory_space<vmem>> -> memref<1x120xi32, #tpu.memory_space<vmem>>
    %dma_start3A_117 = tpu.memref_squeeze %dma_start3A_116 : memref<1x120xi32, #tpu.memory_space<vmem>> -> memref<120xi32, #tpu.memory_space<vmem>>
    %dma_start3A_118 = arith.constant 0 : i32
    %dma_start3A_119 = arith.constant 0 : i32
    %dma_start3A_120 = tpu.memref_slice %arg2[%dma_start3A_118, %dma_start3A_119] : memref<10240x128xf32, #tpu.memory_space<hbm>> -> memref<10240x128xf32, #tpu.memory_space<hbm>>
    %dma_start3A_121 = tpu.memref_slice %arg8[%dma_start3A_110] : memref<3x!tpu.dma_semaphore, #tpu.memory_space<semaphore_mem>> -> memref<1x!tpu.dma_semaphore, #tpu.memory_space<semaphore_mem>>
    %dma_start3A_122 = tpu.memref_squeeze %dma_start3A_121 : memref<1x!tpu.dma_semaphore, #tpu.memory_space<semaphore_mem>> -> memref<!tpu.dma_semaphore, #tpu.memory_space<semaphore_mem>>
    tpu.enqueue_indirect_dma source(%dma_start3A_120 : memref<10240x128xf32, #tpu.memory_space<hbm>>) target(%dma_start3A_114 : memref<120x128xf32, #tpu.memory_space<vmem>>) offsets(%dma_start3A_117 : memref<120xi32, #tpu.memory_space<vmem>>) semaphore(%dma_start3A_122 : memref<!tpu.dma_semaphore, #tpu.memory_space<semaphore_mem>>)
    %while3A = arith.constant 0 : i32
    %while3A_123 = arith.constant 0 : i32
    %while3A_124 = arith.subi %select_n3A, %while3A : i32
    %while3A_125 = arith.addi %while3A, %while3A_124 : i32
    %while3A_126 = arith.constant 1 : i32
    %while3A_127 = arith.divsi %while3A_124, %while3A_126 : i32
    %while3A_128 = arith.muli %while3A_127, %while3A_126 : i32
    %while3A_129 = arith.addi %while3A, %while3A_128 : i32
    %while3A_130 = arith.constant 1 : i32
    %while3A_131 = scf.for %while3A_179 = %while3A to %while3A_129 step %while3A_130 iter_args(%while3A_180 = %while3A_123) -> (i32)  : i32 {
      %rem3A = arith.constant 3 : i32
      %rem3A_181 = arith.remsi %while3A_179, %rem3A : i32
      %add3A_182 = arith.constant 1 : i32
      %add3A_183 = arith.addi %while3A_179, %add3A_182 : i32
      %rem3A_184 = arith.constant 3 : i32
      %rem3A_185 = arith.remsi %add3A_183, %rem3A_184 : i32
      %add3A_186 = arith.constant 1 : i32
      %add3A_187 = arith.addi %while3A_179, %add3A_186 : i32
      %rem3A_188 = arith.constant 5 : i32
      %rem3A_189 = arith.remsi %add3A_187, %rem3A_188 : i32
      %add3A_190 = arith.constant 3 : i32
      %add3A_191 = arith.addi %while3A_179, %add3A_190 : i32
      %rem3A_192 = arith.constant 5 : i32
      %rem3A_193 = arith.remsi %add3A_191, %rem3A_192 : i32
      %ge3A = arith.constant 2 : i32
      %ge3A_194 = arith.cmpi sge, %while3A_179, %ge3A : i32
      %sub3A = arith.constant 2 : i32
      %sub3A_195 = arith.subi %select_n3A, %sub3A : i32
      %le3A = arith.cmpi sle, %while3A_179, %sub3A_195 : i32
      %and3A = arith.andi %ge3A_194, %le3A : i1
      %convert_element_type3A = arith.extui %and3A : i1 to i32
      %cond3A = arith.constant 0 : i32
      %cond3A_196 = arith.cmpi ne, %convert_element_type3A, %cond3A : i32
      scf.if %cond3A_196 {
        %dma_wait3A_236 = arith.constant 0 : i32
        %dma_wait3A_237 = arith.constant 0 : i32
        %dma_wait3A_238 = arith.constant 0 : i32
        %dma_wait3A_239 = tpu.memref_slice %arg10[%rem3A_185, %dma_wait3A_237, %dma_wait3A_238] : memref<3x120x128xf32, #tpu.memory_space<vmem>> -> memref<1x120x128xf32, #tpu.memory_space<vmem>>
        %dma_wait3A_240 = tpu.memref_squeeze %dma_wait3A_239 : memref<1x120x128xf32, #tpu.memory_space<vmem>> -> memref<120x128xf32, #tpu.memory_space<vmem>>
        %dma_wait3A_241 = arith.constant 0 : i32
        %dma_wait3A_242 = tpu.memref_slice %arg7[%dma_wait3A_236, %dma_wait3A_241] : memref<5x120xi32, #tpu.memory_space<vmem>> -> memref<1x120xi32, #tpu.memory_space<vmem>>
        %dma_wait3A_243 = tpu.memref_squeeze %dma_wait3A_242 : memref<1x120xi32, #tpu.memory_space<vmem>> -> memref<120xi32, #tpu.memory_space<vmem>>
        %dma_wait3A_244 = arith.constant 0 : i32
        %dma_wait3A_245 = arith.constant 0 : i32
        %dma_wait3A_246 = tpu.memref_slice %arg6[%dma_wait3A_244, %dma_wait3A_245] : memref<10112x128xf32, #tpu.memory_space<vmem_shared>> -> memref<10112x128xf32, #tpu.memory_space<vmem_shared>>
        %dma_wait3A_247 = tpu.memref_slice %arg12[%rem3A_185] : memref<3x!tpu.dma_semaphore, #tpu.memory_space<semaphore_mem>> -> memref<1x!tpu.dma_semaphore, #tpu.memory_space<semaphore_mem>>
        %dma_wait3A_248 = tpu.memref_squeeze %dma_wait3A_247 : memref<1x!tpu.dma_semaphore, #tpu.memory_space<semaphore_mem>> -> memref<!tpu.dma_semaphore, #tpu.memory_space<semaphore_mem>>
        tpu.wait_indirect_dma semaphore(%dma_wait3A_248 : memref<!tpu.dma_semaphore, #tpu.memory_space<semaphore_mem>>) src(%dma_wait3A_240 : memref<120x128xf32, #tpu.memory_space<vmem>>) dst(%dma_wait3A_246 : memref<10112x128xf32, #tpu.memory_space<vmem_shared>>)
      } else {
      }
      %sub3A_197 = arith.constant 4 : i32
      %sub3A_198 = arith.subi %select_n3A, %sub3A_197 : i32
      %le3A_199 = arith.cmpi sle, %while3A_179, %sub3A_198 : i32
      %convert_element_type3A_200 = arith.extui %le3A_199 : i1 to i32
      %cond3A_201 = arith.constant 0 : i32
      %cond3A_202 = arith.cmpi ne, %convert_element_type3A_200, %cond3A_201 : i32
      scf.if %cond3A_202 {
        %add3A_236 = arith.addi %select_n3A_10, %while3A_179 : i32
        %add3A_237 = arith.constant 3 : i32
        %add3A_238 = arith.addi %add3A_236, %add3A_237 : i32
        %dma_start3A_239 = arith.constant 0 : i32
        %dma_start3A_240 = tpu.memref_slice %arg11[%rem3A_193, %dma_start3A_239] : memref<5x120xi32, #tpu.memory_space<vmem>> -> memref<1x120xi32, #tpu.memory_space<vmem>>
        %dma_start3A_241 = tpu.memref_squeeze %dma_start3A_240 : memref<1x120xi32, #tpu.memory_space<vmem>> -> memref<120xi32, #tpu.memory_space<vmem>>
        %dma_start3A_242 = arith.constant 0 : i32
        %dma_start3A_243 = tpu.memref_slice %arg3[%add3A_238, %dma_start3A_242] : memref<2688x120xi32, #tpu.memory_space<hbm>> -> memref<1x120xi32, #tpu.memory_space<hbm>>
        %dma_start3A_244 = tpu.memref_squeeze %dma_start3A_243 : memref<1x120xi32, #tpu.memory_space<hbm>> -> memref<120xi32, #tpu.memory_space<hbm>>
        %dma_start3A_245 = tpu.memref_slice %arg9[%rem3A_193] : memref<5x!tpu.dma_semaphore, #tpu.memory_space<semaphore_mem>> -> memref<1x!tpu.dma_semaphore, #tpu.memory_space<semaphore_mem>>
        %dma_start3A_246 = tpu.memref_squeeze %dma_start3A_245 : memref<1x!tpu.dma_semaphore, #tpu.memory_space<semaphore_mem>> -> memref<!tpu.dma_semaphore, #tpu.memory_space<semaphore_mem>>
        %dma_start3A_247 = arith.constant 0 : i32
        %dma_start3A_248 = tpu.memref_slice %arg11[%rem3A_193, %dma_start3A_247] : memref<5x120xi32, #tpu.memory_space<vmem>> -> memref<1x120xi32, #tpu.memory_space<vmem>>
        %dma_start3A_249 = tpu.memref_squeeze %dma_start3A_248 : memref<1x120xi32, #tpu.memory_space<vmem>> -> memref<120xi32, #tpu.memory_space<vmem>>
        %dma_start3A_250 = arith.constant 0 : i32
        %dma_start3A_251 = tpu.memref_slice %arg3[%add3A_238, %dma_start3A_250] : memref<2688x120xi32, #tpu.memory_space<hbm>> -> memref<1x120xi32, #tpu.memory_space<hbm>>
        %dma_start3A_252 = tpu.memref_squeeze %dma_start3A_251 : memref<1x120xi32, #tpu.memory_space<hbm>> -> memref<120xi32, #tpu.memory_space<hbm>>
        tpu.enqueue_dma source(%dma_start3A_252 : memref<120xi32, #tpu.memory_space<hbm>>) target(%dma_start3A_249 : memref<120xi32, #tpu.memory_space<vmem>>) target_semaphore(%dma_start3A_246 : memref<!tpu.dma_semaphore, #tpu.memory_space<semaphore_mem>>)
        %add3A_253 = arith.addi %select_n3A_10, %while3A_179 : i32
        %add3A_254 = arith.constant 3 : i32
        %add3A_255 = arith.addi %add3A_253, %add3A_254 : i32
        %dma_start3A_256 = arith.constant 0 : i32
        %dma_start3A_257 = tpu.memref_slice %arg7[%rem3A_193, %dma_start3A_256] : memref<5x120xi32, #tpu.memory_space<vmem>> -> memref<1x120xi32, #tpu.memory_space<vmem>>
        %dma_start3A_258 = tpu.memref_squeeze %dma_start3A_257 : memref<1x120xi32, #tpu.memory_space<vmem>> -> memref<120xi32, #tpu.memory_space<vmem>>
        %dma_start3A_259 = arith.constant 0 : i32
        %dma_start3A_260 = tpu.memref_slice %arg4[%add3A_255, %dma_start3A_259] : memref<2688x120xi32, #tpu.memory_space<hbm>> -> memref<1x120xi32, #tpu.memory_space<hbm>>
        %dma_start3A_261 = tpu.memref_squeeze %dma_start3A_260 : memref<1x120xi32, #tpu.memory_space<hbm>> -> memref<120xi32, #tpu.memory_space<hbm>>
        %dma_start3A_262 = tpu.memref_slice %arg9[%rem3A_193] : memref<5x!tpu.dma_semaphore, #tpu.memory_space<semaphore_mem>> -> memref<1x!tpu.dma_semaphore, #tpu.memory_space<semaphore_mem>>
        %dma_start3A_263 = tpu.memref_squeeze %dma_start3A_262 : memref<1x!tpu.dma_semaphore, #tpu.memory_space<semaphore_mem>> -> memref<!tpu.dma_semaphore, #tpu.memory_space<semaphore_mem>>
        %dma_start3A_264 = arith.constant 0 : i32
        %dma_start3A_265 = tpu.memref_slice %arg7[%rem3A_193, %dma_start3A_264] : memref<5x120xi32, #tpu.memory_space<vmem>> -> memref<1x120xi32, #tpu.memory_space<vmem>>
        %dma_start3A_266 = tpu.memref_squeeze %dma_start3A_265 : memref<1x120xi32, #tpu.memory_space<vmem>> -> memref<120xi32, #tpu.memory_space<vmem>>
        %dma_start3A_267 = arith.constant 0 : i32
        %dma_start3A_268 = tpu.memref_slice %arg4[%add3A_255, %dma_start3A_267] : memref<2688x120xi32, #tpu.memory_space<hbm>> -> memref<1x120xi32, #tpu.memory_space<hbm>>
        %dma_start3A_269 = tpu.memref_squeeze %dma_start3A_268 : memref<1x120xi32, #tpu.memory_space<hbm>> -> memref<120xi32, #tpu.memory_space<hbm>>
        tpu.enqueue_dma source(%dma_start3A_269 : memref<120xi32, #tpu.memory_space<hbm>>) target(%dma_start3A_266 : memref<120xi32, #tpu.memory_space<vmem>>) target_semaphore(%dma_start3A_263 : memref<!tpu.dma_semaphore, #tpu.memory_space<semaphore_mem>>)
      } else {
      }
      %sub3A_203 = arith.constant 2 : i32
      %sub3A_204 = arith.subi %select_n3A, %sub3A_203 : i32
      %le3A_205 = arith.cmpi sle, %while3A_179, %sub3A_204 : i32
      %convert_element_type3A_206 = arith.extui %le3A_205 : i1 to i32
      %cond3A_207 = arith.constant 0 : i32
      %cond3A_208 = arith.cmpi ne, %convert_element_type3A_206, %cond3A_207 : i32
      scf.if %cond3A_208 {
        %add3A_236 = arith.addi %select_n3A_10, %while3A_179 : i32
        %add3A_237 = arith.constant 1 : i32
        %add3A_238 = arith.addi %add3A_236, %add3A_237 : i32
        %dma_wait3A_239 = arith.constant 0 : i32
        %dma_wait3A_240 = tpu.memref_slice %arg11[%rem3A_189, %dma_wait3A_239] : memref<5x120xi32, #tpu.memory_space<vmem>> -> memref<1x120xi32, #tpu.memory_space<vmem>>
        %dma_wait3A_241 = tpu.memref_squeeze %dma_wait3A_240 : memref<1x120xi32, #tpu.memory_space<vmem>> -> memref<120xi32, #tpu.memory_space<vmem>>
        %dma_wait3A_242 = arith.constant 0 : i32
        %dma_wait3A_243 = tpu.memref_slice %arg3[%add3A_238, %dma_wait3A_242] : memref<2688x120xi32, #tpu.memory_space<hbm>> -> memref<1x120xi32, #tpu.memory_space<hbm>>
        %dma_wait3A_244 = tpu.memref_squeeze %dma_wait3A_243 : memref<1x120xi32, #tpu.memory_space<hbm>> -> memref<120xi32, #tpu.memory_space<hbm>>
        %dma_wait3A_245 = tpu.memref_slice %arg9[%rem3A_189] : memref<5x!tpu.dma_semaphore, #tpu.memory_space<semaphore_mem>> -> memref<1x!tpu.dma_semaphore, #tpu.memory_space<semaphore_mem>>
        %dma_wait3A_246 = tpu.memref_squeeze %dma_wait3A_245 : memref<1x!tpu.dma_semaphore, #tpu.memory_space<semaphore_mem>> -> memref<!tpu.dma_semaphore, #tpu.memory_space<semaphore_mem>>
        %dma_wait3A_247 = arith.constant 0 : i32
        %dma_wait3A_248 = tpu.memref_slice %arg11[%rem3A_189, %dma_wait3A_247] : memref<5x120xi32, #tpu.memory_space<vmem>> -> memref<1x120xi32, #tpu.memory_space<vmem>>
        %dma_wait3A_249 = tpu.memref_squeeze %dma_wait3A_248 : memref<1x120xi32, #tpu.memory_space<vmem>> -> memref<120xi32, #tpu.memory_space<vmem>>
        %dma_wait3A_250 = arith.constant 0 : i32
        %dma_wait3A_251 = tpu.memref_slice %arg3[%add3A_238, %dma_wait3A_250] : memref<2688x120xi32, #tpu.memory_space<hbm>> -> memref<1x120xi32, #tpu.memory_space<hbm>>
        %dma_wait3A_252 = tpu.memref_squeeze %dma_wait3A_251 : memref<1x120xi32, #tpu.memory_space<hbm>> -> memref<120xi32, #tpu.memory_space<hbm>>
        tpu.wait_dma2 semaphore(%dma_wait3A_246 : memref<!tpu.dma_semaphore, #tpu.memory_space<semaphore_mem>>) src(%dma_wait3A_252 : memref<120xi32, #tpu.memory_space<hbm>>) dst(%dma_wait3A_249 : memref<120xi32, #tpu.memory_space<vmem>>)
        %add3A_253 = arith.addi %select_n3A_10, %while3A_179 : i32
        %add3A_254 = arith.constant 1 : i32
        %add3A_255 = arith.addi %add3A_253, %add3A_254 : i32
        %dma_wait3A_256 = arith.constant 0 : i32
        %dma_wait3A_257 = tpu.memref_slice %arg7[%rem3A_189, %dma_wait3A_256] : memref<5x120xi32, #tpu.memory_space<vmem>> -> memref<1x120xi32, #tpu.memory_space<vmem>>
        %dma_wait3A_258 = tpu.memref_squeeze %dma_wait3A_257 : memref<1x120xi32, #tpu.memory_space<vmem>> -> memref<120xi32, #tpu.memory_space<vmem>>
        %dma_wait3A_259 = arith.constant 0 : i32
        %dma_wait3A_260 = tpu.memref_slice %arg4[%add3A_255, %dma_wait3A_259] : memref<2688x120xi32, #tpu.memory_space<hbm>> -> memref<1x120xi32, #tpu.memory_space<hbm>>
        %dma_wait3A_261 = tpu.memref_squeeze %dma_wait3A_260 : memref<1x120xi32, #tpu.memory_space<hbm>> -> memref<120xi32, #tpu.memory_space<hbm>>
        %dma_wait3A_262 = tpu.memref_slice %arg9[%rem3A_189] : memref<5x!tpu.dma_semaphore, #tpu.memory_space<semaphore_mem>> -> memref<1x!tpu.dma_semaphore, #tpu.memory_space<semaphore_mem>>
        %dma_wait3A_263 = tpu.memref_squeeze %dma_wait3A_262 : memref<1x!tpu.dma_semaphore, #tpu.memory_space<semaphore_mem>> -> memref<!tpu.dma_semaphore, #tpu.memory_space<semaphore_mem>>
        %dma_wait3A_264 = arith.constant 0 : i32
        %dma_wait3A_265 = tpu.memref_slice %arg7[%rem3A_189, %dma_wait3A_264] : memref<5x120xi32, #tpu.memory_space<vmem>> -> memref<1x120xi32, #tpu.memory_space<vmem>>
        %dma_wait3A_266 = tpu.memref_squeeze %dma_wait3A_265 : memref<1x120xi32, #tpu.memory_space<vmem>> -> memref<120xi32, #tpu.memory_space<vmem>>
        %dma_wait3A_267 = arith.constant 0 : i32
        %dma_wait3A_268 = tpu.memref_slice %arg4[%add3A_255, %dma_wait3A_267] : memref<2688x120xi32, #tpu.memory_space<hbm>> -> memref<1x120xi32, #tpu.memory_space<hbm>>
        %dma_wait3A_269 = tpu.memref_squeeze %dma_wait3A_268 : memref<1x120xi32, #tpu.memory_space<hbm>> -> memref<120xi32, #tpu.memory_space<hbm>>
        tpu.wait_dma2 semaphore(%dma_wait3A_263 : memref<!tpu.dma_semaphore, #tpu.memory_space<semaphore_mem>>) src(%dma_wait3A_269 : memref<120xi32, #tpu.memory_space<hbm>>) dst(%dma_wait3A_266 : memref<120xi32, #tpu.memory_space<vmem>>)
        %dma_start3A_270 = arith.constant 0 : i32
        %dma_start3A_271 = arith.constant 0 : i32
        %dma_start3A_272 = tpu.memref_slice %arg10[%rem3A_185, %dma_start3A_270, %dma_start3A_271] : memref<3x120x128xf32, #tpu.memory_space<vmem>> -> memref<1x120x128xf32, #tpu.memory_space<vmem>>
        %dma_start3A_273 = tpu.memref_squeeze %dma_start3A_272 : memref<1x120x128xf32, #tpu.memory_space<vmem>> -> memref<120x128xf32, #tpu.memory_space<vmem>>
        %dma_start3A_274 = arith.constant 0 : i32
        %dma_start3A_275 = tpu.memref_slice %arg11[%rem3A_189, %dma_start3A_274] : memref<5x120xi32, #tpu.memory_space<vmem>> -> memref<1x120xi32, #tpu.memory_space<vmem>>
        %dma_start3A_276 = tpu.memref_squeeze %dma_start3A_275 : memref<1x120xi32, #tpu.memory_space<vmem>> -> memref<120xi32, #tpu.memory_space<vmem>>
        %dma_start3A_277 = arith.constant 0 : i32
        %dma_start3A_278 = arith.constant 0 : i32
        %dma_start3A_279 = tpu.memref_slice %arg2[%dma_start3A_277, %dma_start3A_278] : memref<10240x128xf32, #tpu.memory_space<hbm>> -> memref<10240x128xf32, #tpu.memory_space<hbm>>
        %dma_start3A_280 = tpu.memref_slice %arg8[%rem3A_185] : memref<3x!tpu.dma_semaphore, #tpu.memory_space<semaphore_mem>> -> memref<1x!tpu.dma_semaphore, #tpu.memory_space<semaphore_mem>>
        %dma_start3A_281 = tpu.memref_squeeze %dma_start3A_280 : memref<1x!tpu.dma_semaphore, #tpu.memory_space<semaphore_mem>> -> memref<!tpu.dma_semaphore, #tpu.memory_space<semaphore_mem>>
        tpu.enqueue_indirect_dma source(%dma_start3A_279 : memref<10240x128xf32, #tpu.memory_space<hbm>>) target(%dma_start3A_273 : memref<120x128xf32, #tpu.memory_space<vmem>>) offsets(%dma_start3A_276 : memref<120xi32, #tpu.memory_space<vmem>>) semaphore(%dma_start3A_281 : memref<!tpu.dma_semaphore, #tpu.memory_space<semaphore_mem>>)
      } else {
      }
      %rem3A_209 = arith.constant 5 : i32
      %rem3A_210 = arith.remsi %while3A_179, %rem3A_209 : i32
      %dma_wait3A_211 = arith.constant 0 : i32
      %dma_wait3A_212 = arith.constant 0 : i32
      %dma_wait3A_213 = tpu.memref_slice %arg10[%rem3A_181, %dma_wait3A_211, %dma_wait3A_212] : memref<3x120x128xf32, #tpu.memory_space<vmem>> -> memref<1x120x128xf32, #tpu.memory_space<vmem>>
      %dma_wait3A_214 = tpu.memref_squeeze %dma_wait3A_213 : memref<1x120x128xf32, #tpu.memory_space<vmem>> -> memref<120x128xf32, #tpu.memory_space<vmem>>
      %dma_wait3A_215 = arith.constant 0 : i32
      %dma_wait3A_216 = tpu.memref_slice %arg11[%rem3A_210, %dma_wait3A_215] : memref<5x120xi32, #tpu.memory_space<vmem>> -> memref<1x120xi32, #tpu.memory_space<vmem>>
      %dma_wait3A_217 = tpu.memref_squeeze %dma_wait3A_216 : memref<1x120xi32, #tpu.memory_space<vmem>> -> memref<120xi32, #tpu.memory_space<vmem>>
      %dma_wait3A_218 = arith.constant 0 : i32
      %dma_wait3A_219 = arith.constant 0 : i32
      %dma_wait3A_220 = tpu.memref_slice %arg2[%dma_wait3A_218, %dma_wait3A_219] : memref<10240x128xf32, #tpu.memory_space<hbm>> -> memref<10240x128xf32, #tpu.memory_space<hbm>>
      %dma_wait3A_221 = tpu.memref_slice %arg8[%rem3A_181] : memref<3x!tpu.dma_semaphore, #tpu.memory_space<semaphore_mem>> -> memref<1x!tpu.dma_semaphore, #tpu.memory_space<semaphore_mem>>
      %dma_wait3A_222 = tpu.memref_squeeze %dma_wait3A_221 : memref<1x!tpu.dma_semaphore, #tpu.memory_space<semaphore_mem>> -> memref<!tpu.dma_semaphore, #tpu.memory_space<semaphore_mem>>
      tpu.wait_indirect_dma semaphore(%dma_wait3A_222 : memref<!tpu.dma_semaphore, #tpu.memory_space<semaphore_mem>>) src(%dma_wait3A_220 : memref<10240x128xf32, #tpu.memory_space<hbm>>) dst(%dma_wait3A_214 : memref<120x128xf32, #tpu.memory_space<vmem>>)
      %dma_start3A_223 = arith.constant 0 : i32
      %dma_start3A_224 = arith.constant 0 : i32
      %dma_start3A_225 = tpu.memref_slice %arg10[%rem3A_181, %dma_start3A_223, %dma_start3A_224] : memref<3x120x128xf32, #tpu.memory_space<vmem>> -> memref<1x120x128xf32, #tpu.memory_space<vmem>>
      %dma_start3A_226 = tpu.memref_squeeze %dma_start3A_225 : memref<1x120x128xf32, #tpu.memory_space<vmem>> -> memref<120x128xf32, #tpu.memory_space<vmem>>
      %dma_start3A_227 = arith.constant 0 : i32
      %dma_start3A_228 = tpu.memref_slice %arg7[%rem3A_210, %dma_start3A_227] : memref<5x120xi32, #tpu.memory_space<vmem>> -> memref<1x120xi32, #tpu.memory_space<vmem>>
      %dma_start3A_229 = tpu.memref_squeeze %dma_start3A_228 : memref<1x120xi32, #tpu.memory_space<vmem>> -> memref<120xi32, #tpu.memory_space<vmem>>
      %dma_start3A_230 = arith.constant 0 : i32
      %dma_start3A_231 = arith.constant 0 : i32
      %dma_start3A_232 = tpu.memref_slice %arg6[%dma_start3A_230, %dma_start3A_231] : memref<10112x128xf32, #tpu.memory_space<vmem_shared>> -> memref<10112x128xf32, #tpu.memory_space<vmem_shared>>
      %dma_start3A_233 = tpu.memref_slice %arg12[%rem3A_181] : memref<3x!tpu.dma_semaphore, #tpu.memory_space<semaphore_mem>> -> memref<1x!tpu.dma_semaphore, #tpu.memory_space<semaphore_mem>>
      %dma_start3A_234 = tpu.memref_squeeze %dma_start3A_233 : memref<1x!tpu.dma_semaphore, #tpu.memory_space<semaphore_mem>> -> memref<!tpu.dma_semaphore, #tpu.memory_space<semaphore_mem>>
      tpu.enqueue_indirect_dma source(%dma_start3A_226 : memref<120x128xf32, #tpu.memory_space<vmem>>) target(%dma_start3A_232 : memref<10112x128xf32, #tpu.memory_space<vmem_shared>>) offsets(%dma_start3A_229 : memref<120xi32, #tpu.memory_space<vmem>>) semaphore(%dma_start3A_234 : memref<!tpu.dma_semaphore, #tpu.memory_space<semaphore_mem>>) {add = true}
      %while3A_235 = arith.constant 0 : i32
      scf.yield %while3A_235 : i32
    }
    %while3A_132 = arith.constant 1 : i32
    %while3A_133 = scf.for %while3A_179 = %while3A_129 to %while3A_125 step %while3A_132 iter_args(%while3A_180 = %while3A_131) -> (i32)  : i32 {
      %rem3A = arith.constant 3 : i32
      %rem3A_181 = arith.remsi %while3A_179, %rem3A : i32
      %add3A_182 = arith.constant 1 : i32
      %add3A_183 = arith.addi %while3A_179, %add3A_182 : i32
      %rem3A_184 = arith.constant 3 : i32
      %rem3A_185 = arith.remsi %add3A_183, %rem3A_184 : i32
      %add3A_186 = arith.constant 1 : i32
      %add3A_187 = arith.addi %while3A_179, %add3A_186 : i32
      %rem3A_188 = arith.constant 5 : i32
      %rem3A_189 = arith.remsi %add3A_187, %rem3A_188 : i32
      %add3A_190 = arith.constant 3 : i32
      %add3A_191 = arith.addi %while3A_179, %add3A_190 : i32
      %rem3A_192 = arith.constant 5 : i32
      %rem3A_193 = arith.remsi %add3A_191, %rem3A_192 : i32
      %ge3A = arith.constant 2 : i32
      %ge3A_194 = arith.cmpi sge, %while3A_179, %ge3A : i32
      %sub3A = arith.constant 2 : i32
      %sub3A_195 = arith.subi %select_n3A, %sub3A : i32
      %le3A = arith.cmpi sle, %while3A_179, %sub3A_195 : i32
      %and3A = arith.andi %ge3A_194, %le3A : i1
      %convert_element_type3A = arith.extui %and3A : i1 to i32
      %cond3A = arith.constant 0 : i32
      %cond3A_196 = arith.cmpi ne, %convert_element_type3A, %cond3A : i32
      scf.if %cond3A_196 {
        %dma_wait3A_236 = arith.constant 0 : i32
        %dma_wait3A_237 = arith.constant 0 : i32
        %dma_wait3A_238 = arith.constant 0 : i32
        %dma_wait3A_239 = tpu.memref_slice %arg10[%rem3A_185, %dma_wait3A_237, %dma_wait3A_238] : memref<3x120x128xf32, #tpu.memory_space<vmem>> -> memref<1x120x128xf32, #tpu.memory_space<vmem>>
        %dma_wait3A_240 = tpu.memref_squeeze %dma_wait3A_239 : memref<1x120x128xf32, #tpu.memory_space<vmem>> -> memref<120x128xf32, #tpu.memory_space<vmem>>
        %dma_wait3A_241 = arith.constant 0 : i32
        %dma_wait3A_242 = tpu.memref_slice %arg7[%dma_wait3A_236, %dma_wait3A_241] : memref<5x120xi32, #tpu.memory_space<vmem>> -> memref<1x120xi32, #tpu.memory_space<vmem>>
        %dma_wait3A_243 = tpu.memref_squeeze %dma_wait3A_242 : memref<1x120xi32, #tpu.memory_space<vmem>> -> memref<120xi32, #tpu.memory_space<vmem>>
        %dma_wait3A_244 = arith.constant 0 : i32
        %dma_wait3A_245 = arith.constant 0 : i32
        %dma_wait3A_246 = tpu.memref_slice %arg6[%dma_wait3A_244, %dma_wait3A_245] : memref<10112x128xf32, #tpu.memory_space<vmem_shared>> -> memref<10112x128xf32, #tpu.memory_space<vmem_shared>>
        %dma_wait3A_247 = tpu.memref_slice %arg12[%rem3A_185] : memref<3x!tpu.dma_semaphore, #tpu.memory_space<semaphore_mem>> -> memref<1x!tpu.dma_semaphore, #tpu.memory_space<semaphore_mem>>
        %dma_wait3A_248 = tpu.memref_squeeze %dma_wait3A_247 : memref<1x!tpu.dma_semaphore, #tpu.memory_space<semaphore_mem>> -> memref<!tpu.dma_semaphore, #tpu.memory_space<semaphore_mem>>
        tpu.wait_indirect_dma semaphore(%dma_wait3A_248 : memref<!tpu.dma_semaphore, #tpu.memory_space<semaphore_mem>>) src(%dma_wait3A_240 : memref<120x128xf32, #tpu.memory_space<vmem>>) dst(%dma_wait3A_246 : memref<10112x128xf32, #tpu.memory_space<vmem_shared>>)
      } else {
      }
      %sub3A_197 = arith.constant 4 : i32
      %sub3A_198 = arith.subi %select_n3A, %sub3A_197 : i32
      %le3A_199 = arith.cmpi sle, %while3A_179, %sub3A_198 : i32
      %convert_element_type3A_200 = arith.extui %le3A_199 : i1 to i32
      %cond3A_201 = arith.constant 0 : i32
      %cond3A_202 = arith.cmpi ne, %convert_element_type3A_200, %cond3A_201 : i32
      scf.if %cond3A_202 {
        %add3A_236 = arith.addi %select_n3A_10, %while3A_179 : i32
        %add3A_237 = arith.constant 3 : i32
        %add3A_238 = arith.addi %add3A_236, %add3A_237 : i32
        %dma_start3A_239 = arith.constant 0 : i32
        %dma_start3A_240 = tpu.memref_slice %arg11[%rem3A_193, %dma_start3A_239] : memref<5x120xi32, #tpu.memory_space<vmem>> -> memref<1x120xi32, #tpu.memory_space<vmem>>
        %dma_start3A_241 = tpu.memref_squeeze %dma_start3A_240 : memref<1x120xi32, #tpu.memory_space<vmem>> -> memref<120xi32, #tpu.memory_space<vmem>>
        %dma_start3A_242 = arith.constant 0 : i32
        %dma_start3A_243 = tpu.memref_slice %arg3[%add3A_238, %dma_start3A_242] : memref<2688x120xi32, #tpu.memory_space<hbm>> -> memref<1x120xi32, #tpu.memory_space<hbm>>
        %dma_start3A_244 = tpu.memref_squeeze %dma_start3A_243 : memref<1x120xi32, #tpu.memory_space<hbm>> -> memref<120xi32, #tpu.memory_space<hbm>>
        %dma_start3A_245 = tpu.memref_slice %arg9[%rem3A_193] : memref<5x!tpu.dma_semaphore, #tpu.memory_space<semaphore_mem>> -> memref<1x!tpu.dma_semaphore, #tpu.memory_space<semaphore_mem>>
        %dma_start3A_246 = tpu.memref_squeeze %dma_start3A_245 : memref<1x!tpu.dma_semaphore, #tpu.memory_space<semaphore_mem>> -> memref<!tpu.dma_semaphore, #tpu.memory_space<semaphore_mem>>
        %dma_start3A_247 = arith.constant 0 : i32
        %dma_start3A_248 = tpu.memref_slice %arg11[%rem3A_193, %dma_start3A_247] : memref<5x120xi32, #tpu.memory_space<vmem>> -> memref<1x120xi32, #tpu.memory_space<vmem>>
        %dma_start3A_249 = tpu.memref_squeeze %dma_start3A_248 : memref<1x120xi32, #tpu.memory_space<vmem>> -> memref<120xi32, #tpu.memory_space<vmem>>
        %dma_start3A_250 = arith.constant 0 : i32
        %dma_start3A_251 = tpu.memref_slice %arg3[%add3A_238, %dma_start3A_250] : memref<2688x120xi32, #tpu.memory_space<hbm>> -> memref<1x120xi32, #tpu.memory_space<hbm>>
        %dma_start3A_252 = tpu.memref_squeeze %dma_start3A_251 : memref<1x120xi32, #tpu.memory_space<hbm>> -> memref<120xi32, #tpu.memory_space<hbm>>
        tpu.enqueue_dma source(%dma_start3A_252 : memref<120xi32, #tpu.memory_space<hbm>>) target(%dma_start3A_249 : memref<120xi32, #tpu.memory_space<vmem>>) target_semaphore(%dma_start3A_246 : memref<!tpu.dma_semaphore, #tpu.memory_space<semaphore_mem>>)
        %add3A_253 = arith.addi %select_n3A_10, %while3A_179 : i32
        %add3A_254 = arith.constant 3 : i32
        %add3A_255 = arith.addi %add3A_253, %add3A_254 : i32
        %dma_start3A_256 = arith.constant 0 : i32
        %dma_start3A_257 = tpu.memref_slice %arg7[%rem3A_193, %dma_start3A_256] : memref<5x120xi32, #tpu.memory_space<vmem>> -> memref<1x120xi32, #tpu.memory_space<vmem>>
        %dma_start3A_258 = tpu.memref_squeeze %dma_start3A_257 : memref<1x120xi32, #tpu.memory_space<vmem>> -> memref<120xi32, #tpu.memory_space<vmem>>
        %dma_start3A_259 = arith.constant 0 : i32
        %dma_start3A_260 = tpu.memref_slice %arg4[%add3A_255, %dma_start3A_259] : memref<2688x120xi32, #tpu.memory_space<hbm>> -> memref<1x120xi32, #tpu.memory_space<hbm>>
        %dma_start3A_261 = tpu.memref_squeeze %dma_start3A_260 : memref<1x120xi32, #tpu.memory_space<hbm>> -> memref<120xi32, #tpu.memory_space<hbm>>
        %dma_start3A_262 = tpu.memref_slice %arg9[%rem3A_193] : memref<5x!tpu.dma_semaphore, #tpu.memory_space<semaphore_mem>> -> memref<1x!tpu.dma_semaphore, #tpu.memory_space<semaphore_mem>>
        %dma_start3A_263 = tpu.memref_squeeze %dma_start3A_262 : memref<1x!tpu.dma_semaphore, #tpu.memory_space<semaphore_mem>> -> memref<!tpu.dma_semaphore, #tpu.memory_space<semaphore_mem>>
        %dma_start3A_264 = arith.constant 0 : i32
        %dma_start3A_265 = tpu.memref_slice %arg7[%rem3A_193, %dma_start3A_264] : memref<5x120xi32, #tpu.memory_space<vmem>> -> memref<1x120xi32, #tpu.memory_space<vmem>>
        %dma_start3A_266 = tpu.memref_squeeze %dma_start3A_265 : memref<1x120xi32, #tpu.memory_space<vmem>> -> memref<120xi32, #tpu.memory_space<vmem>>
        %dma_start3A_267 = arith.constant 0 : i32
        %dma_start3A_268 = tpu.memref_slice %arg4[%add3A_255, %dma_start3A_267] : memref<2688x120xi32, #tpu.memory_space<hbm>> -> memref<1x120xi32, #tpu.memory_space<hbm>>
        %dma_start3A_269 = tpu.memref_squeeze %dma_start3A_268 : memref<1x120xi32, #tpu.memory_space<hbm>> -> memref<120xi32, #tpu.memory_space<hbm>>
        tpu.enqueue_dma source(%dma_start3A_269 : memref<120xi32, #tpu.memory_space<hbm>>) target(%dma_start3A_266 : memref<120xi32, #tpu.memory_space<vmem>>) target_semaphore(%dma_start3A_263 : memref<!tpu.dma_semaphore, #tpu.memory_space<semaphore_mem>>)
      } else {
      }
      %sub3A_203 = arith.constant 2 : i32
      %sub3A_204 = arith.subi %select_n3A, %sub3A_203 : i32
      %le3A_205 = arith.cmpi sle, %while3A_179, %sub3A_204 : i32
      %convert_element_type3A_206 = arith.extui %le3A_205 : i1 to i32
      %cond3A_207 = arith.constant 0 : i32
      %cond3A_208 = arith.cmpi ne, %convert_element_type3A_206, %cond3A_207 : i32
      scf.if %cond3A_208 {
        %add3A_236 = arith.addi %select_n3A_10, %while3A_179 : i32
        %add3A_237 = arith.constant 1 : i32
        %add3A_238 = arith.addi %add3A_236, %add3A_237 : i32
        %dma_wait3A_239 = arith.constant 0 : i32
        %dma_wait3A_240 = tpu.memref_slice %arg11[%rem3A_189, %dma_wait3A_239] : memref<5x120xi32, #tpu.memory_space<vmem>> -> memref<1x120xi32, #tpu.memory_space<vmem>>
        %dma_wait3A_241 = tpu.memref_squeeze %dma_wait3A_240 : memref<1x120xi32, #tpu.memory_space<vmem>> -> memref<120xi32, #tpu.memory_space<vmem>>
        %dma_wait3A_242 = arith.constant 0 : i32
        %dma_wait3A_243 = tpu.memref_slice %arg3[%add3A_238, %dma_wait3A_242] : memref<2688x120xi32, #tpu.memory_space<hbm>> -> memref<1x120xi32, #tpu.memory_space<hbm>>
        %dma_wait3A_244 = tpu.memref_squeeze %dma_wait3A_243 : memref<1x120xi32, #tpu.memory_space<hbm>> -> memref<120xi32, #tpu.memory_space<hbm>>
        %dma_wait3A_245 = tpu.memref_slice %arg9[%rem3A_189] : memref<5x!tpu.dma_semaphore, #tpu.memory_space<semaphore_mem>> -> memref<1x!tpu.dma_semaphore, #tpu.memory_space<semaphore_mem>>
        %dma_wait3A_246 = tpu.memref_squeeze %dma_wait3A_245 : memref<1x!tpu.dma_semaphore, #tpu.memory_space<semaphore_mem>> -> memref<!tpu.dma_semaphore, #tpu.memory_space<semaphore_mem>>
        %dma_wait3A_247 = arith.constant 0 : i32
        %dma_wait3A_248 = tpu.memref_slice %arg11[%rem3A_189, %dma_wait3A_247] : memref<5x120xi32, #tpu.memory_space<vmem>> -> memref<1x120xi32, #tpu.memory_space<vmem>>
        %dma_wait3A_249 = tpu.memref_squeeze %dma_wait3A_248 : memref<1x120xi32, #tpu.memory_space<vmem>> -> memref<120xi32, #tpu.memory_space<vmem>>
        %dma_wait3A_250 = arith.constant 0 : i32
        %dma_wait3A_251 = tpu.memref_slice %arg3[%add3A_238, %dma_wait3A_250] : memref<2688x120xi32, #tpu.memory_space<hbm>> -> memref<1x120xi32, #tpu.memory_space<hbm>>
        %dma_wait3A_252 = tpu.memref_squeeze %dma_wait3A_251 : memref<1x120xi32, #tpu.memory_space<hbm>> -> memref<120xi32, #tpu.memory_space<hbm>>
        tpu.wait_dma2 semaphore(%dma_wait3A_246 : memref<!tpu.dma_semaphore, #tpu.memory_space<semaphore_mem>>) src(%dma_wait3A_252 : memref<120xi32, #tpu.memory_space<hbm>>) dst(%dma_wait3A_249 : memref<120xi32, #tpu.memory_space<vmem>>)
        %add3A_253 = arith.addi %select_n3A_10, %while3A_179 : i32
        %add3A_254 = arith.constant 1 : i32
        %add3A_255 = arith.addi %add3A_253, %add3A_254 : i32
        %dma_wait3A_256 = arith.constant 0 : i32
        %dma_wait3A_257 = tpu.memref_slice %arg7[%rem3A_189, %dma_wait3A_256] : memref<5x120xi32, #tpu.memory_space<vmem>> -> memref<1x120xi32, #tpu.memory_space<vmem>>
        %dma_wait3A_258 = tpu.memref_squeeze %dma_wait3A_257 : memref<1x120xi32, #tpu.memory_space<vmem>> -> memref<120xi32, #tpu.memory_space<vmem>>
        %dma_wait3A_259 = arith.constant 0 : i32
        %dma_wait3A_260 = tpu.memref_slice %arg4[%add3A_255, %dma_wait3A_259] : memref<2688x120xi32, #tpu.memory_space<hbm>> -> memref<1x120xi32, #tpu.memory_space<hbm>>
        %dma_wait3A_261 = tpu.memref_squeeze %dma_wait3A_260 : memref<1x120xi32, #tpu.memory_space<hbm>> -> memref<120xi32, #tpu.memory_space<hbm>>
        %dma_wait3A_262 = tpu.memref_slice %arg9[%rem3A_189] : memref<5x!tpu.dma_semaphore, #tpu.memory_space<semaphore_mem>> -> memref<1x!tpu.dma_semaphore, #tpu.memory_space<semaphore_mem>>
        %dma_wait3A_263 = tpu.memref_squeeze %dma_wait3A_262 : memref<1x!tpu.dma_semaphore, #tpu.memory_space<semaphore_mem>> -> memref<!tpu.dma_semaphore, #tpu.memory_space<semaphore_mem>>
        %dma_wait3A_264 = arith.constant 0 : i32
        %dma_wait3A_265 = tpu.memref_slice %arg7[%rem3A_189, %dma_wait3A_264] : memref<5x120xi32, #tpu.memory_space<vmem>> -> memref<1x120xi32, #tpu.memory_space<vmem>>
        %dma_wait3A_266 = tpu.memref_squeeze %dma_wait3A_265 : memref<1x120xi32, #tpu.memory_space<vmem>> -> memref<120xi32, #tpu.memory_space<vmem>>
        %dma_wait3A_267 = arith.constant 0 : i32
        %dma_wait3A_268 = tpu.memref_slice %arg4[%add3A_255, %dma_wait3A_267] : memref<2688x120xi32, #tpu.memory_space<hbm>> -> memref<1x120xi32, #tpu.memory_space<hbm>>
        %dma_wait3A_269 = tpu.memref_squeeze %dma_wait3A_268 : memref<1x120xi32, #tpu.memory_space<hbm>> -> memref<120xi32, #tpu.memory_space<hbm>>
        tpu.wait_dma2 semaphore(%dma_wait3A_263 : memref<!tpu.dma_semaphore, #tpu.memory_space<semaphore_mem>>) src(%dma_wait3A_269 : memref<120xi32, #tpu.memory_space<hbm>>) dst(%dma_wait3A_266 : memref<120xi32, #tpu.memory_space<vmem>>)
        %dma_start3A_270 = arith.constant 0 : i32
        %dma_start3A_271 = arith.constant 0 : i32
        %dma_start3A_272 = tpu.memref_slice %arg10[%rem3A_185, %dma_start3A_270, %dma_start3A_271] : memref<3x120x128xf32, #tpu.memory_space<vmem>> -> memref<1x120x128xf32, #tpu.memory_space<vmem>>
        %dma_start3A_273 = tpu.memref_squeeze %dma_start3A_272 : memref<1x120x128xf32, #tpu.memory_space<vmem>> -> memref<120x128xf32, #tpu.memory_space<vmem>>
        %dma_start3A_274 = arith.constant 0 : i32
        %dma_start3A_275 = tpu.memref_slice %arg11[%rem3A_189, %dma_start3A_274] : memref<5x120xi32, #tpu.memory_space<vmem>> -> memref<1x120xi32, #tpu.memory_space<vmem>>
        %dma_start3A_276 = tpu.memref_squeeze %dma_start3A_275 : memref<1x120xi32, #tpu.memory_space<vmem>> -> memref<120xi32, #tpu.memory_space<vmem>>
        %dma_start3A_277 = arith.constant 0 : i32
        %dma_start3A_278 = arith.constant 0 : i32
        %dma_start3A_279 = tpu.memref_slice %arg2[%dma_start3A_277, %dma_start3A_278] : memref<10240x128xf32, #tpu.memory_space<hbm>> -> memref<10240x128xf32, #tpu.memory_space<hbm>>
        %dma_start3A_280 = tpu.memref_slice %arg8[%rem3A_185] : memref<3x!tpu.dma_semaphore, #tpu.memory_space<semaphore_mem>> -> memref<1x!tpu.dma_semaphore, #tpu.memory_space<semaphore_mem>>
        %dma_start3A_281 = tpu.memref_squeeze %dma_start3A_280 : memref<1x!tpu.dma_semaphore, #tpu.memory_space<semaphore_mem>> -> memref<!tpu.dma_semaphore, #tpu.memory_space<semaphore_mem>>
        tpu.enqueue_indirect_dma source(%dma_start3A_279 : memref<10240x128xf32, #tpu.memory_space<hbm>>) target(%dma_start3A_273 : memref<120x128xf32, #tpu.memory_space<vmem>>) offsets(%dma_start3A_276 : memref<120xi32, #tpu.memory_space<vmem>>) semaphore(%dma_start3A_281 : memref<!tpu.dma_semaphore, #tpu.memory_space<semaphore_mem>>)
      } else {
      }
      %rem3A_209 = arith.constant 5 : i32
      %rem3A_210 = arith.remsi %while3A_179, %rem3A_209 : i32
      %dma_wait3A_211 = arith.constant 0 : i32
      %dma_wait3A_212 = arith.constant 0 : i32
      %dma_wait3A_213 = tpu.memref_slice %arg10[%rem3A_181, %dma_wait3A_211, %dma_wait3A_212] : memref<3x120x128xf32, #tpu.memory_space<vmem>> -> memref<1x120x128xf32, #tpu.memory_space<vmem>>
      %dma_wait3A_214 = tpu.memref_squeeze %dma_wait3A_213 : memref<1x120x128xf32, #tpu.memory_space<vmem>> -> memref<120x128xf32, #tpu.memory_space<vmem>>
      %dma_wait3A_215 = arith.constant 0 : i32
      %dma_wait3A_216 = tpu.memref_slice %arg11[%rem3A_210, %dma_wait3A_215] : memref<5x120xi32, #tpu.memory_space<vmem>> -> memref<1x120xi32, #tpu.memory_space<vmem>>
      %dma_wait3A_217 = tpu.memref_squeeze %dma_wait3A_216 : memref<1x120xi32, #tpu.memory_space<vmem>> -> memref<120xi32, #tpu.memory_space<vmem>>
      %dma_wait3A_218 = arith.constant 0 : i32
      %dma_wait3A_219 = arith.constant 0 : i32
      %dma_wait3A_220 = tpu.memref_slice %arg2[%dma_wait3A_218, %dma_wait3A_219] : memref<10240x128xf32, #tpu.memory_space<hbm>> -> memref<10240x128xf32, #tpu.memory_space<hbm>>
      %dma_wait3A_221 = tpu.memref_slice %arg8[%rem3A_181] : memref<3x!tpu.dma_semaphore, #tpu.memory_space<semaphore_mem>> -> memref<1x!tpu.dma_semaphore, #tpu.memory_space<semaphore_mem>>
      %dma_wait3A_222 = tpu.memref_squeeze %dma_wait3A_221 : memref<1x!tpu.dma_semaphore, #tpu.memory_space<semaphore_mem>> -> memref<!tpu.dma_semaphore, #tpu.memory_space<semaphore_mem>>
      tpu.wait_indirect_dma semaphore(%dma_wait3A_222 : memref<!tpu.dma_semaphore, #tpu.memory_space<semaphore_mem>>) src(%dma_wait3A_220 : memref<10240x128xf32, #tpu.memory_space<hbm>>) dst(%dma_wait3A_214 : memref<120x128xf32, #tpu.memory_space<vmem>>)
      %dma_start3A_223 = arith.constant 0 : i32
      %dma_start3A_224 = arith.constant 0 : i32
      %dma_start3A_225 = tpu.memref_slice %arg10[%rem3A_181, %dma_start3A_223, %dma_start3A_224] : memref<3x120x128xf32, #tpu.memory_space<vmem>> -> memref<1x120x128xf32, #tpu.memory_space<vmem>>
      %dma_start3A_226 = tpu.memref_squeeze %dma_start3A_225 : memref<1x120x128xf32, #tpu.memory_space<vmem>> -> memref<120x128xf32, #tpu.memory_space<vmem>>
      %dma_start3A_227 = arith.constant 0 : i32
      %dma_start3A_228 = tpu.memref_slice %arg7[%rem3A_210, %dma_start3A_227] : memref<5x120xi32, #tpu.memory_space<vmem>> -> memref<1x120xi32, #tpu.memory_space<vmem>>
      %dma_start3A_229 = tpu.memref_squeeze %dma_start3A_228 : memref<1x120xi32, #tpu.memory_space<vmem>> -> memref<120xi32, #tpu.memory_space<vmem>>
      %dma_start3A_230 = arith.constant 0 : i32
      %dma_start3A_231 = arith.constant 0 : i32
      %dma_start3A_232 = tpu.memref_slice %arg6[%dma_start3A_230, %dma_start3A_231] : memref<10112x128xf32, #tpu.memory_space<vmem_shared>> -> memref<10112x128xf32, #tpu.memory_space<vmem_shared>>
      %dma_start3A_233 = tpu.memref_slice %arg12[%rem3A_181] : memref<3x!tpu.dma_semaphore, #tpu.memory_space<semaphore_mem>> -> memref<1x!tpu.dma_semaphore, #tpu.memory_space<semaphore_mem>>
      %dma_start3A_234 = tpu.memref_squeeze %dma_start3A_233 : memref<1x!tpu.dma_semaphore, #tpu.memory_space<semaphore_mem>> -> memref<!tpu.dma_semaphore, #tpu.memory_space<semaphore_mem>>
      tpu.enqueue_indirect_dma source(%dma_start3A_226 : memref<120x128xf32, #tpu.memory_space<vmem>>) target(%dma_start3A_232 : memref<10112x128xf32, #tpu.memory_space<vmem_shared>>) offsets(%dma_start3A_229 : memref<120xi32, #tpu.memory_space<vmem>>) semaphore(%dma_start3A_234 : memref<!tpu.dma_semaphore, #tpu.memory_space<semaphore_mem>>) {add = true}
      %while3A_235 = arith.constant 0 : i32
      scf.yield %while3A_235 : i32
    }
    %dma_wait3A = arith.constant 0 : i32
    %dma_wait3A_134 = arith.constant 0 : i32
    %dma_wait3A_135 = arith.constant 0 : i32
    %dma_wait3A_136 = arith.constant 0 : i32
    %dma_wait3A_137 = arith.constant 0 : i32
    %dma_wait3A_138 = tpu.memref_slice %arg10[%dma_wait3A, %dma_wait3A_136, %dma_wait3A_137] : memref<3x120x128xf32, #tpu.memory_space<vmem>> -> memref<1x120x128xf32, #tpu.memory_space<vmem>>
    %dma_wait3A_139 = tpu.memref_squeeze %dma_wait3A_138 : memref<1x120x128xf32, #tpu.memory_space<vmem>> -> memref<120x128xf32, #tpu.memory_space<vmem>>
    %dma_wait3A_140 = arith.constant 0 : i32
    %dma_wait3A_141 = tpu.memref_slice %arg7[%dma_wait3A_134, %dma_wait3A_140] : memref<5x120xi32, #tpu.memory_space<vmem>> -> memref<1x120xi32, #tpu.memory_space<vmem>>
    %dma_wait3A_142 = tpu.memref_squeeze %dma_wait3A_141 : memref<1x120xi32, #tpu.memory_space<vmem>> -> memref<120xi32, #tpu.memory_space<vmem>>
    %dma_wait3A_143 = arith.constant 0 : i32
    %dma_wait3A_144 = arith.constant 0 : i32
    %dma_wait3A_145 = tpu.memref_slice %arg6[%dma_wait3A_143, %dma_wait3A_144] : memref<10112x128xf32, #tpu.memory_space<vmem_shared>> -> memref<10112x128xf32, #tpu.memory_space<vmem_shared>>
    %dma_wait3A_146 = tpu.memref_slice %arg12[%dma_wait3A_135] : memref<3x!tpu.dma_semaphore, #tpu.memory_space<semaphore_mem>> -> memref<1x!tpu.dma_semaphore, #tpu.memory_space<semaphore_mem>>
    %dma_wait3A_147 = tpu.memref_squeeze %dma_wait3A_146 : memref<1x!tpu.dma_semaphore, #tpu.memory_space<semaphore_mem>> -> memref<!tpu.dma_semaphore, #tpu.memory_space<semaphore_mem>>
    tpu.wait_indirect_dma semaphore(%dma_wait3A_147 : memref<!tpu.dma_semaphore, #tpu.memory_space<semaphore_mem>>) src(%dma_wait3A_139 : memref<120x128xf32, #tpu.memory_space<vmem>>) dst(%dma_wait3A_145 : memref<10112x128xf32, #tpu.memory_space<vmem_shared>>)
    %dma_wait3A_148 = arith.constant 1 : i32
    %dma_wait3A_149 = arith.constant 0 : i32
    %dma_wait3A_150 = arith.constant 1 : i32
    %dma_wait3A_151 = arith.constant 0 : i32
    %dma_wait3A_152 = arith.constant 0 : i32
    %dma_wait3A_153 = tpu.memref_slice %arg10[%dma_wait3A_148, %dma_wait3A_151, %dma_wait3A_152] : memref<3x120x128xf32, #tpu.memory_space<vmem>> -> memref<1x120x128xf32, #tpu.memory_space<vmem>>
    %dma_wait3A_154 = tpu.memref_squeeze %dma_wait3A_153 : memref<1x120x128xf32, #tpu.memory_space<vmem>> -> memref<120x128xf32, #tpu.memory_space<vmem>>
    %dma_wait3A_155 = arith.constant 0 : i32
    %dma_wait3A_156 = tpu.memref_slice %arg7[%dma_wait3A_149, %dma_wait3A_155] : memref<5x120xi32, #tpu.memory_space<vmem>> -> memref<1x120xi32, #tpu.memory_space<vmem>>
    %dma_wait3A_157 = tpu.memref_squeeze %dma_wait3A_156 : memref<1x120xi32, #tpu.memory_space<vmem>> -> memref<120xi32, #tpu.memory_space<vmem>>
    %dma_wait3A_158 = arith.constant 0 : i32
    %dma_wait3A_159 = arith.constant 0 : i32
    %dma_wait3A_160 = tpu.memref_slice %arg6[%dma_wait3A_158, %dma_wait3A_159] : memref<10112x128xf32, #tpu.memory_space<vmem_shared>> -> memref<10112x128xf32, #tpu.memory_space<vmem_shared>>
    %dma_wait3A_161 = tpu.memref_slice %arg12[%dma_wait3A_150] : memref<3x!tpu.dma_semaphore, #tpu.memory_space<semaphore_mem>> -> memref<1x!tpu.dma_semaphore, #tpu.memory_space<semaphore_mem>>
    %dma_wait3A_162 = tpu.memref_squeeze %dma_wait3A_161 : memref<1x!tpu.dma_semaphore, #tpu.memory_space<semaphore_mem>> -> memref<!tpu.dma_semaphore, #tpu.memory_space<semaphore_mem>>
    tpu.wait_indirect_dma semaphore(%dma_wait3A_162 : memref<!tpu.dma_semaphore, #tpu.memory_space<semaphore_mem>>) src(%dma_wait3A_154 : memref<120x128xf32, #tpu.memory_space<vmem>>) dst(%dma_wait3A_160 : memref<10112x128xf32, #tpu.memory_space<vmem_shared>>)
    %dma_wait3A_163 = arith.constant 2 : i32
    %dma_wait3A_164 = arith.constant 0 : i32
    %dma_wait3A_165 = arith.constant 2 : i32
    %dma_wait3A_166 = arith.constant 0 : i32
    %dma_wait3A_167 = arith.constant 0 : i32
    %dma_wait3A_168 = tpu.memref_slice %arg10[%dma_wait3A_163, %dma_wait3A_166, %dma_wait3A_167] : memref<3x120x128xf32, #tpu.memory_space<vmem>> -> memref<1x120x128xf32, #tpu.memory_space<vmem>>
    %dma_wait3A_169 = tpu.memref_squeeze %dma_wait3A_168 : memref<1x120x128xf32, #tpu.memory_space<vmem>> -> memref<120x128xf32, #tpu.memory_space<vmem>>
    %dma_wait3A_170 = arith.constant 0 : i32
    %dma_wait3A_171 = tpu.memref_slice %arg7[%dma_wait3A_164, %dma_wait3A_170] : memref<5x120xi32, #tpu.memory_space<vmem>> -> memref<1x120xi32, #tpu.memory_space<vmem>>
    %dma_wait3A_172 = tpu.memref_squeeze %dma_wait3A_171 : memref<1x120xi32, #tpu.memory_space<vmem>> -> memref<120xi32, #tpu.memory_space<vmem>>
    %dma_wait3A_173 = arith.constant 0 : i32
    %dma_wait3A_174 = arith.constant 0 : i32
    %dma_wait3A_175 = tpu.memref_slice %arg6[%dma_wait3A_173, %dma_wait3A_174] : memref<10112x128xf32, #tpu.memory_space<vmem_shared>> -> memref<10112x128xf32, #tpu.memory_space<vmem_shared>>
    %dma_wait3A_176 = tpu.memref_slice %arg12[%dma_wait3A_165] : memref<3x!tpu.dma_semaphore, #tpu.memory_space<semaphore_mem>> -> memref<1x!tpu.dma_semaphore, #tpu.memory_space<semaphore_mem>>
    %dma_wait3A_177 = tpu.memref_squeeze %dma_wait3A_176 : memref<1x!tpu.dma_semaphore, #tpu.memory_space<semaphore_mem>> -> memref<!tpu.dma_semaphore, #tpu.memory_space<semaphore_mem>>
    tpu.wait_indirect_dma semaphore(%dma_wait3A_177 : memref<!tpu.dma_semaphore, #tpu.memory_space<semaphore_mem>>) src(%dma_wait3A_169 : memref<120x128xf32, #tpu.memory_space<vmem>>) dst(%dma_wait3A_175 : memref<10112x128xf32, #tpu.memory_space<vmem_shared>>)
    %barrier3A_178 = arith.constant 0 : index
    tpu.barrier barrier_id(%barrier3A_178)
    "tpu.region"() ({
      %run_scoped3A_179 = tpu.sem_alloc : memref<!tpu.dma_semaphore, #tpu.memory_space<semaphore_mem>>
      %dma_start3A_180 = arith.constant 0 : i32
      %dma_start3A_181 = tpu.memref_slice %arg5[%arg0, %mul3A_0, %dma_start3A_180] : memref<2x10240x128xf32, #tpu.memory_space<hbm>> -> memref<1x632x128xf32, #tpu.memory_space<hbm>>
      %dma_start3A_182 = tpu.memref_squeeze %dma_start3A_181 : memref<1x632x128xf32, #tpu.memory_space<hbm>> -> memref<632x128xf32, #tpu.memory_space<hbm>>
      %dma_start3A_183 = arith.constant 0 : i32
      %dma_start3A_184 = tpu.memref_slice %arg6[%mul3A_0, %dma_start3A_183] : memref<10112x128xf32, #tpu.memory_space<vmem_shared>> -> memref<632x128xf32, #tpu.memory_space<vmem_shared>>
      tpu.enqueue_dma source(%dma_start3A_184 : memref<632x128xf32, #tpu.memory_space<vmem_shared>>) target(%dma_start3A_182 : memref<632x128xf32, #tpu.memory_space<hbm>>) target_semaphore(%run_scoped3A_179 : memref<!tpu.dma_semaphore, #tpu.memory_space<semaphore_mem>>)
      %dma_wait3A_185 = arith.constant 0 : i32
      %dma_wait3A_186 = tpu.memref_slice %arg5[%arg0, %mul3A_0, %dma_wait3A_185] : memref<2x10240x128xf32, #tpu.memory_space<hbm>> -> memref<1x632x128xf32, #tpu.memory_space<hbm>>
      %dma_wait3A_187 = tpu.memref_squeeze %dma_wait3A_186 : memref<1x632x128xf32, #tpu.memory_space<hbm>> -> memref<632x128xf32, #tpu.memory_space<hbm>>
      %dma_wait3A_188 = arith.constant 0 : i32
      %dma_wait3A_189 = tpu.memref_slice %arg6[%mul3A_0, %dma_wait3A_188] : memref<10112x128xf32, #tpu.memory_space<vmem_shared>> -> memref<632x128xf32, #tpu.memory_space<vmem_shared>>
      tpu.wait_dma2 semaphore(%run_scoped3A_179 : memref<!tpu.dma_semaphore, #tpu.memory_space<semaphore_mem>>) src(%dma_wait3A_189 : memref<632x128xf32, #tpu.memory_space<vmem_shared>>) dst(%dma_wait3A_187 : memref<632x128xf32, #tpu.memory_space<hbm>>)
      tpu.yield
    }) : () -> ()
    return
  }
}

#map = affine_map<(d0, d1) -> (0, 0)>
#map1 = affine_map<(d0, d1) -> (0)>
module attributes {stable_mosaic.version = 14 : i64} {
  func.func @_sc_scalar(%arg0: i32, %arg1: i32, %arg2: memref<2688x120xi32, #tpu.memory_space<hbm>>, %arg3: memref<2688x120xi32, #tpu.memory_space<hbm>>, %arg4: memref<10240xf32, #tpu.memory_space<hbm>>, %arg5: memref<10240xf32, #tpu.memory_space<hbm>>, %arg6: memref<10240xf32, #tpu.memory_space<vmem_shared>>, %arg7: memref<640xf32, #tpu.memory_space<vmem>>, %arg8: memref<10240xf32, #tpu.memory_space<vmem_shared>>, %arg9: memref<10240xf32, #tpu.memory_space<vmem_shared>>, %arg10: memref<640xf32, #tpu.memory_space<vmem>>, %arg11: memref<168x120xi32, #tpu.memory_space<vmem>>, %arg12: memref<10240xf32, #tpu.memory_space<vmem>>, %arg13: memref<120xf32, #tpu.memory_space<vmem>>, %arg14: memref<8x!tpu.dma_semaphore, #tpu.memory_space<semaphore_mem>>, %arg15: memref<168x120xi32, #tpu.memory_space<vmem>>, %arg16: memref<168x120xf32, #tpu.memory_space<vmem>>) attributes {dimension_semantics = [#tpu.dimension_semantics<core_parallel>, #tpu.dimension_semantics<subcore_parallel>], iteration_bounds = array<i64: 2, 16>, scalar_prefetch = 0 : i64, scratch_operands = 11 : i64, tpu.core_type = #tpu.core_type<sc_vector_subcore>, window_params = [{transform_indices = #map}, {transform_indices = #map}, {transform_indices = #map1}, {transform_indices = #map1}]} {
    %eq3A = arith.constant 0 : i32
    %eq3A_0 = arith.cmpi eq, %arg0, %eq3A : i32
    %convert_element_type3A = arith.extui %eq3A_0 : i1 to i32
    %cond3A = arith.constant 0 : i32
    %cond3A_1 = arith.cmpi ne, %convert_element_type3A, %cond3A : i32
    scf.if %cond3A_1 {
      %mul3A = arith.constant 640 : i32
      %mul3A_2 = arith.muli %arg1, %mul3A : i32
      %scan3A = arith.constant 0 : i32
      %scan3A_3 = arith.constant 0 : i32
      %scan3A_4 = arith.constant 40 : i32
      %scan3A_5 = arith.addi %scan3A_3, %scan3A_4 : i32
      %scan3A_6 = arith.constant 1 : i32
      %scan3A_7 = scf.for %scan3A_60 = %scan3A_3 to %scan3A_5 step %scan3A_6 iter_args(%scan3A_61 = %scan3A) -> (i32)  : i32 {
        %broadcast_in_dim3A_62 = arith.constant 0.000000e+00 : f32
        %broadcast_in_dim3A_63 = vector.broadcast %broadcast_in_dim3A_62 : f32 to vector<16xf32>
        %mul3A_64 = arith.constant 16 : i32
        %mul3A_65 = arith.muli %scan3A_60, %mul3A_64 : i32
        %swap3A_66 = arith.index_cast %mul3A_65 : i32 to index
        %swap3A_67 = tpu.vector_load %arg10[%swap3A_66] {strides = array<i32>} : memref<640xf32, #tpu.memory_space<vmem>>, vector<16xf32>,
        tpu.vector_store %arg10[%swap3A_66], %broadcast_in_dim3A_63 {strides = array<i32>} : memref<640xf32, #tpu.memory_space<vmem>>, vector<16xf32>,
        %scan3A_68 = arith.constant 0 : i32
        scf.yield %scan3A_68 : i32
      }
      %scan3A_8 = arith.constant 40 : i32
      "tpu.region"() ({
        %run_scoped3A = tpu.sem_alloc : memref<!tpu.dma_semaphore, #tpu.memory_space<semaphore_mem>>
        %dma_start3A = tpu.memref_slice %arg8[%mul3A_2] : memref<10240xf32, #tpu.memory_space<vmem_shared>> -> memref<640xf32, #tpu.memory_space<vmem_shared>>
        %dma_start3A_60 = tpu.memref_slice %arg8[%mul3A_2] : memref<10240xf32, #tpu.memory_space<vmem_shared>> -> memref<640xf32, #tpu.memory_space<vmem_shared>>
        tpu.enqueue_dma source(%arg10 : memref<640xf32, #tpu.memory_space<vmem>>) target(%dma_start3A_60 : memref<640xf32, #tpu.memory_space<vmem_shared>>) target_semaphore(%run_scoped3A : memref<!tpu.dma_semaphore, #tpu.memory_space<semaphore_mem>>)
        %dma_wait3A = tpu.memref_slice %arg8[%mul3A_2] : memref<10240xf32, #tpu.memory_space<vmem_shared>> -> memref<640xf32, #tpu.memory_space<vmem_shared>>
        %dma_wait3A_61 = tpu.memref_slice %arg8[%mul3A_2] : memref<10240xf32, #tpu.memory_space<vmem_shared>> -> memref<640xf32, #tpu.memory_space<vmem_shared>>
        tpu.wait_dma2 semaphore(%run_scoped3A : memref<!tpu.dma_semaphore, #tpu.memory_space<semaphore_mem>>) src(%arg10 : memref<640xf32, #tpu.memory_space<vmem>>) dst(%dma_wait3A_61 : memref<640xf32, #tpu.memory_space<vmem_shared>>)
        tpu.yield
      }) : () -> ()
      "tpu.region"() ({
        %run_scoped3A = tpu.sem_alloc : memref<!tpu.dma_semaphore, #tpu.memory_space<semaphore_mem>>
        %dma_start3A = tpu.memref_slice %arg6[%mul3A_2] : memref<10240xf32, #tpu.memory_space<vmem_shared>> -> memref<640xf32, #tpu.memory_space<vmem_shared>>
        %dma_start3A_60 = tpu.memref_slice %arg6[%mul3A_2] : memref<10240xf32, #tpu.memory_space<vmem_shared>> -> memref<640xf32, #tpu.memory_space<vmem_shared>>
        tpu.enqueue_dma source(%arg10 : memref<640xf32, #tpu.memory_space<vmem>>) target(%dma_start3A_60 : memref<640xf32, #tpu.memory_space<vmem_shared>>) target_semaphore(%run_scoped3A : memref<!tpu.dma_semaphore, #tpu.memory_space<semaphore_mem>>)
        %dma_wait3A = tpu.memref_slice %arg6[%mul3A_2] : memref<10240xf32, #tpu.memory_space<vmem_shared>> -> memref<640xf32, #tpu.memory_space<vmem_shared>>
        %dma_wait3A_61 = tpu.memref_slice %arg6[%mul3A_2] : memref<10240xf32, #tpu.memory_space<vmem_shared>> -> memref<640xf32, #tpu.memory_space<vmem_shared>>
        tpu.wait_dma2 semaphore(%run_scoped3A : memref<!tpu.dma_semaphore, #tpu.memory_space<semaphore_mem>>) src(%arg10 : memref<640xf32, #tpu.memory_space<vmem>>) dst(%dma_wait3A_61 : memref<640xf32, #tpu.memory_space<vmem_shared>>)
        tpu.yield
      }) : () -> ()
      %scan3A_9 = arith.constant 0 : i32
      %scan3A_10 = arith.constant 0 : i32
      %scan3A_11 = arith.constant 7 : i32
      %scan3A_12 = arith.addi %scan3A_10, %scan3A_11 : i32
      %scan3A_13 = arith.constant 1 : i32
      %scan3A_14 = scf.for %scan3A_60 = %scan3A_10 to %scan3A_12 step %scan3A_13 iter_args(%scan3A_61 = %scan3A_9) -> (i32)  : i32 {
        %broadcast_in_dim3A_62 = arith.constant 1.000000e+00 : f32
        %broadcast_in_dim3A_63 = vector.broadcast %broadcast_in_dim3A_62 : f32 to vector<16xf32>
        %mul3A_64 = arith.constant 16 : i32
        %mul3A_65 = arith.muli %scan3A_60, %mul3A_64 : i32
        %swap3A_66 = arith.index_cast %mul3A_65 : i32 to index
        %swap3A_67 = tpu.vector_load %arg13[%swap3A_66] {strides = array<i32>} : memref<120xf32, #tpu.memory_space<vmem>>, vector<16xf32>,
        tpu.vector_store %arg13[%swap3A_66], %broadcast_in_dim3A_63 {strides = array<i32>} : memref<120xf32, #tpu.memory_space<vmem>>, vector<16xf32>,
        %scan3A_68 = arith.constant 0 : i32
        scf.yield %scan3A_68 : i32
      }
      %scan3A_15 = arith.constant 7 : i32
      %broadcast_in_dim3A = arith.constant 1.000000e+00 : f32
      %broadcast_in_dim3A_16 = vector.broadcast %broadcast_in_dim3A : f32 to vector<16xf32>
      %swap3A = arith.constant 104 : index
      %swap3A_17 = tpu.vector_load %arg13[%swap3A] {strides = array<i32>} : memref<120xf32, #tpu.memory_space<vmem>>, vector<16xf32>,
      tpu.vector_store %arg13[%swap3A], %broadcast_in_dim3A_16 {strides = array<i32>} : memref<120xf32, #tpu.memory_space<vmem>>, vector<16xf32>,
      %barrier3A = arith.constant 0 : index
      tpu.barrier barrier_id(%barrier3A)
      %mul3A_18 = arith.constant 168 : i32
      %mul3A_19 = arith.muli %arg1, %mul3A_18 : i32
      "tpu.region"() ({
        %run_scoped3A = tpu.sem_alloc : memref<!tpu.dma_semaphore, #tpu.memory_space<semaphore_mem>>
        %dma_start3A = arith.constant 0 : i32
        %dma_start3A_60 = tpu.memref_slice %arg3[%mul3A_19, %dma_start3A] : memref<2688x120xi32, #tpu.memory_space<hbm>> -> memref<168x120xi32, #tpu.memory_space<hbm>>
        %dma_start3A_61 = arith.constant 0 : i32
        %dma_start3A_62 = tpu.memref_slice %arg3[%mul3A_19, %dma_start3A_61] : memref<2688x120xi32, #tpu.memory_space<hbm>> -> memref<168x120xi32, #tpu.memory_space<hbm>>
        tpu.enqueue_dma source(%dma_start3A_62 : memref<168x120xi32, #tpu.memory_space<hbm>>) target(%arg11 : memref<168x120xi32, #tpu.memory_space<vmem>>) target_semaphore(%run_scoped3A : memref<!tpu.dma_semaphore, #tpu.memory_space<semaphore_mem>>)
        %dma_wait3A = arith.constant 0 : i32
        %dma_wait3A_63 = tpu.memref_slice %arg3[%mul3A_19, %dma_wait3A] : memref<2688x120xi32, #tpu.memory_space<hbm>> -> memref<168x120xi32, #tpu.memory_space<hbm>>
        %dma_wait3A_64 = arith.constant 0 : i32
        %dma_wait3A_65 = tpu.memref_slice %arg3[%mul3A_19, %dma_wait3A_64] : memref<2688x120xi32, #tpu.memory_space<hbm>> -> memref<168x120xi32, #tpu.memory_space<hbm>>
        tpu.wait_dma2 semaphore(%run_scoped3A : memref<!tpu.dma_semaphore, #tpu.memory_space<semaphore_mem>>) src(%dma_wait3A_65 : memref<168x120xi32, #tpu.memory_space<hbm>>) dst(%arg11 : memref<168x120xi32, #tpu.memory_space<vmem>>)
        tpu.yield
      }) : () -> ()
      %scan3A_20 = arith.constant 0 : i32
      %scan3A_21 = arith.constant 0 : i32
      %scan3A_22 = arith.constant 21 : i32
      %scan3A_23 = arith.addi %scan3A_21, %scan3A_22 : i32
      %scan3A_24 = arith.constant 1 : i32
      %scan3A_25 = scf.for %scan3A_60 = %scan3A_21 to %scan3A_23 step %scan3A_24 iter_args(%scan3A_61 = %scan3A_20) -> (i32)  : i32 {
        %mul3A_62 = arith.constant 8 : i32
        %mul3A_63 = arith.muli %scan3A_60, %mul3A_62 : i32
        %add3A = arith.constant 0 : i32
        %add3A_64 = arith.addi %mul3A_63, %add3A : i32
        %dma_start3A = arith.constant 0 : i32
        %dma_start3A_65 = arith.constant 0 : i32
        %dma_start3A_66 = tpu.memref_slice %arg11[%add3A_64, %dma_start3A_65] : memref<168x120xi32, #tpu.memory_space<vmem>> -> memref<1x120xi32, #tpu.memory_space<vmem>>
        %dma_start3A_67 = tpu.memref_squeeze %dma_start3A_66 : memref<1x120xi32, #tpu.memory_space<vmem>> -> memref<120xi32, #tpu.memory_space<vmem>>
        %dma_start3A_68 = arith.constant 0 : i32
        %dma_start3A_69 = tpu.memref_slice %arg8[%dma_start3A_68] : memref<10240xf32, #tpu.memory_space<vmem_shared>> -> memref<10240xf32, #tpu.memory_space<vmem_shared>>
        %dma_start3A_70 = tpu.memref_slice %arg14[%dma_start3A] : memref<8x!tpu.dma_semaphore, #tpu.memory_space<semaphore_mem>> -> memref<1x!tpu.dma_semaphore, #tpu.memory_space<semaphore_mem>>
        %dma_start3A_71 = tpu.memref_squeeze %dma_start3A_70 : memref<1x!tpu.dma_semaphore, #tpu.memory_space<semaphore_mem>> -> memref<!tpu.dma_semaphore, #tpu.memory_space<semaphore_mem>>
        tpu.enqueue_indirect_dma source(%arg13 : memref<120xf32, #tpu.memory_space<vmem>>) target(%dma_start3A_69 : memref<10240xf32, #tpu.memory_space<vmem_shared>>) offsets(%dma_start3A_67 : memref<120xi32, #tpu.memory_space<vmem>>) semaphore(%dma_start3A_71 : memref<!tpu.dma_semaphore, #tpu.memory_space<semaphore_mem>>) {add = true}
        %add3A_72 = arith.constant 1 : i32
        %add3A_73 = arith.addi %mul3A_63, %add3A_72 : i32
        %dma_start3A_74 = arith.constant 1 : i32
        %dma_start3A_75 = arith.constant 0 : i32
        %dma_start3A_76 = tpu.memref_slice %arg11[%add3A_73, %dma_start3A_75] : memref<168x120xi32, #tpu.memory_space<vmem>> -> memref<1x120xi32, #tpu.memory_space<vmem>>
        %dma_start3A_77 = tpu.memref_squeeze %dma_start3A_76 : memref<1x120xi32, #tpu.memory_space<vmem>> -> memref<120xi32, #tpu.memory_space<vmem>>
        %dma_start3A_78 = arith.constant 0 : i32
        %dma_start3A_79 = tpu.memref_slice %arg8[%dma_start3A_78] : memref<10240xf32, #tpu.memory_space<vmem_shared>> -> memref<10240xf32, #tpu.memory_space<vmem_shared>>
        %dma_start3A_80 = tpu.memref_slice %arg14[%dma_start3A_74] : memref<8x!tpu.dma_semaphore, #tpu.memory_space<semaphore_mem>> -> memref<1x!tpu.dma_semaphore, #tpu.memory_space<semaphore_mem>>
        %dma_start3A_81 = tpu.memref_squeeze %dma_start3A_80 : memref<1x!tpu.dma_semaphore, #tpu.memory_space<semaphore_mem>> -> memref<!tpu.dma_semaphore, #tpu.memory_space<semaphore_mem>>
        tpu.enqueue_indirect_dma source(%arg13 : memref<120xf32, #tpu.memory_space<vmem>>) target(%dma_start3A_79 : memref<10240xf32, #tpu.memory_space<vmem_shared>>) offsets(%dma_start3A_77 : memref<120xi32, #tpu.memory_space<vmem>>) semaphore(%dma_start3A_81 : memref<!tpu.dma_semaphore, #tpu.memory_space<semaphore_mem>>) {add = true}
        %add3A_82 = arith.constant 2 : i32
        %add3A_83 = arith.addi %mul3A_63, %add3A_82 : i32
        %dma_start3A_84 = arith.constant 2 : i32
        %dma_start3A_85 = arith.constant 0 : i32
        %dma_start3A_86 = tpu.memref_slice %arg11[%add3A_83, %dma_start3A_85] : memref<168x120xi32, #tpu.memory_space<vmem>> -> memref<1x120xi32, #tpu.memory_space<vmem>>
        %dma_start3A_87 = tpu.memref_squeeze %dma_start3A_86 : memref<1x120xi32, #tpu.memory_space<vmem>> -> memref<120xi32, #tpu.memory_space<vmem>>
        %dma_start3A_88 = arith.constant 0 : i32
        %dma_start3A_89 = tpu.memref_slice %arg8[%dma_start3A_88] : memref<10240xf32, #tpu.memory_space<vmem_shared>> -> memref<10240xf32, #tpu.memory_space<vmem_shared>>
        %dma_start3A_90 = tpu.memref_slice %arg14[%dma_start3A_84] : memref<8x!tpu.dma_semaphore, #tpu.memory_space<semaphore_mem>> -> memref<1x!tpu.dma_semaphore, #tpu.memory_space<semaphore_mem>>
        %dma_start3A_91 = tpu.memref_squeeze %dma_start3A_90 : memref<1x!tpu.dma_semaphore, #tpu.memory_space<semaphore_mem>> -> memref<!tpu.dma_semaphore, #tpu.memory_space<semaphore_mem>>
        tpu.enqueue_indirect_dma source(%arg13 : memref<120xf32, #tpu.memory_space<vmem>>) target(%dma_start3A_89 : memref<10240xf32, #tpu.memory_space<vmem_shared>>) offsets(%dma_start3A_87 : memref<120xi32, #tpu.memory_space<vmem>>) semaphore(%dma_start3A_91 : memref<!tpu.dma_semaphore, #tpu.memory_space<semaphore_mem>>) {add = true}
        %add3A_92 = arith.constant 3 : i32
        %add3A_93 = arith.addi %mul3A_63, %add3A_92 : i32
        %dma_start3A_94 = arith.constant 3 : i32
        %dma_start3A_95 = arith.constant 0 : i32
        %dma_start3A_96 = tpu.memref_slice %arg11[%add3A_93, %dma_start3A_95] : memref<168x120xi32, #tpu.memory_space<vmem>> -> memref<1x120xi32, #tpu.memory_space<vmem>>
        %dma_start3A_97 = tpu.memref_squeeze %dma_start3A_96 : memref<1x120xi32, #tpu.memory_space<vmem>> -> memref<120xi32, #tpu.memory_space<vmem>>
        %dma_start3A_98 = arith.constant 0 : i32
        %dma_start3A_99 = tpu.memref_slice %arg8[%dma_start3A_98] : memref<10240xf32, #tpu.memory_space<vmem_shared>> -> memref<10240xf32, #tpu.memory_space<vmem_shared>>
        %dma_start3A_100 = tpu.memref_slice %arg14[%dma_start3A_94] : memref<8x!tpu.dma_semaphore, #tpu.memory_space<semaphore_mem>> -> memref<1x!tpu.dma_semaphore, #tpu.memory_space<semaphore_mem>>
        %dma_start3A_101 = tpu.memref_squeeze %dma_start3A_100 : memref<1x!tpu.dma_semaphore, #tpu.memory_space<semaphore_mem>> -> memref<!tpu.dma_semaphore, #tpu.memory_space<semaphore_mem>>
        tpu.enqueue_indirect_dma source(%arg13 : memref<120xf32, #tpu.memory_space<vmem>>) target(%dma_start3A_99 : memref<10240xf32, #tpu.memory_space<vmem_shared>>) offsets(%dma_start3A_97 : memref<120xi32, #tpu.memory_space<vmem>>) semaphore(%dma_start3A_101 : memref<!tpu.dma_semaphore, #tpu.memory_space<semaphore_mem>>) {add = true}
        %add3A_102 = arith.constant 4 : i32
        %add3A_103 = arith.addi %mul3A_63, %add3A_102 : i32
        %dma_start3A_104 = arith.constant 4 : i32
        %dma_start3A_105 = arith.constant 0 : i32
        %dma_start3A_106 = tpu.memref_slice %arg11[%add3A_103, %dma_start3A_105] : memref<168x120xi32, #tpu.memory_space<vmem>> -> memref<1x120xi32, #tpu.memory_space<vmem>>
        %dma_start3A_107 = tpu.memref_squeeze %dma_start3A_106 : memref<1x120xi32, #tpu.memory_space<vmem>> -> memref<120xi32, #tpu.memory_space<vmem>>
        %dma_start3A_108 = arith.constant 0 : i32
        %dma_start3A_109 = tpu.memref_slice %arg8[%dma_start3A_108] : memref<10240xf32, #tpu.memory_space<vmem_shared>> -> memref<10240xf32, #tpu.memory_space<vmem_shared>>
        %dma_start3A_110 = tpu.memref_slice %arg14[%dma_start3A_104] : memref<8x!tpu.dma_semaphore, #tpu.memory_space<semaphore_mem>> -> memref<1x!tpu.dma_semaphore, #tpu.memory_space<semaphore_mem>>
        %dma_start3A_111 = tpu.memref_squeeze %dma_start3A_110 : memref<1x!tpu.dma_semaphore, #tpu.memory_space<semaphore_mem>> -> memref<!tpu.dma_semaphore, #tpu.memory_space<semaphore_mem>>
        tpu.enqueue_indirect_dma source(%arg13 : memref<120xf32, #tpu.memory_space<vmem>>) target(%dma_start3A_109 : memref<10240xf32, #tpu.memory_space<vmem_shared>>) offsets(%dma_start3A_107 : memref<120xi32, #tpu.memory_space<vmem>>) semaphore(%dma_start3A_111 : memref<!tpu.dma_semaphore, #tpu.memory_space<semaphore_mem>>) {add = true}
        %add3A_112 = arith.constant 5 : i32
        %add3A_113 = arith.addi %mul3A_63, %add3A_112 : i32
        %dma_start3A_114 = arith.constant 5 : i32
        %dma_start3A_115 = arith.constant 0 : i32
        %dma_start3A_116 = tpu.memref_slice %arg11[%add3A_113, %dma_start3A_115] : memref<168x120xi32, #tpu.memory_space<vmem>> -> memref<1x120xi32, #tpu.memory_space<vmem>>
        %dma_start3A_117 = tpu.memref_squeeze %dma_start3A_116 : memref<1x120xi32, #tpu.memory_space<vmem>> -> memref<120xi32, #tpu.memory_space<vmem>>
        %dma_start3A_118 = arith.constant 0 : i32
        %dma_start3A_119 = tpu.memref_slice %arg8[%dma_start3A_118] : memref<10240xf32, #tpu.memory_space<vmem_shared>> -> memref<10240xf32, #tpu.memory_space<vmem_shared>>
        %dma_start3A_120 = tpu.memref_slice %arg14[%dma_start3A_114] : memref<8x!tpu.dma_semaphore, #tpu.memory_space<semaphore_mem>> -> memref<1x!tpu.dma_semaphore, #tpu.memory_space<semaphore_mem>>
        %dma_start3A_121 = tpu.memref_squeeze %dma_start3A_120 : memref<1x!tpu.dma_semaphore, #tpu.memory_space<semaphore_mem>> -> memref<!tpu.dma_semaphore, #tpu.memory_space<semaphore_mem>>
        tpu.enqueue_indirect_dma source(%arg13 : memref<120xf32, #tpu.memory_space<vmem>>) target(%dma_start3A_119 : memref<10240xf32, #tpu.memory_space<vmem_shared>>) offsets(%dma_start3A_117 : memref<120xi32, #tpu.memory_space<vmem>>) semaphore(%dma_start3A_121 : memref<!tpu.dma_semaphore, #tpu.memory_space<semaphore_mem>>) {add = true}
        %add3A_122 = arith.constant 6 : i32
        %add3A_123 = arith.addi %mul3A_63, %add3A_122 : i32
        %dma_start3A_124 = arith.constant 6 : i32
        %dma_start3A_125 = arith.constant 0 : i32
        %dma_start3A_126 = tpu.memref_slice %arg11[%add3A_123, %dma_start3A_125] : memref<168x120xi32, #tpu.memory_space<vmem>> -> memref<1x120xi32, #tpu.memory_space<vmem>>
        %dma_start3A_127 = tpu.memref_squeeze %dma_start3A_126 : memref<1x120xi32, #tpu.memory_space<vmem>> -> memref<120xi32, #tpu.memory_space<vmem>>
        %dma_start3A_128 = arith.constant 0 : i32
        %dma_start3A_129 = tpu.memref_slice %arg8[%dma_start3A_128] : memref<10240xf32, #tpu.memory_space<vmem_shared>> -> memref<10240xf32, #tpu.memory_space<vmem_shared>>
        %dma_start3A_130 = tpu.memref_slice %arg14[%dma_start3A_124] : memref<8x!tpu.dma_semaphore, #tpu.memory_space<semaphore_mem>> -> memref<1x!tpu.dma_semaphore, #tpu.memory_space<semaphore_mem>>
        %dma_start3A_131 = tpu.memref_squeeze %dma_start3A_130 : memref<1x!tpu.dma_semaphore, #tpu.memory_space<semaphore_mem>> -> memref<!tpu.dma_semaphore, #tpu.memory_space<semaphore_mem>>
        tpu.enqueue_indirect_dma source(%arg13 : memref<120xf32, #tpu.memory_space<vmem>>) target(%dma_start3A_129 : memref<10240xf32, #tpu.memory_space<vmem_shared>>) offsets(%dma_start3A_127 : memref<120xi32, #tpu.memory_space<vmem>>) semaphore(%dma_start3A_131 : memref<!tpu.dma_semaphore, #tpu.memory_space<semaphore_mem>>) {add = true}
        %add3A_132 = arith.constant 7 : i32
        %add3A_133 = arith.addi %mul3A_63, %add3A_132 : i32
        %dma_start3A_134 = arith.constant 7 : i32
        %dma_start3A_135 = arith.constant 0 : i32
        %dma_start3A_136 = tpu.memref_slice %arg11[%add3A_133, %dma_start3A_135] : memref<168x120xi32, #tpu.memory_space<vmem>> -> memref<1x120xi32, #tpu.memory_space<vmem>>
        %dma_start3A_137 = tpu.memref_squeeze %dma_start3A_136 : memref<1x120xi32, #tpu.memory_space<vmem>> -> memref<120xi32, #tpu.memory_space<vmem>>
        %dma_start3A_138 = arith.constant 0 : i32
        %dma_start3A_139 = tpu.memref_slice %arg8[%dma_start3A_138] : memref<10240xf32, #tpu.memory_space<vmem_shared>> -> memref<10240xf32, #tpu.memory_space<vmem_shared>>
        %dma_start3A_140 = tpu.memref_slice %arg14[%dma_start3A_134] : memref<8x!tpu.dma_semaphore, #tpu.memory_space<semaphore_mem>> -> memref<1x!tpu.dma_semaphore, #tpu.memory_space<semaphore_mem>>
        %dma_start3A_141 = tpu.memref_squeeze %dma_start3A_140 : memref<1x!tpu.dma_semaphore, #tpu.memory_space<semaphore_mem>> -> memref<!tpu.dma_semaphore, #tpu.memory_space<semaphore_mem>>
        tpu.enqueue_indirect_dma source(%arg13 : memref<120xf32, #tpu.memory_space<vmem>>) target(%dma_start3A_139 : memref<10240xf32, #tpu.memory_space<vmem_shared>>) offsets(%dma_start3A_137 : memref<120xi32, #tpu.memory_space<vmem>>) semaphore(%dma_start3A_141 : memref<!tpu.dma_semaphore, #tpu.memory_space<semaphore_mem>>) {add = true}
        %dma_wait3A = arith.constant 0 : i32
        %dma_wait3A_142 = arith.constant 0 : i32
        %dma_wait3A_143 = tpu.memref_slice %arg11[%add3A_64, %dma_wait3A_142] : memref<168x120xi32, #tpu.memory_space<vmem>> -> memref<1x120xi32, #tpu.memory_space<vmem>>
        %dma_wait3A_144 = tpu.memref_squeeze %dma_wait3A_143 : memref<1x120xi32, #tpu.memory_space<vmem>> -> memref<120xi32, #tpu.memory_space<vmem>>
        %dma_wait3A_145 = arith.constant 0 : i32
        %dma_wait3A_146 = tpu.memref_slice %arg8[%dma_wait3A_145] : memref<10240xf32, #tpu.memory_space<vmem_shared>> -> memref<10240xf32, #tpu.memory_space<vmem_shared>>
        %dma_wait3A_147 = tpu.memref_slice %arg14[%dma_wait3A] : memref<8x!tpu.dma_semaphore, #tpu.memory_space<semaphore_mem>> -> memref<1x!tpu.dma_semaphore, #tpu.memory_space<semaphore_mem>>
        %dma_wait3A_148 = tpu.memref_squeeze %dma_wait3A_147 : memref<1x!tpu.dma_semaphore, #tpu.memory_space<semaphore_mem>> -> memref<!tpu.dma_semaphore, #tpu.memory_space<semaphore_mem>>
        tpu.wait_indirect_dma semaphore(%dma_wait3A_148 : memref<!tpu.dma_semaphore, #tpu.memory_space<semaphore_mem>>) src(%arg13 : memref<120xf32, #tpu.memory_space<vmem>>) dst(%dma_wait3A_146 : memref<10240xf32, #tpu.memory_space<vmem_shared>>)
        %dma_wait3A_149 = arith.constant 1 : i32
        %dma_wait3A_150 = arith.constant 0 : i32
        %dma_wait3A_151 = tpu.memref_slice %arg11[%add3A_73, %dma_wait3A_150] : memref<168x120xi32, #tpu.memory_space<vmem>> -> memref<1x120xi32, #tpu.memory_space<vmem>>
        %dma_wait3A_152 = tpu.memref_squeeze %dma_wait3A_151 : memref<1x120xi32, #tpu.memory_space<vmem>> -> memref<120xi32, #tpu.memory_space<vmem>>
        %dma_wait3A_153 = arith.constant 0 : i32
        %dma_wait3A_154 = tpu.memref_slice %arg8[%dma_wait3A_153] : memref<10240xf32, #tpu.memory_space<vmem_shared>> -> memref<10240xf32, #tpu.memory_space<vmem_shared>>
        %dma_wait3A_155 = tpu.memref_slice %arg14[%dma_wait3A_149] : memref<8x!tpu.dma_semaphore, #tpu.memory_space<semaphore_mem>> -> memref<1x!tpu.dma_semaphore, #tpu.memory_space<semaphore_mem>>
        %dma_wait3A_156 = tpu.memref_squeeze %dma_wait3A_155 : memref<1x!tpu.dma_semaphore, #tpu.memory_space<semaphore_mem>> -> memref<!tpu.dma_semaphore, #tpu.memory_space<semaphore_mem>>
        tpu.wait_indirect_dma semaphore(%dma_wait3A_156 : memref<!tpu.dma_semaphore, #tpu.memory_space<semaphore_mem>>) src(%arg13 : memref<120xf32, #tpu.memory_space<vmem>>) dst(%dma_wait3A_154 : memref<10240xf32, #tpu.memory_space<vmem_shared>>)
        %dma_wait3A_157 = arith.constant 2 : i32
        %dma_wait3A_158 = arith.constant 0 : i32
        %dma_wait3A_159 = tpu.memref_slice %arg11[%add3A_83, %dma_wait3A_158] : memref<168x120xi32, #tpu.memory_space<vmem>> -> memref<1x120xi32, #tpu.memory_space<vmem>>
        %dma_wait3A_160 = tpu.memref_squeeze %dma_wait3A_159 : memref<1x120xi32, #tpu.memory_space<vmem>> -> memref<120xi32, #tpu.memory_space<vmem>>
        %dma_wait3A_161 = arith.constant 0 : i32
        %dma_wait3A_162 = tpu.memref_slice %arg8[%dma_wait3A_161] : memref<10240xf32, #tpu.memory_space<vmem_shared>> -> memref<10240xf32, #tpu.memory_space<vmem_shared>>
        %dma_wait3A_163 = tpu.memref_slice %arg14[%dma_wait3A_157] : memref<8x!tpu.dma_semaphore, #tpu.memory_space<semaphore_mem>> -> memref<1x!tpu.dma_semaphore, #tpu.memory_space<semaphore_mem>>
        %dma_wait3A_164 = tpu.memref_squeeze %dma_wait3A_163 : memref<1x!tpu.dma_semaphore, #tpu.memory_space<semaphore_mem>> -> memref<!tpu.dma_semaphore, #tpu.memory_space<semaphore_mem>>
        tpu.wait_indirect_dma semaphore(%dma_wait3A_164 : memref<!tpu.dma_semaphore, #tpu.memory_space<semaphore_mem>>) src(%arg13 : memref<120xf32, #tpu.memory_space<vmem>>) dst(%dma_wait3A_162 : memref<10240xf32, #tpu.memory_space<vmem_shared>>)
        %dma_wait3A_165 = arith.constant 3 : i32
        %dma_wait3A_166 = arith.constant 0 : i32
        %dma_wait3A_167 = tpu.memref_slice %arg11[%add3A_93, %dma_wait3A_166] : memref<168x120xi32, #tpu.memory_space<vmem>> -> memref<1x120xi32, #tpu.memory_space<vmem>>
        %dma_wait3A_168 = tpu.memref_squeeze %dma_wait3A_167 : memref<1x120xi32, #tpu.memory_space<vmem>> -> memref<120xi32, #tpu.memory_space<vmem>>
        %dma_wait3A_169 = arith.constant 0 : i32
        %dma_wait3A_170 = tpu.memref_slice %arg8[%dma_wait3A_169] : memref<10240xf32, #tpu.memory_space<vmem_shared>> -> memref<10240xf32, #tpu.memory_space<vmem_shared>>
        %dma_wait3A_171 = tpu.memref_slice %arg14[%dma_wait3A_165] : memref<8x!tpu.dma_semaphore, #tpu.memory_space<semaphore_mem>> -> memref<1x!tpu.dma_semaphore, #tpu.memory_space<semaphore_mem>>
        %dma_wait3A_172 = tpu.memref_squeeze %dma_wait3A_171 : memref<1x!tpu.dma_semaphore, #tpu.memory_space<semaphore_mem>> -> memref<!tpu.dma_semaphore, #tpu.memory_space<semaphore_mem>>
        tpu.wait_indirect_dma semaphore(%dma_wait3A_172 : memref<!tpu.dma_semaphore, #tpu.memory_space<semaphore_mem>>) src(%arg13 : memref<120xf32, #tpu.memory_space<vmem>>) dst(%dma_wait3A_170 : memref<10240xf32, #tpu.memory_space<vmem_shared>>)
        %dma_wait3A_173 = arith.constant 4 : i32
        %dma_wait3A_174 = arith.constant 0 : i32
        %dma_wait3A_175 = tpu.memref_slice %arg11[%add3A_103, %dma_wait3A_174] : memref<168x120xi32, #tpu.memory_space<vmem>> -> memref<1x120xi32, #tpu.memory_space<vmem>>
        %dma_wait3A_176 = tpu.memref_squeeze %dma_wait3A_175 : memref<1x120xi32, #tpu.memory_space<vmem>> -> memref<120xi32, #tpu.memory_space<vmem>>
        %dma_wait3A_177 = arith.constant 0 : i32
        %dma_wait3A_178 = tpu.memref_slice %arg8[%dma_wait3A_177] : memref<10240xf32, #tpu.memory_space<vmem_shared>> -> memref<10240xf32, #tpu.memory_space<vmem_shared>>
        %dma_wait3A_179 = tpu.memref_slice %arg14[%dma_wait3A_173] : memref<8x!tpu.dma_semaphore, #tpu.memory_space<semaphore_mem>> -> memref<1x!tpu.dma_semaphore, #tpu.memory_space<semaphore_mem>>
        %dma_wait3A_180 = tpu.memref_squeeze %dma_wait3A_179 : memref<1x!tpu.dma_semaphore, #tpu.memory_space<semaphore_mem>> -> memref<!tpu.dma_semaphore, #tpu.memory_space<semaphore_mem>>
        tpu.wait_indirect_dma semaphore(%dma_wait3A_180 : memref<!tpu.dma_semaphore, #tpu.memory_space<semaphore_mem>>) src(%arg13 : memref<120xf32, #tpu.memory_space<vmem>>) dst(%dma_wait3A_178 : memref<10240xf32, #tpu.memory_space<vmem_shared>>)
        %dma_wait3A_181 = arith.constant 5 : i32
        %dma_wait3A_182 = arith.constant 0 : i32
        %dma_wait3A_183 = tpu.memref_slice %arg11[%add3A_113, %dma_wait3A_182] : memref<168x120xi32, #tpu.memory_space<vmem>> -> memref<1x120xi32, #tpu.memory_space<vmem>>
        %dma_wait3A_184 = tpu.memref_squeeze %dma_wait3A_183 : memref<1x120xi32, #tpu.memory_space<vmem>> -> memref<120xi32, #tpu.memory_space<vmem>>
        %dma_wait3A_185 = arith.constant 0 : i32
        %dma_wait3A_186 = tpu.memref_slice %arg8[%dma_wait3A_185] : memref<10240xf32, #tpu.memory_space<vmem_shared>> -> memref<10240xf32, #tpu.memory_space<vmem_shared>>
        %dma_wait3A_187 = tpu.memref_slice %arg14[%dma_wait3A_181] : memref<8x!tpu.dma_semaphore, #tpu.memory_space<semaphore_mem>> -> memref<1x!tpu.dma_semaphore, #tpu.memory_space<semaphore_mem>>
        %dma_wait3A_188 = tpu.memref_squeeze %dma_wait3A_187 : memref<1x!tpu.dma_semaphore, #tpu.memory_space<semaphore_mem>> -> memref<!tpu.dma_semaphore, #tpu.memory_space<semaphore_mem>>
        tpu.wait_indirect_dma semaphore(%dma_wait3A_188 : memref<!tpu.dma_semaphore, #tpu.memory_space<semaphore_mem>>) src(%arg13 : memref<120xf32, #tpu.memory_space<vmem>>) dst(%dma_wait3A_186 : memref<10240xf32, #tpu.memory_space<vmem_shared>>)
        %dma_wait3A_189 = arith.constant 6 : i32
        %dma_wait3A_190 = arith.constant 0 : i32
        %dma_wait3A_191 = tpu.memref_slice %arg11[%add3A_123, %dma_wait3A_190] : memref<168x120xi32, #tpu.memory_space<vmem>> -> memref<1x120xi32, #tpu.memory_space<vmem>>
        %dma_wait3A_192 = tpu.memref_squeeze %dma_wait3A_191 : memref<1x120xi32, #tpu.memory_space<vmem>> -> memref<120xi32, #tpu.memory_space<vmem>>
        %dma_wait3A_193 = arith.constant 0 : i32
        %dma_wait3A_194 = tpu.memref_slice %arg8[%dma_wait3A_193] : memref<10240xf32, #tpu.memory_space<vmem_shared>> -> memref<10240xf32, #tpu.memory_space<vmem_shared>>
        %dma_wait3A_195 = tpu.memref_slice %arg14[%dma_wait3A_189] : memref<8x!tpu.dma_semaphore, #tpu.memory_space<semaphore_mem>> -> memref<1x!tpu.dma_semaphore, #tpu.memory_space<semaphore_mem>>
        %dma_wait3A_196 = tpu.memref_squeeze %dma_wait3A_195 : memref<1x!tpu.dma_semaphore, #tpu.memory_space<semaphore_mem>> -> memref<!tpu.dma_semaphore, #tpu.memory_space<semaphore_mem>>
        tpu.wait_indirect_dma semaphore(%dma_wait3A_196 : memref<!tpu.dma_semaphore, #tpu.memory_space<semaphore_mem>>) src(%arg13 : memref<120xf32, #tpu.memory_space<vmem>>) dst(%dma_wait3A_194 : memref<10240xf32, #tpu.memory_space<vmem_shared>>)
        %dma_wait3A_197 = arith.constant 7 : i32
        %dma_wait3A_198 = arith.constant 0 : i32
        %dma_wait3A_199 = tpu.memref_slice %arg11[%add3A_133, %dma_wait3A_198] : memref<168x120xi32, #tpu.memory_space<vmem>> -> memref<1x120xi32, #tpu.memory_space<vmem>>
        %dma_wait3A_200 = tpu.memref_squeeze %dma_wait3A_199 : memref<1x120xi32, #tpu.memory_space<vmem>> -> memref<120xi32, #tpu.memory_space<vmem>>
        %dma_wait3A_201 = arith.constant 0 : i32
        %dma_wait3A_202 = tpu.memref_slice %arg8[%dma_wait3A_201] : memref<10240xf32, #tpu.memory_space<vmem_shared>> -> memref<10240xf32, #tpu.memory_space<vmem_shared>>
        %dma_wait3A_203 = tpu.memref_slice %arg14[%dma_wait3A_197] : memref<8x!tpu.dma_semaphore, #tpu.memory_space<semaphore_mem>> -> memref<1x!tpu.dma_semaphore, #tpu.memory_space<semaphore_mem>>
        %dma_wait3A_204 = tpu.memref_squeeze %dma_wait3A_203 : memref<1x!tpu.dma_semaphore, #tpu.memory_space<semaphore_mem>> -> memref<!tpu.dma_semaphore, #tpu.memory_space<semaphore_mem>>
        tpu.wait_indirect_dma semaphore(%dma_wait3A_204 : memref<!tpu.dma_semaphore, #tpu.memory_space<semaphore_mem>>) src(%arg13 : memref<120xf32, #tpu.memory_space<vmem>>) dst(%dma_wait3A_202 : memref<10240xf32, #tpu.memory_space<vmem_shared>>)
        %scan3A_205 = arith.constant 0 : i32
        scf.yield %scan3A_205 : i32
      }
      %scan3A_26 = arith.constant 21 : i32
      %barrier3A_27 = arith.constant 0 : index
      tpu.barrier barrier_id(%barrier3A_27)
      "tpu.region"() ({
        %run_scoped3A = tpu.sem_alloc : memref<!tpu.dma_semaphore, #tpu.memory_space<semaphore_mem>>
        %dma_start3A = tpu.memref_slice %arg8[%mul3A_2] : memref<10240xf32, #tpu.memory_space<vmem_shared>> -> memref<640xf32, #tpu.memory_space<vmem_shared>>
        %dma_start3A_60 = tpu.memref_slice %arg8[%mul3A_2] : memref<10240xf32, #tpu.memory_space<vmem_shared>> -> memref<640xf32, #tpu.memory_space<vmem_shared>>
        tpu.enqueue_dma source(%dma_start3A_60 : memref<640xf32, #tpu.memory_space<vmem_shared>>) target(%arg7 : memref<640xf32, #tpu.memory_space<vmem>>) target_semaphore(%run_scoped3A : memref<!tpu.dma_semaphore, #tpu.memory_space<semaphore_mem>>)
        %dma_wait3A = tpu.memref_slice %arg8[%mul3A_2] : memref<10240xf32, #tpu.memory_space<vmem_shared>> -> memref<640xf32, #tpu.memory_space<vmem_shared>>
        %dma_wait3A_61 = tpu.memref_slice %arg8[%mul3A_2] : memref<10240xf32, #tpu.memory_space<vmem_shared>> -> memref<640xf32, #tpu.memory_space<vmem_shared>>
        tpu.wait_dma2 semaphore(%run_scoped3A : memref<!tpu.dma_semaphore, #tpu.memory_space<semaphore_mem>>) src(%dma_wait3A_61 : memref<640xf32, #tpu.memory_space<vmem_shared>>) dst(%arg7 : memref<640xf32, #tpu.memory_space<vmem>>)
        tpu.yield
      }) : () -> ()
      %scan3A_28 = arith.constant 0 : i32
      %scan3A_29 = arith.constant 0 : i32
      %scan3A_30 = arith.constant 40 : i32
      %scan3A_31 = arith.addi %scan3A_29, %scan3A_30 : i32
      %scan3A_32 = arith.constant 1 : i32
      %scan3A_33 = scf.for %scan3A_60 = %scan3A_29 to %scan3A_31 step %scan3A_32 iter_args(%scan3A_61 = %scan3A_28) -> (i32)  : i32 {
        %mul3A_62 = arith.constant 16 : i32
        %mul3A_63 = arith.muli %scan3A_60, %mul3A_62 : i32
        %get3A = arith.index_cast %mul3A_63 : i32 to index
        %get3A_64 = tpu.vector_load %arg7[%get3A] {strides = array<i32>} : memref<640xf32, #tpu.memory_space<vmem>>, vector<16xf32>,
        %add3A = arith.constant 1.000000e+00 : f32
        %add3A_65 = vector.broadcast %add3A : f32 to vector<16xf32>
        %add3A_66 = arith.addf %get3A_64, %add3A_65 : vector<16xf32>
        %add3A_67 = arith.constant 1.000000e+00 : f32
        %add3A_68 = vector.broadcast %add3A_67 : f32 to vector<16xf32>
        %add3A_69 = arith.addf %add3A_68, %add3A_66 : vector<16xf32>
        %mul3A_70 = arith.constant 5.000000e-01 : f32
        %mul3A_71 = vector.broadcast %mul3A_70 : f32 to vector<16xf32>
        %mul3A_72 = arith.mulf %mul3A_71, %add3A_69 : vector<16xf32>
        %div3A = arith.divf %add3A_66, %mul3A_72 : vector<16xf32>
        %add3A_73 = arith.addf %mul3A_72, %div3A : vector<16xf32>
        %mul3A_74 = arith.constant 5.000000e-01 : f32
        %mul3A_75 = vector.broadcast %mul3A_74 : f32 to vector<16xf32>
        %mul3A_76 = arith.mulf %mul3A_75, %add3A_73 : vector<16xf32>
        %div3A_77 = arith.divf %add3A_66, %mul3A_76 : vector<16xf32>
        %add3A_78 = arith.addf %mul3A_76, %div3A_77 : vector<16xf32>
        %mul3A_79 = arith.constant 5.000000e-01 : f32
        %mul3A_80 = vector.broadcast %mul3A_79 : f32 to vector<16xf32>
        %mul3A_81 = arith.mulf %mul3A_80, %add3A_78 : vector<16xf32>
        %div3A_82 = arith.divf %add3A_66, %mul3A_81 : vector<16xf32>
        %add3A_83 = arith.addf %mul3A_81, %div3A_82 : vector<16xf32>
        %mul3A_84 = arith.constant 5.000000e-01 : f32
        %mul3A_85 = vector.broadcast %mul3A_84 : f32 to vector<16xf32>
        %mul3A_86 = arith.mulf %mul3A_85, %add3A_83 : vector<16xf32>
        %div3A_87 = arith.divf %add3A_66, %mul3A_86 : vector<16xf32>
        %add3A_88 = arith.addf %mul3A_86, %div3A_87 : vector<16xf32>
        %mul3A_89 = arith.constant 5.000000e-01 : f32
        %mul3A_90 = vector.broadcast %mul3A_89 : f32 to vector<16xf32>
        %mul3A_91 = arith.mulf %mul3A_90, %add3A_88 : vector<16xf32>
        %div3A_92 = arith.divf %add3A_66, %mul3A_91 : vector<16xf32>
        %add3A_93 = arith.addf %mul3A_91, %div3A_92 : vector<16xf32>
        %mul3A_94 = arith.constant 5.000000e-01 : f32
        %mul3A_95 = vector.broadcast %mul3A_94 : f32 to vector<16xf32>
        %mul3A_96 = arith.mulf %mul3A_95, %add3A_93 : vector<16xf32>
        %div3A_97 = arith.divf %add3A_66, %mul3A_96 : vector<16xf32>
        %add3A_98 = arith.addf %mul3A_96, %div3A_97 : vector<16xf32>
        %mul3A_99 = arith.constant 5.000000e-01 : f32
        %mul3A_100 = vector.broadcast %mul3A_99 : f32 to vector<16xf32>
        %mul3A_101 = arith.mulf %mul3A_100, %add3A_98 : vector<16xf32>
        %div3A_102 = arith.divf %add3A_66, %mul3A_101 : vector<16xf32>
        %add3A_103 = arith.addf %mul3A_101, %div3A_102 : vector<16xf32>
        %mul3A_104 = arith.constant 5.000000e-01 : f32
        %mul3A_105 = vector.broadcast %mul3A_104 : f32 to vector<16xf32>
        %mul3A_106 = arith.mulf %mul3A_105, %add3A_103 : vector<16xf32>
        %div3A_107 = arith.divf %add3A_66, %mul3A_106 : vector<16xf32>
        %add3A_108 = arith.addf %mul3A_106, %div3A_107 : vector<16xf32>
        %mul3A_109 = arith.constant 5.000000e-01 : f32
        %mul3A_110 = vector.broadcast %mul3A_109 : f32 to vector<16xf32>
        %mul3A_111 = arith.mulf %mul3A_110, %add3A_108 : vector<16xf32>
        %div3A_112 = arith.divf %add3A_66, %mul3A_111 : vector<16xf32>
        %add3A_113 = arith.addf %mul3A_111, %div3A_112 : vector<16xf32>
        %mul3A_114 = arith.constant 5.000000e-01 : f32
        %mul3A_115 = vector.broadcast %mul3A_114 : f32 to vector<16xf32>
        %mul3A_116 = arith.mulf %mul3A_115, %add3A_113 : vector<16xf32>
        %div3A_117 = arith.divf %add3A_66, %mul3A_116 : vector<16xf32>
        %add3A_118 = arith.addf %mul3A_116, %div3A_117 : vector<16xf32>
        %mul3A_119 = arith.constant 5.000000e-01 : f32
        %mul3A_120 = vector.broadcast %mul3A_119 : f32 to vector<16xf32>
        %mul3A_121 = arith.mulf %mul3A_120, %add3A_118 : vector<16xf32>
        %div3A_122 = arith.divf %add3A_66, %mul3A_121 : vector<16xf32>
        %add3A_123 = arith.addf %mul3A_121, %div3A_122 : vector<16xf32>
        %mul3A_124 = arith.constant 5.000000e-01 : f32
        %mul3A_125 = vector.broadcast %mul3A_124 : f32 to vector<16xf32>
        %mul3A_126 = arith.mulf %mul3A_125, %add3A_123 : vector<16xf32>
        %div3A_127 = arith.divf %add3A_66, %mul3A_126 : vector<16xf32>
        %add3A_128 = arith.addf %mul3A_126, %div3A_127 : vector<16xf32>
        %mul3A_129 = arith.constant 5.000000e-01 : f32
        %mul3A_130 = vector.broadcast %mul3A_129 : f32 to vector<16xf32>
        %mul3A_131 = arith.mulf %mul3A_130, %add3A_128 : vector<16xf32>
        %div3A_132 = arith.divf %add3A_66, %mul3A_131 : vector<16xf32>
        %add3A_133 = arith.addf %mul3A_131, %div3A_132 : vector<16xf32>
        %mul3A_134 = arith.constant 5.000000e-01 : f32
        %mul3A_135 = vector.broadcast %mul3A_134 : f32 to vector<16xf32>
        %mul3A_136 = arith.mulf %mul3A_135, %add3A_133 : vector<16xf32>
        %div3A_137 = arith.divf %add3A_66, %mul3A_136 : vector<16xf32>
        %add3A_138 = arith.addf %mul3A_136, %div3A_137 : vector<16xf32>
        %mul3A_139 = arith.constant 5.000000e-01 : f32
        %mul3A_140 = vector.broadcast %mul3A_139 : f32 to vector<16xf32>
        %mul3A_141 = arith.mulf %mul3A_140, %add3A_138 : vector<16xf32>
        %div3A_142 = arith.divf %add3A_66, %mul3A_141 : vector<16xf32>
        %add3A_143 = arith.addf %mul3A_141, %div3A_142 : vector<16xf32>
        %mul3A_144 = arith.constant 5.000000e-01 : f32
        %mul3A_145 = vector.broadcast %mul3A_144 : f32 to vector<16xf32>
        %mul3A_146 = arith.mulf %mul3A_145, %add3A_143 : vector<16xf32>
        %div3A_147 = arith.constant 1.000000e+00 : f32
        %div3A_148 = vector.broadcast %div3A_147 : f32 to vector<16xf32>
        %div3A_149 = arith.divf %div3A_148, %mul3A_146 : vector<16xf32>
        %mul3A_150 = arith.constant 16 : i32
        %mul3A_151 = arith.muli %scan3A_60, %mul3A_150 : i32
        %swap3A_152 = arith.index_cast %mul3A_151 : i32 to index
        %swap3A_153 = tpu.vector_load %arg10[%swap3A_152] {strides = array<i32>} : memref<640xf32, #tpu.memory_space<vmem>>, vector<16xf32>,
        tpu.vector_store %arg10[%swap3A_152], %div3A_149 {strides = array<i32>} : memref<640xf32, #tpu.memory_space<vmem>>, vector<16xf32>,
        %scan3A_154 = arith.constant 0 : i32
        scf.yield %scan3A_154 : i32
      }
      %scan3A_34 = arith.constant 40 : i32
      "tpu.region"() ({
        %run_scoped3A = tpu.sem_alloc : memref<!tpu.dma_semaphore, #tpu.memory_space<semaphore_mem>>
        %dma_start3A = tpu.memref_slice %arg9[%mul3A_2] : memref<10240xf32, #tpu.memory_space<vmem_shared>> -> memref<640xf32, #tpu.memory_space<vmem_shared>>
        %dma_start3A_60 = tpu.memref_slice %arg9[%mul3A_2] : memref<10240xf32, #tpu.memory_space<vmem_shared>> -> memref<640xf32, #tpu.memory_space<vmem_shared>>
        tpu.enqueue_dma source(%arg10 : memref<640xf32, #tpu.memory_space<vmem>>) target(%dma_start3A_60 : memref<640xf32, #tpu.memory_space<vmem_shared>>) target_semaphore(%run_scoped3A : memref<!tpu.dma_semaphore, #tpu.memory_space<semaphore_mem>>)
        %dma_wait3A = tpu.memref_slice %arg9[%mul3A_2] : memref<10240xf32, #tpu.memory_space<vmem_shared>> -> memref<640xf32, #tpu.memory_space<vmem_shared>>
        %dma_wait3A_61 = tpu.memref_slice %arg9[%mul3A_2] : memref<10240xf32, #tpu.memory_space<vmem_shared>> -> memref<640xf32, #tpu.memory_space<vmem_shared>>
        tpu.wait_dma2 semaphore(%run_scoped3A : memref<!tpu.dma_semaphore, #tpu.memory_space<semaphore_mem>>) src(%arg10 : memref<640xf32, #tpu.memory_space<vmem>>) dst(%dma_wait3A_61 : memref<640xf32, #tpu.memory_space<vmem_shared>>)
        tpu.yield
      }) : () -> ()
      %barrier3A_35 = arith.constant 0 : index
      tpu.barrier barrier_id(%barrier3A_35)
      "tpu.region"() ({
        %run_scoped3A = tpu.sem_alloc : memref<!tpu.dma_semaphore, #tpu.memory_space<semaphore_mem>>
        tpu.enqueue_dma source(%arg9 : memref<10240xf32, #tpu.memory_space<vmem_shared>>) target(%arg12 : memref<10240xf32, #tpu.memory_space<vmem>>) target_semaphore(%run_scoped3A : memref<!tpu.dma_semaphore, #tpu.memory_space<semaphore_mem>>)
        tpu.wait_dma2 semaphore(%run_scoped3A : memref<!tpu.dma_semaphore, #tpu.memory_space<semaphore_mem>>) src(%arg9 : memref<10240xf32, #tpu.memory_space<vmem_shared>>) dst(%arg12 : memref<10240xf32, #tpu.memory_space<vmem>>)
        tpu.yield
      }) : () -> ()
      %mul3A_36 = arith.constant 168 : i32
      %mul3A_37 = arith.muli %arg1, %mul3A_36 : i32
      "tpu.region"() ({
        %run_scoped3A = tpu.sem_alloc : memref<!tpu.dma_semaphore, #tpu.memory_space<semaphore_mem>>
        %dma_start3A = arith.constant 0 : i32
        %dma_start3A_60 = tpu.memref_slice %arg2[%mul3A_37, %dma_start3A] : memref<2688x120xi32, #tpu.memory_space<hbm>> -> memref<168x120xi32, #tpu.memory_space<hbm>>
        %dma_start3A_61 = arith.constant 0 : i32
        %dma_start3A_62 = tpu.memref_slice %arg2[%mul3A_37, %dma_start3A_61] : memref<2688x120xi32, #tpu.memory_space<hbm>> -> memref<168x120xi32, #tpu.memory_space<hbm>>
        tpu.enqueue_dma source(%dma_start3A_62 : memref<168x120xi32, #tpu.memory_space<hbm>>) target(%arg15 : memref<168x120xi32, #tpu.memory_space<vmem>>) target_semaphore(%run_scoped3A : memref<!tpu.dma_semaphore, #tpu.memory_space<semaphore_mem>>)
        %dma_wait3A = arith.constant 0 : i32
        %dma_wait3A_63 = tpu.memref_slice %arg2[%mul3A_37, %dma_wait3A] : memref<2688x120xi32, #tpu.memory_space<hbm>> -> memref<168x120xi32, #tpu.memory_space<hbm>>
        %dma_wait3A_64 = arith.constant 0 : i32
        %dma_wait3A_65 = tpu.memref_slice %arg2[%mul3A_37, %dma_wait3A_64] : memref<2688x120xi32, #tpu.memory_space<hbm>> -> memref<168x120xi32, #tpu.memory_space<hbm>>
        tpu.wait_dma2 semaphore(%run_scoped3A : memref<!tpu.dma_semaphore, #tpu.memory_space<semaphore_mem>>) src(%dma_wait3A_65 : memref<168x120xi32, #tpu.memory_space<hbm>>) dst(%arg15 : memref<168x120xi32, #tpu.memory_space<vmem>>)
        tpu.yield
      }) : () -> ()
      %scan3A_38 = arith.constant 0 : i32
      %scan3A_39 = arith.constant 0 : i32
      %scan3A_40 = arith.constant 168 : i32
      %scan3A_41 = arith.addi %scan3A_39, %scan3A_40 : i32
      %scan3A_42 = arith.constant 1 : i32
      %scan3A_43 = scf.for %scan3A_60 = %scan3A_39 to %scan3A_41 step %scan3A_42 iter_args(%scan3A_61 = %scan3A_38) -> (i32)  : i32 {
        %get3A = arith.index_cast %scan3A_60 : i32 to index
        %get3A_62 = arith.constant 0 : index
        %get3A_63 = tpu.vector_load %arg15[%get3A, %get3A_62] {strides = array<i32>} : memref<168x120xi32, #tpu.memory_space<vmem>>, vector<16xi32>,
        %gather3A = tpu.vector_load_idx %arg12[%get3A_63] : memref<10240xf32, #tpu.memory_space<vmem>>[vector<16xi32>], vector<16xf32>,
        %swap3A_64 = arith.index_cast %scan3A_60 : i32 to index
        %swap3A_65 = arith.constant 0 : index
        %swap3A_66 = tpu.vector_load %arg16[%swap3A_64, %swap3A_65] {strides = array<i32>} : memref<168x120xf32, #tpu.memory_space<vmem>>, vector<16xf32>,
        tpu.vector_store %arg16[%swap3A_64, %swap3A_65], %gather3A {strides = array<i32>} : memref<168x120xf32, #tpu.memory_space<vmem>>, vector<16xf32>,
        %get3A_67 = arith.index_cast %scan3A_60 : i32 to index
        %get3A_68 = arith.constant 16 : index
        %get3A_69 = tpu.vector_load %arg15[%get3A_67, %get3A_68] {strides = array<i32>} : memref<168x120xi32, #tpu.memory_space<vmem>>, vector<16xi32>,
        %gather3A_70 = tpu.vector_load_idx %arg12[%get3A_69] : memref<10240xf32, #tpu.memory_space<vmem>>[vector<16xi32>], vector<16xf32>,
        %swap3A_71 = arith.index_cast %scan3A_60 : i32 to index
        %swap3A_72 = arith.constant 16 : index
        %swap3A_73 = tpu.vector_load %arg16[%swap3A_71, %swap3A_72] {strides = array<i32>} : memref<168x120xf32, #tpu.memory_space<vmem>>, vector<16xf32>,
        tpu.vector_store %arg16[%swap3A_71, %swap3A_72], %gather3A_70 {strides = array<i32>} : memref<168x120xf32, #tpu.memory_space<vmem>>, vector<16xf32>,
        %get3A_74 = arith.index_cast %scan3A_60 : i32 to index
        %get3A_75 = arith.constant 32 : index
        %get3A_76 = tpu.vector_load %arg15[%get3A_74, %get3A_75] {strides = array<i32>} : memref<168x120xi32, #tpu.memory_space<vmem>>, vector<16xi32>,
        %gather3A_77 = tpu.vector_load_idx %arg12[%get3A_76] : memref<10240xf32, #tpu.memory_space<vmem>>[vector<16xi32>], vector<16xf32>,
        %swap3A_78 = arith.index_cast %scan3A_60 : i32 to index
        %swap3A_79 = arith.constant 32 : index
        %swap3A_80 = tpu.vector_load %arg16[%swap3A_78, %swap3A_79] {strides = array<i32>} : memref<168x120xf32, #tpu.memory_space<vmem>>, vector<16xf32>,
        tpu.vector_store %arg16[%swap3A_78, %swap3A_79], %gather3A_77 {strides = array<i32>} : memref<168x120xf32, #tpu.memory_space<vmem>>, vector<16xf32>,
        %get3A_81 = arith.index_cast %scan3A_60 : i32 to index
        %get3A_82 = arith.constant 48 : index
        %get3A_83 = tpu.vector_load %arg15[%get3A_81, %get3A_82] {strides = array<i32>} : memref<168x120xi32, #tpu.memory_space<vmem>>, vector<16xi32>,
        %gather3A_84 = tpu.vector_load_idx %arg12[%get3A_83] : memref<10240xf32, #tpu.memory_space<vmem>>[vector<16xi32>], vector<16xf32>,
        %swap3A_85 = arith.index_cast %scan3A_60 : i32 to index
        %swap3A_86 = arith.constant 48 : index
        %swap3A_87 = tpu.vector_load %arg16[%swap3A_85, %swap3A_86] {strides = array<i32>} : memref<168x120xf32, #tpu.memory_space<vmem>>, vector<16xf32>,
        tpu.vector_store %arg16[%swap3A_85, %swap3A_86], %gather3A_84 {strides = array<i32>} : memref<168x120xf32, #tpu.memory_space<vmem>>, vector<16xf32>,
        %get3A_88 = arith.index_cast %scan3A_60 : i32 to index
        %get3A_89 = arith.constant 64 : index
        %get3A_90 = tpu.vector_load %arg15[%get3A_88, %get3A_89] {strides = array<i32>} : memref<168x120xi32, #tpu.memory_space<vmem>>, vector<16xi32>,
        %gather3A_91 = tpu.vector_load_idx %arg12[%get3A_90] : memref<10240xf32, #tpu.memory_space<vmem>>[vector<16xi32>], vector<16xf32>,
        %swap3A_92 = arith.index_cast %scan3A_60 : i32 to index
        %swap3A_93 = arith.constant 64 : index
        %swap3A_94 = tpu.vector_load %arg16[%swap3A_92, %swap3A_93] {strides = array<i32>} : memref<168x120xf32, #tpu.memory_space<vmem>>, vector<16xf32>,
        tpu.vector_store %arg16[%swap3A_92, %swap3A_93], %gather3A_91 {strides = array<i32>} : memref<168x120xf32, #tpu.memory_space<vmem>>, vector<16xf32>,
        %get3A_95 = arith.index_cast %scan3A_60 : i32 to index
        %get3A_96 = arith.constant 80 : index
        %get3A_97 = tpu.vector_load %arg15[%get3A_95, %get3A_96] {strides = array<i32>} : memref<168x120xi32, #tpu.memory_space<vmem>>, vector<16xi32>,
        %gather3A_98 = tpu.vector_load_idx %arg12[%get3A_97] : memref<10240xf32, #tpu.memory_space<vmem>>[vector<16xi32>], vector<16xf32>,
        %swap3A_99 = arith.index_cast %scan3A_60 : i32 to index
        %swap3A_100 = arith.constant 80 : index
        %swap3A_101 = tpu.vector_load %arg16[%swap3A_99, %swap3A_100] {strides = array<i32>} : memref<168x120xf32, #tpu.memory_space<vmem>>, vector<16xf32>,
        tpu.vector_store %arg16[%swap3A_99, %swap3A_100], %gather3A_98 {strides = array<i32>} : memref<168x120xf32, #tpu.memory_space<vmem>>, vector<16xf32>,
        %get3A_102 = arith.index_cast %scan3A_60 : i32 to index
        %get3A_103 = arith.constant 96 : index
        %get3A_104 = tpu.vector_load %arg15[%get3A_102, %get3A_103] {strides = array<i32>} : memref<168x120xi32, #tpu.memory_space<vmem>>, vector<16xi32>,
        %gather3A_105 = tpu.vector_load_idx %arg12[%get3A_104] : memref<10240xf32, #tpu.memory_space<vmem>>[vector<16xi32>], vector<16xf32>,
        %swap3A_106 = arith.index_cast %scan3A_60 : i32 to index
        %swap3A_107 = arith.constant 96 : index
        %swap3A_108 = tpu.vector_load %arg16[%swap3A_106, %swap3A_107] {strides = array<i32>} : memref<168x120xf32, #tpu.memory_space<vmem>>, vector<16xf32>,
        tpu.vector_store %arg16[%swap3A_106, %swap3A_107], %gather3A_105 {strides = array<i32>} : memref<168x120xf32, #tpu.memory_space<vmem>>, vector<16xf32>,
        %get3A_109 = arith.index_cast %scan3A_60 : i32 to index
        %get3A_110 = arith.constant 104 : index
        %get3A_111 = tpu.vector_load %arg15[%get3A_109, %get3A_110] {strides = array<i32>} : memref<168x120xi32, #tpu.memory_space<vmem>>, vector<16xi32>,
        %gather3A_112 = tpu.vector_load_idx %arg12[%get3A_111] : memref<10240xf32, #tpu.memory_space<vmem>>[vector<16xi32>], vector<16xf32>,
        %swap3A_113 = arith.index_cast %scan3A_60 : i32 to index
        %swap3A_114 = arith.constant 104 : index
        %swap3A_115 = tpu.vector_load %arg16[%swap3A_113, %swap3A_114] {strides = array<i32>} : memref<168x120xf32, #tpu.memory_space<vmem>>, vector<16xf32>,
        tpu.vector_store %arg16[%swap3A_113, %swap3A_114], %gather3A_112 {strides = array<i32>} : memref<168x120xf32, #tpu.memory_space<vmem>>, vector<16xf32>,
        %scan3A_116 = arith.constant 0 : i32
        scf.yield %scan3A_116 : i32
      }
      %scan3A_44 = arith.constant 168 : i32
      %scan3A_45 = arith.constant 0 : i32
      %scan3A_46 = arith.constant 0 : i32
      %scan3A_47 = arith.constant 21 : i32
      %scan3A_48 = arith.addi %scan3A_46, %scan3A_47 : i32
      %scan3A_49 = arith.constant 1 : i32
      %scan3A_50 = scf.for %scan3A_60 = %scan3A_46 to %scan3A_48 step %scan3A_49 iter_args(%scan3A_61 = %scan3A_45) -> (i32)  : i32 {
        %mul3A_62 = arith.constant 8 : i32
        %mul3A_63 = arith.muli %scan3A_60, %mul3A_62 : i32
        %add3A = arith.constant 0 : i32
        %add3A_64 = arith.addi %mul3A_63, %add3A : i32
        %dma_start3A = arith.constant 0 : i32
        %dma_start3A_65 = arith.constant 0 : i32
        %dma_start3A_66 = tpu.memref_slice %arg16[%add3A_64, %dma_start3A_65] : memref<168x120xf32, #tpu.memory_space<vmem>> -> memref<1x120xf32, #tpu.memory_space<vmem>>
        %dma_start3A_67 = tpu.memref_squeeze %dma_start3A_66 : memref<1x120xf32, #tpu.memory_space<vmem>> -> memref<120xf32, #tpu.memory_space<vmem>>
        %dma_start3A_68 = arith.constant 0 : i32
        %dma_start3A_69 = tpu.memref_slice %arg11[%add3A_64, %dma_start3A_68] : memref<168x120xi32, #tpu.memory_space<vmem>> -> memref<1x120xi32, #tpu.memory_space<vmem>>
        %dma_start3A_70 = tpu.memref_squeeze %dma_start3A_69 : memref<1x120xi32, #tpu.memory_space<vmem>> -> memref<120xi32, #tpu.memory_space<vmem>>
        %dma_start3A_71 = arith.constant 0 : i32
        %dma_start3A_72 = tpu.memref_slice %arg6[%dma_start3A_71] : memref<10240xf32, #tpu.memory_space<vmem_shared>> -> memref<10240xf32, #tpu.memory_space<vmem_shared>>
        %dma_start3A_73 = tpu.memref_slice %arg14[%dma_start3A] : memref<8x!tpu.dma_semaphore, #tpu.memory_space<semaphore_mem>> -> memref<1x!tpu.dma_semaphore, #tpu.memory_space<semaphore_mem>>
        %dma_start3A_74 = tpu.memref_squeeze %dma_start3A_73 : memref<1x!tpu.dma_semaphore, #tpu.memory_space<semaphore_mem>> -> memref<!tpu.dma_semaphore, #tpu.memory_space<semaphore_mem>>
        tpu.enqueue_indirect_dma source(%dma_start3A_67 : memref<120xf32, #tpu.memory_space<vmem>>) target(%dma_start3A_72 : memref<10240xf32, #tpu.memory_space<vmem_shared>>) offsets(%dma_start3A_70 : memref<120xi32, #tpu.memory_space<vmem>>) semaphore(%dma_start3A_74 : memref<!tpu.dma_semaphore, #tpu.memory_space<semaphore_mem>>) {add = true}
        %add3A_75 = arith.constant 1 : i32
        %add3A_76 = arith.addi %mul3A_63, %add3A_75 : i32
        %dma_start3A_77 = arith.constant 1 : i32
        %dma_start3A_78 = arith.constant 0 : i32
        %dma_start3A_79 = tpu.memref_slice %arg16[%add3A_76, %dma_start3A_78] : memref<168x120xf32, #tpu.memory_space<vmem>> -> memref<1x120xf32, #tpu.memory_space<vmem>>
        %dma_start3A_80 = tpu.memref_squeeze %dma_start3A_79 : memref<1x120xf32, #tpu.memory_space<vmem>> -> memref<120xf32, #tpu.memory_space<vmem>>
        %dma_start3A_81 = arith.constant 0 : i32
        %dma_start3A_82 = tpu.memref_slice %arg11[%add3A_76, %dma_start3A_81] : memref<168x120xi32, #tpu.memory_space<vmem>> -> memref<1x120xi32, #tpu.memory_space<vmem>>
        %dma_start3A_83 = tpu.memref_squeeze %dma_start3A_82 : memref<1x120xi32, #tpu.memory_space<vmem>> -> memref<120xi32, #tpu.memory_space<vmem>>
        %dma_start3A_84 = arith.constant 0 : i32
        %dma_start3A_85 = tpu.memref_slice %arg6[%dma_start3A_84] : memref<10240xf32, #tpu.memory_space<vmem_shared>> -> memref<10240xf32, #tpu.memory_space<vmem_shared>>
        %dma_start3A_86 = tpu.memref_slice %arg14[%dma_start3A_77] : memref<8x!tpu.dma_semaphore, #tpu.memory_space<semaphore_mem>> -> memref<1x!tpu.dma_semaphore, #tpu.memory_space<semaphore_mem>>
        %dma_start3A_87 = tpu.memref_squeeze %dma_start3A_86 : memref<1x!tpu.dma_semaphore, #tpu.memory_space<semaphore_mem>> -> memref<!tpu.dma_semaphore, #tpu.memory_space<semaphore_mem>>
        tpu.enqueue_indirect_dma source(%dma_start3A_80 : memref<120xf32, #tpu.memory_space<vmem>>) target(%dma_start3A_85 : memref<10240xf32, #tpu.memory_space<vmem_shared>>) offsets(%dma_start3A_83 : memref<120xi32, #tpu.memory_space<vmem>>) semaphore(%dma_start3A_87 : memref<!tpu.dma_semaphore, #tpu.memory_space<semaphore_mem>>) {add = true}
        %add3A_88 = arith.constant 2 : i32
        %add3A_89 = arith.addi %mul3A_63, %add3A_88 : i32
        %dma_start3A_90 = arith.constant 2 : i32
        %dma_start3A_91 = arith.constant 0 : i32
        %dma_start3A_92 = tpu.memref_slice %arg16[%add3A_89, %dma_start3A_91] : memref<168x120xf32, #tpu.memory_space<vmem>> -> memref<1x120xf32, #tpu.memory_space<vmem>>
        %dma_start3A_93 = tpu.memref_squeeze %dma_start3A_92 : memref<1x120xf32, #tpu.memory_space<vmem>> -> memref<120xf32, #tpu.memory_space<vmem>>
        %dma_start3A_94 = arith.constant 0 : i32
        %dma_start3A_95 = tpu.memref_slice %arg11[%add3A_89, %dma_start3A_94] : memref<168x120xi32, #tpu.memory_space<vmem>> -> memref<1x120xi32, #tpu.memory_space<vmem>>
        %dma_start3A_96 = tpu.memref_squeeze %dma_start3A_95 : memref<1x120xi32, #tpu.memory_space<vmem>> -> memref<120xi32, #tpu.memory_space<vmem>>
        %dma_start3A_97 = arith.constant 0 : i32
        %dma_start3A_98 = tpu.memref_slice %arg6[%dma_start3A_97] : memref<10240xf32, #tpu.memory_space<vmem_shared>> -> memref<10240xf32, #tpu.memory_space<vmem_shared>>
        %dma_start3A_99 = tpu.memref_slice %arg14[%dma_start3A_90] : memref<8x!tpu.dma_semaphore, #tpu.memory_space<semaphore_mem>> -> memref<1x!tpu.dma_semaphore, #tpu.memory_space<semaphore_mem>>
        %dma_start3A_100 = tpu.memref_squeeze %dma_start3A_99 : memref<1x!tpu.dma_semaphore, #tpu.memory_space<semaphore_mem>> -> memref<!tpu.dma_semaphore, #tpu.memory_space<semaphore_mem>>
        tpu.enqueue_indirect_dma source(%dma_start3A_93 : memref<120xf32, #tpu.memory_space<vmem>>) target(%dma_start3A_98 : memref<10240xf32, #tpu.memory_space<vmem_shared>>) offsets(%dma_start3A_96 : memref<120xi32, #tpu.memory_space<vmem>>) semaphore(%dma_start3A_100 : memref<!tpu.dma_semaphore, #tpu.memory_space<semaphore_mem>>) {add = true}
        %add3A_101 = arith.constant 3 : i32
        %add3A_102 = arith.addi %mul3A_63, %add3A_101 : i32
        %dma_start3A_103 = arith.constant 3 : i32
        %dma_start3A_104 = arith.constant 0 : i32
        %dma_start3A_105 = tpu.memref_slice %arg16[%add3A_102, %dma_start3A_104] : memref<168x120xf32, #tpu.memory_space<vmem>> -> memref<1x120xf32, #tpu.memory_space<vmem>>
        %dma_start3A_106 = tpu.memref_squeeze %dma_start3A_105 : memref<1x120xf32, #tpu.memory_space<vmem>> -> memref<120xf32, #tpu.memory_space<vmem>>
        %dma_start3A_107 = arith.constant 0 : i32
        %dma_start3A_108 = tpu.memref_slice %arg11[%add3A_102, %dma_start3A_107] : memref<168x120xi32, #tpu.memory_space<vmem>> -> memref<1x120xi32, #tpu.memory_space<vmem>>
        %dma_start3A_109 = tpu.memref_squeeze %dma_start3A_108 : memref<1x120xi32, #tpu.memory_space<vmem>> -> memref<120xi32, #tpu.memory_space<vmem>>
        %dma_start3A_110 = arith.constant 0 : i32
        %dma_start3A_111 = tpu.memref_slice %arg6[%dma_start3A_110] : memref<10240xf32, #tpu.memory_space<vmem_shared>> -> memref<10240xf32, #tpu.memory_space<vmem_shared>>
        %dma_start3A_112 = tpu.memref_slice %arg14[%dma_start3A_103] : memref<8x!tpu.dma_semaphore, #tpu.memory_space<semaphore_mem>> -> memref<1x!tpu.dma_semaphore, #tpu.memory_space<semaphore_mem>>
        %dma_start3A_113 = tpu.memref_squeeze %dma_start3A_112 : memref<1x!tpu.dma_semaphore, #tpu.memory_space<semaphore_mem>> -> memref<!tpu.dma_semaphore, #tpu.memory_space<semaphore_mem>>
        tpu.enqueue_indirect_dma source(%dma_start3A_106 : memref<120xf32, #tpu.memory_space<vmem>>) target(%dma_start3A_111 : memref<10240xf32, #tpu.memory_space<vmem_shared>>) offsets(%dma_start3A_109 : memref<120xi32, #tpu.memory_space<vmem>>) semaphore(%dma_start3A_113 : memref<!tpu.dma_semaphore, #tpu.memory_space<semaphore_mem>>) {add = true}
        %add3A_114 = arith.constant 4 : i32
        %add3A_115 = arith.addi %mul3A_63, %add3A_114 : i32
        %dma_start3A_116 = arith.constant 4 : i32
        %dma_start3A_117 = arith.constant 0 : i32
        %dma_start3A_118 = tpu.memref_slice %arg16[%add3A_115, %dma_start3A_117] : memref<168x120xf32, #tpu.memory_space<vmem>> -> memref<1x120xf32, #tpu.memory_space<vmem>>
        %dma_start3A_119 = tpu.memref_squeeze %dma_start3A_118 : memref<1x120xf32, #tpu.memory_space<vmem>> -> memref<120xf32, #tpu.memory_space<vmem>>
        %dma_start3A_120 = arith.constant 0 : i32
        %dma_start3A_121 = tpu.memref_slice %arg11[%add3A_115, %dma_start3A_120] : memref<168x120xi32, #tpu.memory_space<vmem>> -> memref<1x120xi32, #tpu.memory_space<vmem>>
        %dma_start3A_122 = tpu.memref_squeeze %dma_start3A_121 : memref<1x120xi32, #tpu.memory_space<vmem>> -> memref<120xi32, #tpu.memory_space<vmem>>
        %dma_start3A_123 = arith.constant 0 : i32
        %dma_start3A_124 = tpu.memref_slice %arg6[%dma_start3A_123] : memref<10240xf32, #tpu.memory_space<vmem_shared>> -> memref<10240xf32, #tpu.memory_space<vmem_shared>>
        %dma_start3A_125 = tpu.memref_slice %arg14[%dma_start3A_116] : memref<8x!tpu.dma_semaphore, #tpu.memory_space<semaphore_mem>> -> memref<1x!tpu.dma_semaphore, #tpu.memory_space<semaphore_mem>>
        %dma_start3A_126 = tpu.memref_squeeze %dma_start3A_125 : memref<1x!tpu.dma_semaphore, #tpu.memory_space<semaphore_mem>> -> memref<!tpu.dma_semaphore, #tpu.memory_space<semaphore_mem>>
        tpu.enqueue_indirect_dma source(%dma_start3A_119 : memref<120xf32, #tpu.memory_space<vmem>>) target(%dma_start3A_124 : memref<10240xf32, #tpu.memory_space<vmem_shared>>) offsets(%dma_start3A_122 : memref<120xi32, #tpu.memory_space<vmem>>) semaphore(%dma_start3A_126 : memref<!tpu.dma_semaphore, #tpu.memory_space<semaphore_mem>>) {add = true}
        %add3A_127 = arith.constant 5 : i32
        %add3A_128 = arith.addi %mul3A_63, %add3A_127 : i32
        %dma_start3A_129 = arith.constant 5 : i32
        %dma_start3A_130 = arith.constant 0 : i32
        %dma_start3A_131 = tpu.memref_slice %arg16[%add3A_128, %dma_start3A_130] : memref<168x120xf32, #tpu.memory_space<vmem>> -> memref<1x120xf32, #tpu.memory_space<vmem>>
        %dma_start3A_132 = tpu.memref_squeeze %dma_start3A_131 : memref<1x120xf32, #tpu.memory_space<vmem>> -> memref<120xf32, #tpu.memory_space<vmem>>
        %dma_start3A_133 = arith.constant 0 : i32
        %dma_start3A_134 = tpu.memref_slice %arg11[%add3A_128, %dma_start3A_133] : memref<168x120xi32, #tpu.memory_space<vmem>> -> memref<1x120xi32, #tpu.memory_space<vmem>>
        %dma_start3A_135 = tpu.memref_squeeze %dma_start3A_134 : memref<1x120xi32, #tpu.memory_space<vmem>> -> memref<120xi32, #tpu.memory_space<vmem>>
        %dma_start3A_136 = arith.constant 0 : i32
        %dma_start3A_137 = tpu.memref_slice %arg6[%dma_start3A_136] : memref<10240xf32, #tpu.memory_space<vmem_shared>> -> memref<10240xf32, #tpu.memory_space<vmem_shared>>
        %dma_start3A_138 = tpu.memref_slice %arg14[%dma_start3A_129] : memref<8x!tpu.dma_semaphore, #tpu.memory_space<semaphore_mem>> -> memref<1x!tpu.dma_semaphore, #tpu.memory_space<semaphore_mem>>
        %dma_start3A_139 = tpu.memref_squeeze %dma_start3A_138 : memref<1x!tpu.dma_semaphore, #tpu.memory_space<semaphore_mem>> -> memref<!tpu.dma_semaphore, #tpu.memory_space<semaphore_mem>>
        tpu.enqueue_indirect_dma source(%dma_start3A_132 : memref<120xf32, #tpu.memory_space<vmem>>) target(%dma_start3A_137 : memref<10240xf32, #tpu.memory_space<vmem_shared>>) offsets(%dma_start3A_135 : memref<120xi32, #tpu.memory_space<vmem>>) semaphore(%dma_start3A_139 : memref<!tpu.dma_semaphore, #tpu.memory_space<semaphore_mem>>) {add = true}
        %add3A_140 = arith.constant 6 : i32
        %add3A_141 = arith.addi %mul3A_63, %add3A_140 : i32
        %dma_start3A_142 = arith.constant 6 : i32
        %dma_start3A_143 = arith.constant 0 : i32
        %dma_start3A_144 = tpu.memref_slice %arg16[%add3A_141, %dma_start3A_143] : memref<168x120xf32, #tpu.memory_space<vmem>> -> memref<1x120xf32, #tpu.memory_space<vmem>>
        %dma_start3A_145 = tpu.memref_squeeze %dma_start3A_144 : memref<1x120xf32, #tpu.memory_space<vmem>> -> memref<120xf32, #tpu.memory_space<vmem>>
        %dma_start3A_146 = arith.constant 0 : i32
        %dma_start3A_147 = tpu.memref_slice %arg11[%add3A_141, %dma_start3A_146] : memref<168x120xi32, #tpu.memory_space<vmem>> -> memref<1x120xi32, #tpu.memory_space<vmem>>
        %dma_start3A_148 = tpu.memref_squeeze %dma_start3A_147 : memref<1x120xi32, #tpu.memory_space<vmem>> -> memref<120xi32, #tpu.memory_space<vmem>>
        %dma_start3A_149 = arith.constant 0 : i32
        %dma_start3A_150 = tpu.memref_slice %arg6[%dma_start3A_149] : memref<10240xf32, #tpu.memory_space<vmem_shared>> -> memref<10240xf32, #tpu.memory_space<vmem_shared>>
        %dma_start3A_151 = tpu.memref_slice %arg14[%dma_start3A_142] : memref<8x!tpu.dma_semaphore, #tpu.memory_space<semaphore_mem>> -> memref<1x!tpu.dma_semaphore, #tpu.memory_space<semaphore_mem>>
        %dma_start3A_152 = tpu.memref_squeeze %dma_start3A_151 : memref<1x!tpu.dma_semaphore, #tpu.memory_space<semaphore_mem>> -> memref<!tpu.dma_semaphore, #tpu.memory_space<semaphore_mem>>
        tpu.enqueue_indirect_dma source(%dma_start3A_145 : memref<120xf32, #tpu.memory_space<vmem>>) target(%dma_start3A_150 : memref<10240xf32, #tpu.memory_space<vmem_shared>>) offsets(%dma_start3A_148 : memref<120xi32, #tpu.memory_space<vmem>>) semaphore(%dma_start3A_152 : memref<!tpu.dma_semaphore, #tpu.memory_space<semaphore_mem>>) {add = true}
        %add3A_153 = arith.constant 7 : i32
        %add3A_154 = arith.addi %mul3A_63, %add3A_153 : i32
        %dma_start3A_155 = arith.constant 7 : i32
        %dma_start3A_156 = arith.constant 0 : i32
        %dma_start3A_157 = tpu.memref_slice %arg16[%add3A_154, %dma_start3A_156] : memref<168x120xf32, #tpu.memory_space<vmem>> -> memref<1x120xf32, #tpu.memory_space<vmem>>
        %dma_start3A_158 = tpu.memref_squeeze %dma_start3A_157 : memref<1x120xf32, #tpu.memory_space<vmem>> -> memref<120xf32, #tpu.memory_space<vmem>>
        %dma_start3A_159 = arith.constant 0 : i32
        %dma_start3A_160 = tpu.memref_slice %arg11[%add3A_154, %dma_start3A_159] : memref<168x120xi32, #tpu.memory_space<vmem>> -> memref<1x120xi32, #tpu.memory_space<vmem>>
        %dma_start3A_161 = tpu.memref_squeeze %dma_start3A_160 : memref<1x120xi32, #tpu.memory_space<vmem>> -> memref<120xi32, #tpu.memory_space<vmem>>
        %dma_start3A_162 = arith.constant 0 : i32
        %dma_start3A_163 = tpu.memref_slice %arg6[%dma_start3A_162] : memref<10240xf32, #tpu.memory_space<vmem_shared>> -> memref<10240xf32, #tpu.memory_space<vmem_shared>>
        %dma_start3A_164 = tpu.memref_slice %arg14[%dma_start3A_155] : memref<8x!tpu.dma_semaphore, #tpu.memory_space<semaphore_mem>> -> memref<1x!tpu.dma_semaphore, #tpu.memory_space<semaphore_mem>>
        %dma_start3A_165 = tpu.memref_squeeze %dma_start3A_164 : memref<1x!tpu.dma_semaphore, #tpu.memory_space<semaphore_mem>> -> memref<!tpu.dma_semaphore, #tpu.memory_space<semaphore_mem>>
        tpu.enqueue_indirect_dma source(%dma_start3A_158 : memref<120xf32, #tpu.memory_space<vmem>>) target(%dma_start3A_163 : memref<10240xf32, #tpu.memory_space<vmem_shared>>) offsets(%dma_start3A_161 : memref<120xi32, #tpu.memory_space<vmem>>) semaphore(%dma_start3A_165 : memref<!tpu.dma_semaphore, #tpu.memory_space<semaphore_mem>>) {add = true}
        %dma_wait3A = arith.constant 0 : i32
        %dma_wait3A_166 = arith.constant 0 : i32
        %dma_wait3A_167 = tpu.memref_slice %arg16[%add3A_64, %dma_wait3A_166] : memref<168x120xf32, #tpu.memory_space<vmem>> -> memref<1x120xf32, #tpu.memory_space<vmem>>
        %dma_wait3A_168 = tpu.memref_squeeze %dma_wait3A_167 : memref<1x120xf32, #tpu.memory_space<vmem>> -> memref<120xf32, #tpu.memory_space<vmem>>
        %dma_wait3A_169 = arith.constant 0 : i32
        %dma_wait3A_170 = tpu.memref_slice %arg11[%add3A_64, %dma_wait3A_169] : memref<168x120xi32, #tpu.memory_space<vmem>> -> memref<1x120xi32, #tpu.memory_space<vmem>>
        %dma_wait3A_171 = tpu.memref_squeeze %dma_wait3A_170 : memref<1x120xi32, #tpu.memory_space<vmem>> -> memref<120xi32, #tpu.memory_space<vmem>>
        %dma_wait3A_172 = arith.constant 0 : i32
        %dma_wait3A_173 = tpu.memref_slice %arg6[%dma_wait3A_172] : memref<10240xf32, #tpu.memory_space<vmem_shared>> -> memref<10240xf32, #tpu.memory_space<vmem_shared>>
        %dma_wait3A_174 = tpu.memref_slice %arg14[%dma_wait3A] : memref<8x!tpu.dma_semaphore, #tpu.memory_space<semaphore_mem>> -> memref<1x!tpu.dma_semaphore, #tpu.memory_space<semaphore_mem>>
        %dma_wait3A_175 = tpu.memref_squeeze %dma_wait3A_174 : memref<1x!tpu.dma_semaphore, #tpu.memory_space<semaphore_mem>> -> memref<!tpu.dma_semaphore, #tpu.memory_space<semaphore_mem>>
        tpu.wait_indirect_dma semaphore(%dma_wait3A_175 : memref<!tpu.dma_semaphore, #tpu.memory_space<semaphore_mem>>) src(%dma_wait3A_168 : memref<120xf32, #tpu.memory_space<vmem>>) dst(%dma_wait3A_173 : memref<10240xf32, #tpu.memory_space<vmem_shared>>)
        %dma_wait3A_176 = arith.constant 1 : i32
        %dma_wait3A_177 = arith.constant 0 : i32
        %dma_wait3A_178 = tpu.memref_slice %arg16[%add3A_76, %dma_wait3A_177] : memref<168x120xf32, #tpu.memory_space<vmem>> -> memref<1x120xf32, #tpu.memory_space<vmem>>
        %dma_wait3A_179 = tpu.memref_squeeze %dma_wait3A_178 : memref<1x120xf32, #tpu.memory_space<vmem>> -> memref<120xf32, #tpu.memory_space<vmem>>
        %dma_wait3A_180 = arith.constant 0 : i32
        %dma_wait3A_181 = tpu.memref_slice %arg11[%add3A_76, %dma_wait3A_180] : memref<168x120xi32, #tpu.memory_space<vmem>> -> memref<1x120xi32, #tpu.memory_space<vmem>>
        %dma_wait3A_182 = tpu.memref_squeeze %dma_wait3A_181 : memref<1x120xi32, #tpu.memory_space<vmem>> -> memref<120xi32, #tpu.memory_space<vmem>>
        %dma_wait3A_183 = arith.constant 0 : i32
        %dma_wait3A_184 = tpu.memref_slice %arg6[%dma_wait3A_183] : memref<10240xf32, #tpu.memory_space<vmem_shared>> -> memref<10240xf32, #tpu.memory_space<vmem_shared>>
        %dma_wait3A_185 = tpu.memref_slice %arg14[%dma_wait3A_176] : memref<8x!tpu.dma_semaphore, #tpu.memory_space<semaphore_mem>> -> memref<1x!tpu.dma_semaphore, #tpu.memory_space<semaphore_mem>>
        %dma_wait3A_186 = tpu.memref_squeeze %dma_wait3A_185 : memref<1x!tpu.dma_semaphore, #tpu.memory_space<semaphore_mem>> -> memref<!tpu.dma_semaphore, #tpu.memory_space<semaphore_mem>>
        tpu.wait_indirect_dma semaphore(%dma_wait3A_186 : memref<!tpu.dma_semaphore, #tpu.memory_space<semaphore_mem>>) src(%dma_wait3A_179 : memref<120xf32, #tpu.memory_space<vmem>>) dst(%dma_wait3A_184 : memref<10240xf32, #tpu.memory_space<vmem_shared>>)
        %dma_wait3A_187 = arith.constant 2 : i32
        %dma_wait3A_188 = arith.constant 0 : i32
        %dma_wait3A_189 = tpu.memref_slice %arg16[%add3A_89, %dma_wait3A_188] : memref<168x120xf32, #tpu.memory_space<vmem>> -> memref<1x120xf32, #tpu.memory_space<vmem>>
        %dma_wait3A_190 = tpu.memref_squeeze %dma_wait3A_189 : memref<1x120xf32, #tpu.memory_space<vmem>> -> memref<120xf32, #tpu.memory_space<vmem>>
        %dma_wait3A_191 = arith.constant 0 : i32
        %dma_wait3A_192 = tpu.memref_slice %arg11[%add3A_89, %dma_wait3A_191] : memref<168x120xi32, #tpu.memory_space<vmem>> -> memref<1x120xi32, #tpu.memory_space<vmem>>
        %dma_wait3A_193 = tpu.memref_squeeze %dma_wait3A_192 : memref<1x120xi32, #tpu.memory_space<vmem>> -> memref<120xi32, #tpu.memory_space<vmem>>
        %dma_wait3A_194 = arith.constant 0 : i32
        %dma_wait3A_195 = tpu.memref_slice %arg6[%dma_wait3A_194] : memref<10240xf32, #tpu.memory_space<vmem_shared>> -> memref<10240xf32, #tpu.memory_space<vmem_shared>>
        %dma_wait3A_196 = tpu.memref_slice %arg14[%dma_wait3A_187] : memref<8x!tpu.dma_semaphore, #tpu.memory_space<semaphore_mem>> -> memref<1x!tpu.dma_semaphore, #tpu.memory_space<semaphore_mem>>
        %dma_wait3A_197 = tpu.memref_squeeze %dma_wait3A_196 : memref<1x!tpu.dma_semaphore, #tpu.memory_space<semaphore_mem>> -> memref<!tpu.dma_semaphore, #tpu.memory_space<semaphore_mem>>
        tpu.wait_indirect_dma semaphore(%dma_wait3A_197 : memref<!tpu.dma_semaphore, #tpu.memory_space<semaphore_mem>>) src(%dma_wait3A_190 : memref<120xf32, #tpu.memory_space<vmem>>) dst(%dma_wait3A_195 : memref<10240xf32, #tpu.memory_space<vmem_shared>>)
        %dma_wait3A_198 = arith.constant 3 : i32
        %dma_wait3A_199 = arith.constant 0 : i32
        %dma_wait3A_200 = tpu.memref_slice %arg16[%add3A_102, %dma_wait3A_199] : memref<168x120xf32, #tpu.memory_space<vmem>> -> memref<1x120xf32, #tpu.memory_space<vmem>>
        %dma_wait3A_201 = tpu.memref_squeeze %dma_wait3A_200 : memref<1x120xf32, #tpu.memory_space<vmem>> -> memref<120xf32, #tpu.memory_space<vmem>>
        %dma_wait3A_202 = arith.constant 0 : i32
        %dma_wait3A_203 = tpu.memref_slice %arg11[%add3A_102, %dma_wait3A_202] : memref<168x120xi32, #tpu.memory_space<vmem>> -> memref<1x120xi32, #tpu.memory_space<vmem>>
        %dma_wait3A_204 = tpu.memref_squeeze %dma_wait3A_203 : memref<1x120xi32, #tpu.memory_space<vmem>> -> memref<120xi32, #tpu.memory_space<vmem>>
        %dma_wait3A_205 = arith.constant 0 : i32
        %dma_wait3A_206 = tpu.memref_slice %arg6[%dma_wait3A_205] : memref<10240xf32, #tpu.memory_space<vmem_shared>> -> memref<10240xf32, #tpu.memory_space<vmem_shared>>
        %dma_wait3A_207 = tpu.memref_slice %arg14[%dma_wait3A_198] : memref<8x!tpu.dma_semaphore, #tpu.memory_space<semaphore_mem>> -> memref<1x!tpu.dma_semaphore, #tpu.memory_space<semaphore_mem>>
        %dma_wait3A_208 = tpu.memref_squeeze %dma_wait3A_207 : memref<1x!tpu.dma_semaphore, #tpu.memory_space<semaphore_mem>> -> memref<!tpu.dma_semaphore, #tpu.memory_space<semaphore_mem>>
        tpu.wait_indirect_dma semaphore(%dma_wait3A_208 : memref<!tpu.dma_semaphore, #tpu.memory_space<semaphore_mem>>) src(%dma_wait3A_201 : memref<120xf32, #tpu.memory_space<vmem>>) dst(%dma_wait3A_206 : memref<10240xf32, #tpu.memory_space<vmem_shared>>)
        %dma_wait3A_209 = arith.constant 4 : i32
        %dma_wait3A_210 = arith.constant 0 : i32
        %dma_wait3A_211 = tpu.memref_slice %arg16[%add3A_115, %dma_wait3A_210] : memref<168x120xf32, #tpu.memory_space<vmem>> -> memref<1x120xf32, #tpu.memory_space<vmem>>
        %dma_wait3A_212 = tpu.memref_squeeze %dma_wait3A_211 : memref<1x120xf32, #tpu.memory_space<vmem>> -> memref<120xf32, #tpu.memory_space<vmem>>
        %dma_wait3A_213 = arith.constant 0 : i32
        %dma_wait3A_214 = tpu.memref_slice %arg11[%add3A_115, %dma_wait3A_213] : memref<168x120xi32, #tpu.memory_space<vmem>> -> memref<1x120xi32, #tpu.memory_space<vmem>>
        %dma_wait3A_215 = tpu.memref_squeeze %dma_wait3A_214 : memref<1x120xi32, #tpu.memory_space<vmem>> -> memref<120xi32, #tpu.memory_space<vmem>>
        %dma_wait3A_216 = arith.constant 0 : i32
        %dma_wait3A_217 = tpu.memref_slice %arg6[%dma_wait3A_216] : memref<10240xf32, #tpu.memory_space<vmem_shared>> -> memref<10240xf32, #tpu.memory_space<vmem_shared>>
        %dma_wait3A_218 = tpu.memref_slice %arg14[%dma_wait3A_209] : memref<8x!tpu.dma_semaphore, #tpu.memory_space<semaphore_mem>> -> memref<1x!tpu.dma_semaphore, #tpu.memory_space<semaphore_mem>>
        %dma_wait3A_219 = tpu.memref_squeeze %dma_wait3A_218 : memref<1x!tpu.dma_semaphore, #tpu.memory_space<semaphore_mem>> -> memref<!tpu.dma_semaphore, #tpu.memory_space<semaphore_mem>>
        tpu.wait_indirect_dma semaphore(%dma_wait3A_219 : memref<!tpu.dma_semaphore, #tpu.memory_space<semaphore_mem>>) src(%dma_wait3A_212 : memref<120xf32, #tpu.memory_space<vmem>>) dst(%dma_wait3A_217 : memref<10240xf32, #tpu.memory_space<vmem_shared>>)
        %dma_wait3A_220 = arith.constant 5 : i32
        %dma_wait3A_221 = arith.constant 0 : i32
        %dma_wait3A_222 = tpu.memref_slice %arg16[%add3A_128, %dma_wait3A_221] : memref<168x120xf32, #tpu.memory_space<vmem>> -> memref<1x120xf32, #tpu.memory_space<vmem>>
        %dma_wait3A_223 = tpu.memref_squeeze %dma_wait3A_222 : memref<1x120xf32, #tpu.memory_space<vmem>> -> memref<120xf32, #tpu.memory_space<vmem>>
        %dma_wait3A_224 = arith.constant 0 : i32
        %dma_wait3A_225 = tpu.memref_slice %arg11[%add3A_128, %dma_wait3A_224] : memref<168x120xi32, #tpu.memory_space<vmem>> -> memref<1x120xi32, #tpu.memory_space<vmem>>
        %dma_wait3A_226 = tpu.memref_squeeze %dma_wait3A_225 : memref<1x120xi32, #tpu.memory_space<vmem>> -> memref<120xi32, #tpu.memory_space<vmem>>
        %dma_wait3A_227 = arith.constant 0 : i32
        %dma_wait3A_228 = tpu.memref_slice %arg6[%dma_wait3A_227] : memref<10240xf32, #tpu.memory_space<vmem_shared>> -> memref<10240xf32, #tpu.memory_space<vmem_shared>>
        %dma_wait3A_229 = tpu.memref_slice %arg14[%dma_wait3A_220] : memref<8x!tpu.dma_semaphore, #tpu.memory_space<semaphore_mem>> -> memref<1x!tpu.dma_semaphore, #tpu.memory_space<semaphore_mem>>
        %dma_wait3A_230 = tpu.memref_squeeze %dma_wait3A_229 : memref<1x!tpu.dma_semaphore, #tpu.memory_space<semaphore_mem>> -> memref<!tpu.dma_semaphore, #tpu.memory_space<semaphore_mem>>
        tpu.wait_indirect_dma semaphore(%dma_wait3A_230 : memref<!tpu.dma_semaphore, #tpu.memory_space<semaphore_mem>>) src(%dma_wait3A_223 : memref<120xf32, #tpu.memory_space<vmem>>) dst(%dma_wait3A_228 : memref<10240xf32, #tpu.memory_space<vmem_shared>>)
        %dma_wait3A_231 = arith.constant 6 : i32
        %dma_wait3A_232 = arith.constant 0 : i32
        %dma_wait3A_233 = tpu.memref_slice %arg16[%add3A_141, %dma_wait3A_232] : memref<168x120xf32, #tpu.memory_space<vmem>> -> memref<1x120xf32, #tpu.memory_space<vmem>>
        %dma_wait3A_234 = tpu.memref_squeeze %dma_wait3A_233 : memref<1x120xf32, #tpu.memory_space<vmem>> -> memref<120xf32, #tpu.memory_space<vmem>>
        %dma_wait3A_235 = arith.constant 0 : i32
        %dma_wait3A_236 = tpu.memref_slice %arg11[%add3A_141, %dma_wait3A_235] : memref<168x120xi32, #tpu.memory_space<vmem>> -> memref<1x120xi32, #tpu.memory_space<vmem>>
        %dma_wait3A_237 = tpu.memref_squeeze %dma_wait3A_236 : memref<1x120xi32, #tpu.memory_space<vmem>> -> memref<120xi32, #tpu.memory_space<vmem>>
        %dma_wait3A_238 = arith.constant 0 : i32
        %dma_wait3A_239 = tpu.memref_slice %arg6[%dma_wait3A_238] : memref<10240xf32, #tpu.memory_space<vmem_shared>> -> memref<10240xf32, #tpu.memory_space<vmem_shared>>
        %dma_wait3A_240 = tpu.memref_slice %arg14[%dma_wait3A_231] : memref<8x!tpu.dma_semaphore, #tpu.memory_space<semaphore_mem>> -> memref<1x!tpu.dma_semaphore, #tpu.memory_space<semaphore_mem>>
        %dma_wait3A_241 = tpu.memref_squeeze %dma_wait3A_240 : memref<1x!tpu.dma_semaphore, #tpu.memory_space<semaphore_mem>> -> memref<!tpu.dma_semaphore, #tpu.memory_space<semaphore_mem>>
        tpu.wait_indirect_dma semaphore(%dma_wait3A_241 : memref<!tpu.dma_semaphore, #tpu.memory_space<semaphore_mem>>) src(%dma_wait3A_234 : memref<120xf32, #tpu.memory_space<vmem>>) dst(%dma_wait3A_239 : memref<10240xf32, #tpu.memory_space<vmem_shared>>)
        %dma_wait3A_242 = arith.constant 7 : i32
        %dma_wait3A_243 = arith.constant 0 : i32
        %dma_wait3A_244 = tpu.memref_slice %arg16[%add3A_154, %dma_wait3A_243] : memref<168x120xf32, #tpu.memory_space<vmem>> -> memref<1x120xf32, #tpu.memory_space<vmem>>
        %dma_wait3A_245 = tpu.memref_squeeze %dma_wait3A_244 : memref<1x120xf32, #tpu.memory_space<vmem>> -> memref<120xf32, #tpu.memory_space<vmem>>
        %dma_wait3A_246 = arith.constant 0 : i32
        %dma_wait3A_247 = tpu.memref_slice %arg11[%add3A_154, %dma_wait3A_246] : memref<168x120xi32, #tpu.memory_space<vmem>> -> memref<1x120xi32, #tpu.memory_space<vmem>>
        %dma_wait3A_248 = tpu.memref_squeeze %dma_wait3A_247 : memref<1x120xi32, #tpu.memory_space<vmem>> -> memref<120xi32, #tpu.memory_space<vmem>>
        %dma_wait3A_249 = arith.constant 0 : i32
        %dma_wait3A_250 = tpu.memref_slice %arg6[%dma_wait3A_249] : memref<10240xf32, #tpu.memory_space<vmem_shared>> -> memref<10240xf32, #tpu.memory_space<vmem_shared>>
        %dma_wait3A_251 = tpu.memref_slice %arg14[%dma_wait3A_242] : memref<8x!tpu.dma_semaphore, #tpu.memory_space<semaphore_mem>> -> memref<1x!tpu.dma_semaphore, #tpu.memory_space<semaphore_mem>>
        %dma_wait3A_252 = tpu.memref_squeeze %dma_wait3A_251 : memref<1x!tpu.dma_semaphore, #tpu.memory_space<semaphore_mem>> -> memref<!tpu.dma_semaphore, #tpu.memory_space<semaphore_mem>>
        tpu.wait_indirect_dma semaphore(%dma_wait3A_252 : memref<!tpu.dma_semaphore, #tpu.memory_space<semaphore_mem>>) src(%dma_wait3A_245 : memref<120xf32, #tpu.memory_space<vmem>>) dst(%dma_wait3A_250 : memref<10240xf32, #tpu.memory_space<vmem_shared>>)
        %scan3A_253 = arith.constant 0 : i32
        scf.yield %scan3A_253 : i32
      }
      %scan3A_51 = arith.constant 21 : i32
      %barrier3A_52 = arith.constant 0 : index
      tpu.barrier barrier_id(%barrier3A_52)
      "tpu.region"() ({
        %run_scoped3A = tpu.sem_alloc : memref<!tpu.dma_semaphore, #tpu.memory_space<semaphore_mem>>
        %dma_start3A = tpu.memref_slice %arg6[%mul3A_2] : memref<10240xf32, #tpu.memory_space<vmem_shared>> -> memref<640xf32, #tpu.memory_space<vmem_shared>>
        %dma_start3A_60 = tpu.memref_slice %arg6[%mul3A_2] : memref<10240xf32, #tpu.memory_space<vmem_shared>> -> memref<640xf32, #tpu.memory_space<vmem_shared>>
        tpu.enqueue_dma source(%dma_start3A_60 : memref<640xf32, #tpu.memory_space<vmem_shared>>) target(%arg7 : memref<640xf32, #tpu.memory_space<vmem>>) target_semaphore(%run_scoped3A : memref<!tpu.dma_semaphore, #tpu.memory_space<semaphore_mem>>)
        %dma_wait3A = tpu.memref_slice %arg6[%mul3A_2] : memref<10240xf32, #tpu.memory_space<vmem_shared>> -> memref<640xf32, #tpu.memory_space<vmem_shared>>
        %dma_wait3A_61 = tpu.memref_slice %arg6[%mul3A_2] : memref<10240xf32, #tpu.memory_space<vmem_shared>> -> memref<640xf32, #tpu.memory_space<vmem_shared>>
        tpu.wait_dma2 semaphore(%run_scoped3A : memref<!tpu.dma_semaphore, #tpu.memory_space<semaphore_mem>>) src(%dma_wait3A_61 : memref<640xf32, #tpu.memory_space<vmem_shared>>) dst(%arg7 : memref<640xf32, #tpu.memory_space<vmem>>)
        tpu.yield
      }) : () -> ()
      %scan3A_53 = arith.constant 0 : i32
      %scan3A_54 = arith.constant 0 : i32
      %scan3A_55 = arith.constant 40 : i32
      %scan3A_56 = arith.addi %scan3A_54, %scan3A_55 : i32
      %scan3A_57 = arith.constant 1 : i32
      %scan3A_58 = scf.for %scan3A_60 = %scan3A_54 to %scan3A_56 step %scan3A_57 iter_args(%scan3A_61 = %scan3A_53) -> (i32)  : i32 {
        %mul3A_62 = arith.constant 16 : i32
        %mul3A_63 = arith.muli %scan3A_60, %mul3A_62 : i32
        %get3A = arith.index_cast %mul3A_63 : i32 to index
        %get3A_64 = tpu.vector_load %arg10[%get3A] {strides = array<i32>} : memref<640xf32, #tpu.memory_space<vmem>>, vector<16xf32>,
        %mul3A_65 = arith.constant 16 : i32
        %mul3A_66 = arith.muli %scan3A_60, %mul3A_65 : i32
        %get3A_67 = arith.index_cast %mul3A_66 : i32 to index
        %get3A_68 = tpu.vector_load %arg7[%get3A_67] {strides = array<i32>} : memref<640xf32, #tpu.memory_space<vmem>>, vector<16xf32>,
        %add3A = arith.addf %get3A_68, %get3A_64 : vector<16xf32>
        %mul3A_69 = arith.mulf %get3A_64, %add3A : vector<16xf32>
        %mul3A_70 = arith.constant 16 : i32
        %mul3A_71 = arith.muli %scan3A_60, %mul3A_70 : i32
        %swap3A_72 = arith.index_cast %mul3A_71 : i32 to index
        %swap3A_73 = tpu.vector_load %arg7[%swap3A_72] {strides = array<i32>} : memref<640xf32, #tpu.memory_space<vmem>>, vector<16xf32>,
        tpu.vector_store %arg7[%swap3A_72], %mul3A_69 {strides = array<i32>} : memref<640xf32, #tpu.memory_space<vmem>>, vector<16xf32>,
        %scan3A_74 = arith.constant 0 : i32
        scf.yield %scan3A_74 : i32
      }
      %scan3A_59 = arith.constant 40 : i32
      "tpu.region"() ({
        %run_scoped3A = tpu.sem_alloc : memref<!tpu.dma_semaphore, #tpu.memory_space<semaphore_mem>>
        %dma_start3A = tpu.memref_slice %arg4[%mul3A_2] : memref<10240xf32, #tpu.memory_space<hbm>> -> memref<640xf32, #tpu.memory_space<hbm>>
        %dma_start3A_60 = tpu.memref_slice %arg4[%mul3A_2] : memref<10240xf32, #tpu.memory_space<hbm>> -> memref<640xf32, #tpu.memory_space<hbm>>
        tpu.enqueue_dma source(%arg10 : memref<640xf32, #tpu.memory_space<vmem>>) target(%dma_start3A_60 : memref<640xf32, #tpu.memory_space<hbm>>) target_semaphore(%run_scoped3A : memref<!tpu.dma_semaphore, #tpu.memory_space<semaphore_mem>>)
        %dma_wait3A = tpu.memref_slice %arg4[%mul3A_2] : memref<10240xf32, #tpu.memory_space<hbm>> -> memref<640xf32, #tpu.memory_space<hbm>>
        %dma_wait3A_61 = tpu.memref_slice %arg4[%mul3A_2] : memref<10240xf32, #tpu.memory_space<hbm>> -> memref<640xf32, #tpu.memory_space<hbm>>
        tpu.wait_dma2 semaphore(%run_scoped3A : memref<!tpu.dma_semaphore, #tpu.memory_space<semaphore_mem>>) src(%arg10 : memref<640xf32, #tpu.memory_space<vmem>>) dst(%dma_wait3A_61 : memref<640xf32, #tpu.memory_space<hbm>>)
        tpu.yield
      }) : () -> ()
      "tpu.region"() ({
        %run_scoped3A = tpu.sem_alloc : memref<!tpu.dma_semaphore, #tpu.memory_space<semaphore_mem>>
        %dma_start3A = tpu.memref_slice %arg5[%mul3A_2] : memref<10240xf32, #tpu.memory_space<hbm>> -> memref<640xf32, #tpu.memory_space<hbm>>
        %dma_start3A_60 = tpu.memref_slice %arg5[%mul3A_2] : memref<10240xf32, #tpu.memory_space<hbm>> -> memref<640xf32, #tpu.memory_space<hbm>>
        tpu.enqueue_dma source(%arg7 : memref<640xf32, #tpu.memory_space<vmem>>) target(%dma_start3A_60 : memref<640xf32, #tpu.memory_space<hbm>>) target_semaphore(%run_scoped3A : memref<!tpu.dma_semaphore, #tpu.memory_space<semaphore_mem>>)
        %dma_wait3A = tpu.memref_slice %arg5[%mul3A_2] : memref<10240xf32, #tpu.memory_space<hbm>> -> memref<640xf32, #tpu.memory_space<hbm>>
        %dma_wait3A_61 = tpu.memref_slice %arg5[%mul3A_2] : memref<10240xf32, #tpu.memory_space<hbm>> -> memref<640xf32, #tpu.memory_space<hbm>>
        tpu.wait_dma2 semaphore(%run_scoped3A : memref<!tpu.dma_semaphore, #tpu.memory_space<semaphore_mem>>) src(%arg7 : memref<640xf32, #tpu.memory_space<vmem>>) dst(%dma_wait3A_61 : memref<640xf32, #tpu.memory_space<hbm>>)
        tpu.yield
      }) : () -> ()
    } else {
    }
    return
  }
}

#map = affine_map<(d0, d1) -> (0, 0)>
#map1 = affine_map<(d0, d1) -> (0, 0, 0)>
module attributes {stable_mosaic.version = 14 : i64} {
  func.func @_sc_agg(%arg0: i32, %arg1: i32, %arg2: memref<10240x128xf32, #tpu.memory_space<hbm>>, %arg3: memref<2688x120xi32, #tpu.memory_space<hbm>>, %arg4: memref<2688x120xi32, #tpu.memory_space<hbm>>, %arg5: memref<2x10240x128xf32, #tpu.memory_space<hbm>>, %arg6: memref<10112x128xf32, #tpu.memory_space<vmem_shared>>, %arg7: memref<5x120xi32, #tpu.memory_space<vmem>>, %arg8: memref<3x!tpu.dma_semaphore, #tpu.memory_space<semaphore_mem>>, %arg9: memref<5x!tpu.dma_semaphore, #tpu.memory_space<semaphore_mem>>, %arg10: memref<3x120x128xf32, #tpu.memory_space<vmem>>, %arg11: memref<5x120xi32, #tpu.memory_space<vmem>>, %arg12: memref<3x!tpu.dma_semaphore, #tpu.memory_space<semaphore_mem>>) attributes {dimension_semantics = [#tpu.dimension_semantics<core_parallel>, #tpu.dimension_semantics<subcore_parallel>], iteration_bounds = array<i64: 2, 16>, scalar_prefetch = 0 : i64, scratch_operands = 7 : i64, tpu.core_type = #tpu.core_type<sc_vector_subcore>, window_params = [{transform_indices = #map}, {transform_indices = #map}, {transform_indices = #map}, {transform_indices = #map1}]} {
    %mul3A = arith.constant 632 : i32
    %mul3A_0 = arith.muli %arg1, %mul3A : i32
    %eq3A = arith.constant 0 : i32
    %eq3A_1 = arith.cmpi eq, %arg0, %eq3A : i32
    %jit3A = arith.constant 136 : i32
    %jit3A_2 = arith.constant 32 : i32
    %select_n3A = arith.select %eq3A_1, %jit3A, %jit3A_2 : i32
    %eq3A_3 = arith.constant 0 : i32
    %eq3A_4 = arith.cmpi eq, %arg0, %eq3A_3 : i32
    %mul3A_5 = arith.constant 136 : i32
    %mul3A_6 = arith.muli %arg1, %mul3A_5 : i32
    %mul3A_7 = arith.constant 32 : i32
    %mul3A_8 = arith.muli %arg1, %mul3A_7 : i32
    %add3A = arith.constant 2176 : i32
    %add3A_9 = arith.addi %add3A, %mul3A_8 : i32
    %select_n3A_10 = arith.select %eq3A_4, %mul3A_6, %add3A_9 : i32
    %scan3A = arith.constant 0 : i32
    %scan3A_11 = arith.constant 0 : i32
    %scan3A_12 = arith.constant 0 : i32
    %scan3A_13 = arith.constant 120 : i32
    %scan3A_14 = arith.addi %scan3A_12, %scan3A_13 : i32
    %scan3A_15 = arith.constant 1 : i32
    %scan3A_16 = scf.for %scan3A_179 = %scan3A_12 to %scan3A_14 step %scan3A_15 iter_args(%scan3A_180 = %scan3A_11) -> (i32)  : i32 {
      %broadcast_in_dim3A = arith.constant 0.000000e+00 : f32
      %broadcast_in_dim3A_181 = vector.broadcast %broadcast_in_dim3A : f32 to vector<16xf32>
      %swap3A = arith.constant 0 : i32
      %swap3A_182 = arith.constant 0 : i32
      %swap3A_183 = tpu.memref_slice %arg10[%scan3A, %swap3A, %swap3A_182] : memref<3x120x128xf32, #tpu.memory_space<vmem>> -> memref<1x120x128xf32, #tpu.memory_space<vmem>>
      %swap3A_184 = tpu.memref_squeeze %swap3A_183 : memref<1x120x128xf32, #tpu.memory_space<vmem>> -> memref<120x128xf32, #tpu.memory_space<vmem>>
      %swap3A_185 = arith.index_cast %scan3A_179 : i32 to index
      %swap3A_186 = arith.constant 0 : index
      %swap3A_187 = tpu.vector_load %swap3A_184[%swap3A_185, %swap3A_186] {strides = array<i32>} : memref<120x128xf32, #tpu.memory_space<vmem>>, vector<16xf32>,
      tpu.vector_store %swap3A_184[%swap3A_185, %swap3A_186], %broadcast_in_dim3A_181 {strides = array<i32>} : memref<120x128xf32, #tpu.memory_space<vmem>>, vector<16xf32>,
      %broadcast_in_dim3A_188 = arith.constant 0.000000e+00 : f32
      %broadcast_in_dim3A_189 = vector.broadcast %broadcast_in_dim3A_188 : f32 to vector<16xf32>
      %swap3A_190 = arith.constant 0 : i32
      %swap3A_191 = arith.constant 0 : i32
      %swap3A_192 = tpu.memref_slice %arg10[%scan3A, %swap3A_190, %swap3A_191] : memref<3x120x128xf32, #tpu.memory_space<vmem>> -> memref<1x120x128xf32, #tpu.memory_space<vmem>>
      %swap3A_193 = tpu.memref_squeeze %swap3A_192 : memref<1x120x128xf32, #tpu.memory_space<vmem>> -> memref<120x128xf32, #tpu.memory_space<vmem>>
      %swap3A_194 = arith.index_cast %scan3A_179 : i32 to index
      %swap3A_195 = arith.constant 16 : index
      %swap3A_196 = tpu.vector_load %swap3A_193[%swap3A_194, %swap3A_195] {strides = array<i32>} : memref<120x128xf32, #tpu.memory_space<vmem>>, vector<16xf32>,
      tpu.vector_store %swap3A_193[%swap3A_194, %swap3A_195], %broadcast_in_dim3A_189 {strides = array<i32>} : memref<120x128xf32, #tpu.memory_space<vmem>>, vector<16xf32>,
      %broadcast_in_dim3A_197 = arith.constant 0.000000e+00 : f32
      %broadcast_in_dim3A_198 = vector.broadcast %broadcast_in_dim3A_197 : f32 to vector<16xf32>
      %swap3A_199 = arith.constant 0 : i32
      %swap3A_200 = arith.constant 0 : i32
      %swap3A_201 = tpu.memref_slice %arg10[%scan3A, %swap3A_199, %swap3A_200] : memref<3x120x128xf32, #tpu.memory_space<vmem>> -> memref<1x120x128xf32, #tpu.memory_space<vmem>>
      %swap3A_202 = tpu.memref_squeeze %swap3A_201 : memref<1x120x128xf32, #tpu.memory_space<vmem>> -> memref<120x128xf32, #tpu.memory_space<vmem>>
      %swap3A_203 = arith.index_cast %scan3A_179 : i32 to index
      %swap3A_204 = arith.constant 32 : index
      %swap3A_205 = tpu.vector_load %swap3A_202[%swap3A_203, %swap3A_204] {strides = array<i32>} : memref<120x128xf32, #tpu.memory_space<vmem>>, vector<16xf32>,
      tpu.vector_store %swap3A_202[%swap3A_203, %swap3A_204], %broadcast_in_dim3A_198 {strides = array<i32>} : memref<120x128xf32, #tpu.memory_space<vmem>>, vector<16xf32>,
      %broadcast_in_dim3A_206 = arith.constant 0.000000e+00 : f32
      %broadcast_in_dim3A_207 = vector.broadcast %broadcast_in_dim3A_206 : f32 to vector<16xf32>
      %swap3A_208 = arith.constant 0 : i32
      %swap3A_209 = arith.constant 0 : i32
      %swap3A_210 = tpu.memref_slice %arg10[%scan3A, %swap3A_208, %swap3A_209] : memref<3x120x128xf32, #tpu.memory_space<vmem>> -> memref<1x120x128xf32, #tpu.memory_space<vmem>>
      %swap3A_211 = tpu.memref_squeeze %swap3A_210 : memref<1x120x128xf32, #tpu.memory_space<vmem>> -> memref<120x128xf32, #tpu.memory_space<vmem>>
      %swap3A_212 = arith.index_cast %scan3A_179 : i32 to index
      %swap3A_213 = arith.constant 48 : index
      %swap3A_214 = tpu.vector_load %swap3A_211[%swap3A_212, %swap3A_213] {strides = array<i32>} : memref<120x128xf32, #tpu.memory_space<vmem>>, vector<16xf32>,
      tpu.vector_store %swap3A_211[%swap3A_212, %swap3A_213], %broadcast_in_dim3A_207 {strides = array<i32>} : memref<120x128xf32, #tpu.memory_space<vmem>>, vector<16xf32>,
      %broadcast_in_dim3A_215 = arith.constant 0.000000e+00 : f32
      %broadcast_in_dim3A_216 = vector.broadcast %broadcast_in_dim3A_215 : f32 to vector<16xf32>
      %swap3A_217 = arith.constant 0 : i32
      %swap3A_218 = arith.constant 0 : i32
      %swap3A_219 = tpu.memref_slice %arg10[%scan3A, %swap3A_217, %swap3A_218] : memref<3x120x128xf32, #tpu.memory_space<vmem>> -> memref<1x120x128xf32, #tpu.memory_space<vmem>>
      %swap3A_220 = tpu.memref_squeeze %swap3A_219 : memref<1x120x128xf32, #tpu.memory_space<vmem>> -> memref<120x128xf32, #tpu.memory_space<vmem>>
      %swap3A_221 = arith.index_cast %scan3A_179 : i32 to index
      %swap3A_222 = arith.constant 64 : index
      %swap3A_223 = tpu.vector_load %swap3A_220[%swap3A_221, %swap3A_222] {strides = array<i32>} : memref<120x128xf32, #tpu.memory_space<vmem>>, vector<16xf32>,
      tpu.vector_store %swap3A_220[%swap3A_221, %swap3A_222], %broadcast_in_dim3A_216 {strides = array<i32>} : memref<120x128xf32, #tpu.memory_space<vmem>>, vector<16xf32>,
      %broadcast_in_dim3A_224 = arith.constant 0.000000e+00 : f32
      %broadcast_in_dim3A_225 = vector.broadcast %broadcast_in_dim3A_224 : f32 to vector<16xf32>
      %swap3A_226 = arith.constant 0 : i32
      %swap3A_227 = arith.constant 0 : i32
      %swap3A_228 = tpu.memref_slice %arg10[%scan3A, %swap3A_226, %swap3A_227] : memref<3x120x128xf32, #tpu.memory_space<vmem>> -> memref<1x120x128xf32, #tpu.memory_space<vmem>>
      %swap3A_229 = tpu.memref_squeeze %swap3A_228 : memref<1x120x128xf32, #tpu.memory_space<vmem>> -> memref<120x128xf32, #tpu.memory_space<vmem>>
      %swap3A_230 = arith.index_cast %scan3A_179 : i32 to index
      %swap3A_231 = arith.constant 80 : index
      %swap3A_232 = tpu.vector_load %swap3A_229[%swap3A_230, %swap3A_231] {strides = array<i32>} : memref<120x128xf32, #tpu.memory_space<vmem>>, vector<16xf32>,
      tpu.vector_store %swap3A_229[%swap3A_230, %swap3A_231], %broadcast_in_dim3A_225 {strides = array<i32>} : memref<120x128xf32, #tpu.memory_space<vmem>>, vector<16xf32>,
      %broadcast_in_dim3A_233 = arith.constant 0.000000e+00 : f32
      %broadcast_in_dim3A_234 = vector.broadcast %broadcast_in_dim3A_233 : f32 to vector<16xf32>
      %swap3A_235 = arith.constant 0 : i32
      %swap3A_236 = arith.constant 0 : i32
      %swap3A_237 = tpu.memref_slice %arg10[%scan3A, %swap3A_235, %swap3A_236] : memref<3x120x128xf32, #tpu.memory_space<vmem>> -> memref<1x120x128xf32, #tpu.memory_space<vmem>>
      %swap3A_238 = tpu.memref_squeeze %swap3A_237 : memref<1x120x128xf32, #tpu.memory_space<vmem>> -> memref<120x128xf32, #tpu.memory_space<vmem>>
      %swap3A_239 = arith.index_cast %scan3A_179 : i32 to index
      %swap3A_240 = arith.constant 96 : index
      %swap3A_241 = tpu.vector_load %swap3A_238[%swap3A_239, %swap3A_240] {strides = array<i32>} : memref<120x128xf32, #tpu.memory_space<vmem>>, vector<16xf32>,
      tpu.vector_store %swap3A_238[%swap3A_239, %swap3A_240], %broadcast_in_dim3A_234 {strides = array<i32>} : memref<120x128xf32, #tpu.memory_space<vmem>>, vector<16xf32>,
      %broadcast_in_dim3A_242 = arith.constant 0.000000e+00 : f32
      %broadcast_in_dim3A_243 = vector.broadcast %broadcast_in_dim3A_242 : f32 to vector<16xf32>
      %swap3A_244 = arith.constant 0 : i32
      %swap3A_245 = arith.constant 0 : i32
      %swap3A_246 = tpu.memref_slice %arg10[%scan3A, %swap3A_244, %swap3A_245] : memref<3x120x128xf32, #tpu.memory_space<vmem>> -> memref<1x120x128xf32, #tpu.memory_space<vmem>>
      %swap3A_247 = tpu.memref_squeeze %swap3A_246 : memref<1x120x128xf32, #tpu.memory_space<vmem>> -> memref<120x128xf32, #tpu.memory_space<vmem>>
      %swap3A_248 = arith.index_cast %scan3A_179 : i32 to index
      %swap3A_249 = arith.constant 112 : index
      %swap3A_250 = tpu.vector_load %swap3A_247[%swap3A_248, %swap3A_249] {strides = array<i32>} : memref<120x128xf32, #tpu.memory_space<vmem>>, vector<16xf32>,
      tpu.vector_store %swap3A_247[%swap3A_248, %swap3A_249], %broadcast_in_dim3A_243 {strides = array<i32>} : memref<120x128xf32, #tpu.memory_space<vmem>>, vector<16xf32>,
      %scan3A_251 = arith.constant 0 : i32
      scf.yield %scan3A_251 : i32
    }
    %scan3A_17 = arith.constant 120 : i32
    %add3A_18 = arith.constant 0 : i32
    %add3A_19 = arith.addi %mul3A_0, %add3A_18 : i32
    %run_scoped3A = arith.constant 0 : i32
    "tpu.region"() ({
      %run_scoped3A_179 = tpu.sem_alloc : memref<!tpu.dma_semaphore, #tpu.memory_space<semaphore_mem>>
      %dma_start3A_180 = arith.constant 0 : i32
      %dma_start3A_181 = arith.constant 0 : i32
      %dma_start3A_182 = tpu.memref_slice %arg10[%run_scoped3A, %dma_start3A_180, %dma_start3A_181] : memref<3x120x128xf32, #tpu.memory_space<vmem>> -> memref<1x120x128xf32, #tpu.memory_space<vmem>>
      %dma_start3A_183 = tpu.memref_squeeze %dma_start3A_182 : memref<1x120x128xf32, #tpu.memory_space<vmem>> -> memref<120x128xf32, #tpu.memory_space<vmem>>
      %dma_start3A_184 = arith.constant 0 : i32
      %dma_start3A_185 = tpu.memref_slice %arg6[%add3A_19, %dma_start3A_184] : memref<10112x128xf32, #tpu.memory_space<vmem_shared>> -> memref<120x128xf32, #tpu.memory_space<vmem_shared>>
      %dma_start3A_186 = arith.constant 0 : i32
      %dma_start3A_187 = tpu.memref_slice %arg6[%add3A_19, %dma_start3A_186] : memref<10112x128xf32, #tpu.memory_space<vmem_shared>> -> memref<120x128xf32, #tpu.memory_space<vmem_shared>>
      %dma_start3A_188 = arith.constant 0 : i32
      %dma_start3A_189 = arith.constant 0 : i32
      %dma_start3A_190 = tpu.memref_slice %arg10[%run_scoped3A, %dma_start3A_188, %dma_start3A_189] : memref<3x120x128xf32, #tpu.memory_space<vmem>> -> memref<1x120x128xf32, #tpu.memory_space<vmem>>
      %dma_start3A_191 = tpu.memref_squeeze %dma_start3A_190 : memref<1x120x128xf32, #tpu.memory_space<vmem>> -> memref<120x128xf32, #tpu.memory_space<vmem>>
      tpu.enqueue_dma source(%dma_start3A_191 : memref<120x128xf32, #tpu.memory_space<vmem>>) target(%dma_start3A_187 : memref<120x128xf32, #tpu.memory_space<vmem_shared>>) target_semaphore(%run_scoped3A_179 : memref<!tpu.dma_semaphore, #tpu.memory_space<semaphore_mem>>)
      %dma_wait3A_192 = arith.constant 0 : i32
      %dma_wait3A_193 = arith.constant 0 : i32
      %dma_wait3A_194 = tpu.memref_slice %arg10[%run_scoped3A, %dma_wait3A_192, %dma_wait3A_193] : memref<3x120x128xf32, #tpu.memory_space<vmem>> -> memref<1x120x128xf32, #tpu.memory_space<vmem>>
      %dma_wait3A_195 = tpu.memref_squeeze %dma_wait3A_194 : memref<1x120x128xf32, #tpu.memory_space<vmem>> -> memref<120x128xf32, #tpu.memory_space<vmem>>
      %dma_wait3A_196 = arith.constant 0 : i32
      %dma_wait3A_197 = tpu.memref_slice %arg6[%add3A_19, %dma_wait3A_196] : memref<10112x128xf32, #tpu.memory_space<vmem_shared>> -> memref<120x128xf32, #tpu.memory_space<vmem_shared>>
      %dma_wait3A_198 = arith.constant 0 : i32
      %dma_wait3A_199 = tpu.memref_slice %arg6[%add3A_19, %dma_wait3A_198] : memref<10112x128xf32, #tpu.memory_space<vmem_shared>> -> memref<120x128xf32, #tpu.memory_space<vmem_shared>>
      %dma_wait3A_200 = arith.constant 0 : i32
      %dma_wait3A_201 = arith.constant 0 : i32
      %dma_wait3A_202 = tpu.memref_slice %arg10[%run_scoped3A, %dma_wait3A_200, %dma_wait3A_201] : memref<3x120x128xf32, #tpu.memory_space<vmem>> -> memref<1x120x128xf32, #tpu.memory_space<vmem>>
      %dma_wait3A_203 = tpu.memref_squeeze %dma_wait3A_202 : memref<1x120x128xf32, #tpu.memory_space<vmem>> -> memref<120x128xf32, #tpu.memory_space<vmem>>
      tpu.wait_dma2 semaphore(%run_scoped3A_179 : memref<!tpu.dma_semaphore, #tpu.memory_space<semaphore_mem>>) src(%dma_wait3A_203 : memref<120x128xf32, #tpu.memory_space<vmem>>) dst(%dma_wait3A_199 : memref<120x128xf32, #tpu.memory_space<vmem_shared>>)
      tpu.yield
    }) : () -> ()
    %add3A_20 = arith.constant 120 : i32
    %add3A_21 = arith.addi %mul3A_0, %add3A_20 : i32
    %run_scoped3A_22 = arith.constant 0 : i32
    "tpu.region"() ({
      %run_scoped3A_179 = tpu.sem_alloc : memref<!tpu.dma_semaphore, #tpu.memory_space<semaphore_mem>>
      %dma_start3A_180 = arith.constant 0 : i32
      %dma_start3A_181 = arith.constant 0 : i32
      %dma_start3A_182 = tpu.memref_slice %arg10[%run_scoped3A_22, %dma_start3A_180, %dma_start3A_181] : memref<3x120x128xf32, #tpu.memory_space<vmem>> -> memref<1x120x128xf32, #tpu.memory_space<vmem>>
      %dma_start3A_183 = tpu.memref_squeeze %dma_start3A_182 : memref<1x120x128xf32, #tpu.memory_space<vmem>> -> memref<120x128xf32, #tpu.memory_space<vmem>>
      %dma_start3A_184 = arith.constant 0 : i32
      %dma_start3A_185 = tpu.memref_slice %arg6[%add3A_21, %dma_start3A_184] : memref<10112x128xf32, #tpu.memory_space<vmem_shared>> -> memref<120x128xf32, #tpu.memory_space<vmem_shared>>
      %dma_start3A_186 = arith.constant 0 : i32
      %dma_start3A_187 = tpu.memref_slice %arg6[%add3A_21, %dma_start3A_186] : memref<10112x128xf32, #tpu.memory_space<vmem_shared>> -> memref<120x128xf32, #tpu.memory_space<vmem_shared>>
      %dma_start3A_188 = arith.constant 0 : i32
      %dma_start3A_189 = arith.constant 0 : i32
      %dma_start3A_190 = tpu.memref_slice %arg10[%run_scoped3A_22, %dma_start3A_188, %dma_start3A_189] : memref<3x120x128xf32, #tpu.memory_space<vmem>> -> memref<1x120x128xf32, #tpu.memory_space<vmem>>
      %dma_start3A_191 = tpu.memref_squeeze %dma_start3A_190 : memref<1x120x128xf32, #tpu.memory_space<vmem>> -> memref<120x128xf32, #tpu.memory_space<vmem>>
      tpu.enqueue_dma source(%dma_start3A_191 : memref<120x128xf32, #tpu.memory_space<vmem>>) target(%dma_start3A_187 : memref<120x128xf32, #tpu.memory_space<vmem_shared>>) target_semaphore(%run_scoped3A_179 : memref<!tpu.dma_semaphore, #tpu.memory_space<semaphore_mem>>)
      %dma_wait3A_192 = arith.constant 0 : i32
      %dma_wait3A_193 = arith.constant 0 : i32
      %dma_wait3A_194 = tpu.memref_slice %arg10[%run_scoped3A_22, %dma_wait3A_192, %dma_wait3A_193] : memref<3x120x128xf32, #tpu.memory_space<vmem>> -> memref<1x120x128xf32, #tpu.memory_space<vmem>>
      %dma_wait3A_195 = tpu.memref_squeeze %dma_wait3A_194 : memref<1x120x128xf32, #tpu.memory_space<vmem>> -> memref<120x128xf32, #tpu.memory_space<vmem>>
      %dma_wait3A_196 = arith.constant 0 : i32
      %dma_wait3A_197 = tpu.memref_slice %arg6[%add3A_21, %dma_wait3A_196] : memref<10112x128xf32, #tpu.memory_space<vmem_shared>> -> memref<120x128xf32, #tpu.memory_space<vmem_shared>>
      %dma_wait3A_198 = arith.constant 0 : i32
      %dma_wait3A_199 = tpu.memref_slice %arg6[%add3A_21, %dma_wait3A_198] : memref<10112x128xf32, #tpu.memory_space<vmem_shared>> -> memref<120x128xf32, #tpu.memory_space<vmem_shared>>
      %dma_wait3A_200 = arith.constant 0 : i32
      %dma_wait3A_201 = arith.constant 0 : i32
      %dma_wait3A_202 = tpu.memref_slice %arg10[%run_scoped3A_22, %dma_wait3A_200, %dma_wait3A_201] : memref<3x120x128xf32, #tpu.memory_space<vmem>> -> memref<1x120x128xf32, #tpu.memory_space<vmem>>
      %dma_wait3A_203 = tpu.memref_squeeze %dma_wait3A_202 : memref<1x120x128xf32, #tpu.memory_space<vmem>> -> memref<120x128xf32, #tpu.memory_space<vmem>>
      tpu.wait_dma2 semaphore(%run_scoped3A_179 : memref<!tpu.dma_semaphore, #tpu.memory_space<semaphore_mem>>) src(%dma_wait3A_203 : memref<120x128xf32, #tpu.memory_space<vmem>>) dst(%dma_wait3A_199 : memref<120x128xf32, #tpu.memory_space<vmem_shared>>)
      tpu.yield
    }) : () -> ()
    %add3A_23 = arith.constant 240 : i32
    %add3A_24 = arith.addi %mul3A_0, %add3A_23 : i32
    %run_scoped3A_25 = arith.constant 0 : i32
    "tpu.region"() ({
      %run_scoped3A_179 = tpu.sem_alloc : memref<!tpu.dma_semaphore, #tpu.memory_space<semaphore_mem>>
      %dma_start3A_180 = arith.constant 0 : i32
      %dma_start3A_181 = arith.constant 0 : i32
      %dma_start3A_182 = tpu.memref_slice %arg10[%run_scoped3A_25, %dma_start3A_180, %dma_start3A_181] : memref<3x120x128xf32, #tpu.memory_space<vmem>> -> memref<1x120x128xf32, #tpu.memory_space<vmem>>
      %dma_start3A_183 = tpu.memref_squeeze %dma_start3A_182 : memref<1x120x128xf32, #tpu.memory_space<vmem>> -> memref<120x128xf32, #tpu.memory_space<vmem>>
      %dma_start3A_184 = arith.constant 0 : i32
      %dma_start3A_185 = tpu.memref_slice %arg6[%add3A_24, %dma_start3A_184] : memref<10112x128xf32, #tpu.memory_space<vmem_shared>> -> memref<120x128xf32, #tpu.memory_space<vmem_shared>>
      %dma_start3A_186 = arith.constant 0 : i32
      %dma_start3A_187 = tpu.memref_slice %arg6[%add3A_24, %dma_start3A_186] : memref<10112x128xf32, #tpu.memory_space<vmem_shared>> -> memref<120x128xf32, #tpu.memory_space<vmem_shared>>
      %dma_start3A_188 = arith.constant 0 : i32
      %dma_start3A_189 = arith.constant 0 : i32
      %dma_start3A_190 = tpu.memref_slice %arg10[%run_scoped3A_25, %dma_start3A_188, %dma_start3A_189] : memref<3x120x128xf32, #tpu.memory_space<vmem>> -> memref<1x120x128xf32, #tpu.memory_space<vmem>>
      %dma_start3A_191 = tpu.memref_squeeze %dma_start3A_190 : memref<1x120x128xf32, #tpu.memory_space<vmem>> -> memref<120x128xf32, #tpu.memory_space<vmem>>
      tpu.enqueue_dma source(%dma_start3A_191 : memref<120x128xf32, #tpu.memory_space<vmem>>) target(%dma_start3A_187 : memref<120x128xf32, #tpu.memory_space<vmem_shared>>) target_semaphore(%run_scoped3A_179 : memref<!tpu.dma_semaphore, #tpu.memory_space<semaphore_mem>>)
      %dma_wait3A_192 = arith.constant 0 : i32
      %dma_wait3A_193 = arith.constant 0 : i32
      %dma_wait3A_194 = tpu.memref_slice %arg10[%run_scoped3A_25, %dma_wait3A_192, %dma_wait3A_193] : memref<3x120x128xf32, #tpu.memory_space<vmem>> -> memref<1x120x128xf32, #tpu.memory_space<vmem>>
      %dma_wait3A_195 = tpu.memref_squeeze %dma_wait3A_194 : memref<1x120x128xf32, #tpu.memory_space<vmem>> -> memref<120x128xf32, #tpu.memory_space<vmem>>
      %dma_wait3A_196 = arith.constant 0 : i32
      %dma_wait3A_197 = tpu.memref_slice %arg6[%add3A_24, %dma_wait3A_196] : memref<10112x128xf32, #tpu.memory_space<vmem_shared>> -> memref<120x128xf32, #tpu.memory_space<vmem_shared>>
      %dma_wait3A_198 = arith.constant 0 : i32
      %dma_wait3A_199 = tpu.memref_slice %arg6[%add3A_24, %dma_wait3A_198] : memref<10112x128xf32, #tpu.memory_space<vmem_shared>> -> memref<120x128xf32, #tpu.memory_space<vmem_shared>>
      %dma_wait3A_200 = arith.constant 0 : i32
      %dma_wait3A_201 = arith.constant 0 : i32
      %dma_wait3A_202 = tpu.memref_slice %arg10[%run_scoped3A_25, %dma_wait3A_200, %dma_wait3A_201] : memref<3x120x128xf32, #tpu.memory_space<vmem>> -> memref<1x120x128xf32, #tpu.memory_space<vmem>>
      %dma_wait3A_203 = tpu.memref_squeeze %dma_wait3A_202 : memref<1x120x128xf32, #tpu.memory_space<vmem>> -> memref<120x128xf32, #tpu.memory_space<vmem>>
      tpu.wait_dma2 semaphore(%run_scoped3A_179 : memref<!tpu.dma_semaphore, #tpu.memory_space<semaphore_mem>>) src(%dma_wait3A_203 : memref<120x128xf32, #tpu.memory_space<vmem>>) dst(%dma_wait3A_199 : memref<120x128xf32, #tpu.memory_space<vmem_shared>>)
      tpu.yield
    }) : () -> ()
    %add3A_26 = arith.constant 360 : i32
    %add3A_27 = arith.addi %mul3A_0, %add3A_26 : i32
    %run_scoped3A_28 = arith.constant 0 : i32
    "tpu.region"() ({
      %run_scoped3A_179 = tpu.sem_alloc : memref<!tpu.dma_semaphore, #tpu.memory_space<semaphore_mem>>
      %dma_start3A_180 = arith.constant 0 : i32
      %dma_start3A_181 = arith.constant 0 : i32
      %dma_start3A_182 = tpu.memref_slice %arg10[%run_scoped3A_28, %dma_start3A_180, %dma_start3A_181] : memref<3x120x128xf32, #tpu.memory_space<vmem>> -> memref<1x120x128xf32, #tpu.memory_space<vmem>>
      %dma_start3A_183 = tpu.memref_squeeze %dma_start3A_182 : memref<1x120x128xf32, #tpu.memory_space<vmem>> -> memref<120x128xf32, #tpu.memory_space<vmem>>
      %dma_start3A_184 = arith.constant 0 : i32
      %dma_start3A_185 = tpu.memref_slice %arg6[%add3A_27, %dma_start3A_184] : memref<10112x128xf32, #tpu.memory_space<vmem_shared>> -> memref<120x128xf32, #tpu.memory_space<vmem_shared>>
      %dma_start3A_186 = arith.constant 0 : i32
      %dma_start3A_187 = tpu.memref_slice %arg6[%add3A_27, %dma_start3A_186] : memref<10112x128xf32, #tpu.memory_space<vmem_shared>> -> memref<120x128xf32, #tpu.memory_space<vmem_shared>>
      %dma_start3A_188 = arith.constant 0 : i32
      %dma_start3A_189 = arith.constant 0 : i32
      %dma_start3A_190 = tpu.memref_slice %arg10[%run_scoped3A_28, %dma_start3A_188, %dma_start3A_189] : memref<3x120x128xf32, #tpu.memory_space<vmem>> -> memref<1x120x128xf32, #tpu.memory_space<vmem>>
      %dma_start3A_191 = tpu.memref_squeeze %dma_start3A_190 : memref<1x120x128xf32, #tpu.memory_space<vmem>> -> memref<120x128xf32, #tpu.memory_space<vmem>>
      tpu.enqueue_dma source(%dma_start3A_191 : memref<120x128xf32, #tpu.memory_space<vmem>>) target(%dma_start3A_187 : memref<120x128xf32, #tpu.memory_space<vmem_shared>>) target_semaphore(%run_scoped3A_179 : memref<!tpu.dma_semaphore, #tpu.memory_space<semaphore_mem>>)
      %dma_wait3A_192 = arith.constant 0 : i32
      %dma_wait3A_193 = arith.constant 0 : i32
      %dma_wait3A_194 = tpu.memref_slice %arg10[%run_scoped3A_28, %dma_wait3A_192, %dma_wait3A_193] : memref<3x120x128xf32, #tpu.memory_space<vmem>> -> memref<1x120x128xf32, #tpu.memory_space<vmem>>
      %dma_wait3A_195 = tpu.memref_squeeze %dma_wait3A_194 : memref<1x120x128xf32, #tpu.memory_space<vmem>> -> memref<120x128xf32, #tpu.memory_space<vmem>>
      %dma_wait3A_196 = arith.constant 0 : i32
      %dma_wait3A_197 = tpu.memref_slice %arg6[%add3A_27, %dma_wait3A_196] : memref<10112x128xf32, #tpu.memory_space<vmem_shared>> -> memref<120x128xf32, #tpu.memory_space<vmem_shared>>
      %dma_wait3A_198 = arith.constant 0 : i32
      %dma_wait3A_199 = tpu.memref_slice %arg6[%add3A_27, %dma_wait3A_198] : memref<10112x128xf32, #tpu.memory_space<vmem_shared>> -> memref<120x128xf32, #tpu.memory_space<vmem_shared>>
      %dma_wait3A_200 = arith.constant 0 : i32
      %dma_wait3A_201 = arith.constant 0 : i32
      %dma_wait3A_202 = tpu.memref_slice %arg10[%run_scoped3A_28, %dma_wait3A_200, %dma_wait3A_201] : memref<3x120x128xf32, #tpu.memory_space<vmem>> -> memref<1x120x128xf32, #tpu.memory_space<vmem>>
      %dma_wait3A_203 = tpu.memref_squeeze %dma_wait3A_202 : memref<1x120x128xf32, #tpu.memory_space<vmem>> -> memref<120x128xf32, #tpu.memory_space<vmem>>
      tpu.wait_dma2 semaphore(%run_scoped3A_179 : memref<!tpu.dma_semaphore, #tpu.memory_space<semaphore_mem>>) src(%dma_wait3A_203 : memref<120x128xf32, #tpu.memory_space<vmem>>) dst(%dma_wait3A_199 : memref<120x128xf32, #tpu.memory_space<vmem_shared>>)
      tpu.yield
    }) : () -> ()
    %add3A_29 = arith.constant 480 : i32
    %add3A_30 = arith.addi %mul3A_0, %add3A_29 : i32
    %run_scoped3A_31 = arith.constant 0 : i32
    "tpu.region"() ({
      %run_scoped3A_179 = tpu.sem_alloc : memref<!tpu.dma_semaphore, #tpu.memory_space<semaphore_mem>>
      %dma_start3A_180 = arith.constant 0 : i32
      %dma_start3A_181 = arith.constant 0 : i32
      %dma_start3A_182 = tpu.memref_slice %arg10[%run_scoped3A_31, %dma_start3A_180, %dma_start3A_181] : memref<3x120x128xf32, #tpu.memory_space<vmem>> -> memref<1x120x128xf32, #tpu.memory_space<vmem>>
      %dma_start3A_183 = tpu.memref_squeeze %dma_start3A_182 : memref<1x120x128xf32, #tpu.memory_space<vmem>> -> memref<120x128xf32, #tpu.memory_space<vmem>>
      %dma_start3A_184 = arith.constant 0 : i32
      %dma_start3A_185 = tpu.memref_slice %arg6[%add3A_30, %dma_start3A_184] : memref<10112x128xf32, #tpu.memory_space<vmem_shared>> -> memref<120x128xf32, #tpu.memory_space<vmem_shared>>
      %dma_start3A_186 = arith.constant 0 : i32
      %dma_start3A_187 = tpu.memref_slice %arg6[%add3A_30, %dma_start3A_186] : memref<10112x128xf32, #tpu.memory_space<vmem_shared>> -> memref<120x128xf32, #tpu.memory_space<vmem_shared>>
      %dma_start3A_188 = arith.constant 0 : i32
      %dma_start3A_189 = arith.constant 0 : i32
      %dma_start3A_190 = tpu.memref_slice %arg10[%run_scoped3A_31, %dma_start3A_188, %dma_start3A_189] : memref<3x120x128xf32, #tpu.memory_space<vmem>> -> memref<1x120x128xf32, #tpu.memory_space<vmem>>
      %dma_start3A_191 = tpu.memref_squeeze %dma_start3A_190 : memref<1x120x128xf32, #tpu.memory_space<vmem>> -> memref<120x128xf32, #tpu.memory_space<vmem>>
      tpu.enqueue_dma source(%dma_start3A_191 : memref<120x128xf32, #tpu.memory_space<vmem>>) target(%dma_start3A_187 : memref<120x128xf32, #tpu.memory_space<vmem_shared>>) target_semaphore(%run_scoped3A_179 : memref<!tpu.dma_semaphore, #tpu.memory_space<semaphore_mem>>)
      %dma_wait3A_192 = arith.constant 0 : i32
      %dma_wait3A_193 = arith.constant 0 : i32
      %dma_wait3A_194 = tpu.memref_slice %arg10[%run_scoped3A_31, %dma_wait3A_192, %dma_wait3A_193] : memref<3x120x128xf32, #tpu.memory_space<vmem>> -> memref<1x120x128xf32, #tpu.memory_space<vmem>>
      %dma_wait3A_195 = tpu.memref_squeeze %dma_wait3A_194 : memref<1x120x128xf32, #tpu.memory_space<vmem>> -> memref<120x128xf32, #tpu.memory_space<vmem>>
      %dma_wait3A_196 = arith.constant 0 : i32
      %dma_wait3A_197 = tpu.memref_slice %arg6[%add3A_30, %dma_wait3A_196] : memref<10112x128xf32, #tpu.memory_space<vmem_shared>> -> memref<120x128xf32, #tpu.memory_space<vmem_shared>>
      %dma_wait3A_198 = arith.constant 0 : i32
      %dma_wait3A_199 = tpu.memref_slice %arg6[%add3A_30, %dma_wait3A_198] : memref<10112x128xf32, #tpu.memory_space<vmem_shared>> -> memref<120x128xf32, #tpu.memory_space<vmem_shared>>
      %dma_wait3A_200 = arith.constant 0 : i32
      %dma_wait3A_201 = arith.constant 0 : i32
      %dma_wait3A_202 = tpu.memref_slice %arg10[%run_scoped3A_31, %dma_wait3A_200, %dma_wait3A_201] : memref<3x120x128xf32, #tpu.memory_space<vmem>> -> memref<1x120x128xf32, #tpu.memory_space<vmem>>
      %dma_wait3A_203 = tpu.memref_squeeze %dma_wait3A_202 : memref<1x120x128xf32, #tpu.memory_space<vmem>> -> memref<120x128xf32, #tpu.memory_space<vmem>>
      tpu.wait_dma2 semaphore(%run_scoped3A_179 : memref<!tpu.dma_semaphore, #tpu.memory_space<semaphore_mem>>) src(%dma_wait3A_203 : memref<120x128xf32, #tpu.memory_space<vmem>>) dst(%dma_wait3A_199 : memref<120x128xf32, #tpu.memory_space<vmem_shared>>)
      tpu.yield
    }) : () -> ()
    %add3A_32 = arith.constant 600 : i32
    %add3A_33 = arith.addi %mul3A_0, %add3A_32 : i32
    %run_scoped3A_34 = arith.constant 0 : i32
    "tpu.region"() ({
      %run_scoped3A_179 = tpu.sem_alloc : memref<!tpu.dma_semaphore, #tpu.memory_space<semaphore_mem>>
      %dma_start3A_180 = arith.constant 0 : i32
      %dma_start3A_181 = arith.constant 0 : i32
      %dma_start3A_182 = tpu.memref_slice %arg10[%run_scoped3A_34, %dma_start3A_180, %dma_start3A_181] : memref<3x120x128xf32, #tpu.memory_space<vmem>> -> memref<1x32x128xf32, #tpu.memory_space<vmem>>
      %dma_start3A_183 = tpu.memref_squeeze %dma_start3A_182 : memref<1x32x128xf32, #tpu.memory_space<vmem>> -> memref<32x128xf32, #tpu.memory_space<vmem>>
      %dma_start3A_184 = arith.constant 0 : i32
      %dma_start3A_185 = tpu.memref_slice %arg6[%add3A_33, %dma_start3A_184] : memref<10112x128xf32, #tpu.memory_space<vmem_shared>> -> memref<32x128xf32, #tpu.memory_space<vmem_shared>>
      %dma_start3A_186 = arith.constant 0 : i32
      %dma_start3A_187 = tpu.memref_slice %arg6[%add3A_33, %dma_start3A_186] : memref<10112x128xf32, #tpu.memory_space<vmem_shared>> -> memref<32x128xf32, #tpu.memory_space<vmem_shared>>
      %dma_start3A_188 = arith.constant 0 : i32
      %dma_start3A_189 = arith.constant 0 : i32
      %dma_start3A_190 = tpu.memref_slice %arg10[%run_scoped3A_34, %dma_start3A_188, %dma_start3A_189] : memref<3x120x128xf32, #tpu.memory_space<vmem>> -> memref<1x32x128xf32, #tpu.memory_space<vmem>>
      %dma_start3A_191 = tpu.memref_squeeze %dma_start3A_190 : memref<1x32x128xf32, #tpu.memory_space<vmem>> -> memref<32x128xf32, #tpu.memory_space<vmem>>
      tpu.enqueue_dma source(%dma_start3A_191 : memref<32x128xf32, #tpu.memory_space<vmem>>) target(%dma_start3A_187 : memref<32x128xf32, #tpu.memory_space<vmem_shared>>) target_semaphore(%run_scoped3A_179 : memref<!tpu.dma_semaphore, #tpu.memory_space<semaphore_mem>>)
      %dma_wait3A_192 = arith.constant 0 : i32
      %dma_wait3A_193 = arith.constant 0 : i32
      %dma_wait3A_194 = tpu.memref_slice %arg10[%run_scoped3A_34, %dma_wait3A_192, %dma_wait3A_193] : memref<3x120x128xf32, #tpu.memory_space<vmem>> -> memref<1x32x128xf32, #tpu.memory_space<vmem>>
      %dma_wait3A_195 = tpu.memref_squeeze %dma_wait3A_194 : memref<1x32x128xf32, #tpu.memory_space<vmem>> -> memref<32x128xf32, #tpu.memory_space<vmem>>
      %dma_wait3A_196 = arith.constant 0 : i32
      %dma_wait3A_197 = tpu.memref_slice %arg6[%add3A_33, %dma_wait3A_196] : memref<10112x128xf32, #tpu.memory_space<vmem_shared>> -> memref<32x128xf32, #tpu.memory_space<vmem_shared>>
      %dma_wait3A_198 = arith.constant 0 : i32
      %dma_wait3A_199 = tpu.memref_slice %arg6[%add3A_33, %dma_wait3A_198] : memref<10112x128xf32, #tpu.memory_space<vmem_shared>> -> memref<32x128xf32, #tpu.memory_space<vmem_shared>>
      %dma_wait3A_200 = arith.constant 0 : i32
      %dma_wait3A_201 = arith.constant 0 : i32
      %dma_wait3A_202 = tpu.memref_slice %arg10[%run_scoped3A_34, %dma_wait3A_200, %dma_wait3A_201] : memref<3x120x128xf32, #tpu.memory_space<vmem>> -> memref<1x32x128xf32, #tpu.memory_space<vmem>>
      %dma_wait3A_203 = tpu.memref_squeeze %dma_wait3A_202 : memref<1x32x128xf32, #tpu.memory_space<vmem>> -> memref<32x128xf32, #tpu.memory_space<vmem>>
      tpu.wait_dma2 semaphore(%run_scoped3A_179 : memref<!tpu.dma_semaphore, #tpu.memory_space<semaphore_mem>>) src(%dma_wait3A_203 : memref<32x128xf32, #tpu.memory_space<vmem>>) dst(%dma_wait3A_199 : memref<32x128xf32, #tpu.memory_space<vmem_shared>>)
      tpu.yield
    }) : () -> ()
    %barrier3A = arith.constant 0 : index
    tpu.barrier barrier_id(%barrier3A)
    %run_scoped3A_35 = arith.constant 0 : i32
    "tpu.region"() ({
      %run_scoped3A_179 = tpu.sem_alloc : memref<!tpu.dma_semaphore, #tpu.memory_space<semaphore_mem>>
      %dma_start3A_180 = arith.constant 0 : i32
      %dma_start3A_181 = tpu.memref_slice %arg11[%run_scoped3A_35, %dma_start3A_180] : memref<5x120xi32, #tpu.memory_space<vmem>> -> memref<1x120xi32, #tpu.memory_space<vmem>>
      %dma_start3A_182 = tpu.memref_squeeze %dma_start3A_181 : memref<1x120xi32, #tpu.memory_space<vmem>> -> memref<120xi32, #tpu.memory_space<vmem>>
      %dma_start3A_183 = arith.constant 0 : i32
      %dma_start3A_184 = tpu.memref_slice %arg3[%select_n3A_10, %dma_start3A_183] : memref<2688x120xi32, #tpu.memory_space<hbm>> -> memref<1x120xi32, #tpu.memory_space<hbm>>
      %dma_start3A_185 = tpu.memref_squeeze %dma_start3A_184 : memref<1x120xi32, #tpu.memory_space<hbm>> -> memref<120xi32, #tpu.memory_space<hbm>>
      %dma_start3A_186 = arith.constant 0 : i32
      %dma_start3A_187 = tpu.memref_slice %arg11[%run_scoped3A_35, %dma_start3A_186] : memref<5x120xi32, #tpu.memory_space<vmem>> -> memref<1x120xi32, #tpu.memory_space<vmem>>
      %dma_start3A_188 = tpu.memref_squeeze %dma_start3A_187 : memref<1x120xi32, #tpu.memory_space<vmem>> -> memref<120xi32, #tpu.memory_space<vmem>>
      %dma_start3A_189 = arith.constant 0 : i32
      %dma_start3A_190 = tpu.memref_slice %arg3[%select_n3A_10, %dma_start3A_189] : memref<2688x120xi32, #tpu.memory_space<hbm>> -> memref<1x120xi32, #tpu.memory_space<hbm>>
      %dma_start3A_191 = tpu.memref_squeeze %dma_start3A_190 : memref<1x120xi32, #tpu.memory_space<hbm>> -> memref<120xi32, #tpu.memory_space<hbm>>
      tpu.enqueue_dma source(%dma_start3A_191 : memref<120xi32, #tpu.memory_space<hbm>>) target(%dma_start3A_188 : memref<120xi32, #tpu.memory_space<vmem>>) target_semaphore(%run_scoped3A_179 : memref<!tpu.dma_semaphore, #tpu.memory_space<semaphore_mem>>)
      %dma_wait3A_192 = arith.constant 0 : i32
      %dma_wait3A_193 = tpu.memref_slice %arg11[%run_scoped3A_35, %dma_wait3A_192] : memref<5x120xi32, #tpu.memory_space<vmem>> -> memref<1x120xi32, #tpu.memory_space<vmem>>
      %dma_wait3A_194 = tpu.memref_squeeze %dma_wait3A_193 : memref<1x120xi32, #tpu.memory_space<vmem>> -> memref<120xi32, #tpu.memory_space<vmem>>
      %dma_wait3A_195 = arith.constant 0 : i32
      %dma_wait3A_196 = tpu.memref_slice %arg3[%select_n3A_10, %dma_wait3A_195] : memref<2688x120xi32, #tpu.memory_space<hbm>> -> memref<1x120xi32, #tpu.memory_space<hbm>>
      %dma_wait3A_197 = tpu.memref_squeeze %dma_wait3A_196 : memref<1x120xi32, #tpu.memory_space<hbm>> -> memref<120xi32, #tpu.memory_space<hbm>>
      %dma_wait3A_198 = arith.constant 0 : i32
      %dma_wait3A_199 = tpu.memref_slice %arg11[%run_scoped3A_35, %dma_wait3A_198] : memref<5x120xi32, #tpu.memory_space<vmem>> -> memref<1x120xi32, #tpu.memory_space<vmem>>
      %dma_wait3A_200 = tpu.memref_squeeze %dma_wait3A_199 : memref<1x120xi32, #tpu.memory_space<vmem>> -> memref<120xi32, #tpu.memory_space<vmem>>
      %dma_wait3A_201 = arith.constant 0 : i32
      %dma_wait3A_202 = tpu.memref_slice %arg3[%select_n3A_10, %dma_wait3A_201] : memref<2688x120xi32, #tpu.memory_space<hbm>> -> memref<1x120xi32, #tpu.memory_space<hbm>>
      %dma_wait3A_203 = tpu.memref_squeeze %dma_wait3A_202 : memref<1x120xi32, #tpu.memory_space<hbm>> -> memref<120xi32, #tpu.memory_space<hbm>>
      tpu.wait_dma2 semaphore(%run_scoped3A_179 : memref<!tpu.dma_semaphore, #tpu.memory_space<semaphore_mem>>) src(%dma_wait3A_203 : memref<120xi32, #tpu.memory_space<hbm>>) dst(%dma_wait3A_200 : memref<120xi32, #tpu.memory_space<vmem>>)
      tpu.yield
    }) : () -> ()
    %run_scoped3A_36 = arith.constant 0 : i32
    "tpu.region"() ({
      %run_scoped3A_179 = tpu.sem_alloc : memref<!tpu.dma_semaphore, #tpu.memory_space<semaphore_mem>>
      %dma_start3A_180 = arith.constant 0 : i32
      %dma_start3A_181 = tpu.memref_slice %arg7[%run_scoped3A_36, %dma_start3A_180] : memref<5x120xi32, #tpu.memory_space<vmem>> -> memref<1x120xi32, #tpu.memory_space<vmem>>
      %dma_start3A_182 = tpu.memref_squeeze %dma_start3A_181 : memref<1x120xi32, #tpu.memory_space<vmem>> -> memref<120xi32, #tpu.memory_space<vmem>>
      %dma_start3A_183 = arith.constant 0 : i32
      %dma_start3A_184 = tpu.memref_slice %arg4[%select_n3A_10, %dma_start3A_183] : memref<2688x120xi32, #tpu.memory_space<hbm>> -> memref<1x120xi32, #tpu.memory_space<hbm>>
      %dma_start3A_185 = tpu.memref_squeeze %dma_start3A_184 : memref<1x120xi32, #tpu.memory_space<hbm>> -> memref<120xi32, #tpu.memory_space<hbm>>
      %dma_start3A_186 = arith.constant 0 : i32
      %dma_start3A_187 = tpu.memref_slice %arg7[%run_scoped3A_36, %dma_start3A_186] : memref<5x120xi32, #tpu.memory_space<vmem>> -> memref<1x120xi32, #tpu.memory_space<vmem>>
      %dma_start3A_188 = tpu.memref_squeeze %dma_start3A_187 : memref<1x120xi32, #tpu.memory_space<vmem>> -> memref<120xi32, #tpu.memory_space<vmem>>
      %dma_start3A_189 = arith.constant 0 : i32
      %dma_start3A_190 = tpu.memref_slice %arg4[%select_n3A_10, %dma_start3A_189] : memref<2688x120xi32, #tpu.memory_space<hbm>> -> memref<1x120xi32, #tpu.memory_space<hbm>>
      %dma_start3A_191 = tpu.memref_squeeze %dma_start3A_190 : memref<1x120xi32, #tpu.memory_space<hbm>> -> memref<120xi32, #tpu.memory_space<hbm>>
      tpu.enqueue_dma source(%dma_start3A_191 : memref<120xi32, #tpu.memory_space<hbm>>) target(%dma_start3A_188 : memref<120xi32, #tpu.memory_space<vmem>>) target_semaphore(%run_scoped3A_179 : memref<!tpu.dma_semaphore, #tpu.memory_space<semaphore_mem>>)
      %dma_wait3A_192 = arith.constant 0 : i32
      %dma_wait3A_193 = tpu.memref_slice %arg7[%run_scoped3A_36, %dma_wait3A_192] : memref<5x120xi32, #tpu.memory_space<vmem>> -> memref<1x120xi32, #tpu.memory_space<vmem>>
      %dma_wait3A_194 = tpu.memref_squeeze %dma_wait3A_193 : memref<1x120xi32, #tpu.memory_space<vmem>> -> memref<120xi32, #tpu.memory_space<vmem>>
      %dma_wait3A_195 = arith.constant 0 : i32
      %dma_wait3A_196 = tpu.memref_slice %arg4[%select_n3A_10, %dma_wait3A_195] : memref<2688x120xi32, #tpu.memory_space<hbm>> -> memref<1x120xi32, #tpu.memory_space<hbm>>
      %dma_wait3A_197 = tpu.memref_squeeze %dma_wait3A_196 : memref<1x120xi32, #tpu.memory_space<hbm>> -> memref<120xi32, #tpu.memory_space<hbm>>
      %dma_wait3A_198 = arith.constant 0 : i32
      %dma_wait3A_199 = tpu.memref_slice %arg7[%run_scoped3A_36, %dma_wait3A_198] : memref<5x120xi32, #tpu.memory_space<vmem>> -> memref<1x120xi32, #tpu.memory_space<vmem>>
      %dma_wait3A_200 = tpu.memref_squeeze %dma_wait3A_199 : memref<1x120xi32, #tpu.memory_space<vmem>> -> memref<120xi32, #tpu.memory_space<vmem>>
      %dma_wait3A_201 = arith.constant 0 : i32
      %dma_wait3A_202 = tpu.memref_slice %arg4[%select_n3A_10, %dma_wait3A_201] : memref<2688x120xi32, #tpu.memory_space<hbm>> -> memref<1x120xi32, #tpu.memory_space<hbm>>
      %dma_wait3A_203 = tpu.memref_squeeze %dma_wait3A_202 : memref<1x120xi32, #tpu.memory_space<hbm>> -> memref<120xi32, #tpu.memory_space<hbm>>
      tpu.wait_dma2 semaphore(%run_scoped3A_179 : memref<!tpu.dma_semaphore, #tpu.memory_space<semaphore_mem>>) src(%dma_wait3A_203 : memref<120xi32, #tpu.memory_space<hbm>>) dst(%dma_wait3A_200 : memref<120xi32, #tpu.memory_space<vmem>>)
      tpu.yield
    }) : () -> ()
    %add3A_37 = arith.constant 1 : i32
    %add3A_38 = arith.addi %select_n3A_10, %add3A_37 : i32
    %dma_start3A = arith.constant 1 : i32
    %dma_start3A_39 = arith.constant 1 : i32
    %dma_start3A_40 = arith.constant 0 : i32
    %dma_start3A_41 = tpu.memref_slice %arg11[%dma_start3A, %dma_start3A_40] : memref<5x120xi32, #tpu.memory_space<vmem>> -> memref<1x120xi32, #tpu.memory_space<vmem>>
    %dma_start3A_42 = tpu.memref_squeeze %dma_start3A_41 : memref<1x120xi32, #tpu.memory_space<vmem>> -> memref<120xi32, #tpu.memory_space<vmem>>
    %dma_start3A_43 = arith.constant 0 : i32
    %dma_start3A_44 = tpu.memref_slice %arg3[%add3A_38, %dma_start3A_43] : memref<2688x120xi32, #tpu.memory_space<hbm>> -> memref<1x120xi32, #tpu.memory_space<hbm>>
    %dma_start3A_45 = tpu.memref_squeeze %dma_start3A_44 : memref<1x120xi32, #tpu.memory_space<hbm>> -> memref<120xi32, #tpu.memory_space<hbm>>
    %dma_start3A_46 = tpu.memref_slice %arg9[%dma_start3A_39] : memref<5x!tpu.dma_semaphore, #tpu.memory_space<semaphore_mem>> -> memref<1x!tpu.dma_semaphore, #tpu.memory_space<semaphore_mem>>
    %dma_start3A_47 = tpu.memref_squeeze %dma_start3A_46 : memref<1x!tpu.dma_semaphore, #tpu.memory_space<semaphore_mem>> -> memref<!tpu.dma_semaphore, #tpu.memory_space<semaphore_mem>>
    %dma_start3A_48 = arith.constant 0 : i32
    %dma_start3A_49 = tpu.memref_slice %arg11[%dma_start3A, %dma_start3A_48] : memref<5x120xi32, #tpu.memory_space<vmem>> -> memref<1x120xi32, #tpu.memory_space<vmem>>
    %dma_start3A_50 = tpu.memref_squeeze %dma_start3A_49 : memref<1x120xi32, #tpu.memory_space<vmem>> -> memref<120xi32, #tpu.memory_space<vmem>>
    %dma_start3A_51 = arith.constant 0 : i32
    %dma_start3A_52 = tpu.memref_slice %arg3[%add3A_38, %dma_start3A_51] : memref<2688x120xi32, #tpu.memory_space<hbm>> -> memref<1x120xi32, #tpu.memory_space<hbm>>
    %dma_start3A_53 = tpu.memref_squeeze %dma_start3A_52 : memref<1x120xi32, #tpu.memory_space<hbm>> -> memref<120xi32, #tpu.memory_space<hbm>>
    tpu.enqueue_dma source(%dma_start3A_53 : memref<120xi32, #tpu.memory_space<hbm>>) target(%dma_start3A_50 : memref<120xi32, #tpu.memory_space<vmem>>) target_semaphore(%dma_start3A_47 : memref<!tpu.dma_semaphore, #tpu.memory_space<semaphore_mem>>)
    %add3A_54 = arith.constant 1 : i32
    %add3A_55 = arith.addi %select_n3A_10, %add3A_54 : i32
    %dma_start3A_56 = arith.constant 1 : i32
    %dma_start3A_57 = arith.constant 1 : i32
    %dma_start3A_58 = arith.constant 0 : i32
    %dma_start3A_59 = tpu.memref_slice %arg7[%dma_start3A_56, %dma_start3A_58] : memref<5x120xi32, #tpu.memory_space<vmem>> -> memref<1x120xi32, #tpu.memory_space<vmem>>
    %dma_start3A_60 = tpu.memref_squeeze %dma_start3A_59 : memref<1x120xi32, #tpu.memory_space<vmem>> -> memref<120xi32, #tpu.memory_space<vmem>>
    %dma_start3A_61 = arith.constant 0 : i32
    %dma_start3A_62 = tpu.memref_slice %arg4[%add3A_55, %dma_start3A_61] : memref<2688x120xi32, #tpu.memory_space<hbm>> -> memref<1x120xi32, #tpu.memory_space<hbm>>
    %dma_start3A_63 = tpu.memref_squeeze %dma_start3A_62 : memref<1x120xi32, #tpu.memory_space<hbm>> -> memref<120xi32, #tpu.memory_space<hbm>>
    %dma_start3A_64 = tpu.memref_slice %arg9[%dma_start3A_57] : memref<5x!tpu.dma_semaphore, #tpu.memory_space<semaphore_mem>> -> memref<1x!tpu.dma_semaphore, #tpu.memory_space<semaphore_mem>>
    %dma_start3A_65 = tpu.memref_squeeze %dma_start3A_64 : memref<1x!tpu.dma_semaphore, #tpu.memory_space<semaphore_mem>> -> memref<!tpu.dma_semaphore, #tpu.memory_space<semaphore_mem>>
    %dma_start3A_66 = arith.constant 0 : i32
    %dma_start3A_67 = tpu.memref_slice %arg7[%dma_start3A_56, %dma_start3A_66] : memref<5x120xi32, #tpu.memory_space<vmem>> -> memref<1x120xi32, #tpu.memory_space<vmem>>
    %dma_start3A_68 = tpu.memref_squeeze %dma_start3A_67 : memref<1x120xi32, #tpu.memory_space<vmem>> -> memref<120xi32, #tpu.memory_space<vmem>>
    %dma_start3A_69 = arith.constant 0 : i32
    %dma_start3A_70 = tpu.memref_slice %arg4[%add3A_55, %dma_start3A_69] : memref<2688x120xi32, #tpu.memory_space<hbm>> -> memref<1x120xi32, #tpu.memory_space<hbm>>
    %dma_start3A_71 = tpu.memref_squeeze %dma_start3A_70 : memref<1x120xi32, #tpu.memory_space<hbm>> -> memref<120xi32, #tpu.memory_space<hbm>>
    tpu.enqueue_dma source(%dma_start3A_71 : memref<120xi32, #tpu.memory_space<hbm>>) target(%dma_start3A_68 : memref<120xi32, #tpu.memory_space<vmem>>) target_semaphore(%dma_start3A_65 : memref<!tpu.dma_semaphore, #tpu.memory_space<semaphore_mem>>)
    %add3A_72 = arith.constant 2 : i32
    %add3A_73 = arith.addi %select_n3A_10, %add3A_72 : i32
    %dma_start3A_74 = arith.constant 2 : i32
    %dma_start3A_75 = arith.constant 2 : i32
    %dma_start3A_76 = arith.constant 0 : i32
    %dma_start3A_77 = tpu.memref_slice %arg11[%dma_start3A_74, %dma_start3A_76] : memref<5x120xi32, #tpu.memory_space<vmem>> -> memref<1x120xi32, #tpu.memory_space<vmem>>
    %dma_start3A_78 = tpu.memref_squeeze %dma_start3A_77 : memref<1x120xi32, #tpu.memory_space<vmem>> -> memref<120xi32, #tpu.memory_space<vmem>>
    %dma_start3A_79 = arith.constant 0 : i32
    %dma_start3A_80 = tpu.memref_slice %arg3[%add3A_73, %dma_start3A_79] : memref<2688x120xi32, #tpu.memory_space<hbm>> -> memref<1x120xi32, #tpu.memory_space<hbm>>
    %dma_start3A_81 = tpu.memref_squeeze %dma_start3A_80 : memref<1x120xi32, #tpu.memory_space<hbm>> -> memref<120xi32, #tpu.memory_space<hbm>>
    %dma_start3A_82 = tpu.memref_slice %arg9[%dma_start3A_75] : memref<5x!tpu.dma_semaphore, #tpu.memory_space<semaphore_mem>> -> memref<1x!tpu.dma_semaphore, #tpu.memory_space<semaphore_mem>>
    %dma_start3A_83 = tpu.memref_squeeze %dma_start3A_82 : memref<1x!tpu.dma_semaphore, #tpu.memory_space<semaphore_mem>> -> memref<!tpu.dma_semaphore, #tpu.memory_space<semaphore_mem>>
    %dma_start3A_84 = arith.constant 0 : i32
    %dma_start3A_85 = tpu.memref_slice %arg11[%dma_start3A_74, %dma_start3A_84] : memref<5x120xi32, #tpu.memory_space<vmem>> -> memref<1x120xi32, #tpu.memory_space<vmem>>
    %dma_start3A_86 = tpu.memref_squeeze %dma_start3A_85 : memref<1x120xi32, #tpu.memory_space<vmem>> -> memref<120xi32, #tpu.memory_space<vmem>>
    %dma_start3A_87 = arith.constant 0 : i32
    %dma_start3A_88 = tpu.memref_slice %arg3[%add3A_73, %dma_start3A_87] : memref<2688x120xi32, #tpu.memory_space<hbm>> -> memref<1x120xi32, #tpu.memory_space<hbm>>
    %dma_start3A_89 = tpu.memref_squeeze %dma_start3A_88 : memref<1x120xi32, #tpu.memory_space<hbm>> -> memref<120xi32, #tpu.memory_space<hbm>>
    tpu.enqueue_dma source(%dma_start3A_89 : memref<120xi32, #tpu.memory_space<hbm>>) target(%dma_start3A_86 : memref<120xi32, #tpu.memory_space<vmem>>) target_semaphore(%dma_start3A_83 : memref<!tpu.dma_semaphore, #tpu.memory_space<semaphore_mem>>)
    %add3A_90 = arith.constant 2 : i32
    %add3A_91 = arith.addi %select_n3A_10, %add3A_90 : i32
    %dma_start3A_92 = arith.constant 2 : i32
    %dma_start3A_93 = arith.constant 2 : i32
    %dma_start3A_94 = arith.constant 0 : i32
    %dma_start3A_95 = tpu.memref_slice %arg7[%dma_start3A_92, %dma_start3A_94] : memref<5x120xi32, #tpu.memory_space<vmem>> -> memref<1x120xi32, #tpu.memory_space<vmem>>
    %dma_start3A_96 = tpu.memref_squeeze %dma_start3A_95 : memref<1x120xi32, #tpu.memory_space<vmem>> -> memref<120xi32, #tpu.memory_space<vmem>>
    %dma_start3A_97 = arith.constant 0 : i32
    %dma_start3A_98 = tpu.memref_slice %arg4[%add3A_91, %dma_start3A_97] : memref<2688x120xi32, #tpu.memory_space<hbm>> -> memref<1x120xi32, #tpu.memory_space<hbm>>
    %dma_start3A_99 = tpu.memref_squeeze %dma_start3A_98 : memref<1x120xi32, #tpu.memory_space<hbm>> -> memref<120xi32, #tpu.memory_space<hbm>>
    %dma_start3A_100 = tpu.memref_slice %arg9[%dma_start3A_93] : memref<5x!tpu.dma_semaphore, #tpu.memory_space<semaphore_mem>> -> memref<1x!tpu.dma_semaphore, #tpu.memory_space<semaphore_mem>>
    %dma_start3A_101 = tpu.memref_squeeze %dma_start3A_100 : memref<1x!tpu.dma_semaphore, #tpu.memory_space<semaphore_mem>> -> memref<!tpu.dma_semaphore, #tpu.memory_space<semaphore_mem>>
    %dma_start3A_102 = arith.constant 0 : i32
    %dma_start3A_103 = tpu.memref_slice %arg7[%dma_start3A_92, %dma_start3A_102] : memref<5x120xi32, #tpu.memory_space<vmem>> -> memref<1x120xi32, #tpu.memory_space<vmem>>
    %dma_start3A_104 = tpu.memref_squeeze %dma_start3A_103 : memref<1x120xi32, #tpu.memory_space<vmem>> -> memref<120xi32, #tpu.memory_space<vmem>>
    %dma_start3A_105 = arith.constant 0 : i32
    %dma_start3A_106 = tpu.memref_slice %arg4[%add3A_91, %dma_start3A_105] : memref<2688x120xi32, #tpu.memory_space<hbm>> -> memref<1x120xi32, #tpu.memory_space<hbm>>
    %dma_start3A_107 = tpu.memref_squeeze %dma_start3A_106 : memref<1x120xi32, #tpu.memory_space<hbm>> -> memref<120xi32, #tpu.memory_space<hbm>>
    tpu.enqueue_dma source(%dma_start3A_107 : memref<120xi32, #tpu.memory_space<hbm>>) target(%dma_start3A_104 : memref<120xi32, #tpu.memory_space<vmem>>) target_semaphore(%dma_start3A_101 : memref<!tpu.dma_semaphore, #tpu.memory_space<semaphore_mem>>)
    %dma_start3A_108 = arith.constant 0 : i32
    %dma_start3A_109 = arith.constant 0 : i32
    %dma_start3A_110 = arith.constant 0 : i32
    %dma_start3A_111 = arith.constant 0 : i32
    %dma_start3A_112 = arith.constant 0 : i32
    %dma_start3A_113 = tpu.memref_slice %arg10[%dma_start3A_109, %dma_start3A_111, %dma_start3A_112] : memref<3x120x128xf32, #tpu.memory_space<vmem>> -> memref<1x120x128xf32, #tpu.memory_space<vmem>>
    %dma_start3A_114 = tpu.memref_squeeze %dma_start3A_113 : memref<1x120x128xf32, #tpu.memory_space<vmem>> -> memref<120x128xf32, #tpu.memory_space<vmem>>
    %dma_start3A_115 = arith.constant 0 : i32
    %dma_start3A_116 = tpu.memref_slice %arg11[%dma_start3A_108, %dma_start3A_115] : memref<5x120xi32, #tpu.memory_space<vmem>> -> memref<1x120xi32, #tpu.memory_space<vmem>>
    %dma_start3A_117 = tpu.memref_squeeze %dma_start3A_116 : memref<1x120xi32, #tpu.memory_space<vmem>> -> memref<120xi32, #tpu.memory_space<vmem>>
    %dma_start3A_118 = arith.constant 0 : i32
    %dma_start3A_119 = arith.constant 0 : i32
    %dma_start3A_120 = tpu.memref_slice %arg2[%dma_start3A_118, %dma_start3A_119] : memref<10240x128xf32, #tpu.memory_space<hbm>> -> memref<10240x128xf32, #tpu.memory_space<hbm>>
    %dma_start3A_121 = tpu.memref_slice %arg8[%dma_start3A_110] : memref<3x!tpu.dma_semaphore, #tpu.memory_space<semaphore_mem>> -> memref<1x!tpu.dma_semaphore, #tpu.memory_space<semaphore_mem>>
    %dma_start3A_122 = tpu.memref_squeeze %dma_start3A_121 : memref<1x!tpu.dma_semaphore, #tpu.memory_space<semaphore_mem>> -> memref<!tpu.dma_semaphore, #tpu.memory_space<semaphore_mem>>
    tpu.enqueue_indirect_dma source(%dma_start3A_120 : memref<10240x128xf32, #tpu.memory_space<hbm>>) target(%dma_start3A_114 : memref<120x128xf32, #tpu.memory_space<vmem>>) offsets(%dma_start3A_117 : memref<120xi32, #tpu.memory_space<vmem>>) semaphore(%dma_start3A_122 : memref<!tpu.dma_semaphore, #tpu.memory_space<semaphore_mem>>)
    %while3A = arith.constant 0 : i32
    %while3A_123 = arith.constant 0 : i32
    %while3A_124 = arith.subi %select_n3A, %while3A : i32
    %while3A_125 = arith.addi %while3A, %while3A_124 : i32
    %while3A_126 = arith.constant 1 : i32
    %while3A_127 = arith.divsi %while3A_124, %while3A_126 : i32
    %while3A_128 = arith.muli %while3A_127, %while3A_126 : i32
    %while3A_129 = arith.addi %while3A, %while3A_128 : i32
    %while3A_130 = arith.constant 1 : i32
    %while3A_131 = scf.for %while3A_179 = %while3A to %while3A_129 step %while3A_130 iter_args(%while3A_180 = %while3A_123) -> (i32)  : i32 {
      %rem3A = arith.constant 3 : i32
      %rem3A_181 = arith.remsi %while3A_179, %rem3A : i32
      %add3A_182 = arith.constant 1 : i32
      %add3A_183 = arith.addi %while3A_179, %add3A_182 : i32
      %rem3A_184 = arith.constant 3 : i32
      %rem3A_185 = arith.remsi %add3A_183, %rem3A_184 : i32
      %add3A_186 = arith.constant 1 : i32
      %add3A_187 = arith.addi %while3A_179, %add3A_186 : i32
      %rem3A_188 = arith.constant 5 : i32
      %rem3A_189 = arith.remsi %add3A_187, %rem3A_188 : i32
      %add3A_190 = arith.constant 3 : i32
      %add3A_191 = arith.addi %while3A_179, %add3A_190 : i32
      %rem3A_192 = arith.constant 5 : i32
      %rem3A_193 = arith.remsi %add3A_191, %rem3A_192 : i32
      %ge3A = arith.constant 2 : i32
      %ge3A_194 = arith.cmpi sge, %while3A_179, %ge3A : i32
      %sub3A = arith.constant 2 : i32
      %sub3A_195 = arith.subi %select_n3A, %sub3A : i32
      %le3A = arith.cmpi sle, %while3A_179, %sub3A_195 : i32
      %and3A = arith.andi %ge3A_194, %le3A : i1
      %convert_element_type3A = arith.extui %and3A : i1 to i32
      %cond3A = arith.constant 0 : i32
      %cond3A_196 = arith.cmpi ne, %convert_element_type3A, %cond3A : i32
      scf.if %cond3A_196 {
        %dma_wait3A_236 = arith.constant 0 : i32
        %dma_wait3A_237 = arith.constant 0 : i32
        %dma_wait3A_238 = arith.constant 0 : i32
        %dma_wait3A_239 = tpu.memref_slice %arg10[%rem3A_185, %dma_wait3A_237, %dma_wait3A_238] : memref<3x120x128xf32, #tpu.memory_space<vmem>> -> memref<1x120x128xf32, #tpu.memory_space<vmem>>
        %dma_wait3A_240 = tpu.memref_squeeze %dma_wait3A_239 : memref<1x120x128xf32, #tpu.memory_space<vmem>> -> memref<120x128xf32, #tpu.memory_space<vmem>>
        %dma_wait3A_241 = arith.constant 0 : i32
        %dma_wait3A_242 = tpu.memref_slice %arg7[%dma_wait3A_236, %dma_wait3A_241] : memref<5x120xi32, #tpu.memory_space<vmem>> -> memref<1x120xi32, #tpu.memory_space<vmem>>
        %dma_wait3A_243 = tpu.memref_squeeze %dma_wait3A_242 : memref<1x120xi32, #tpu.memory_space<vmem>> -> memref<120xi32, #tpu.memory_space<vmem>>
        %dma_wait3A_244 = arith.constant 0 : i32
        %dma_wait3A_245 = arith.constant 0 : i32
        %dma_wait3A_246 = tpu.memref_slice %arg6[%dma_wait3A_244, %dma_wait3A_245] : memref<10112x128xf32, #tpu.memory_space<vmem_shared>> -> memref<10112x128xf32, #tpu.memory_space<vmem_shared>>
        %dma_wait3A_247 = tpu.memref_slice %arg12[%rem3A_185] : memref<3x!tpu.dma_semaphore, #tpu.memory_space<semaphore_mem>> -> memref<1x!tpu.dma_semaphore, #tpu.memory_space<semaphore_mem>>
        %dma_wait3A_248 = tpu.memref_squeeze %dma_wait3A_247 : memref<1x!tpu.dma_semaphore, #tpu.memory_space<semaphore_mem>> -> memref<!tpu.dma_semaphore, #tpu.memory_space<semaphore_mem>>
        tpu.wait_indirect_dma semaphore(%dma_wait3A_248 : memref<!tpu.dma_semaphore, #tpu.memory_space<semaphore_mem>>) src(%dma_wait3A_240 : memref<120x128xf32, #tpu.memory_space<vmem>>) dst(%dma_wait3A_246 : memref<10112x128xf32, #tpu.memory_space<vmem_shared>>)
      } else {
      }
      %sub3A_197 = arith.constant 4 : i32
      %sub3A_198 = arith.subi %select_n3A, %sub3A_197 : i32
      %le3A_199 = arith.cmpi sle, %while3A_179, %sub3A_198 : i32
      %convert_element_type3A_200 = arith.extui %le3A_199 : i1 to i32
      %cond3A_201 = arith.constant 0 : i32
      %cond3A_202 = arith.cmpi ne, %convert_element_type3A_200, %cond3A_201 : i32
      scf.if %cond3A_202 {
        %add3A_236 = arith.addi %select_n3A_10, %while3A_179 : i32
        %add3A_237 = arith.constant 3 : i32
        %add3A_238 = arith.addi %add3A_236, %add3A_237 : i32
        %dma_start3A_239 = arith.constant 0 : i32
        %dma_start3A_240 = tpu.memref_slice %arg11[%rem3A_193, %dma_start3A_239] : memref<5x120xi32, #tpu.memory_space<vmem>> -> memref<1x120xi32, #tpu.memory_space<vmem>>
        %dma_start3A_241 = tpu.memref_squeeze %dma_start3A_240 : memref<1x120xi32, #tpu.memory_space<vmem>> -> memref<120xi32, #tpu.memory_space<vmem>>
        %dma_start3A_242 = arith.constant 0 : i32
        %dma_start3A_243 = tpu.memref_slice %arg3[%add3A_238, %dma_start3A_242] : memref<2688x120xi32, #tpu.memory_space<hbm>> -> memref<1x120xi32, #tpu.memory_space<hbm>>
        %dma_start3A_244 = tpu.memref_squeeze %dma_start3A_243 : memref<1x120xi32, #tpu.memory_space<hbm>> -> memref<120xi32, #tpu.memory_space<hbm>>
        %dma_start3A_245 = tpu.memref_slice %arg9[%rem3A_193] : memref<5x!tpu.dma_semaphore, #tpu.memory_space<semaphore_mem>> -> memref<1x!tpu.dma_semaphore, #tpu.memory_space<semaphore_mem>>
        %dma_start3A_246 = tpu.memref_squeeze %dma_start3A_245 : memref<1x!tpu.dma_semaphore, #tpu.memory_space<semaphore_mem>> -> memref<!tpu.dma_semaphore, #tpu.memory_space<semaphore_mem>>
        %dma_start3A_247 = arith.constant 0 : i32
        %dma_start3A_248 = tpu.memref_slice %arg11[%rem3A_193, %dma_start3A_247] : memref<5x120xi32, #tpu.memory_space<vmem>> -> memref<1x120xi32, #tpu.memory_space<vmem>>
        %dma_start3A_249 = tpu.memref_squeeze %dma_start3A_248 : memref<1x120xi32, #tpu.memory_space<vmem>> -> memref<120xi32, #tpu.memory_space<vmem>>
        %dma_start3A_250 = arith.constant 0 : i32
        %dma_start3A_251 = tpu.memref_slice %arg3[%add3A_238, %dma_start3A_250] : memref<2688x120xi32, #tpu.memory_space<hbm>> -> memref<1x120xi32, #tpu.memory_space<hbm>>
        %dma_start3A_252 = tpu.memref_squeeze %dma_start3A_251 : memref<1x120xi32, #tpu.memory_space<hbm>> -> memref<120xi32, #tpu.memory_space<hbm>>
        tpu.enqueue_dma source(%dma_start3A_252 : memref<120xi32, #tpu.memory_space<hbm>>) target(%dma_start3A_249 : memref<120xi32, #tpu.memory_space<vmem>>) target_semaphore(%dma_start3A_246 : memref<!tpu.dma_semaphore, #tpu.memory_space<semaphore_mem>>)
        %add3A_253 = arith.addi %select_n3A_10, %while3A_179 : i32
        %add3A_254 = arith.constant 3 : i32
        %add3A_255 = arith.addi %add3A_253, %add3A_254 : i32
        %dma_start3A_256 = arith.constant 0 : i32
        %dma_start3A_257 = tpu.memref_slice %arg7[%rem3A_193, %dma_start3A_256] : memref<5x120xi32, #tpu.memory_space<vmem>> -> memref<1x120xi32, #tpu.memory_space<vmem>>
        %dma_start3A_258 = tpu.memref_squeeze %dma_start3A_257 : memref<1x120xi32, #tpu.memory_space<vmem>> -> memref<120xi32, #tpu.memory_space<vmem>>
        %dma_start3A_259 = arith.constant 0 : i32
        %dma_start3A_260 = tpu.memref_slice %arg4[%add3A_255, %dma_start3A_259] : memref<2688x120xi32, #tpu.memory_space<hbm>> -> memref<1x120xi32, #tpu.memory_space<hbm>>
        %dma_start3A_261 = tpu.memref_squeeze %dma_start3A_260 : memref<1x120xi32, #tpu.memory_space<hbm>> -> memref<120xi32, #tpu.memory_space<hbm>>
        %dma_start3A_262 = tpu.memref_slice %arg9[%rem3A_193] : memref<5x!tpu.dma_semaphore, #tpu.memory_space<semaphore_mem>> -> memref<1x!tpu.dma_semaphore, #tpu.memory_space<semaphore_mem>>
        %dma_start3A_263 = tpu.memref_squeeze %dma_start3A_262 : memref<1x!tpu.dma_semaphore, #tpu.memory_space<semaphore_mem>> -> memref<!tpu.dma_semaphore, #tpu.memory_space<semaphore_mem>>
        %dma_start3A_264 = arith.constant 0 : i32
        %dma_start3A_265 = tpu.memref_slice %arg7[%rem3A_193, %dma_start3A_264] : memref<5x120xi32, #tpu.memory_space<vmem>> -> memref<1x120xi32, #tpu.memory_space<vmem>>
        %dma_start3A_266 = tpu.memref_squeeze %dma_start3A_265 : memref<1x120xi32, #tpu.memory_space<vmem>> -> memref<120xi32, #tpu.memory_space<vmem>>
        %dma_start3A_267 = arith.constant 0 : i32
        %dma_start3A_268 = tpu.memref_slice %arg4[%add3A_255, %dma_start3A_267] : memref<2688x120xi32, #tpu.memory_space<hbm>> -> memref<1x120xi32, #tpu.memory_space<hbm>>
        %dma_start3A_269 = tpu.memref_squeeze %dma_start3A_268 : memref<1x120xi32, #tpu.memory_space<hbm>> -> memref<120xi32, #tpu.memory_space<hbm>>
        tpu.enqueue_dma source(%dma_start3A_269 : memref<120xi32, #tpu.memory_space<hbm>>) target(%dma_start3A_266 : memref<120xi32, #tpu.memory_space<vmem>>) target_semaphore(%dma_start3A_263 : memref<!tpu.dma_semaphore, #tpu.memory_space<semaphore_mem>>)
      } else {
      }
      %sub3A_203 = arith.constant 2 : i32
      %sub3A_204 = arith.subi %select_n3A, %sub3A_203 : i32
      %le3A_205 = arith.cmpi sle, %while3A_179, %sub3A_204 : i32
      %convert_element_type3A_206 = arith.extui %le3A_205 : i1 to i32
      %cond3A_207 = arith.constant 0 : i32
      %cond3A_208 = arith.cmpi ne, %convert_element_type3A_206, %cond3A_207 : i32
      scf.if %cond3A_208 {
        %add3A_236 = arith.addi %select_n3A_10, %while3A_179 : i32
        %add3A_237 = arith.constant 1 : i32
        %add3A_238 = arith.addi %add3A_236, %add3A_237 : i32
        %dma_wait3A_239 = arith.constant 0 : i32
        %dma_wait3A_240 = tpu.memref_slice %arg11[%rem3A_189, %dma_wait3A_239] : memref<5x120xi32, #tpu.memory_space<vmem>> -> memref<1x120xi32, #tpu.memory_space<vmem>>
        %dma_wait3A_241 = tpu.memref_squeeze %dma_wait3A_240 : memref<1x120xi32, #tpu.memory_space<vmem>> -> memref<120xi32, #tpu.memory_space<vmem>>
        %dma_wait3A_242 = arith.constant 0 : i32
        %dma_wait3A_243 = tpu.memref_slice %arg3[%add3A_238, %dma_wait3A_242] : memref<2688x120xi32, #tpu.memory_space<hbm>> -> memref<1x120xi32, #tpu.memory_space<hbm>>
        %dma_wait3A_244 = tpu.memref_squeeze %dma_wait3A_243 : memref<1x120xi32, #tpu.memory_space<hbm>> -> memref<120xi32, #tpu.memory_space<hbm>>
        %dma_wait3A_245 = tpu.memref_slice %arg9[%rem3A_189] : memref<5x!tpu.dma_semaphore, #tpu.memory_space<semaphore_mem>> -> memref<1x!tpu.dma_semaphore, #tpu.memory_space<semaphore_mem>>
        %dma_wait3A_246 = tpu.memref_squeeze %dma_wait3A_245 : memref<1x!tpu.dma_semaphore, #tpu.memory_space<semaphore_mem>> -> memref<!tpu.dma_semaphore, #tpu.memory_space<semaphore_mem>>
        %dma_wait3A_247 = arith.constant 0 : i32
        %dma_wait3A_248 = tpu.memref_slice %arg11[%rem3A_189, %dma_wait3A_247] : memref<5x120xi32, #tpu.memory_space<vmem>> -> memref<1x120xi32, #tpu.memory_space<vmem>>
        %dma_wait3A_249 = tpu.memref_squeeze %dma_wait3A_248 : memref<1x120xi32, #tpu.memory_space<vmem>> -> memref<120xi32, #tpu.memory_space<vmem>>
        %dma_wait3A_250 = arith.constant 0 : i32
        %dma_wait3A_251 = tpu.memref_slice %arg3[%add3A_238, %dma_wait3A_250] : memref<2688x120xi32, #tpu.memory_space<hbm>> -> memref<1x120xi32, #tpu.memory_space<hbm>>
        %dma_wait3A_252 = tpu.memref_squeeze %dma_wait3A_251 : memref<1x120xi32, #tpu.memory_space<hbm>> -> memref<120xi32, #tpu.memory_space<hbm>>
        tpu.wait_dma2 semaphore(%dma_wait3A_246 : memref<!tpu.dma_semaphore, #tpu.memory_space<semaphore_mem>>) src(%dma_wait3A_252 : memref<120xi32, #tpu.memory_space<hbm>>) dst(%dma_wait3A_249 : memref<120xi32, #tpu.memory_space<vmem>>)
        %add3A_253 = arith.addi %select_n3A_10, %while3A_179 : i32
        %add3A_254 = arith.constant 1 : i32
        %add3A_255 = arith.addi %add3A_253, %add3A_254 : i32
        %dma_wait3A_256 = arith.constant 0 : i32
        %dma_wait3A_257 = tpu.memref_slice %arg7[%rem3A_189, %dma_wait3A_256] : memref<5x120xi32, #tpu.memory_space<vmem>> -> memref<1x120xi32, #tpu.memory_space<vmem>>
        %dma_wait3A_258 = tpu.memref_squeeze %dma_wait3A_257 : memref<1x120xi32, #tpu.memory_space<vmem>> -> memref<120xi32, #tpu.memory_space<vmem>>
        %dma_wait3A_259 = arith.constant 0 : i32
        %dma_wait3A_260 = tpu.memref_slice %arg4[%add3A_255, %dma_wait3A_259] : memref<2688x120xi32, #tpu.memory_space<hbm>> -> memref<1x120xi32, #tpu.memory_space<hbm>>
        %dma_wait3A_261 = tpu.memref_squeeze %dma_wait3A_260 : memref<1x120xi32, #tpu.memory_space<hbm>> -> memref<120xi32, #tpu.memory_space<hbm>>
        %dma_wait3A_262 = tpu.memref_slice %arg9[%rem3A_189] : memref<5x!tpu.dma_semaphore, #tpu.memory_space<semaphore_mem>> -> memref<1x!tpu.dma_semaphore, #tpu.memory_space<semaphore_mem>>
        %dma_wait3A_263 = tpu.memref_squeeze %dma_wait3A_262 : memref<1x!tpu.dma_semaphore, #tpu.memory_space<semaphore_mem>> -> memref<!tpu.dma_semaphore, #tpu.memory_space<semaphore_mem>>
        %dma_wait3A_264 = arith.constant 0 : i32
        %dma_wait3A_265 = tpu.memref_slice %arg7[%rem3A_189, %dma_wait3A_264] : memref<5x120xi32, #tpu.memory_space<vmem>> -> memref<1x120xi32, #tpu.memory_space<vmem>>
        %dma_wait3A_266 = tpu.memref_squeeze %dma_wait3A_265 : memref<1x120xi32, #tpu.memory_space<vmem>> -> memref<120xi32, #tpu.memory_space<vmem>>
        %dma_wait3A_267 = arith.constant 0 : i32
        %dma_wait3A_268 = tpu.memref_slice %arg4[%add3A_255, %dma_wait3A_267] : memref<2688x120xi32, #tpu.memory_space<hbm>> -> memref<1x120xi32, #tpu.memory_space<hbm>>
        %dma_wait3A_269 = tpu.memref_squeeze %dma_wait3A_268 : memref<1x120xi32, #tpu.memory_space<hbm>> -> memref<120xi32, #tpu.memory_space<hbm>>
        tpu.wait_dma2 semaphore(%dma_wait3A_263 : memref<!tpu.dma_semaphore, #tpu.memory_space<semaphore_mem>>) src(%dma_wait3A_269 : memref<120xi32, #tpu.memory_space<hbm>>) dst(%dma_wait3A_266 : memref<120xi32, #tpu.memory_space<vmem>>)
        %dma_start3A_270 = arith.constant 0 : i32
        %dma_start3A_271 = arith.constant 0 : i32
        %dma_start3A_272 = tpu.memref_slice %arg10[%rem3A_185, %dma_start3A_270, %dma_start3A_271] : memref<3x120x128xf32, #tpu.memory_space<vmem>> -> memref<1x120x128xf32, #tpu.memory_space<vmem>>
        %dma_start3A_273 = tpu.memref_squeeze %dma_start3A_272 : memref<1x120x128xf32, #tpu.memory_space<vmem>> -> memref<120x128xf32, #tpu.memory_space<vmem>>
        %dma_start3A_274 = arith.constant 0 : i32
        %dma_start3A_275 = tpu.memref_slice %arg11[%rem3A_189, %dma_start3A_274] : memref<5x120xi32, #tpu.memory_space<vmem>> -> memref<1x120xi32, #tpu.memory_space<vmem>>
        %dma_start3A_276 = tpu.memref_squeeze %dma_start3A_275 : memref<1x120xi32, #tpu.memory_space<vmem>> -> memref<120xi32, #tpu.memory_space<vmem>>
        %dma_start3A_277 = arith.constant 0 : i32
        %dma_start3A_278 = arith.constant 0 : i32
        %dma_start3A_279 = tpu.memref_slice %arg2[%dma_start3A_277, %dma_start3A_278] : memref<10240x128xf32, #tpu.memory_space<hbm>> -> memref<10240x128xf32, #tpu.memory_space<hbm>>
        %dma_start3A_280 = tpu.memref_slice %arg8[%rem3A_185] : memref<3x!tpu.dma_semaphore, #tpu.memory_space<semaphore_mem>> -> memref<1x!tpu.dma_semaphore, #tpu.memory_space<semaphore_mem>>
        %dma_start3A_281 = tpu.memref_squeeze %dma_start3A_280 : memref<1x!tpu.dma_semaphore, #tpu.memory_space<semaphore_mem>> -> memref<!tpu.dma_semaphore, #tpu.memory_space<semaphore_mem>>
        tpu.enqueue_indirect_dma source(%dma_start3A_279 : memref<10240x128xf32, #tpu.memory_space<hbm>>) target(%dma_start3A_273 : memref<120x128xf32, #tpu.memory_space<vmem>>) offsets(%dma_start3A_276 : memref<120xi32, #tpu.memory_space<vmem>>) semaphore(%dma_start3A_281 : memref<!tpu.dma_semaphore, #tpu.memory_space<semaphore_mem>>)
      } else {
      }
      %rem3A_209 = arith.constant 5 : i32
      %rem3A_210 = arith.remsi %while3A_179, %rem3A_209 : i32
      %dma_wait3A_211 = arith.constant 0 : i32
      %dma_wait3A_212 = arith.constant 0 : i32
      %dma_wait3A_213 = tpu.memref_slice %arg10[%rem3A_181, %dma_wait3A_211, %dma_wait3A_212] : memref<3x120x128xf32, #tpu.memory_space<vmem>> -> memref<1x120x128xf32, #tpu.memory_space<vmem>>
      %dma_wait3A_214 = tpu.memref_squeeze %dma_wait3A_213 : memref<1x120x128xf32, #tpu.memory_space<vmem>> -> memref<120x128xf32, #tpu.memory_space<vmem>>
      %dma_wait3A_215 = arith.constant 0 : i32
      %dma_wait3A_216 = tpu.memref_slice %arg11[%rem3A_210, %dma_wait3A_215] : memref<5x120xi32, #tpu.memory_space<vmem>> -> memref<1x120xi32, #tpu.memory_space<vmem>>
      %dma_wait3A_217 = tpu.memref_squeeze %dma_wait3A_216 : memref<1x120xi32, #tpu.memory_space<vmem>> -> memref<120xi32, #tpu.memory_space<vmem>>
      %dma_wait3A_218 = arith.constant 0 : i32
      %dma_wait3A_219 = arith.constant 0 : i32
      %dma_wait3A_220 = tpu.memref_slice %arg2[%dma_wait3A_218, %dma_wait3A_219] : memref<10240x128xf32, #tpu.memory_space<hbm>> -> memref<10240x128xf32, #tpu.memory_space<hbm>>
      %dma_wait3A_221 = tpu.memref_slice %arg8[%rem3A_181] : memref<3x!tpu.dma_semaphore, #tpu.memory_space<semaphore_mem>> -> memref<1x!tpu.dma_semaphore, #tpu.memory_space<semaphore_mem>>
      %dma_wait3A_222 = tpu.memref_squeeze %dma_wait3A_221 : memref<1x!tpu.dma_semaphore, #tpu.memory_space<semaphore_mem>> -> memref<!tpu.dma_semaphore, #tpu.memory_space<semaphore_mem>>
      tpu.wait_indirect_dma semaphore(%dma_wait3A_222 : memref<!tpu.dma_semaphore, #tpu.memory_space<semaphore_mem>>) src(%dma_wait3A_220 : memref<10240x128xf32, #tpu.memory_space<hbm>>) dst(%dma_wait3A_214 : memref<120x128xf32, #tpu.memory_space<vmem>>)
      %dma_start3A_223 = arith.constant 0 : i32
      %dma_start3A_224 = arith.constant 0 : i32
      %dma_start3A_225 = tpu.memref_slice %arg10[%rem3A_181, %dma_start3A_223, %dma_start3A_224] : memref<3x120x128xf32, #tpu.memory_space<vmem>> -> memref<1x120x128xf32, #tpu.memory_space<vmem>>
      %dma_start3A_226 = tpu.memref_squeeze %dma_start3A_225 : memref<1x120x128xf32, #tpu.memory_space<vmem>> -> memref<120x128xf32, #tpu.memory_space<vmem>>
      %dma_start3A_227 = arith.constant 0 : i32
      %dma_start3A_228 = tpu.memref_slice %arg7[%rem3A_210, %dma_start3A_227] : memref<5x120xi32, #tpu.memory_space<vmem>> -> memref<1x120xi32, #tpu.memory_space<vmem>>
      %dma_start3A_229 = tpu.memref_squeeze %dma_start3A_228 : memref<1x120xi32, #tpu.memory_space<vmem>> -> memref<120xi32, #tpu.memory_space<vmem>>
      %dma_start3A_230 = arith.constant 0 : i32
      %dma_start3A_231 = arith.constant 0 : i32
      %dma_start3A_232 = tpu.memref_slice %arg6[%dma_start3A_230, %dma_start3A_231] : memref<10112x128xf32, #tpu.memory_space<vmem_shared>> -> memref<10112x128xf32, #tpu.memory_space<vmem_shared>>
      %dma_start3A_233 = tpu.memref_slice %arg12[%rem3A_181] : memref<3x!tpu.dma_semaphore, #tpu.memory_space<semaphore_mem>> -> memref<1x!tpu.dma_semaphore, #tpu.memory_space<semaphore_mem>>
      %dma_start3A_234 = tpu.memref_squeeze %dma_start3A_233 : memref<1x!tpu.dma_semaphore, #tpu.memory_space<semaphore_mem>> -> memref<!tpu.dma_semaphore, #tpu.memory_space<semaphore_mem>>
      tpu.enqueue_indirect_dma source(%dma_start3A_226 : memref<120x128xf32, #tpu.memory_space<vmem>>) target(%dma_start3A_232 : memref<10112x128xf32, #tpu.memory_space<vmem_shared>>) offsets(%dma_start3A_229 : memref<120xi32, #tpu.memory_space<vmem>>) semaphore(%dma_start3A_234 : memref<!tpu.dma_semaphore, #tpu.memory_space<semaphore_mem>>) {add = true}
      %while3A_235 = arith.constant 0 : i32
      scf.yield %while3A_235 : i32
    }
    %while3A_132 = arith.constant 1 : i32
    %while3A_133 = scf.for %while3A_179 = %while3A_129 to %while3A_125 step %while3A_132 iter_args(%while3A_180 = %while3A_131) -> (i32)  : i32 {
      %rem3A = arith.constant 3 : i32
      %rem3A_181 = arith.remsi %while3A_179, %rem3A : i32
      %add3A_182 = arith.constant 1 : i32
      %add3A_183 = arith.addi %while3A_179, %add3A_182 : i32
      %rem3A_184 = arith.constant 3 : i32
      %rem3A_185 = arith.remsi %add3A_183, %rem3A_184 : i32
      %add3A_186 = arith.constant 1 : i32
      %add3A_187 = arith.addi %while3A_179, %add3A_186 : i32
      %rem3A_188 = arith.constant 5 : i32
      %rem3A_189 = arith.remsi %add3A_187, %rem3A_188 : i32
      %add3A_190 = arith.constant 3 : i32
      %add3A_191 = arith.addi %while3A_179, %add3A_190 : i32
      %rem3A_192 = arith.constant 5 : i32
      %rem3A_193 = arith.remsi %add3A_191, %rem3A_192 : i32
      %ge3A = arith.constant 2 : i32
      %ge3A_194 = arith.cmpi sge, %while3A_179, %ge3A : i32
      %sub3A = arith.constant 2 : i32
      %sub3A_195 = arith.subi %select_n3A, %sub3A : i32
      %le3A = arith.cmpi sle, %while3A_179, %sub3A_195 : i32
      %and3A = arith.andi %ge3A_194, %le3A : i1
      %convert_element_type3A = arith.extui %and3A : i1 to i32
      %cond3A = arith.constant 0 : i32
      %cond3A_196 = arith.cmpi ne, %convert_element_type3A, %cond3A : i32
      scf.if %cond3A_196 {
        %dma_wait3A_236 = arith.constant 0 : i32
        %dma_wait3A_237 = arith.constant 0 : i32
        %dma_wait3A_238 = arith.constant 0 : i32
        %dma_wait3A_239 = tpu.memref_slice %arg10[%rem3A_185, %dma_wait3A_237, %dma_wait3A_238] : memref<3x120x128xf32, #tpu.memory_space<vmem>> -> memref<1x120x128xf32, #tpu.memory_space<vmem>>
        %dma_wait3A_240 = tpu.memref_squeeze %dma_wait3A_239 : memref<1x120x128xf32, #tpu.memory_space<vmem>> -> memref<120x128xf32, #tpu.memory_space<vmem>>
        %dma_wait3A_241 = arith.constant 0 : i32
        %dma_wait3A_242 = tpu.memref_slice %arg7[%dma_wait3A_236, %dma_wait3A_241] : memref<5x120xi32, #tpu.memory_space<vmem>> -> memref<1x120xi32, #tpu.memory_space<vmem>>
        %dma_wait3A_243 = tpu.memref_squeeze %dma_wait3A_242 : memref<1x120xi32, #tpu.memory_space<vmem>> -> memref<120xi32, #tpu.memory_space<vmem>>
        %dma_wait3A_244 = arith.constant 0 : i32
        %dma_wait3A_245 = arith.constant 0 : i32
        %dma_wait3A_246 = tpu.memref_slice %arg6[%dma_wait3A_244, %dma_wait3A_245] : memref<10112x128xf32, #tpu.memory_space<vmem_shared>> -> memref<10112x128xf32, #tpu.memory_space<vmem_shared>>
        %dma_wait3A_247 = tpu.memref_slice %arg12[%rem3A_185] : memref<3x!tpu.dma_semaphore, #tpu.memory_space<semaphore_mem>> -> memref<1x!tpu.dma_semaphore, #tpu.memory_space<semaphore_mem>>
        %dma_wait3A_248 = tpu.memref_squeeze %dma_wait3A_247 : memref<1x!tpu.dma_semaphore, #tpu.memory_space<semaphore_mem>> -> memref<!tpu.dma_semaphore, #tpu.memory_space<semaphore_mem>>
        tpu.wait_indirect_dma semaphore(%dma_wait3A_248 : memref<!tpu.dma_semaphore, #tpu.memory_space<semaphore_mem>>) src(%dma_wait3A_240 : memref<120x128xf32, #tpu.memory_space<vmem>>) dst(%dma_wait3A_246 : memref<10112x128xf32, #tpu.memory_space<vmem_shared>>)
      } else {
      }
      %sub3A_197 = arith.constant 4 : i32
      %sub3A_198 = arith.subi %select_n3A, %sub3A_197 : i32
      %le3A_199 = arith.cmpi sle, %while3A_179, %sub3A_198 : i32
      %convert_element_type3A_200 = arith.extui %le3A_199 : i1 to i32
      %cond3A_201 = arith.constant 0 : i32
      %cond3A_202 = arith.cmpi ne, %convert_element_type3A_200, %cond3A_201 : i32
      scf.if %cond3A_202 {
        %add3A_236 = arith.addi %select_n3A_10, %while3A_179 : i32
        %add3A_237 = arith.constant 3 : i32
        %add3A_238 = arith.addi %add3A_236, %add3A_237 : i32
        %dma_start3A_239 = arith.constant 0 : i32
        %dma_start3A_240 = tpu.memref_slice %arg11[%rem3A_193, %dma_start3A_239] : memref<5x120xi32, #tpu.memory_space<vmem>> -> memref<1x120xi32, #tpu.memory_space<vmem>>
        %dma_start3A_241 = tpu.memref_squeeze %dma_start3A_240 : memref<1x120xi32, #tpu.memory_space<vmem>> -> memref<120xi32, #tpu.memory_space<vmem>>
        %dma_start3A_242 = arith.constant 0 : i32
        %dma_start3A_243 = tpu.memref_slice %arg3[%add3A_238, %dma_start3A_242] : memref<2688x120xi32, #tpu.memory_space<hbm>> -> memref<1x120xi32, #tpu.memory_space<hbm>>
        %dma_start3A_244 = tpu.memref_squeeze %dma_start3A_243 : memref<1x120xi32, #tpu.memory_space<hbm>> -> memref<120xi32, #tpu.memory_space<hbm>>
        %dma_start3A_245 = tpu.memref_slice %arg9[%rem3A_193] : memref<5x!tpu.dma_semaphore, #tpu.memory_space<semaphore_mem>> -> memref<1x!tpu.dma_semaphore, #tpu.memory_space<semaphore_mem>>
        %dma_start3A_246 = tpu.memref_squeeze %dma_start3A_245 : memref<1x!tpu.dma_semaphore, #tpu.memory_space<semaphore_mem>> -> memref<!tpu.dma_semaphore, #tpu.memory_space<semaphore_mem>>
        %dma_start3A_247 = arith.constant 0 : i32
        %dma_start3A_248 = tpu.memref_slice %arg11[%rem3A_193, %dma_start3A_247] : memref<5x120xi32, #tpu.memory_space<vmem>> -> memref<1x120xi32, #tpu.memory_space<vmem>>
        %dma_start3A_249 = tpu.memref_squeeze %dma_start3A_248 : memref<1x120xi32, #tpu.memory_space<vmem>> -> memref<120xi32, #tpu.memory_space<vmem>>
        %dma_start3A_250 = arith.constant 0 : i32
        %dma_start3A_251 = tpu.memref_slice %arg3[%add3A_238, %dma_start3A_250] : memref<2688x120xi32, #tpu.memory_space<hbm>> -> memref<1x120xi32, #tpu.memory_space<hbm>>
        %dma_start3A_252 = tpu.memref_squeeze %dma_start3A_251 : memref<1x120xi32, #tpu.memory_space<hbm>> -> memref<120xi32, #tpu.memory_space<hbm>>
        tpu.enqueue_dma source(%dma_start3A_252 : memref<120xi32, #tpu.memory_space<hbm>>) target(%dma_start3A_249 : memref<120xi32, #tpu.memory_space<vmem>>) target_semaphore(%dma_start3A_246 : memref<!tpu.dma_semaphore, #tpu.memory_space<semaphore_mem>>)
        %add3A_253 = arith.addi %select_n3A_10, %while3A_179 : i32
        %add3A_254 = arith.constant 3 : i32
        %add3A_255 = arith.addi %add3A_253, %add3A_254 : i32
        %dma_start3A_256 = arith.constant 0 : i32
        %dma_start3A_257 = tpu.memref_slice %arg7[%rem3A_193, %dma_start3A_256] : memref<5x120xi32, #tpu.memory_space<vmem>> -> memref<1x120xi32, #tpu.memory_space<vmem>>
        %dma_start3A_258 = tpu.memref_squeeze %dma_start3A_257 : memref<1x120xi32, #tpu.memory_space<vmem>> -> memref<120xi32, #tpu.memory_space<vmem>>
        %dma_start3A_259 = arith.constant 0 : i32
        %dma_start3A_260 = tpu.memref_slice %arg4[%add3A_255, %dma_start3A_259] : memref<2688x120xi32, #tpu.memory_space<hbm>> -> memref<1x120xi32, #tpu.memory_space<hbm>>
        %dma_start3A_261 = tpu.memref_squeeze %dma_start3A_260 : memref<1x120xi32, #tpu.memory_space<hbm>> -> memref<120xi32, #tpu.memory_space<hbm>>
        %dma_start3A_262 = tpu.memref_slice %arg9[%rem3A_193] : memref<5x!tpu.dma_semaphore, #tpu.memory_space<semaphore_mem>> -> memref<1x!tpu.dma_semaphore, #tpu.memory_space<semaphore_mem>>
        %dma_start3A_263 = tpu.memref_squeeze %dma_start3A_262 : memref<1x!tpu.dma_semaphore, #tpu.memory_space<semaphore_mem>> -> memref<!tpu.dma_semaphore, #tpu.memory_space<semaphore_mem>>
        %dma_start3A_264 = arith.constant 0 : i32
        %dma_start3A_265 = tpu.memref_slice %arg7[%rem3A_193, %dma_start3A_264] : memref<5x120xi32, #tpu.memory_space<vmem>> -> memref<1x120xi32, #tpu.memory_space<vmem>>
        %dma_start3A_266 = tpu.memref_squeeze %dma_start3A_265 : memref<1x120xi32, #tpu.memory_space<vmem>> -> memref<120xi32, #tpu.memory_space<vmem>>
        %dma_start3A_267 = arith.constant 0 : i32
        %dma_start3A_268 = tpu.memref_slice %arg4[%add3A_255, %dma_start3A_267] : memref<2688x120xi32, #tpu.memory_space<hbm>> -> memref<1x120xi32, #tpu.memory_space<hbm>>
        %dma_start3A_269 = tpu.memref_squeeze %dma_start3A_268 : memref<1x120xi32, #tpu.memory_space<hbm>> -> memref<120xi32, #tpu.memory_space<hbm>>
        tpu.enqueue_dma source(%dma_start3A_269 : memref<120xi32, #tpu.memory_space<hbm>>) target(%dma_start3A_266 : memref<120xi32, #tpu.memory_space<vmem>>) target_semaphore(%dma_start3A_263 : memref<!tpu.dma_semaphore, #tpu.memory_space<semaphore_mem>>)
      } else {
      }
      %sub3A_203 = arith.constant 2 : i32
      %sub3A_204 = arith.subi %select_n3A, %sub3A_203 : i32
      %le3A_205 = arith.cmpi sle, %while3A_179, %sub3A_204 : i32
      %convert_element_type3A_206 = arith.extui %le3A_205 : i1 to i32
      %cond3A_207 = arith.constant 0 : i32
      %cond3A_208 = arith.cmpi ne, %convert_element_type3A_206, %cond3A_207 : i32
      scf.if %cond3A_208 {
        %add3A_236 = arith.addi %select_n3A_10, %while3A_179 : i32
        %add3A_237 = arith.constant 1 : i32
        %add3A_238 = arith.addi %add3A_236, %add3A_237 : i32
        %dma_wait3A_239 = arith.constant 0 : i32
        %dma_wait3A_240 = tpu.memref_slice %arg11[%rem3A_189, %dma_wait3A_239] : memref<5x120xi32, #tpu.memory_space<vmem>> -> memref<1x120xi32, #tpu.memory_space<vmem>>
        %dma_wait3A_241 = tpu.memref_squeeze %dma_wait3A_240 : memref<1x120xi32, #tpu.memory_space<vmem>> -> memref<120xi32, #tpu.memory_space<vmem>>
        %dma_wait3A_242 = arith.constant 0 : i32
        %dma_wait3A_243 = tpu.memref_slice %arg3[%add3A_238, %dma_wait3A_242] : memref<2688x120xi32, #tpu.memory_space<hbm>> -> memref<1x120xi32, #tpu.memory_space<hbm>>
        %dma_wait3A_244 = tpu.memref_squeeze %dma_wait3A_243 : memref<1x120xi32, #tpu.memory_space<hbm>> -> memref<120xi32, #tpu.memory_space<hbm>>
        %dma_wait3A_245 = tpu.memref_slice %arg9[%rem3A_189] : memref<5x!tpu.dma_semaphore, #tpu.memory_space<semaphore_mem>> -> memref<1x!tpu.dma_semaphore, #tpu.memory_space<semaphore_mem>>
        %dma_wait3A_246 = tpu.memref_squeeze %dma_wait3A_245 : memref<1x!tpu.dma_semaphore, #tpu.memory_space<semaphore_mem>> -> memref<!tpu.dma_semaphore, #tpu.memory_space<semaphore_mem>>
        %dma_wait3A_247 = arith.constant 0 : i32
        %dma_wait3A_248 = tpu.memref_slice %arg11[%rem3A_189, %dma_wait3A_247] : memref<5x120xi32, #tpu.memory_space<vmem>> -> memref<1x120xi32, #tpu.memory_space<vmem>>
        %dma_wait3A_249 = tpu.memref_squeeze %dma_wait3A_248 : memref<1x120xi32, #tpu.memory_space<vmem>> -> memref<120xi32, #tpu.memory_space<vmem>>
        %dma_wait3A_250 = arith.constant 0 : i32
        %dma_wait3A_251 = tpu.memref_slice %arg3[%add3A_238, %dma_wait3A_250] : memref<2688x120xi32, #tpu.memory_space<hbm>> -> memref<1x120xi32, #tpu.memory_space<hbm>>
        %dma_wait3A_252 = tpu.memref_squeeze %dma_wait3A_251 : memref<1x120xi32, #tpu.memory_space<hbm>> -> memref<120xi32, #tpu.memory_space<hbm>>
        tpu.wait_dma2 semaphore(%dma_wait3A_246 : memref<!tpu.dma_semaphore, #tpu.memory_space<semaphore_mem>>) src(%dma_wait3A_252 : memref<120xi32, #tpu.memory_space<hbm>>) dst(%dma_wait3A_249 : memref<120xi32, #tpu.memory_space<vmem>>)
        %add3A_253 = arith.addi %select_n3A_10, %while3A_179 : i32
        %add3A_254 = arith.constant 1 : i32
        %add3A_255 = arith.addi %add3A_253, %add3A_254 : i32
        %dma_wait3A_256 = arith.constant 0 : i32
        %dma_wait3A_257 = tpu.memref_slice %arg7[%rem3A_189, %dma_wait3A_256] : memref<5x120xi32, #tpu.memory_space<vmem>> -> memref<1x120xi32, #tpu.memory_space<vmem>>
        %dma_wait3A_258 = tpu.memref_squeeze %dma_wait3A_257 : memref<1x120xi32, #tpu.memory_space<vmem>> -> memref<120xi32, #tpu.memory_space<vmem>>
        %dma_wait3A_259 = arith.constant 0 : i32
        %dma_wait3A_260 = tpu.memref_slice %arg4[%add3A_255, %dma_wait3A_259] : memref<2688x120xi32, #tpu.memory_space<hbm>> -> memref<1x120xi32, #tpu.memory_space<hbm>>
        %dma_wait3A_261 = tpu.memref_squeeze %dma_wait3A_260 : memref<1x120xi32, #tpu.memory_space<hbm>> -> memref<120xi32, #tpu.memory_space<hbm>>
        %dma_wait3A_262 = tpu.memref_slice %arg9[%rem3A_189] : memref<5x!tpu.dma_semaphore, #tpu.memory_space<semaphore_mem>> -> memref<1x!tpu.dma_semaphore, #tpu.memory_space<semaphore_mem>>
        %dma_wait3A_263 = tpu.memref_squeeze %dma_wait3A_262 : memref<1x!tpu.dma_semaphore, #tpu.memory_space<semaphore_mem>> -> memref<!tpu.dma_semaphore, #tpu.memory_space<semaphore_mem>>
        %dma_wait3A_264 = arith.constant 0 : i32
        %dma_wait3A_265 = tpu.memref_slice %arg7[%rem3A_189, %dma_wait3A_264] : memref<5x120xi32, #tpu.memory_space<vmem>> -> memref<1x120xi32, #tpu.memory_space<vmem>>
        %dma_wait3A_266 = tpu.memref_squeeze %dma_wait3A_265 : memref<1x120xi32, #tpu.memory_space<vmem>> -> memref<120xi32, #tpu.memory_space<vmem>>
        %dma_wait3A_267 = arith.constant 0 : i32
        %dma_wait3A_268 = tpu.memref_slice %arg4[%add3A_255, %dma_wait3A_267] : memref<2688x120xi32, #tpu.memory_space<hbm>> -> memref<1x120xi32, #tpu.memory_space<hbm>>
        %dma_wait3A_269 = tpu.memref_squeeze %dma_wait3A_268 : memref<1x120xi32, #tpu.memory_space<hbm>> -> memref<120xi32, #tpu.memory_space<hbm>>
        tpu.wait_dma2 semaphore(%dma_wait3A_263 : memref<!tpu.dma_semaphore, #tpu.memory_space<semaphore_mem>>) src(%dma_wait3A_269 : memref<120xi32, #tpu.memory_space<hbm>>) dst(%dma_wait3A_266 : memref<120xi32, #tpu.memory_space<vmem>>)
        %dma_start3A_270 = arith.constant 0 : i32
        %dma_start3A_271 = arith.constant 0 : i32
        %dma_start3A_272 = tpu.memref_slice %arg10[%rem3A_185, %dma_start3A_270, %dma_start3A_271] : memref<3x120x128xf32, #tpu.memory_space<vmem>> -> memref<1x120x128xf32, #tpu.memory_space<vmem>>
        %dma_start3A_273 = tpu.memref_squeeze %dma_start3A_272 : memref<1x120x128xf32, #tpu.memory_space<vmem>> -> memref<120x128xf32, #tpu.memory_space<vmem>>
        %dma_start3A_274 = arith.constant 0 : i32
        %dma_start3A_275 = tpu.memref_slice %arg11[%rem3A_189, %dma_start3A_274] : memref<5x120xi32, #tpu.memory_space<vmem>> -> memref<1x120xi32, #tpu.memory_space<vmem>>
        %dma_start3A_276 = tpu.memref_squeeze %dma_start3A_275 : memref<1x120xi32, #tpu.memory_space<vmem>> -> memref<120xi32, #tpu.memory_space<vmem>>
        %dma_start3A_277 = arith.constant 0 : i32
        %dma_start3A_278 = arith.constant 0 : i32
        %dma_start3A_279 = tpu.memref_slice %arg2[%dma_start3A_277, %dma_start3A_278] : memref<10240x128xf32, #tpu.memory_space<hbm>> -> memref<10240x128xf32, #tpu.memory_space<hbm>>
        %dma_start3A_280 = tpu.memref_slice %arg8[%rem3A_185] : memref<3x!tpu.dma_semaphore, #tpu.memory_space<semaphore_mem>> -> memref<1x!tpu.dma_semaphore, #tpu.memory_space<semaphore_mem>>
        %dma_start3A_281 = tpu.memref_squeeze %dma_start3A_280 : memref<1x!tpu.dma_semaphore, #tpu.memory_space<semaphore_mem>> -> memref<!tpu.dma_semaphore, #tpu.memory_space<semaphore_mem>>
        tpu.enqueue_indirect_dma source(%dma_start3A_279 : memref<10240x128xf32, #tpu.memory_space<hbm>>) target(%dma_start3A_273 : memref<120x128xf32, #tpu.memory_space<vmem>>) offsets(%dma_start3A_276 : memref<120xi32, #tpu.memory_space<vmem>>) semaphore(%dma_start3A_281 : memref<!tpu.dma_semaphore, #tpu.memory_space<semaphore_mem>>)
      } else {
      }
      %rem3A_209 = arith.constant 5 : i32
      %rem3A_210 = arith.remsi %while3A_179, %rem3A_209 : i32
      %dma_wait3A_211 = arith.constant 0 : i32
      %dma_wait3A_212 = arith.constant 0 : i32
      %dma_wait3A_213 = tpu.memref_slice %arg10[%rem3A_181, %dma_wait3A_211, %dma_wait3A_212] : memref<3x120x128xf32, #tpu.memory_space<vmem>> -> memref<1x120x128xf32, #tpu.memory_space<vmem>>
      %dma_wait3A_214 = tpu.memref_squeeze %dma_wait3A_213 : memref<1x120x128xf32, #tpu.memory_space<vmem>> -> memref<120x128xf32, #tpu.memory_space<vmem>>
      %dma_wait3A_215 = arith.constant 0 : i32
      %dma_wait3A_216 = tpu.memref_slice %arg11[%rem3A_210, %dma_wait3A_215] : memref<5x120xi32, #tpu.memory_space<vmem>> -> memref<1x120xi32, #tpu.memory_space<vmem>>
      %dma_wait3A_217 = tpu.memref_squeeze %dma_wait3A_216 : memref<1x120xi32, #tpu.memory_space<vmem>> -> memref<120xi32, #tpu.memory_space<vmem>>
      %dma_wait3A_218 = arith.constant 0 : i32
      %dma_wait3A_219 = arith.constant 0 : i32
      %dma_wait3A_220 = tpu.memref_slice %arg2[%dma_wait3A_218, %dma_wait3A_219] : memref<10240x128xf32, #tpu.memory_space<hbm>> -> memref<10240x128xf32, #tpu.memory_space<hbm>>
      %dma_wait3A_221 = tpu.memref_slice %arg8[%rem3A_181] : memref<3x!tpu.dma_semaphore, #tpu.memory_space<semaphore_mem>> -> memref<1x!tpu.dma_semaphore, #tpu.memory_space<semaphore_mem>>
      %dma_wait3A_222 = tpu.memref_squeeze %dma_wait3A_221 : memref<1x!tpu.dma_semaphore, #tpu.memory_space<semaphore_mem>> -> memref<!tpu.dma_semaphore, #tpu.memory_space<semaphore_mem>>
      tpu.wait_indirect_dma semaphore(%dma_wait3A_222 : memref<!tpu.dma_semaphore, #tpu.memory_space<semaphore_mem>>) src(%dma_wait3A_220 : memref<10240x128xf32, #tpu.memory_space<hbm>>) dst(%dma_wait3A_214 : memref<120x128xf32, #tpu.memory_space<vmem>>)
      %dma_start3A_223 = arith.constant 0 : i32
      %dma_start3A_224 = arith.constant 0 : i32
      %dma_start3A_225 = tpu.memref_slice %arg10[%rem3A_181, %dma_start3A_223, %dma_start3A_224] : memref<3x120x128xf32, #tpu.memory_space<vmem>> -> memref<1x120x128xf32, #tpu.memory_space<vmem>>
      %dma_start3A_226 = tpu.memref_squeeze %dma_start3A_225 : memref<1x120x128xf32, #tpu.memory_space<vmem>> -> memref<120x128xf32, #tpu.memory_space<vmem>>
      %dma_start3A_227 = arith.constant 0 : i32
      %dma_start3A_228 = tpu.memref_slice %arg7[%rem3A_210, %dma_start3A_227] : memref<5x120xi32, #tpu.memory_space<vmem>> -> memref<1x120xi32, #tpu.memory_space<vmem>>
      %dma_start3A_229 = tpu.memref_squeeze %dma_start3A_228 : memref<1x120xi32, #tpu.memory_space<vmem>> -> memref<120xi32, #tpu.memory_space<vmem>>
      %dma_start3A_230 = arith.constant 0 : i32
      %dma_start3A_231 = arith.constant 0 : i32
      %dma_start3A_232 = tpu.memref_slice %arg6[%dma_start3A_230, %dma_start3A_231] : memref<10112x128xf32, #tpu.memory_space<vmem_shared>> -> memref<10112x128xf32, #tpu.memory_space<vmem_shared>>
      %dma_start3A_233 = tpu.memref_slice %arg12[%rem3A_181] : memref<3x!tpu.dma_semaphore, #tpu.memory_space<semaphore_mem>> -> memref<1x!tpu.dma_semaphore, #tpu.memory_space<semaphore_mem>>
      %dma_start3A_234 = tpu.memref_squeeze %dma_start3A_233 : memref<1x!tpu.dma_semaphore, #tpu.memory_space<semaphore_mem>> -> memref<!tpu.dma_semaphore, #tpu.memory_space<semaphore_mem>>
      tpu.enqueue_indirect_dma source(%dma_start3A_226 : memref<120x128xf32, #tpu.memory_space<vmem>>) target(%dma_start3A_232 : memref<10112x128xf32, #tpu.memory_space<vmem_shared>>) offsets(%dma_start3A_229 : memref<120xi32, #tpu.memory_space<vmem>>) semaphore(%dma_start3A_234 : memref<!tpu.dma_semaphore, #tpu.memory_space<semaphore_mem>>) {add = true}
      %while3A_235 = arith.constant 0 : i32
      scf.yield %while3A_235 : i32
    }
    %dma_wait3A = arith.constant 0 : i32
    %dma_wait3A_134 = arith.constant 0 : i32
    %dma_wait3A_135 = arith.constant 0 : i32
    %dma_wait3A_136 = arith.constant 0 : i32
    %dma_wait3A_137 = arith.constant 0 : i32
    %dma_wait3A_138 = tpu.memref_slice %arg10[%dma_wait3A, %dma_wait3A_136, %dma_wait3A_137] : memref<3x120x128xf32, #tpu.memory_space<vmem>> -> memref<1x120x128xf32, #tpu.memory_space<vmem>>
    %dma_wait3A_139 = tpu.memref_squeeze %dma_wait3A_138 : memref<1x120x128xf32, #tpu.memory_space<vmem>> -> memref<120x128xf32, #tpu.memory_space<vmem>>
    %dma_wait3A_140 = arith.constant 0 : i32
    %dma_wait3A_141 = tpu.memref_slice %arg7[%dma_wait3A_134, %dma_wait3A_140] : memref<5x120xi32, #tpu.memory_space<vmem>> -> memref<1x120xi32, #tpu.memory_space<vmem>>
    %dma_wait3A_142 = tpu.memref_squeeze %dma_wait3A_141 : memref<1x120xi32, #tpu.memory_space<vmem>> -> memref<120xi32, #tpu.memory_space<vmem>>
    %dma_wait3A_143 = arith.constant 0 : i32
    %dma_wait3A_144 = arith.constant 0 : i32
    %dma_wait3A_145 = tpu.memref_slice %arg6[%dma_wait3A_143, %dma_wait3A_144] : memref<10112x128xf32, #tpu.memory_space<vmem_shared>> -> memref<10112x128xf32, #tpu.memory_space<vmem_shared>>
    %dma_wait3A_146 = tpu.memref_slice %arg12[%dma_wait3A_135] : memref<3x!tpu.dma_semaphore, #tpu.memory_space<semaphore_mem>> -> memref<1x!tpu.dma_semaphore, #tpu.memory_space<semaphore_mem>>
    %dma_wait3A_147 = tpu.memref_squeeze %dma_wait3A_146 : memref<1x!tpu.dma_semaphore, #tpu.memory_space<semaphore_mem>> -> memref<!tpu.dma_semaphore, #tpu.memory_space<semaphore_mem>>
    tpu.wait_indirect_dma semaphore(%dma_wait3A_147 : memref<!tpu.dma_semaphore, #tpu.memory_space<semaphore_mem>>) src(%dma_wait3A_139 : memref<120x128xf32, #tpu.memory_space<vmem>>) dst(%dma_wait3A_145 : memref<10112x128xf32, #tpu.memory_space<vmem_shared>>)
    %dma_wait3A_148 = arith.constant 1 : i32
    %dma_wait3A_149 = arith.constant 0 : i32
    %dma_wait3A_150 = arith.constant 1 : i32
    %dma_wait3A_151 = arith.constant 0 : i32
    %dma_wait3A_152 = arith.constant 0 : i32
    %dma_wait3A_153 = tpu.memref_slice %arg10[%dma_wait3A_148, %dma_wait3A_151, %dma_wait3A_152] : memref<3x120x128xf32, #tpu.memory_space<vmem>> -> memref<1x120x128xf32, #tpu.memory_space<vmem>>
    %dma_wait3A_154 = tpu.memref_squeeze %dma_wait3A_153 : memref<1x120x128xf32, #tpu.memory_space<vmem>> -> memref<120x128xf32, #tpu.memory_space<vmem>>
    %dma_wait3A_155 = arith.constant 0 : i32
    %dma_wait3A_156 = tpu.memref_slice %arg7[%dma_wait3A_149, %dma_wait3A_155] : memref<5x120xi32, #tpu.memory_space<vmem>> -> memref<1x120xi32, #tpu.memory_space<vmem>>
    %dma_wait3A_157 = tpu.memref_squeeze %dma_wait3A_156 : memref<1x120xi32, #tpu.memory_space<vmem>> -> memref<120xi32, #tpu.memory_space<vmem>>
    %dma_wait3A_158 = arith.constant 0 : i32
    %dma_wait3A_159 = arith.constant 0 : i32
    %dma_wait3A_160 = tpu.memref_slice %arg6[%dma_wait3A_158, %dma_wait3A_159] : memref<10112x128xf32, #tpu.memory_space<vmem_shared>> -> memref<10112x128xf32, #tpu.memory_space<vmem_shared>>
    %dma_wait3A_161 = tpu.memref_slice %arg12[%dma_wait3A_150] : memref<3x!tpu.dma_semaphore, #tpu.memory_space<semaphore_mem>> -> memref<1x!tpu.dma_semaphore, #tpu.memory_space<semaphore_mem>>
    %dma_wait3A_162 = tpu.memref_squeeze %dma_wait3A_161 : memref<1x!tpu.dma_semaphore, #tpu.memory_space<semaphore_mem>> -> memref<!tpu.dma_semaphore, #tpu.memory_space<semaphore_mem>>
    tpu.wait_indirect_dma semaphore(%dma_wait3A_162 : memref<!tpu.dma_semaphore, #tpu.memory_space<semaphore_mem>>) src(%dma_wait3A_154 : memref<120x128xf32, #tpu.memory_space<vmem>>) dst(%dma_wait3A_160 : memref<10112x128xf32, #tpu.memory_space<vmem_shared>>)
    %dma_wait3A_163 = arith.constant 2 : i32
    %dma_wait3A_164 = arith.constant 0 : i32
    %dma_wait3A_165 = arith.constant 2 : i32
    %dma_wait3A_166 = arith.constant 0 : i32
    %dma_wait3A_167 = arith.constant 0 : i32
    %dma_wait3A_168 = tpu.memref_slice %arg10[%dma_wait3A_163, %dma_wait3A_166, %dma_wait3A_167] : memref<3x120x128xf32, #tpu.memory_space<vmem>> -> memref<1x120x128xf32, #tpu.memory_space<vmem>>
    %dma_wait3A_169 = tpu.memref_squeeze %dma_wait3A_168 : memref<1x120x128xf32, #tpu.memory_space<vmem>> -> memref<120x128xf32, #tpu.memory_space<vmem>>
    %dma_wait3A_170 = arith.constant 0 : i32
    %dma_wait3A_171 = tpu.memref_slice %arg7[%dma_wait3A_164, %dma_wait3A_170] : memref<5x120xi32, #tpu.memory_space<vmem>> -> memref<1x120xi32, #tpu.memory_space<vmem>>
    %dma_wait3A_172 = tpu.memref_squeeze %dma_wait3A_171 : memref<1x120xi32, #tpu.memory_space<vmem>> -> memref<120xi32, #tpu.memory_space<vmem>>
    %dma_wait3A_173 = arith.constant 0 : i32
    %dma_wait3A_174 = arith.constant 0 : i32
    %dma_wait3A_175 = tpu.memref_slice %arg6[%dma_wait3A_173, %dma_wait3A_174] : memref<10112x128xf32, #tpu.memory_space<vmem_shared>> -> memref<10112x128xf32, #tpu.memory_space<vmem_shared>>
    %dma_wait3A_176 = tpu.memref_slice %arg12[%dma_wait3A_165] : memref<3x!tpu.dma_semaphore, #tpu.memory_space<semaphore_mem>> -> memref<1x!tpu.dma_semaphore, #tpu.memory_space<semaphore_mem>>
    %dma_wait3A_177 = tpu.memref_squeeze %dma_wait3A_176 : memref<1x!tpu.dma_semaphore, #tpu.memory_space<semaphore_mem>> -> memref<!tpu.dma_semaphore, #tpu.memory_space<semaphore_mem>>
    tpu.wait_indirect_dma semaphore(%dma_wait3A_177 : memref<!tpu.dma_semaphore, #tpu.memory_space<semaphore_mem>>) src(%dma_wait3A_169 : memref<120x128xf32, #tpu.memory_space<vmem>>) dst(%dma_wait3A_175 : memref<10112x128xf32, #tpu.memory_space<vmem_shared>>)
    %barrier3A_178 = arith.constant 0 : index
    tpu.barrier barrier_id(%barrier3A_178)
    "tpu.region"() ({
      %run_scoped3A_179 = tpu.sem_alloc : memref<!tpu.dma_semaphore, #tpu.memory_space<semaphore_mem>>
      %dma_start3A_180 = arith.constant 0 : i32
      %dma_start3A_181 = tpu.memref_slice %arg5[%arg0, %mul3A_0, %dma_start3A_180] : memref<2x10240x128xf32, #tpu.memory_space<hbm>> -> memref<1x632x128xf32, #tpu.memory_space<hbm>>
      %dma_start3A_182 = tpu.memref_squeeze %dma_start3A_181 : memref<1x632x128xf32, #tpu.memory_space<hbm>> -> memref<632x128xf32, #tpu.memory_space<hbm>>
      %dma_start3A_183 = arith.constant 0 : i32
      %dma_start3A_184 = tpu.memref_slice %arg6[%mul3A_0, %dma_start3A_183] : memref<10112x128xf32, #tpu.memory_space<vmem_shared>> -> memref<632x128xf32, #tpu.memory_space<vmem_shared>>
      tpu.enqueue_dma source(%dma_start3A_184 : memref<632x128xf32, #tpu.memory_space<vmem_shared>>) target(%dma_start3A_182 : memref<632x128xf32, #tpu.memory_space<hbm>>) target_semaphore(%run_scoped3A_179 : memref<!tpu.dma_semaphore, #tpu.memory_space<semaphore_mem>>)
      %dma_wait3A_185 = arith.constant 0 : i32
      %dma_wait3A_186 = tpu.memref_slice %arg5[%arg0, %mul3A_0, %dma_wait3A_185] : memref<2x10240x128xf32, #tpu.memory_space<hbm>> -> memref<1x632x128xf32, #tpu.memory_space<hbm>>
      %dma_wait3A_187 = tpu.memref_squeeze %dma_wait3A_186 : memref<1x632x128xf32, #tpu.memory_space<hbm>> -> memref<632x128xf32, #tpu.memory_space<hbm>>
      %dma_wait3A_188 = arith.constant 0 : i32
      %dma_wait3A_189 = tpu.memref_slice %arg6[%mul3A_0, %dma_wait3A_188] : memref<10112x128xf32, #tpu.memory_space<vmem_shared>> -> memref<632x128xf32, #tpu.memory_space<vmem_shared>>
      tpu.wait_dma2 semaphore(%run_scoped3A_179 : memref<!tpu.dma_semaphore, #tpu.memory_space<semaphore_mem>>) src(%dma_wait3A_189 : memref<632x128xf32, #tpu.memory_space<vmem_shared>>) dst(%dma_wait3A_187 : memref<632x128xf32, #tpu.memory_space<hbm>>)
      tpu.yield
    }) : () -> ()
    return
  }
}

module attributes {stable_mosaic.version = 14 : i64} {
  func.func @_tc_a_body(%arg0: i32, %arg1: memref<1x128xf32, #tpu.memory_space<vmem>>, %arg2: memref<128x128xf32, #tpu.memory_space<vmem>>, %arg3: memref<1x128xf32, #tpu.memory_space<vmem>>, %arg4: memref<128x128xf32, #tpu.memory_space<vmem>>, %arg5: memref<2048x1xf32, #tpu.memory_space<vmem>>, %arg6: memref<2048x1xf32, #tpu.memory_space<vmem>>, %arg7: memref<2048x128xf32, #tpu.memory_space<vmem>>, %arg8: memref<2048x128xf32, #tpu.memory_space<vmem>>) attributes {dimension_semantics = [#tpu.dimension_semantics<arbitrary>], iteration_bounds = array<i64: 5>, scalar_prefetch = 0 : i64, scratch_operands = 0 : i64, tpu.core_type = #tpu.core_type<tc>, window_params = [{pipeline_mode = #tpu.pipeline_mode<synchronous>, transform_indices = @transform_0, window_bounds = array<i64: 1, 128>}, {pipeline_mode = #tpu.pipeline_mode<synchronous>, transform_indices = @transform_1, window_bounds = array<i64: 128, 128>}, {pipeline_mode = #tpu.pipeline_mode<synchronous>, transform_indices = @transform_2, window_bounds = array<i64: 1, 128>}, {pipeline_mode = #tpu.pipeline_mode<synchronous>, transform_indices = @transform_3, window_bounds = array<i64: 128, 128>}, {transform_indices = @transform_4, window_bounds = array<i64: 2048, 1>}, {transform_indices = @transform_5, window_bounds = array<i64: 2048, 1>}, {transform_indices = @transform_6, window_bounds = array<i64: 2048, 128>}, {transform_indices = @transform_7, window_bounds = array<i64: 2048, 128>}]} {
    %get3A = arith.constant 0 : index
    %get3A_0 = arith.constant 0 : index
    %get3A_1 = vector.load %arg1[%get3A, %get3A_0] : memref<1x128xf32, #tpu.memory_space<vmem>>, vector<1x128xf32>
    %get3A_2 = arith.constant 0 : index
    %get3A_3 = arith.constant 0 : index
    %get3A_4 = vector.load %arg2[%get3A_2, %get3A_3] : memref<128x128xf32, #tpu.memory_space<vmem>>, vector<128x128xf32>
    %dot_general3A = arith.constant dense<0.000000e+00> : vector<1x128xf32>
    %dot_general3A_5 = tpu.matmul %get3A_1, %get3A_4, %dot_general3A {dimension_numbers = #tpu.dot_dimension_numbers<[1], [0], [0], [1], [0, 0, 1, 1], [], []>, transpose_lhs_hint = false} : vector<1x128xf32>, vector<128x128xf32>, vector<1x128xf32> -> vector<1x128xf32>
    %get3A_6 = arith.constant 0 : index
    %get3A_7 = arith.constant 0 : index
    %get3A_8 = vector.load %arg6[%get3A_6, %get3A_7] : memref<2048x1xf32, #tpu.memory_space<vmem>>, vector<2048x1xf32>
    %mul3A = vector.broadcast %get3A_8 : vector<2048x1xf32> to vector<2048x128xf32>
    %mul3A_9 = vector.broadcast %dot_general3A_5 : vector<1x128xf32> to vector<2048x128xf32>
    %mul3A_10 = arith.mulf %mul3A, %mul3A_9 : vector<2048x128xf32>
    %get3A_11 = arith.constant 0 : index
    %get3A_12 = arith.constant 0 : index
    %get3A_13 = vector.load %arg3[%get3A_11, %get3A_12] : memref<1x128xf32, #tpu.memory_space<vmem>>, vector<1x128xf32>
    %add3A = vector.broadcast %get3A_13 : vector<1x128xf32> to vector<2048x128xf32>
    %add3A_14 = arith.addf %mul3A_10, %add3A : vector<2048x128xf32>
    %gt3A = arith.constant 0.000000e+00 : f32
    %gt3A_15 = vector.broadcast %gt3A : f32 to vector<2048x128xf32>
    %gt3A_16 = arith.cmpf ogt, %add3A_14, %gt3A_15 : vector<2048x128xf32>
    %exp3A = math.exp %add3A_14 : vector<2048x128xf32>
    %sub3A = arith.constant 1.000000e+00 : f32
    %sub3A_17 = vector.broadcast %sub3A : f32 to vector<2048x128xf32>
    %sub3A_18 = arith.subf %exp3A, %sub3A_17 : vector<2048x128xf32>
    %select_n3A = arith.select %gt3A_16, %add3A_14, %sub3A_18 : vector<2048x128xi1>, vector<2048x128xf32>
    %swap3A = arith.constant 0 : index
    %swap3A_19 = arith.constant 0 : index
    %swap3A_20 = vector.load %arg7[%swap3A, %swap3A_19] : memref<2048x128xf32, #tpu.memory_space<vmem>>, vector<2048x128xf32>
    tpu.vector_store %arg7[%swap3A, %swap3A_19], %select_n3A {strides = array<i32>} : memref<2048x128xf32, #tpu.memory_space<vmem>>, vector<2048x128xf32>,
    %add3A_21 = vector.broadcast %get3A_1 : vector<1x128xf32> to vector<2048x128xf32>
    %add3A_22 = arith.addf %select_n3A, %add3A_21 : vector<2048x128xf32>
    %get3A_23 = arith.constant 0 : index
    %get3A_24 = arith.constant 0 : index
    %get3A_25 = vector.load %arg5[%get3A_23, %get3A_24] : memref<2048x1xf32, #tpu.memory_space<vmem>>, vector<2048x1xf32>
    %get3A_26 = arith.constant 0 : index
    %get3A_27 = arith.constant 0 : index
    %get3A_28 = vector.load %arg4[%get3A_26, %get3A_27] : memref<128x128xf32, #tpu.memory_space<vmem>>, vector<128x128xf32>
    %dot_general3A_29 = arith.constant dense<0.000000e+00> : vector<2048x128xf32>
    %dot_general3A_30 = tpu.matmul %add3A_22, %get3A_28, %dot_general3A_29 {dimension_numbers = #tpu.dot_dimension_numbers<[1], [0], [0], [1], [0, 0, 1, 1], [], []>, transpose_lhs_hint = false} : vector<2048x128xf32>, vector<128x128xf32>, vector<2048x128xf32> -> vector<2048x128xf32>
    %mul3A_31 = vector.broadcast %get3A_25 : vector<2048x1xf32> to vector<2048x128xf32>
    %mul3A_32 = arith.mulf %mul3A_31, %dot_general3A_30 : vector<2048x128xf32>
    %swap3A_33 = arith.constant 0 : index
    %swap3A_34 = arith.constant 0 : index
    %swap3A_35 = vector.load %arg8[%swap3A_33, %swap3A_34] : memref<2048x128xf32, #tpu.memory_space<vmem>>, vector<2048x128xf32>
    tpu.vector_store %arg8[%swap3A_33, %swap3A_34], %mul3A_32 {strides = array<i32>} : memref<2048x128xf32, #tpu.memory_space<vmem>>, vector<2048x128xf32>,
    return
  }
  func.func @transform_0(%arg0: i32) -> (i32, i32) {
    %c0_i32 = arith.constant 0 : i32
    %c0_i32_0 = arith.constant 0 : i32
    %c0_i32_1 = arith.constant 0 : i32
    return %c0_i32, %c0_i32_0 : i32, i32
  }
  func.func @transform_1(%arg0: i32) -> (i32, i32) {
    %c0_i32 = arith.constant 0 : i32
    %c0_i32_0 = arith.constant 0 : i32
    %c0_i32_1 = arith.constant 0 : i32
    return %c0_i32, %c0_i32_0 : i32, i32
  }
  func.func @transform_2(%arg0: i32) -> (i32, i32) {
    %c0_i32 = arith.constant 0 : i32
    %c0_i32_0 = arith.constant 0 : i32
    %c0_i32_1 = arith.constant 0 : i32
    return %c0_i32, %c0_i32_0 : i32, i32
  }
  func.func @transform_3(%arg0: i32) -> (i32, i32) {
    %c0_i32 = arith.constant 0 : i32
    %c0_i32_0 = arith.constant 0 : i32
    %c0_i32_1 = arith.constant 0 : i32
    return %c0_i32, %c0_i32_0 : i32, i32
  }
  func.func @transform_4(%arg0: i32) -> (i32, i32) {
    %c0_i32 = arith.constant 0 : i32
    %c0_i32_0 = arith.constant 0 : i32
    return %arg0, %c0_i32 : i32, i32
  }
  func.func @transform_5(%arg0: i32) -> (i32, i32) {
    %c0_i32 = arith.constant 0 : i32
    %c0_i32_0 = arith.constant 0 : i32
    return %arg0, %c0_i32 : i32, i32
  }
  func.func @transform_6(%arg0: i32) -> (i32, i32) {
    %c0_i32 = arith.constant 0 : i32
    %c0_i32_0 = arith.constant 0 : i32
    return %arg0, %c0_i32 : i32, i32
  }
  func.func @transform_7(%arg0: i32) -> (i32, i32) {
    %c0_i32 = arith.constant 0 : i32
    %c0_i32_0 = arith.constant 0 : i32
    return %arg0, %c0_i32 : i32, i32
  }
}

module attributes {stable_mosaic.version = 14 : i64} {
  func.func @_tc_b_body(%arg0: i32, %arg1: memref<2x2048x128xf32, #tpu.memory_space<vmem>>, %arg2: memref<2048x128xf32, #tpu.memory_space<vmem>>, %arg3: memref<2048x128xf32, #tpu.memory_space<vmem>>, %arg4: memref<2048x1xf32, #tpu.memory_space<vmem>>, %arg5: memref<1x128xf32, #tpu.memory_space<vmem>>, %arg6: memref<128x128xf32, #tpu.memory_space<vmem>>, %arg7: memref<1x128xf32, #tpu.memory_space<vmem>>, %arg8: memref<2048x128xf32, #tpu.memory_space<vmem>>, %arg9: memref<2048x128xf32, #tpu.memory_space<vmem>>) attributes {dimension_semantics = [#tpu.dimension_semantics<arbitrary>], iteration_bounds = array<i64: 5>, scalar_prefetch = 0 : i64, scratch_operands = 0 : i64, tpu.core_type = #tpu.core_type<tc>, window_params = [{transform_indices = @transform_0, window_bounds = array<i64: 2, 2048, 128>}, {transform_indices = @transform_1, window_bounds = array<i64: 2048, 128>}, {transform_indices = @transform_2, window_bounds = array<i64: 2048, 128>}, {transform_indices = @transform_3, window_bounds = array<i64: 2048, 1>}, {pipeline_mode = #tpu.pipeline_mode<synchronous>, transform_indices = @transform_4, window_bounds = array<i64: 1, 128>}, {pipeline_mode = #tpu.pipeline_mode<synchronous>, transform_indices = @transform_5, window_bounds = array<i64: 128, 128>}, {pipeline_mode = #tpu.pipeline_mode<synchronous>, transform_indices = @transform_6, window_bounds = array<i64: 1, 128>}, {transform_indices = @transform_7, window_bounds = array<i64: 2048, 128>}, {transform_indices = @transform_8, window_bounds = array<i64: 2048, 128>}]} {
    %get3A = arith.constant 0 : index
    %get3A_0 = arith.constant 0 : index
    %get3A_1 = vector.load %arg4[%get3A, %get3A_0] : memref<2048x1xf32, #tpu.memory_space<vmem>>, vector<2048x1xf32>
    %get3A_2 = arith.constant 0 : index
    %get3A_3 = arith.constant 0 : index
    %get3A_4 = arith.constant 0 : index
    %get3A_5 = vector.load %arg1[%get3A_2, %get3A_3, %get3A_4] : memref<2x2048x128xf32, #tpu.memory_space<vmem>>, vector<1x2048x128xf32>
    %get3A_6 = vector.shape_cast %get3A_5 : vector<1x2048x128xf32> to vector<2048x128xf32>
    %get3A_7 = arith.constant 1 : index
    %get3A_8 = arith.constant 0 : index
    %get3A_9 = arith.constant 0 : index
    %get3A_10 = vector.load %arg1[%get3A_7, %get3A_8, %get3A_9] : memref<2x2048x128xf32, #tpu.memory_space<vmem>>, vector<1x2048x128xf32>
    %get3A_11 = vector.shape_cast %get3A_10 : vector<1x2048x128xf32> to vector<2048x128xf32>
    %add3A = arith.addf %get3A_6, %get3A_11 : vector<2048x128xf32>
    %get3A_12 = arith.constant 0 : index
    %get3A_13 = arith.constant 0 : index
    %get3A_14 = vector.load %arg2[%get3A_12, %get3A_13] : memref<2048x128xf32, #tpu.memory_space<vmem>>, vector<2048x128xf32>
    %add3A_15 = arith.addf %add3A, %get3A_14 : vector<2048x128xf32>
    %mul3A = vector.broadcast %get3A_1 : vector<2048x1xf32> to vector<2048x128xf32>
    %mul3A_16 = arith.mulf %mul3A, %add3A_15 : vector<2048x128xf32>
    %get3A_17 = arith.constant 0 : index
    %get3A_18 = arith.constant 0 : index
    %get3A_19 = vector.load %arg7[%get3A_17, %get3A_18] : memref<1x128xf32, #tpu.memory_space<vmem>>, vector<1x128xf32>
    %add3A_20 = vector.broadcast %get3A_19 : vector<1x128xf32> to vector<2048x128xf32>
    %add3A_21 = arith.addf %mul3A_16, %add3A_20 : vector<2048x128xf32>
    %gt3A = arith.constant 0.000000e+00 : f32
    %gt3A_22 = vector.broadcast %gt3A : f32 to vector<2048x128xf32>
    %gt3A_23 = arith.cmpf ogt, %add3A_21, %gt3A_22 : vector<2048x128xf32>
    %exp3A = math.exp %add3A_21 : vector<2048x128xf32>
    %sub3A = arith.constant 1.000000e+00 : f32
    %sub3A_24 = vector.broadcast %sub3A : f32 to vector<2048x128xf32>
    %sub3A_25 = arith.subf %exp3A, %sub3A_24 : vector<2048x128xf32>
    %select_n3A = arith.select %gt3A_23, %add3A_21, %sub3A_25 : vector<2048x128xi1>, vector<2048x128xf32>
    %swap3A = arith.constant 0 : index
    %swap3A_26 = arith.constant 0 : index
    %swap3A_27 = vector.load %arg8[%swap3A, %swap3A_26] : memref<2048x128xf32, #tpu.memory_space<vmem>>, vector<2048x128xf32>
    tpu.vector_store %arg8[%swap3A, %swap3A_26], %select_n3A {strides = array<i32>} : memref<2048x128xf32, #tpu.memory_space<vmem>>, vector<2048x128xf32>,
    %get3A_28 = arith.constant 0 : index
    %get3A_29 = arith.constant 0 : index
    %get3A_30 = vector.load %arg5[%get3A_28, %get3A_29] : memref<1x128xf32, #tpu.memory_space<vmem>>, vector<1x128xf32>
    %get3A_31 = arith.constant 0 : index
    %get3A_32 = arith.constant 0 : index
    %get3A_33 = vector.load %arg3[%get3A_31, %get3A_32] : memref<2048x128xf32, #tpu.memory_space<vmem>>, vector<2048x128xf32>
    %add3A_34 = vector.broadcast %get3A_30 : vector<1x128xf32> to vector<2048x128xf32>
    %add3A_35 = arith.addf %add3A_34, %get3A_33 : vector<2048x128xf32>
    %add3A_36 = arith.addf %add3A_35, %select_n3A : vector<2048x128xf32>
    %get3A_37 = arith.constant 0 : index
    %get3A_38 = arith.constant 0 : index
    %get3A_39 = vector.load %arg4[%get3A_37, %get3A_38] : memref<2048x1xf32, #tpu.memory_space<vmem>>, vector<2048x1xf32>
    %get3A_40 = arith.constant 0 : index
    %get3A_41 = arith.constant 0 : index
    %get3A_42 = vector.load %arg6[%get3A_40, %get3A_41] : memref<128x128xf32, #tpu.memory_space<vmem>>, vector<128x128xf32>
    %dot_general3A = arith.constant dense<0.000000e+00> : vector<2048x128xf32>
    %dot_general3A_43 = tpu.matmul %add3A_36, %get3A_42, %dot_general3A {dimension_numbers = #tpu.dot_dimension_numbers<[1], [0], [0], [1], [0, 0, 1, 1], [], []>, transpose_lhs_hint = false} : vector<2048x128xf32>, vector<128x128xf32>, vector<2048x128xf32> -> vector<2048x128xf32>
    %mul3A_44 = vector.broadcast %get3A_39 : vector<2048x1xf32> to vector<2048x128xf32>
    %mul3A_45 = arith.mulf %mul3A_44, %dot_general3A_43 : vector<2048x128xf32>
    %swap3A_46 = arith.constant 0 : index
    %swap3A_47 = arith.constant 0 : index
    %swap3A_48 = vector.load %arg9[%swap3A_46, %swap3A_47] : memref<2048x128xf32, #tpu.memory_space<vmem>>, vector<2048x128xf32>
    tpu.vector_store %arg9[%swap3A_46, %swap3A_47], %mul3A_45 {strides = array<i32>} : memref<2048x128xf32, #tpu.memory_space<vmem>>, vector<2048x128xf32>,
    return
  }
  func.func @transform_0(%arg0: i32) -> (i32, i32, i32) {
    %c0_i32 = arith.constant 0 : i32
    %c0_i32_0 = arith.constant 0 : i32
    %c0_i32_1 = arith.constant 0 : i32
    return %c0_i32, %arg0, %c0_i32_0 : i32, i32, i32
  }
  func.func @transform_1(%arg0: i32) -> (i32, i32) {
    %c0_i32 = arith.constant 0 : i32
    %c0_i32_0 = arith.constant 0 : i32
    return %arg0, %c0_i32 : i32, i32
  }
  func.func @transform_2(%arg0: i32) -> (i32, i32) {
    %c0_i32 = arith.constant 0 : i32
    %c0_i32_0 = arith.constant 0 : i32
    return %arg0, %c0_i32 : i32, i32
  }
  func.func @transform_3(%arg0: i32) -> (i32, i32) {
    %c0_i32 = arith.constant 0 : i32
    %c0_i32_0 = arith.constant 0 : i32
    return %arg0, %c0_i32 : i32, i32
  }
  func.func @transform_4(%arg0: i32) -> (i32, i32) {
    %c0_i32 = arith.constant 0 : i32
    %c0_i32_0 = arith.constant 0 : i32
    %c0_i32_1 = arith.constant 0 : i32
    return %c0_i32, %c0_i32_0 : i32, i32
  }
  func.func @transform_5(%arg0: i32) -> (i32, i32) {
    %c0_i32 = arith.constant 0 : i32
    %c0_i32_0 = arith.constant 0 : i32
    %c0_i32_1 = arith.constant 0 : i32
    return %c0_i32, %c0_i32_0 : i32, i32
  }
  func.func @transform_6(%arg0: i32) -> (i32, i32) {
    %c0_i32 = arith.constant 0 : i32
    %c0_i32_0 = arith.constant 0 : i32
    %c0_i32_1 = arith.constant 0 : i32
    return %c0_i32, %c0_i32_0 : i32, i32
  }
  func.func @transform_7(%arg0: i32) -> (i32, i32) {
    %c0_i32 = arith.constant 0 : i32
    %c0_i32_0 = arith.constant 0 : i32
    return %arg0, %c0_i32 : i32, i32
  }
  func.func @transform_8(%arg0: i32) -> (i32, i32) {
    %c0_i32 = arith.constant 0 : i32
    %c0_i32_0 = arith.constant 0 : i32
    return %arg0, %c0_i32 : i32, i32
  }
}

module attributes {stable_mosaic.version = 14 : i64} {
  func.func @_tc_c_body(%arg0: i32, %arg1: memref<2x2048x128xf32, #tpu.memory_space<vmem>>, %arg2: memref<2048x128xf32, #tpu.memory_space<vmem>>, %arg3: memref<2048x128xf32, #tpu.memory_space<vmem>>, %arg4: memref<2048x128xf32, #tpu.memory_space<vmem>>, %arg5: memref<2048x1xf32, #tpu.memory_space<vmem>>, %arg6: memref<1x128xf32, #tpu.memory_space<vmem>>, %arg7: memref<1x128xf32, #tpu.memory_space<vmem>>, %arg8: memref<128x128xf32, #tpu.memory_space<vmem>>, %arg9: memref<1x128xf32, #tpu.memory_space<vmem>>, %arg10: memref<128x128xf32, #tpu.memory_space<vmem>>, %arg11: memref<1x128xf32, #tpu.memory_space<vmem>>, %arg12: memref<2048x1xi32, #tpu.memory_space<vmem>>, %arg13: memref<128x128xf32, #tpu.memory_space<vmem>>, %arg14: memref<128x128xf32, #tpu.memory_space<vmem>>) attributes {dimension_semantics = [#tpu.dimension_semantics<arbitrary>], iteration_bounds = array<i64: 5>, scalar_prefetch = 0 : i64, scratch_operands = 1 : i64, tpu.core_type = #tpu.core_type<tc>, window_params = [{transform_indices = @transform_0, window_bounds = array<i64: 2, 2048, 128>}, {transform_indices = @transform_1, window_bounds = array<i64: 2048, 128>}, {transform_indices = @transform_2, window_bounds = array<i64: 2048, 128>}, {transform_indices = @transform_3, window_bounds = array<i64: 2048, 128>}, {transform_indices = @transform_4, window_bounds = array<i64: 2048, 1>}, {pipeline_mode = #tpu.pipeline_mode<synchronous>, transform_indices = @transform_5, window_bounds = array<i64: 1, 128>}, {pipeline_mode = #tpu.pipeline_mode<synchronous>, transform_indices = @transform_6, window_bounds = array<i64: 1, 128>}, {pipeline_mode = #tpu.pipeline_mode<synchronous>, transform_indices = @transform_7, window_bounds = array<i64: 128, 128>}, {pipeline_mode = #tpu.pipeline_mode<synchronous>, transform_indices = @transform_8, window_bounds = array<i64: 1, 128>}, {pipeline_mode = #tpu.pipeline_mode<synchronous>, transform_indices = @transform_9, window_bounds = array<i64: 128, 128>}, {pipeline_mode = #tpu.pipeline_mode<synchronous>, transform_indices = @transform_10, window_bounds = array<i64: 1, 128>}, {transform_indices = @transform_11, window_bounds = array<i64: 2048, 1>}, {pipeline_mode = #tpu.pipeline_mode<synchronous>, transform_indices = @transform_12, window_bounds = array<i64: 128, 128>}]} {
    %get3A = arith.constant 0 : index
    %get3A_0 = arith.constant 0 : index
    %get3A_1 = vector.load %arg5[%get3A, %get3A_0] : memref<2048x1xf32, #tpu.memory_space<vmem>>, vector<2048x1xf32>
    %get3A_2 = arith.constant 0 : index
    %get3A_3 = arith.constant 0 : index
    %get3A_4 = arith.constant 0 : index
    %get3A_5 = vector.load %arg1[%get3A_2, %get3A_3, %get3A_4] : memref<2x2048x128xf32, #tpu.memory_space<vmem>>, vector<1x2048x128xf32>
    %get3A_6 = vector.shape_cast %get3A_5 : vector<1x2048x128xf32> to vector<2048x128xf32>
    %get3A_7 = arith.constant 1 : index
    %get3A_8 = arith.constant 0 : index
    %get3A_9 = arith.constant 0 : index
    %get3A_10 = vector.load %arg1[%get3A_7, %get3A_8, %get3A_9] : memref<2x2048x128xf32, #tpu.memory_space<vmem>>, vector<1x2048x128xf32>
    %get3A_11 = vector.shape_cast %get3A_10 : vector<1x2048x128xf32> to vector<2048x128xf32>
    %add3A = arith.addf %get3A_6, %get3A_11 : vector<2048x128xf32>
    %get3A_12 = arith.constant 0 : index
    %get3A_13 = arith.constant 0 : index
    %get3A_14 = vector.load %arg2[%get3A_12, %get3A_13] : memref<2048x128xf32, #tpu.memory_space<vmem>>, vector<2048x128xf32>
    %add3A_15 = arith.addf %add3A, %get3A_14 : vector<2048x128xf32>
    %mul3A = vector.broadcast %get3A_1 : vector<2048x1xf32> to vector<2048x128xf32>
    %mul3A_16 = arith.mulf %mul3A, %add3A_15 : vector<2048x128xf32>
    %get3A_17 = arith.constant 0 : index
    %get3A_18 = arith.constant 0 : index
    %get3A_19 = vector.load %arg7[%get3A_17, %get3A_18] : memref<1x128xf32, #tpu.memory_space<vmem>>, vector<1x128xf32>
    %add3A_20 = vector.broadcast %get3A_19 : vector<1x128xf32> to vector<2048x128xf32>
    %add3A_21 = arith.addf %mul3A_16, %add3A_20 : vector<2048x128xf32>
    %gt3A = arith.constant 0.000000e+00 : f32
    %gt3A_22 = vector.broadcast %gt3A : f32 to vector<2048x128xf32>
    %gt3A_23 = arith.cmpf ogt, %add3A_21, %gt3A_22 : vector<2048x128xf32>
    %exp3A = math.exp %add3A_21 : vector<2048x128xf32>
    %sub3A = arith.constant 1.000000e+00 : f32
    %sub3A_24 = vector.broadcast %sub3A : f32 to vector<2048x128xf32>
    %sub3A_25 = arith.subf %exp3A, %sub3A_24 : vector<2048x128xf32>
    %select_n3A = arith.select %gt3A_23, %add3A_21, %sub3A_25 : vector<2048x128xi1>, vector<2048x128xf32>
    %get3A_26 = arith.constant 0 : index
    %get3A_27 = arith.constant 0 : index
    %get3A_28 = vector.load %arg6[%get3A_26, %get3A_27] : memref<1x128xf32, #tpu.memory_space<vmem>>, vector<1x128xf32>
    %get3A_29 = arith.constant 0 : index
    %get3A_30 = arith.constant 0 : index
    %get3A_31 = vector.load %arg3[%get3A_29, %get3A_30] : memref<2048x128xf32, #tpu.memory_space<vmem>>, vector<2048x128xf32>
    %add3A_32 = vector.broadcast %get3A_28 : vector<1x128xf32> to vector<2048x128xf32>
    %add3A_33 = arith.addf %add3A_32, %get3A_31 : vector<2048x128xf32>
    %get3A_34 = arith.constant 0 : index
    %get3A_35 = arith.constant 0 : index
    %get3A_36 = vector.load %arg4[%get3A_34, %get3A_35] : memref<2048x128xf32, #tpu.memory_space<vmem>>, vector<2048x128xf32>
    %add3A_37 = arith.addf %add3A_33, %get3A_36 : vector<2048x128xf32>
    %add3A_38 = arith.addf %add3A_37, %select_n3A : vector<2048x128xf32>
    %get3A_39 = arith.constant 0 : index
    %get3A_40 = arith.constant 0 : index
    %get3A_41 = vector.load %arg8[%get3A_39, %get3A_40] : memref<128x128xf32, #tpu.memory_space<vmem>>, vector<128x128xf32>
    %dot_general3A = arith.constant dense<0.000000e+00> : vector<2048x128xf32>
    %dot_general3A_42 = tpu.matmul %add3A_38, %get3A_41, %dot_general3A {dimension_numbers = #tpu.dot_dimension_numbers<[1], [0], [0], [1], [0, 0, 1, 1], [], []>, transpose_lhs_hint = false} : vector<2048x128xf32>, vector<128x128xf32>, vector<2048x128xf32> -> vector<2048x128xf32>
    %get3A_43 = arith.constant 0 : index
    %get3A_44 = arith.constant 0 : index
    %get3A_45 = vector.load %arg9[%get3A_43, %get3A_44] : memref<1x128xf32, #tpu.memory_space<vmem>>, vector<1x128xf32>
    %add3A_46 = vector.broadcast %get3A_45 : vector<1x128xf32> to vector<2048x128xf32>
    %add3A_47 = arith.addf %dot_general3A_42, %add3A_46 : vector<2048x128xf32>
    %gt3A_48 = arith.constant 0.000000e+00 : f32
    %gt3A_49 = vector.broadcast %gt3A_48 : f32 to vector<2048x128xf32>
    %gt3A_50 = arith.cmpf ogt, %add3A_47, %gt3A_49 : vector<2048x128xf32>
    %exp3A_51 = math.exp %add3A_47 : vector<2048x128xf32>
    %sub3A_52 = arith.constant 1.000000e+00 : f32
    %sub3A_53 = vector.broadcast %sub3A_52 : f32 to vector<2048x128xf32>
    %sub3A_54 = arith.subf %exp3A_51, %sub3A_53 : vector<2048x128xf32>
    %select_n3A_55 = arith.select %gt3A_50, %add3A_47, %sub3A_54 : vector<2048x128xi1>, vector<2048x128xf32>
    %mul3A_56 = arith.constant 2048 : i32
    %mul3A_57 = arith.muli %arg0, %mul3A_56 : i32
    %iota3A = tpu.iota {dimensions = array<i32: 0>} : vector<2048x1xi32>
    %add3A_58 = vector.broadcast %mul3A_57 : i32 to vector<2048x1xi32>
    %add3A_59 = arith.addi %add3A_58, %iota3A : vector<2048x1xi32>
    %lt3A = arith.constant 10000 : i32
    %lt3A_60 = vector.broadcast %lt3A : i32 to vector<2048x1xi32>
    %lt3A_61 = arith.cmpi slt, %add3A_59, %lt3A_60 : vector<2048x1xi32>
    %jit3A = arith.constant 0.000000e+00 : f32
    %broadcast_in_dim3A = vector.shape_cast %lt3A_61 : vector<2048x1xi1> to vector<2048x1xi1>
    %broadcast_in_dim3A_62 = vector.broadcast %broadcast_in_dim3A : vector<2048x1xi1> to vector<2048x128xi1>
    %broadcast_in_dim3A_63 = vector.broadcast %jit3A : f32 to vector<2048x128xf32>
    %select_n3A_64 = arith.select %broadcast_in_dim3A_62, %select_n3A_55, %broadcast_in_dim3A_63 : vector<2048x128xi1>, vector<2048x128xf32>
    %get3A_65 = arith.constant 0 : index
    %get3A_66 = arith.constant 0 : index
    %get3A_67 = vector.load %arg12[%get3A_65, %get3A_66] : memref<2048x1xi32, #tpu.memory_space<vmem>>, vector<2048x1xi32>
    %iota3A_68 = tpu.iota {dimensions = array<i32: 1>} : vector<2048x128xi32>
    %eq3A = vector.broadcast %get3A_67 : vector<2048x1xi32> to vector<2048x128xi32>
    %eq3A_69 = arith.cmpi eq, %eq3A, %iota3A_68 : vector<2048x128xi32>
    %convert_element_type3A = arith.extui %eq3A_69 : vector<2048x128xi1> to vector<2048x128xi32>
    %convert_element_type3A_70 = arith.sitofp %convert_element_type3A : vector<2048x128xi32> to vector<2048x128xf32>
    %dot_general3A_71 = arith.constant dense<0.000000e+00> : vector<128x128xf32>
    %dot_general3A_72 = tpu.matmul %convert_element_type3A_70, %select_n3A_64, %dot_general3A_71 {dimension_numbers = #tpu.dot_dimension_numbers<[0], [0], [1], [1], [0, 1, 1, 1], [], []>, transpose_lhs_hint = false} : vector<2048x128xf32>, vector<2048x128xf32>, vector<128x128xf32> -> vector<128x128xf32>
    %eq3A_73 = arith.constant 0 : i32
    %eq3A_74 = arith.cmpi eq, %arg0, %eq3A_73 : i32
    %convert_element_type3A_75 = arith.extui %eq3A_74 : i1 to i32
    %cond3A = arith.constant 0 : i32
    %cond3A_76 = arith.cmpi ne, %convert_element_type3A_75, %cond3A : i32
    scf.if %cond3A_76 {
      %broadcast_in_dim3A_102 = arith.constant 0.000000e+00 : f32
      %broadcast_in_dim3A_103 = vector.broadcast %broadcast_in_dim3A_102 : f32 to vector<128x128xf32>
      %swap3A_104 = arith.constant 0 : index
      %swap3A_105 = arith.constant 0 : index
      %swap3A_106 = vector.load %arg14[%swap3A_104, %swap3A_105] : memref<128x128xf32, #tpu.memory_space<vmem>>, vector<128x128xf32>
      tpu.vector_store %arg14[%swap3A_104, %swap3A_105], %broadcast_in_dim3A_103 {strides = array<i32>} : memref<128x128xf32, #tpu.memory_space<vmem>>, vector<128x128xf32>,
    } else {
    }
    %get3A_77 = arith.constant 0 : index
    %get3A_78 = arith.constant 0 : index
    %get3A_79 = vector.load %arg14[%get3A_77, %get3A_78] : memref<128x128xf32, #tpu.memory_space<vmem>>, vector<128x128xf32>
    %add3A_80 = arith.addf %get3A_79, %dot_general3A_72 : vector<128x128xf32>
    %swap3A = arith.constant 0 : index
    %swap3A_81 = arith.constant 0 : index
    %swap3A_82 = vector.load %arg14[%swap3A, %swap3A_81] : memref<128x128xf32, #tpu.memory_space<vmem>>, vector<128x128xf32>
    tpu.vector_store %arg14[%swap3A, %swap3A_81], %add3A_80 {strides = array<i32>} : memref<128x128xf32, #tpu.memory_space<vmem>>, vector<128x128xf32>,
    %get3A_83 = arith.constant 0 : index
    %get3A_84 = arith.constant 0 : index
    %get3A_85 = vector.load %arg14[%get3A_83, %get3A_84] : memref<128x128xf32, #tpu.memory_space<vmem>>, vector<128x128xf32>
    %get3A_86 = arith.constant 0 : index
    %get3A_87 = arith.constant 0 : index
    %get3A_88 = vector.load %arg10[%get3A_86, %get3A_87] : memref<128x128xf32, #tpu.memory_space<vmem>>, vector<128x128xf32>
    %dot_general3A_89 = arith.constant dense<0.000000e+00> : vector<128x128xf32>
    %dot_general3A_90 = tpu.matmul %get3A_85, %get3A_88, %dot_general3A_89 {dimension_numbers = #tpu.dot_dimension_numbers<[1], [0], [0], [1], [0, 0, 1, 1], [], []>, transpose_lhs_hint = false} : vector<128x128xf32>, vector<128x128xf32>, vector<128x128xf32> -> vector<128x128xf32>
    %get3A_91 = arith.constant 0 : index
    %get3A_92 = arith.constant 0 : index
    %get3A_93 = vector.load %arg11[%get3A_91, %get3A_92] : memref<1x128xf32, #tpu.memory_space<vmem>>, vector<1x128xf32>
    %add3A_94 = vector.broadcast %get3A_93 : vector<1x128xf32> to vector<128x128xf32>
    %add3A_95 = arith.addf %dot_general3A_90, %add3A_94 : vector<128x128xf32>
    %mul3A_96 = arith.constant 1.000000e-01 : f32
    %mul3A_97 = vector.broadcast %mul3A_96 : f32 to vector<128x128xf32>
    %mul3A_98 = arith.mulf %add3A_95, %mul3A_97 : vector<128x128xf32>
    %swap3A_99 = arith.constant 0 : index
    %swap3A_100 = arith.constant 0 : index
    %swap3A_101 = vector.load %arg13[%swap3A_99, %swap3A_100] : memref<128x128xf32, #tpu.memory_space<vmem>>, vector<128x128xf32>
    tpu.vector_store %arg13[%swap3A_99, %swap3A_100], %mul3A_98 {strides = array<i32>} : memref<128x128xf32, #tpu.memory_space<vmem>>, vector<128x128xf32>,
    return
  }
  func.func @transform_0(%arg0: i32) -> (i32, i32, i32) {
    %c0_i32 = arith.constant 0 : i32
    %c0_i32_0 = arith.constant 0 : i32
    %c0_i32_1 = arith.constant 0 : i32
    return %c0_i32, %arg0, %c0_i32_0 : i32, i32, i32
  }
  func.func @transform_1(%arg0: i32) -> (i32, i32) {
    %c0_i32 = arith.constant 0 : i32
    %c0_i32_0 = arith.constant 0 : i32
    return %arg0, %c0_i32 : i32, i32
  }
  func.func @transform_2(%arg0: i32) -> (i32, i32) {
    %c0_i32 = arith.constant 0 : i32
    %c0_i32_0 = arith.constant 0 : i32
    return %arg0, %c0_i32 : i32, i32
  }
  func.func @transform_3(%arg0: i32) -> (i32, i32) {
    %c0_i32 = arith.constant 0 : i32
    %c0_i32_0 = arith.constant 0 : i32
    return %arg0, %c0_i32 : i32, i32
  }
  func.func @transform_4(%arg0: i32) -> (i32, i32) {
    %c0_i32 = arith.constant 0 : i32
    %c0_i32_0 = arith.constant 0 : i32
    return %arg0, %c0_i32 : i32, i32
  }
  func.func @transform_5(%arg0: i32) -> (i32, i32) {
    %c0_i32 = arith.constant 0 : i32
    %c0_i32_0 = arith.constant 0 : i32
    %c0_i32_1 = arith.constant 0 : i32
    return %c0_i32, %c0_i32_0 : i32, i32
  }
  func.func @transform_6(%arg0: i32) -> (i32, i32) {
    %c0_i32 = arith.constant 0 : i32
    %c0_i32_0 = arith.constant 0 : i32
    %c0_i32_1 = arith.constant 0 : i32
    return %c0_i32, %c0_i32_0 : i32, i32
  }
  func.func @transform_7(%arg0: i32) -> (i32, i32) {
    %c0_i32 = arith.constant 0 : i32
    %c0_i32_0 = arith.constant 0 : i32
    %c0_i32_1 = arith.constant 0 : i32
    return %c0_i32, %c0_i32_0 : i32, i32
  }
  func.func @transform_8(%arg0: i32) -> (i32, i32) {
    %c0_i32 = arith.constant 0 : i32
    %c0_i32_0 = arith.constant 0 : i32
    %c0_i32_1 = arith.constant 0 : i32
    return %c0_i32, %c0_i32_0 : i32, i32
  }
  func.func @transform_9(%arg0: i32) -> (i32, i32) {
    %c0_i32 = arith.constant 0 : i32
    %c0_i32_0 = arith.constant 0 : i32
    %c0_i32_1 = arith.constant 0 : i32
    return %c0_i32, %c0_i32_0 : i32, i32
  }
  func.func @transform_10(%arg0: i32) -> (i32, i32) {
    %c0_i32 = arith.constant 0 : i32
    %c0_i32_0 = arith.constant 0 : i32
    %c0_i32_1 = arith.constant 0 : i32
    return %c0_i32, %c0_i32_0 : i32, i32
  }
  func.func @transform_11(%arg0: i32) -> (i32, i32) {
    %c0_i32 = arith.constant 0 : i32
    %c0_i32_0 = arith.constant 0 : i32
    return %arg0, %c0_i32 : i32, i32
  }
  func.func @transform_12(%arg0: i32) -> (i32, i32) {
    %c0_i32 = arith.constant 0 : i32
    %c0_i32_0 = arith.constant 0 : i32
    %c0_i32_1 = arith.constant 0 : i32
    return %c0_i32, %c0_i32_0 : i32, i32
  }
}

</mosaic_0001>

<sc_bundles>
// kernel: kernel.11.cloned.1.call-start
scs
__scs_entry_jumppad:
0x0: {  	(pc) =	sbr.rel $0x88, $3  }
0x1: {  	(tag) =	ssettag $0x0;
	lr =	simm.s32 $0x1  }
0x2: {  	[smem:$0x3F94] =	sst lr;
	_ =	strace $0xD0000000  }
0x3: {  	_ = 	snop  }
0x4: {  	_ = 	snop  }
0x5: {  	_ = 	snop  }
0x6: {  	_ = 	snop  }
0x7: {  	_ = 	snop  }
__scs_overlays_trampoline_lowered:
0x8: {  	[smem:$0x3FA3] =	sst s0  }
0x9: {  	[smem:$0x3FA4] =	sst s1  }
0xa: {  	[smem:$0x3FA5] =	sst s2  }
0xb: {  	[smem:$0x3FA6] =	sst s3  }
0xc: {  	[smem:$0x3FA7] =	sst s4  }
0xd: {  	[smem:$0x3FA8] =	sst s5  }
0xe: {  	[smem:$0x3FA9] =	sst s6  }
0xf: {  	[smem:$0x3FAA] =	sst s7  }
0x10: {  	[smem:$0x3FAB] =	sst s8  }
0x11: {  	[smem:$0x3FAC] =	sst s9;
	s0 =	simm.s32 @!p0 $0x0  }
0x12: {  	s1 =	sld [smem:$0x3F92];
	s0 =	simm.s32 @p0 $0x1  }
0x13: {  	[smem:$0x3FAD] =	sst s0;
	s0 =	simm.s32 @!p1 $0x0  }
0x14: {  	s2 =	sld [smem:$0x3F91];
	s0 =	simm.s32 @p1 $0x1  }
0x15: {  	[smem:$0x3FAE] =	sst s0;
	s0 =	simm.s32 @!p2 $0x0  }
0x16: {  	s3 =	sld [smem:$0x3FDB];
	s0 =	simm.s32 @p2 $0x1  }
0x17: {  	s4 =	simm.s32 $0x1BF5;
	[smem:$0x3FB0] =	sst s0  }
0x18: {  	s0 =	sld [smem:$0x3F93];
	_ =	swait.ge [sflag:s4], $0x0  }
0x19: {  	s7 =	sld [smem:$0x3F94]  }
0x1a: {  	s8 =	sadd.s32 $0xFFFFE003, lr  }
0x1b: {  	s9 =	sadd.s32 $0xFFFFFEF7, lr;
	s5 =	simm.s32 $0xFFFFFFFF;
	p2 =	slt.u32 s8, $0xFFFFF086  }
0x1c: {  	p1 =	slt.u32 s9, $0xF7A;
	s5 =	simm.s32 @!p2 $0x0  }
0x1d: {  	s5 =	simm.s32 @p1 $0x1;
	p0 =	seq.s32 s7, s2  }
0x1e: {  	s7 =	smul.u32 @!p0 $0xF7A, s2;
	p2 =	seq.s32 @!p0 s5, $0x0  }
0x1f: {  	s9 =	smul.u32 $0xF7A, s1;
	s8 =	simm.s32 @!p0 $0x1BF5;
	p2 =	por !p2, p0  }
0x20: {  	[sflag:s8] =	ssyncset.s32 @!p0 $0xFFFFF086;
	s6 =	sadd.s32 @!p0 s3, s7;
	s7 =	simm.s32 @!p0 $0x108  }
0x21: {  	s3 =	sadd.s32 s3, s9;
	s6 =	sadd.s32 @!p0 $0x88, s6;
	s7 =	simm.s32 @p2 $0x1082  }
0x22: {  	[simem:s7], [sflag:s8] =	dma.local @!p0 [hbm:s6], $0xF7A  }
0x23: {  	s9 =	sor.u32 $0xD0000000, s2;
	s6 =	simm.s32 $0x108;
	_ =	swait.ge @!p0 [sflag:s8], $0x0  }
0x24: {  	s3 =	sadd.s32 $0x88, s3;
	s6 =	simm.s32 @!p1 $0x1082;
	[sflag:s4] =	ssyncset.s32 $0xFFFFF086  }
0x25: {  	[simem:s6], [sflag:s4] =	dma.local [hbm:s3], $0xF7A  }
0x26: {  	[smem:$0x3F94] =	sst s1;
	(tag) =	ssettag s2;
	_ =	strace s9  }
0x27: {  	s1 =	sld [smem:$0x3FA4]  }
0x28: {  	s2 =	sld [smem:$0x3FA5]  }
0x29: {  	s4 =	sld [smem:$0x3FA7]  }
0x2a: {  	p0 =	seq.s32 s5, $0x0;
	s5 =	sld [smem:$0x3FA8]  }
0x2b: {  	s6 =	sld [smem:$0x3FA9]  }
0x2c: {  	s7 =	sld [smem:$0x3FAA]  }
0x2d: {  	s3 =	simm.s32 $0x108;
	s8 =	sld [smem:$0x3FAB]  }
0x2e: {  	s3 =	simm.s32 @!p0 $0x1082;
	s9 =	sld [smem:$0x3FAC]  }
0x2f: {  	lr =	sadd.s32 s0, s3;
	s0 =	sld [smem:$0x3FA3]  }
0x30: {  	s3 =	sld [smem:$0x3FA6]  }
0x31: {  	[smem:$0x3FAF] =	sst s10  }
0x32: {  	s10 =	sld [smem:$0x3FAD];
	_ =	sdelay $0x3  }
0x33: {  	p0 =	seq.s32 s10, $0x1;
	s10 =	sld [smem:$0x3FAF];
	_ =	sdelay $0x3  }
0x34: {  	[smem:$0x3FAF] =	sst s10  }
0x35: {  	s10 =	sld [smem:$0x3FAE];
	_ =	sdelay $0x3  }
0x36: {  	p1 =	seq.s32 s10, $0x1;
	s10 =	sld [smem:$0x3FAF];
	_ =	sdelay $0x3  }
0x37: {  	[smem:$0x3FAF] =	sst s10  }
0x38: {  	s10 =	sld [smem:$0x3FB0]  }
0x39: {  	_ = 	snop;
	(pc) =	sbr.ind lr, $3  }
0x3a: {  	_ = 	snop  }
0x3b: {  	_ = 	snop  }
0x3c: {  	p2 =	seq.s32 s10, $0x1;
	s10 =	sld [smem:$0x3FAF]  }
0x3d: {  	_ =	shalt  }
0x3e: {  	_ =	shalt  }
0x3f: {  	_ =	shalt  }
0x40: {  	_ =	shalt  }
0x41: {  	_ =	shalt  }
0x42: {  	_ =	shalt  }
0x43: {  	_ =	shalt  }
0x44: {  	_ =	shalt  }
0x45: {  	_ =	shalt  }
0x46: {  	_ =	shalt  }
0x47: {  	_ =	shalt  }
0x48: {  	_ =	shalt  }
0x49: {  	_ =	shalt  }
0x4a: {  	_ =	shalt  }
0x4b: {  	_ =	shalt  }
0x4c: {  	_ =	shalt  }
0x4d: {  	_ =	shalt  }
0x4e: {  	_ =	shalt  }
0x4f: {  	_ =	shalt  }
0x50: {  	_ =	shalt  }
0x51: {  	_ =	shalt  }
0x52: {  	_ =	shalt  }
0x53: {  	_ =	shalt  }
0x54: {  	_ =	shalt  }
0x55: {  	_ =	shalt  }
0x56: {  	_ =	shalt  }
0x57: {  	_ =	shalt  }
0x58: {  	_ =	shalt  }
0x59: {  	_ =	shalt  }
0x5a: {  	_ =	shalt  }
0x5b: {  	_ =	shalt  }
0x5c: {  	_ =	shalt  }
0x5d: {  	_ =	shalt  }
0x5e: {  	_ =	shalt  }
0x5f: {  	_ =	shalt  }
0x60: {  	_ =	shalt  }
0x61: {  	_ =	shalt  }
0x62: {  	_ =	shalt  }
0x63: {  	_ =	shalt  }
0x64: {  	_ =	shalt  }
0x65: {  	_ =	shalt  }
0x66: {  	_ =	shalt  }
0x67: {  	_ =	shalt  }
0x68: {  	_ =	shalt  }
0x69: {  	_ =	shalt  }
0x6a: {  	_ =	shalt  }
0x6b: {  	_ =	shalt  }
0x6c: {  	_ =	shalt  }
0x6d: {  	_ =	shalt  }
0x6e: {  	_ =	shalt  }
0x6f: {  	_ =	shalt  }
0x70: {  	_ =	shalt  }
0x71: {  	_ =	shalt  }
0x72: {  	_ =	shalt  }
0x73: {  	_ =	shalt  }
0x74: {  	_ =	shalt  }
0x75: {  	_ =	shalt  }
0x76: {  	_ =	shalt  }
0x77: {  	_ =	shalt  }
0x78: {  	_ =	shalt  }
0x79: {  	_ =	shalt  }
0x7a: {  	_ =	shalt  }
0x7b: {  	_ =	shalt  }
0x7c: {  	_ =	shalt  }
0x7d: {  	_ =	shalt  }
0x7e: {  	_ =	shalt  }
0x7f: {  	_ =	shalt  }
0x80: {  	_ =	shalt  }
0x81: {  	_ =	shalt  }
0x82: {  	_ =	shalt  }
0x83: {  	_ =	shalt  }
0x84: {  	_ =	shalt  }
0x85: {  	_ =	shalt  }
0x86: {  	_ =	shalt  }
0x87: {  	_ =	shalt  }
.Lfunc_end0:
.L_simem_size_0:
called_computation.1_lowered:
.L_overlay_start_0:
0x88: {  	s2 =	sld [smem:$0x3FD9]  }
0x89: {  	s3 =	sld [smem:$0x3FFE];
	_ =	sdelay $0x1  }
0x8a: {  	s1 =	srdreg.scid  }
0x8b: {  	s0 =	sand.u32 $0x1, s1  }
0x8c: {  	s16 =	sshll.u32 s0, $0xA;
	s2 =	sadd.s32 s3, s2  }
0x8d: {  	s2 =	sadd.s32 s2, s16  }
0x8e: {  	[smem:$0x3FBB] =	sst s2  }
0x8f: {  	_ = 	snop  }
0x90: {  	(tm) =	ssettm $0x1  }
0x91: {  	s17 =	sld [smem:$0x3FFB];
	_ =	sdelay $0x3  }
0x92: {  	_ =	strace s17  }
0x93: {  	s2 =	sld [smem:$0x3FFC];
	_ =	sdelay $0x3  }
0x94: {  	_ =	strace s2  }
0x95: {  	s2 =	sld [smem:$0x3FFD];
	_ =	sdelay $0x3  }
0x96: {  	_ =	strace s2  }
0x97: {  	_ =	strace $0x8FFFFFFF  }
0x98: {  	s18 =	sld [smem:$0x3FDB];
	_ =	sdelay $0x1  }
0x99: {  	s19 =	simm.s32 $_scs_section_size  }
0x9a: {  	s4 =	simm.s32 $_size__tile_overlayer_lowered;
	s5 =	simm.s32 $_tile_overlayer_lowered  }
0x9b: {  	s22 =	simm.s32 $0x1BFF;
	s21 =	sshll.u32 s5, $0x1;
	s2 =	sadd.s32 s19, s18  }
0x9c: {  	s6 =	simm.s32 $0x0;
	s20 =	sshll.u32 s4, $0x1;
	s4 =	sadd.s32 s21, s2  }
0x9d: {  	[timem:s6], [sflag:s22] =	dma.local [hbm:s4], s20  }
0x9e: {  	_ =	swait.ge [sflag:s22], s20  }
0x9f: {  	s3 =	ssub.s32 $0x0, s20;
	[sflag:s22] =	ssyncset.done $0x0  }
0xa0: {  	[sflag:s22] =	ssyncadd.s32 s3;
	_ =	sdelay $0x1  }
0xa1: {  	s23 =	simm.s32 $0x1B8B  }
0xa2: {  	_ =	swait.ge [sflag:s23], $0x1  }
0xa3: {  	[sflag:s23] =	ssyncset.done $0x0  }
0xa4: {  	s25 =	simm.s32 $0x1B8E;
	s24 =	sld [smem:$0x3FFE];
	[sflag:s23] =	ssyncadd.s32 $0xFFFFFFFF  }
0xa5: {  	s26 =	simm.s32 $execute0_lowered;
	[smem:$0x3FD2] =	sst s25  }
0xa6: {  	s4 =	sshll.u32 s26, $0x1;
	_ =	strace $0x80000049;
	[dreg:$0x1] =	wrdreg $0xFFFFFFFF  }
0xa7: {  	s28 =	simm.s32 $_size_execute0_lowered;
	s2 =	sadd.s32 s2, s4;
	[dreg:$0x0] =	wrdreg $0x0  }
0xa8: {  	s4 =	sshll.u32 s28, $0x1;
	[dreg:$0x2] =	wrdreg s2  }
0xa9: {  	[dreg:$0x3] =	wrdreg s4  }
0xaa: {  	[dreg:$0x4] =	wrdreg $0xC0  }
0xab: {  	_ =	task [dreg:s6], $0x5FFFF  }
0xac: {  	[dreg:$0x1] =	wrdreg $0xFFFFFFFF  }
0xad: {  	[dreg:$0x0] =	wrdreg $0x60  }
0xae: {  	[dreg:$0x2] =	wrdreg s24  }
0xaf: {  	[dreg:$0x3] =	wrdreg $0x0  }
0xb0: {  	[dreg:$0x4] =	wrdreg $0x9  }
0xb1: {  	_ =	task.clear_ibuf [dreg:s6], $0x5FFFF;
	_ =	strace $0x90000049  }
0xb2: {  	s29 =	simm.s32 $0x9;
	_ =	strace $0x8000004B  }
0xb3: {  	_ =	swait.ge [sflag:s29], $0x1  }
0xb4: {  	[sflag:s29] =	ssyncadd.s32 $0xFFFFFFFF  }
0xb5: {  	_ =	strace $0x9000004B  }
0xb6: {  	_ =	sfence  }
0xb7: {  	s30 =	sld [smem:$0x0];
	_ =	sdelay $0x2  }
0xb8: {  	s31 =	sshll.u32 s1, $0xD;
	s1 =	sshrl.u32 s1, $0x2  }
0xb9: {  	s3 =	sand.u32 $0x4000, s31;
	s1 =	sadd.s32 s1, s30  }
0xba: {  	s0 =	sor.u32 s3, s0;
	s1 =	sshll.u32 s1, $0x11  }
0xbb: {  	s0 =	sor.u32 s1, s0  }
0xbc: {  	s0 =	sadd.s32 $0x8F2B, s0  }
0xbd: {  	[sflag:s0] =	ssyncadd.remote.s32 $0x1  }
0xbe: {  	_ =	sfence.sel $0xFFFF  }
0xbf: {  	[dreg:$0x0] =	wrdreg $0xFFFFFFFF;
	(pc) =	sbr.abs _section_cstart, $3  }
0xc0: {  	[dreg:$0x1] =	wrdreg $0xFFFFFFFF  }
0xc1: {  	_ =	task.clear_ibuf [dreg:s6], $0x2FFFF;
	_ =	strace $0x9FFFFFFF  }
0xc2: {  	(tm) =	ssettm $0x7FFFFFFF  }
0xc3: {  	_ =	shalt  }
tec
execute0_lowered:
.L_overlay_start_1:
0x0: {  	(tag) =	ssettag $0x1  }
0x1: {  	s0 =	rddreg [dreg:$0x0]  }
0x2: {  	s24 =	rddreg [dreg:$0x1]  }
0x3: {  	s2 =	srdreg.scid;
	s3 =	simm.s32 $0x0;
	s1 =	stileid.u32  }
0x4: {  	s2 =	sand.u32 $0x1, s2;
	[smem:$0x7FF] =	sst s3;
	s9 =	smul.u32 $0x4F000, s1  }
0x5: {  	s7 =	smul.u32 $0x13C00, s1;
	s4 =	sadd.s32 $0x4400, s0;
	s8 =	ssub.s32 $0x2, s2  }
0x6: {  	s6 =	smul.u32 $0x140000, s2;
	s13 =	sshrl.u32 s8, $0x1;
	s9 =	sshrl.u32 s9, $0x2  }
0x7: {  	_ =	strace $0x8000004A;
	s10 =	ssub.s32 s8, s13;
	s8 =	sadd.s32 s9, s24  }
0x8: {  	s7 =	sadd.s32 s7, s6;
	s6 =	sadd.s32 $0xEC00, s0;
	[dreg:$0x7] =	wrdreg s8  }
0x9: {  	s14 =	sshll.u32 s1, $0x5;
	s15 =	sadd.s32 $0x3C00, s8;
	[dreg:$0x5] =	wrdreg s6  }
0xa: {  	p0 =	seq.s32 s2, $0x0;
	s16 =	sadd.s32 $0x7800, s8;
	[dreg:$0x8] =	wrdreg s15  }
0xb: {  	s2 =	smul.u32 $0x88, s1;
	s17 =	sadd.s32 $0xB400, s8;
	[dreg:$0x9] =	wrdreg s16  }
0xc: {  	s11 =	sadd.s32 $0x880, s14;
	s18 =	sadd.s32 $0xF000, s8;
	[dreg:$0xa] =	wrdreg s17  }
0xd: {  	s11 =	smov.u32 @p0 s2;
	s19 =	sadd.s32 $0x12C00, s8;
	[dreg:$0xb] =	wrdreg s18  }
0xe: {  	s2 =	sshll.u32 s11, $0x4;
	s30 =	smax.u32 s10, $0x1;
	[dreg:$0xc] =	wrdreg s19  }
0xf: {  	s20 =	sadd.s32 s4, s2;
	[dreg:$0x14] =	wrdreg s30  }
0x10: {  	s21 =	sor.u32 $0x10, s2;
	s22 =	sadd.s32 s6, s2;
	[dreg:$0xd] =	wrdreg s20  }
0x11: {  	s5 =	sadd.s32 $0x41A00, s0;
	[dreg:$0xe] =	wrdreg s22;
	s23 =	sadd.s32 s4, s21  }
0x12: {  	s2 =	sor.u32 $0x20, s2;
	s25 =	sadd.s32 s6, s21;
	[dreg:$0xf] =	wrdreg s23  }
0x13: {  	s7 =	sshrl.u32 s7, $0x3;
	s26 =	sadd.s32 s4, s2;
	[dreg:$0x10] =	wrdreg s25  }
0x14: {  	s0 =	sadd.s32 s7, s0;
	s29 =	sadd.s32 s6, s2;
	[dreg:$0x11] =	wrdreg s26  }
0x15: {  	s7 =	simm.s32 $0x88;
	s0 =	sadd.s32 $0x69A00, s0;
	[dreg:$0x12] =	wrdreg s29  }
0x16: {  	s7 =	simm.s32 @!p0 $0x20;
	[dreg:$0x13] =	wrdreg s0  }
0x17: {  	s31 =	sshll.u32 s11, $0x7;
	s28 =	sadd.s32 $0xFFFFFFFC, s7;
	[dreg:$0x4] =	wrdreg s7  }
0x18: {  	s1 =	simm.s32 $0xC;
	s0 =	sor.u32 $0x180, s31;
	[dreg:$0x3] =	wrdreg s28  }
0x19: {  	v0 =	vimm.f32 $0.0e+00;
	s11 =	simm.s32 $0x78;
	s20 =	sadd.s32 $0xFFFFFFFE, s7;
	[dreg:$0x15] =	wrdreg s0  }
.LBB2_1:
0x1a: {  	s2 =	simm.s32 $0x0;
	s9 =	simm.s32 $0x200  }
.LBB2_2:
0x1b: {  	p0 =	sne.s32 s9, $0xEE00;
	[tilespmem:s2+$0x14070] =	vst v0  }
0x1c: {  	[tilespmem:s2+$0x14000] =	vst v0  }
0x1d: {  	[tilespmem:s2+$0x14010] =	vst v0  }
.Ltmp0:
0x1e: {  	[tilespmem:s2+$0x14020] =	vst v0;
	(pc) =	sbr.rel @p0 .LBB2_2-.Ltmp0, $4  }
0x1f: {  	[tilespmem:s2+$0x14030] =	vst v0  }
0x20: {  	[tilespmem:s2+$0x14040] =	vst v0  }
0x21: {  	[tilespmem:s2+$0x14050] =	vst v0  }
0x22: {  	[tilespmem:s2+$0x14060] =	vst v0;
	s2 =	sshra.s32 s9, $0x2;
	s9 =	sadd.s32 $0x200, s9  }
0x23: {  	[tilespmem:s2+$0x14070] =	vst v0  }
0x24: {  	[tilespmem:s2+$0x14000] =	vst v0  }
0x25: {  	[tilespmem:s2+$0x14010] =	vst v0  }
0x26: {  	[tilespmem:s2+$0x14020] =	vst v0  }
0x27: {  	[tilespmem:s2+$0x14030] =	vst v0  }
0x28: {  	[tilespmem:s2+$0x14040] =	vst v0  }
0x29: {  	[tilespmem:s2+$0x14050] =	vst v0  }
0x2a: {  	[dreg:$0x6] =	wrdreg s3;
	[tilespmem:s2+$0x14060] =	vst v0;
	s2 =	simm.s32 $0x14000  }
0x2b: {  	[spmem:s8] =	stream.linear.scatter [tilespmem:s2], [sflag:$0xC], $0x3C00, $0x38;
	[tilespmem:$0x1F800] =	vst v63  }
0x2c: {  	_ =	swait.ge [sflag:s1], $0x3C00  }
0x2d: {  	[sflag:s1] =	ssyncset.done $0x0  }
0x2e: {  	s0 =	rddreg [dreg:$0x8];
	[sflag:s1] =	ssyncadd.s32 $0xFFFFC400  }
0x2f: {  	[spmem:s0] =	stream.linear.scatter [tilespmem:s2], [sflag:$0xC], $0x3C00, $0x38;
	[tilespmem:$0x1F800] =	vst v63  }
0x30: {  	_ =	swait.ge [sflag:s1], $0x3C00  }
0x31: {  	[sflag:s1] =	ssyncset.done $0x0  }
0x32: {  	s3 =	rddreg [dreg:$0x9];
	[sflag:s1] =	ssyncadd.s32 $0xFFFFC400  }
0x33: {  	[spmem:s3] =	stream.linear.scatter [tilespmem:s2], [sflag:$0xC], $0x3C00, $0x38;
	[tilespmem:$0x1F800] =	vst v63  }
0x34: {  	_ =	swait.ge [sflag:s1], $0x3C00  }
0x35: {  	[sflag:s1] =	ssyncset.done $0x0  }
0x36: {  	s8 =	rddreg [dreg:$0xa];
	[sflag:s1] =	ssyncadd.s32 $0xFFFFC400  }
0x37: {  	[spmem:s8] =	stream.linear.scatter [tilespmem:s2], [sflag:$0xC], $0x3C00, $0x38;
	[tilespmem:$0x1F800] =	vst v63  }
0x38: {  	_ =	swait.ge [sflag:s1], $0x3C00  }
0x39: {  	[sflag:s1] =	ssyncset.done $0x0  }
0x3a: {  	s9 =	rddreg [dreg:$0xb];
	[sflag:s1] =	ssyncadd.s32 $0xFFFFC400  }
0x3b: {  	[spmem:s9] =	stream.linear.scatter [tilespmem:s2], [sflag:$0xC], $0x3C00, $0x38;
	[tilespmem:$0x1F800] =	vst v63  }
0x3c: {  	_ =	swait.ge [sflag:s1], $0x3C00  }
0x3d: {  	[sflag:s1] =	ssyncset.done $0x0  }
0x3e: {  	s10 =	rddreg [dreg:$0xc];
	[sflag:s1] =	ssyncadd.s32 $0xFFFFC400  }
0x3f: {  	[spmem:s10] =	stream.linear.scatter [tilespmem:s2], [sflag:$0xC], $0x1000, $0x38;
	[tilespmem:$0x1F800] =	vst v63  }
0x40: {  	s17 =	simm.s32 $0x0;
	_ =	swait.ge [sflag:s1], $0x1000  }
0x41: {  	s13 =	simm.s32 $0x1F400;
	s15 =	simm.s32 $0x13C00;
	[sflag:s1] =	ssyncset.done $0x0  }
0x42: {  	s18 =	simm.s32 $0x1F480;
	s21 =	simm.s32 $0x13C80;
	[sflag:s1] =	ssyncadd.s32 $0xFFFFF000  }
0x43: {  	s23 =	simm.s32 $0x1F500;
	s26 =	simm.s32 $0x13D00;
	[bflag:$0x0] =	sbarrier.arrive $0xFFFF  }
0x44: {  	s30 =	simm.s32 $0x1;
	p1 =	por $0x1, $0x1;
	s12 =	rddreg [dreg:$0xd]  }
0x45: {  	[tilespmem:s13], [sflag:$0xC] =	stream.linear.gather [hbm4b:s12+s17], $0x80, $0x38;
	[tilespmem:$0x1F800] =	vst v63  }
0x46: {  	p0 =	sne.s32 s7, $0x1;
	p2 =	slt.s32 @!p1 s20, $0x0;
	_ =	swait.ge [sflag:s1], $0x80  }
0x47: {  	s7 =	smulhi.u32 $0xAAAAAAAB, s17;
	s10 =	simm.s32 $0x1;
	[sflag:s1] =	ssyncset.done $0x0  }
0x48: {  	s9 =	smulhi.u32 $0xAAAAAAAB, s10;
	s14 =	rddreg [dreg:$0xe];
	[sflag:s1] =	ssyncadd.s32 $0xFFFFFF80  }
0x49: {  	[tilespmem:s15], [sflag:$0xC] =	stream.linear.gather [hbm4b:s14+s17], $0x80, $0x38;
	[tilespmem:$0x1F800] =	vst v63  }
0x4a: {  	s31 =	simm.s32 $0x0;
	p1 =	por p2, p1;
	_ =	swait.ge [sflag:s1], $0x80  }
0x4b: {  	s28 =	sshrl.u32 s7, $0x1;
	s9 =	sshrl.u32 s9, $0x1;
	[sflag:s1] =	ssyncset.done $0x0  }
0x4c: {  	s12 =	smul.u32 $0xFFFFFFF4, s9;
	s16 =	rddreg [dreg:$0xf];
	[sflag:s1] =	ssyncadd.s32 $0xFFFFFF80  }
0x4d: {  	[tilespmem:s18], [sflag:$0x5] =	stream.linear.gather [hbm4b:s16+s17], $0x80, $0x38;
	[tilespmem:$0x1F800] =	vst v63  }
0x4e: {  	s7 =	smov.u32 s4;
	s19 =	rddreg [dreg:$0x10];
	s16 =	smulhi.u32 $0xCCCCCCCD, s10  }
0x4f: {  	[tilespmem:s21], [sflag:$0x5] =	stream.linear.gather [hbm4b:s19+s17], $0x80, $0x38;
	[tilespmem:$0x1F800] =	vst v63  }
0x50: {  	s12 =	sshra.s32 s12, $0x2;
	s22 =	rddreg [dreg:$0x11];
	s16 =	sshrl.u32 s16, $0x2  }
0x51: {  	[tilespmem:s23], [sflag:$0x6] =	stream.linear.gather [hbm4b:s22+s17], $0x80, $0x38;
	[tilespmem:$0x1F800] =	vst v63  }
0x52: {  	s14 =	sadd.s32 $0xA, s12;
	s25 =	rddreg [dreg:$0x12];
	s22 =	smul.u32 $0xFFFFFFEC, s16  }
0x53: {  	[tilespmem:s26], [sflag:$0x6] =	stream.linear.gather [hbm4b:s25+s17], $0x80, $0x38;
	[tilespmem:$0x1F800] =	vst v63  }
0x54: {  	s14 =	sadd.s32 @!p1 $0x0, s14;
	s1 =	simm.s32 $0x3;
	s17 =	smulhi.u32 $0xCCCCCCCD, s17  }
0x55: {  	[tilespmem:s2], [sflag:$0x1] =	stream.indirect.gather [hbm4b:s5+s11], $0x80, s13, s11, $0xb8;
	[tilespmem:$0x1F800] =	vst v63  }
0x56: {  	s18 =	sadd.s32 $0x2, s12;
	s10 =	simm.s32 $0x1B800;
	s13 =	smul.u32 $0xFFFD3000, s9  }
0x57: {  	s12 =	simm.s32 $0x200;
	s22 =	sshra.s32 s22, $0x2;
	s11 =	smulhi.u32 $0xCCCCCCCD, s1  }
0x58: {  	s9 =	simm.s32 $0x0;
	s17 =	sshrl.u32 s17, $0x2;
	_ =	swait.ge @!p1 [sflag:s14], $0x3C00  }
0x59: {  	s15 =	sshrl.u32 s11, $0x2;
	s21 =	sshra.s32 s13, $0x2;
	s3 =	rddreg [dreg:$0x3]  }
0x5a: {  	s11 =	simm.s32 $0x17C00;
	[sflag:s14] =	ssyncset.done @!p1 $0x0;
	s19 =	smul.u32 $0xFFFFFFEC, s15  }
0x5b: {  	s0 =	rddreg [dreg:$0x15];
	s15 =	smul.u32 $0xFFFFF600, s15;
	p2 =	slt.s32 s3, $0x0  }
0x5c: {  	[sflag:s14] =	ssyncadd.s32 @!p1 $0xFFFFC400;
	p1 =	slt.s32 s20, $0x0;
	s21 =	sadd.s32 $0x17C00, s21  }
0x5d: {  	s26 =	simm.s32 @!p2 $0x0;
	s19 =	sshra.s32 s19, $0x2;
	s15 =	sshra.s32 s15, $0x2  }
0x5e: {  	s13 =	sadd.s32 $0x7, s19;
	s19 =	sshrl.u32 @!p2 s0, $0x3;
	s25 =	sadd.s32 $0x1F580, s15  }
0x5f: {  	s15 =	sadd.s32 $0x13D80, s15;
	s23 =	sadd.s32 @!p2 $0x0, s13;
	s13 =	sadd.s32 @!p2 s4, s19  }
0x60: {  	s14 =	sadd.s32 @!p2 $0x0, s25;
	s19 =	sadd.s32 @!p2 s6, s19;
	s25 =	sadd.s32 $0x5, s22  }
0x61: {  	[tilespmem:s14], [sflag:s23] =	stream.linear.gather @!p2 [hbm4b:s13+s26], $0x80, $0x38;
	[tilespmem:$0x1F800] =	vst v63  }
0x62: {  	s6 =	smul.u32 $0xFFFFF600, s16;
	s15 =	sadd.s32 @!p2 $0x0, s15;
	s16 =	simm.s32 $0x4  }
0x63: {  	[tilespmem:s15], [sflag:s23] =	stream.linear.gather @!p2 [hbm4b:s19+s26], $0x80, $0x38;
	[tilespmem:$0x1F800] =	vst v63  }
.Ltmp1:
0x64: {  	s22 =	simm.s32 @!p1 $0x78;
	s13 =	simm.s32 $0x2;
	(pc) =	sbr.rel @!p0 .LBB2_5-.Ltmp1, $4  }
0x65: {  	s14 =	simm.s32 $0x4;
	s8 =	sshra.s32 s6, $0x2;
	s26 =	sadd.s32 @!p1 $0x0, s25  }
0x66: {  	s15 =	sadd.s32 $0x80, s0;
	s29 =	sadd.s32 $0x1F480, s8;
	_ =	swait.ge @!p1 [sflag:s26], $0x80  }
0x67: {  	s19 =	smul.u32 $0xFFFFFFF4, s28;
	s25 =	sadd.s32 @!p1 $0x0, s18;
	[sflag:s26] =	ssyncset.done @!p1 $0x0  }
0x68: {  	s23 =	smul.u32 $0xFFFFF600, s17;
	s29 =	sadd.s32 @!p1 $0x0, s29;
	[sflag:s26] =	ssyncadd.s32 @!p1 $0xFFFFFF80  }
.LBB2_4:
0x69: {  	s28 =	smul.u32 $0xFFFD3000, s28;
	_ =	swait.ge @!p1 [sflag:s26], $0x80;
	s17 =	smov.u32 s10  }
0x6a: {  	s18 =	smov.u32 s12;
	s0 =	simm.s32 $0x78;
	s10 =	sadd.s32 $0x3C00, s10  }
0x6b: {  	s8 =	sshra.s32 s19, $0x2;
	s19 =	smov.u32 s30;
	[sflag:s26] =	ssyncset.done @!p1 $0x0  }
0x6c: {  	s23 =	sshra.s32 s23, $0x2;
	s30 =	sadd.s32 $0x1, s30;
	s3 =	sadd.s32 $0x1, s8  }
0x6d: {  	s8 =	sadd.s32 $0x9, s8;
	[sflag:s26] =	ssyncadd.s32 @!p1 $0xFFFFFF80;
	s4 =	sshra.s32 s28, $0x2  }
0x6e: {  	[tilespmem:s21], [sflag:s25] =	stream.indirect.gather @!p1 [hbm4b:s5+s22], $0x80, s29, s22, $0xb8;
	[tilespmem:$0x1F800] =	vst v63  }
0x6f: {  	s6 =	sadd.s32 $0x13C00, s23;
	s3 =	sadd.s32 s9, s3;
	s2 =	sadd.s32 s4, s2  }
0x70: {  	s8 =	sadd.s32 s9, s8;
	s21 =	smulhi.u32 $0xAAAAAAAB, s13;
	s22 =	sadd.s32 s31, s6  }
0x71: {  	p1 =	slt.u32 s19, $0x2;
	s31 =	sshra.s32 s12, $0x2;
	s9 =	sshra.s32 s14, $0x2  }
0x72: {  	s4 =	smulhi.u32 $0xCCCCCCCD, s13;
	s12 =	sadd.s32 $0x200, s12;
	s13 =	sadd.s32 $0x1, s13  }
0x73: {  	_ =	swait.ge [sflag:s3], $0x3C00;
	p2 =	sgt.s32 @!p1 s19, s20;
	s23 =	sshrl.u32 s21, $0x1  }
0x74: {  	[sflag:s3] =	ssyncset.done $0x0;
	s25 =	rddreg [dreg:$0x4];
	s26 =	smul.u32 $0xFFFFFFF4, s23  }
0x75: {  	p1 =	por p2, p1;
	[sflag:s3] =	ssyncadd.s32 $0xFFFFC400;
	s3 =	smul.u32 $0xFFFD3000, s23  }
0x76: {  	[spmem:s24] =	stream.indirect.scatter.add.f32 [tilespmem:s2], [sflag:s8], $0x80, s22, s0, $0xb8;
	[tilespmem:$0x1F800] =	vst v63  }
0x77: {  	p0 =	sne.s32 s25, s30;
	s2 =	smov.u32 s11;
	s0 =	smulhi.u32 $0xCCCCCCCD, s16  }
0x78: {  	s22 =	smov.u32 s14;
	s11 =	sadd.s32 $0x3C00, s11;
	s8 =	sshra.s32 s26, $0x2  }
0x79: {  	s21 =	sshra.s32 s3, $0x2;
	s23 =	sadd.s32 $0xA, s8;
	s1 =	sshrl.u32 s0, $0x2  }
0x7a: {  	s25 =	sadd.s32 $0x2, s8;
	s8 =	sshra.s32 @!p1 s14, $0x2;
	s28 =	smul.u32 $0xFFFFFFEC, s1  }
0x7b: {  	s3 =	sadd.s32 @!p1 s8, s23;
	s8 =	smul.u32 $0xFFFFF600, s1;
	s23 =	sshrl.u32 s4, $0x2  }
0x7c: {  	s16 =	sadd.s32 $0x1, s16;
	s14 =	sadd.s32 $0x4, s14;
	s26 =	smul.u32 $0xFFFFFFEC, s23  }
0x7d: {  	s21 =	sadd.s32 s21, s17;
	_ =	swait.ge @!p1 [sflag:s3], $0x3C00;
	s23 =	smul.u32 $0xFFFFF600, s23  }
0x7e: {  	s6 =	rddreg [dreg:$0x3];
	s28 =	sshra.s32 s28, $0x2;
	[sflag:s3] =	ssyncset.done @!p1 $0x0  }
0x7f: {  	s8 =	sshra.s32 s8, $0x2;
	p2 =	sgt.s32 s19, s6;
	s6 =	smov.u32 s5  }
0x80: {  	s5 =	smov.u32 s24;
	s28 =	sadd.s32 $0x7, s28;
	s4 =	sadd.s32 $0x1F580, s8  }
0x81: {  	s8 =	sadd.s32 $0x13D80, s8;
	[sflag:s3] =	ssyncadd.s32 @!p1 $0xFFFFC400;
	s3 =	sshra.s32 s26, $0x2  }
0x82: {  	s26 =	rddreg [dreg:$0x5];
	p1 =	sgt.s32 s19, s20;
	s23 =	sshra.s32 s23, $0x2  }
0x83: {  	s29 =	sshra.s32 @!p2 s22, $0x2;
	s24 =	sshra.s32 @!p2 s18, $0x2;
	s1 =	sshrl.u32 @!p2 s15, $0x3  }
0x84: {  	s0 =	simm.s32 @!p2 $0x0;
	s3 =	sadd.s32 $0x5, s3;
	s15 =	sadd.s32 $0x80, s15  }
0x85: {  	s28 =	sadd.s32 @!p2 s29, s28;
	s29 =	sadd.s32 @!p2 s7, s1;
	s4 =	sadd.s32 @!p2 s24, s4  }
0x86: {  	s1 =	sadd.s32 @!p2 s26, s1;
	s8 =	sadd.s32 @!p2 s24, s8;
	s24 =	sshra.s32 @!p1 s22, $0x2  }
0x87: {  	[tilespmem:s4], [sflag:s28] =	stream.linear.gather @!p2 [hbm4b:s29+s0], $0x80, $0x38;
	[tilespmem:$0x1F800] =	vst v63  }
0x88: {  	s22 =	simm.s32 @!p1 $0x78;
	s4 =	sadd.s32 $0x1F480, s23;
	s23 =	smulhi.u32 $0xAAAAAAAB, s19  }
0x89: {  	[tilespmem:s8], [sflag:s28] =	stream.linear.gather @!p2 [hbm4b:s1+s0], $0x80, $0x38;
	[tilespmem:$0x1F800] =	vst v63  }
.Ltmp2:
0x8a: {  	s26 =	sadd.s32 @!p1 s24, s3;
	s25 =	sadd.s32 @!p1 s24, s25;
	(pc) =	sbr.rel @p0 .LBB2_4-.Ltmp2, $4  }
0x8b: {  	s24 =	smov.u32 s5;
	s28 =	sshrl.u32 s23, $0x1;
	s23 =	smulhi.u32 $0xCCCCCCCD, s19  }
0x8c: {  	s5 =	smov.u32 s6;
	s1 =	sshra.s32 @!p1 s18, $0x2;
	_ =	swait.ge @!p1 [sflag:s26], $0x80  }
0x8d: {  	s19 =	smul.u32 $0xFFFFFFF4, s28;
	[sflag:s26] =	ssyncset.done @!p1 $0x0;
	s0 =	sshrl.u32 s23, $0x2  }
0x8e: {  	s29 =	sadd.s32 @!p1 s1, s4;
	[sflag:s26] =	ssyncadd.s32 @!p1 $0xFFFFFF80;
	s23 =	smul.u32 $0xFFFFF600, s0  }
.LBB2_5:
0x8f: {  	s0 =	sshra.s32 s19, $0x2  }
0x90: {  	_ =	swait.ge @!p1 [sflag:s26], $0x80;
	s1 =	smul.u32 $0xFFFD3000, s28;
	s3 =	sadd.s32 $0x1, s0  }
0x91: {  	[sflag:s26] =	ssyncset.done @!p1 $0x0;
	s0 =	sadd.s32 $0x9, s0;
	s4 =	sshra.s32 s23, $0x2  }
0x92: {  	[sflag:s26] =	ssyncadd.s32 @!p1 $0xFFFFFF80;
	s3 =	sadd.s32 s9, s3;
	s1 =	sshra.s32 s1, $0x2  }
0x93: {  	[tilespmem:s21], [sflag:s25] =	stream.indirect.gather @!p1 [hbm4b:s5+s22], $0x80, s29, s22, $0xb8;
	[tilespmem:$0x1F800] =	vst v63  }
0x94: {  	s4 =	sadd.s32 $0x13C00, s4;
	s0 =	sadd.s32 s9, s0;
	_ =	swait.ge [sflag:s3], $0x3C00  }
0x95: {  	s1 =	sadd.s32 s1, s2;
	s19 =	sadd.s32 s31, s4;
	[sflag:s3] =	ssyncset.done $0x0  }
0x96: {  	s21 =	simm.s32 $0x78;
	s22 =	simm.s32 $0x9;
	[sflag:s3] =	ssyncadd.s32 $0xFFFFC400  }
0x97: {  	[spmem:s24] =	stream.indirect.scatter.add.f32 [tilespmem:s1], [sflag:s0], $0x80, s19, s21, $0xb8;
	[tilespmem:$0x1F800] =	vst v63  }
0x98: {  	_ =	swait.ge [sflag:s22], $0x3C00  }
0x99: {  	[sflag:s22] =	ssyncset.done $0x0  }
0x9a: {  	s23 =	simm.s32 $0xA;
	[sflag:s22] =	ssyncadd.s32 $0xFFFFC400  }
0x9b: {  	_ =	swait.ge [sflag:s23], $0x3C00  }
0x9c: {  	[sflag:s23] =	ssyncset.done $0x0  }
0x9d: {  	s25 =	simm.s32 $0xB;
	[sflag:s23] =	ssyncadd.s32 $0xFFFFC400  }
0x9e: {  	_ =	swait.ge [sflag:s25], $0x3C00  }
0x9f: {  	[sflag:s25] =	ssyncset.done $0x0  }
0xa0: {  	[sflag:s25] =	ssyncadd.s32 $0xFFFFC400  }
0xa1: {  	s26 =	stileid.u32;
	[bflag:$0x0] =	sbarrier.arrive $0xFFFF  }
0xa2: {  	s0 =	sshll.u32 s26, $0x6;
	s1 =	simm.s32 $0xC;
	s8 =	rddreg [dreg:$0x7]  }
0xa3: {  	s0 =	sor.u32 $0x1C0C, s0;
	s29 =	rddreg [dreg:$0x13];
	s28 =	sshrl.u32 s8, $0x3  }
0xa4: {  	[hbm:s29], [sflag:s0] =	dma.local [spmem:s28], $0x2780  }
0xa5: {  	_ =	swait.ge [sflag:s1], $0x2780  }
0xa6: {  	s30 =	rddreg [dreg:$0x6]  }
0xa7: {  	s31 =	rddreg [dreg:$0x14];
	s3 =	sadd.s32 $0x1, s30  }
0xa8: {  	p0 =	sne.s32 s3, s31  }
.Ltmp3:
0xa9: {  	_ = 	snop;
	(pc) =	sbr.rel @p0 .LBB2_1-.Ltmp3, $3  }
0xaa: {  	_ =	sdelay $0x1  }
0xab: {  	s11 =	simm.s32 $0x78;
	[sflag:s1] =	ssyncset.done $0x0;
	s6 =	rddreg [dreg:$0x5]  }
0xac: {  	s4 =	smov.u32 s7;
	s7 =	rddreg [dreg:$0x4];
	[sflag:s1] =	ssyncadd.s32 $0xFFFFD880  }
0xad: {  	_ =	sfence.sel $0x180000  }
0xae: {  	[bflag:$0x0] =	sbarrier.arrive $0xFFFF  }
0xaf: {  	_ =	strace $0x9000004A  }
0xb0: {  	s0 =	stileid.u32;
	[bflag:$0x2] =	sbarrier.arrive $0xFFFF  }
0xb1: {  	p0 =	sne.s32 s0, $0x0;
	s0 =	rddreg [dreg:$0x2]  }
0xb2: {  	s0 =	sadd.s32 @!p0 $0x100000, s0  }
0xb3: {  	[sflag:s0] =	ssyncadd.tile.s32 @!p0 $0x1;
	_ =	shalt  }
.Lfunc_end2:
_tile_overlayer_lowered:
.L_overlay_start_2:
0xb4: {  	(tag) =	ssettag $0x2  }
0xb5: {  	s0 =	rddreg [dreg:$0x0];
	s2 =	stileid.u32  }
0xb6: {  	s1 =	rddreg [dreg:$0x1];
	p0 =	sne.s32 s2, $0x0  }
0xb7: {  	s3 =	rddreg [dreg:$0x2];
	[bflag:$0x3] =	sbarrier.arrive $0xFFFF;
	s2 =	simm.s32 @!p0 $0x1C0C  }
0xb8: {  	[timem:s3], [sflag:s2] =	dma.local @!p0 [hbm:s0], s1  }
0xb9: {  	s0 =	simm.s32 @!p0 $0xC  }
0xba: {  	_ =	swait.ge @!p0 [sflag:s0], s1  }
0xbb: {  	s1 =	ssub.s32 @!p0 $0x0, s1;
	[sflag:s0] =	ssyncset.done @!p0 $0x0  }
0xbc: {  	[sflag:s0] =	ssyncadd.s32 @!p0 s1  }
0xbd: {  	[bflag:$0x3] =	sbarrier.arrive $0xFFFF  }
0xbe: {  	_ =	shalt  }

// kernel: kernel.14.cloned.1.call-start
scs
__scs_entry_jumppad:
0x0: {  	(pc) =	sbr.rel $0x88, $3  }
0x1: {  	(tag) =	ssettag $0x0;
	lr =	simm.s32 $0x1  }
0x2: {  	[smem:$0x3F94] =	sst lr;
	_ =	strace $0xD0000000  }
0x3: {  	_ = 	snop  }
0x4: {  	_ = 	snop  }
0x5: {  	_ = 	snop  }
0x6: {  	_ = 	snop  }
0x7: {  	_ = 	snop  }
__scs_overlays_trampoline_lowered:
0x8: {  	[smem:$0x3FA3] =	sst s0  }
0x9: {  	[smem:$0x3FA4] =	sst s1  }
0xa: {  	[smem:$0x3FA5] =	sst s2  }
0xb: {  	[smem:$0x3FA6] =	sst s3  }
0xc: {  	[smem:$0x3FA7] =	sst s4  }
0xd: {  	[smem:$0x3FA8] =	sst s5  }
0xe: {  	[smem:$0x3FA9] =	sst s6  }
0xf: {  	[smem:$0x3FAA] =	sst s7  }
0x10: {  	[smem:$0x3FAB] =	sst s8  }
0x11: {  	[smem:$0x3FAC] =	sst s9;
	s0 =	simm.s32 @!p0 $0x0  }
0x12: {  	s1 =	sld [smem:$0x3F92];
	s0 =	simm.s32 @p0 $0x1  }
0x13: {  	[smem:$0x3FAD] =	sst s0;
	s0 =	simm.s32 @!p1 $0x0  }
0x14: {  	s2 =	sld [smem:$0x3F91];
	s0 =	simm.s32 @p1 $0x1  }
0x15: {  	[smem:$0x3FAE] =	sst s0;
	s0 =	simm.s32 @!p2 $0x0  }
0x16: {  	s3 =	sld [smem:$0x3FDB];
	s0 =	simm.s32 @p2 $0x1  }
0x17: {  	s4 =	simm.s32 $0x1BF5;
	[smem:$0x3FB0] =	sst s0  }
0x18: {  	s0 =	sld [smem:$0x3F93];
	_ =	swait.ge [sflag:s4], $0x0  }
0x19: {  	s7 =	sld [smem:$0x3F94]  }
0x1a: {  	s8 =	sadd.s32 $0xFFFFE003, lr  }
0x1b: {  	s9 =	sadd.s32 $0xFFFFFEF7, lr;
	s5 =	simm.s32 $0xFFFFFFFF;
	p2 =	slt.u32 s8, $0xFFFFF086  }
0x1c: {  	p1 =	slt.u32 s9, $0xF7A;
	s5 =	simm.s32 @!p2 $0x0  }
0x1d: {  	s5 =	simm.s32 @p1 $0x1;
	p0 =	seq.s32 s7, s2  }
0x1e: {  	s7 =	smul.u32 @!p0 $0xF7A, s2;
	p2 =	seq.s32 @!p0 s5, $0x0  }
0x1f: {  	s9 =	smul.u32 $0xF7A, s1;
	s8 =	simm.s32 @!p0 $0x1BF5;
	p2 =	por !p2, p0  }
0x20: {  	[sflag:s8] =	ssyncset.s32 @!p0 $0xFFFFF086;
	s6 =	sadd.s32 @!p0 s3, s7;
	s7 =	simm.s32 @!p0 $0x108  }
0x21: {  	s3 =	sadd.s32 s3, s9;
	s6 =	sadd.s32 @!p0 $0x88, s6;
	s7 =	simm.s32 @p2 $0x1082  }
0x22: {  	[simem:s7], [sflag:s8] =	dma.local @!p0 [hbm:s6], $0xF7A  }
0x23: {  	s9 =	sor.u32 $0xD0000000, s2;
	s6 =	simm.s32 $0x108;
	_ =	swait.ge @!p0 [sflag:s8], $0x0  }
0x24: {  	s3 =	sadd.s32 $0x88, s3;
	s6 =	simm.s32 @!p1 $0x1082;
	[sflag:s4] =	ssyncset.s32 $0xFFFFF086  }
0x25: {  	[simem:s6], [sflag:s4] =	dma.local [hbm:s3], $0xF7A  }
0x26: {  	[smem:$0x3F94] =	sst s1;
	(tag) =	ssettag s2;
	_ =	strace s9  }
0x27: {  	s1 =	sld [smem:$0x3FA4]  }
0x28: {  	s2 =	sld [smem:$0x3FA5]  }
0x29: {  	s4 =	sld [smem:$0x3FA7]  }
0x2a: {  	p0 =	seq.s32 s5, $0x0;
	s5 =	sld [smem:$0x3FA8]  }
0x2b: {  	s6 =	sld [smem:$0x3FA9]  }
0x2c: {  	s7 =	sld [smem:$0x3FAA]  }
0x2d: {  	s3 =	simm.s32 $0x108;
	s8 =	sld [smem:$0x3FAB]  }
0x2e: {  	s3 =	simm.s32 @!p0 $0x1082;
	s9 =	sld [smem:$0x3FAC]  }
0x2f: {  	lr =	sadd.s32 s0, s3;
	s0 =	sld [smem:$0x3FA3]  }
0x30: {  	s3 =	sld [smem:$0x3FA6]  }
0x31: {  	[smem:$0x3FAF] =	sst s10  }
0x32: {  	s10 =	sld [smem:$0x3FAD];
	_ =	sdelay $0x3  }
0x33: {  	p0 =	seq.s32 s10, $0x1;
	s10 =	sld [smem:$0x3FAF];
	_ =	sdelay $0x3  }
0x34: {  	[smem:$0x3FAF] =	sst s10  }
0x35: {  	s10 =	sld [smem:$0x3FAE];
	_ =	sdelay $0x3  }
0x36: {  	p1 =	seq.s32 s10, $0x1;
	s10 =	sld [smem:$0x3FAF];
	_ =	sdelay $0x3  }
0x37: {  	[smem:$0x3FAF] =	sst s10  }
0x38: {  	s10 =	sld [smem:$0x3FB0]  }
0x39: {  	_ = 	snop;
	(pc) =	sbr.ind lr, $3  }
0x3a: {  	_ = 	snop  }
0x3b: {  	_ = 	snop  }
0x3c: {  	p2 =	seq.s32 s10, $0x1;
	s10 =	sld [smem:$0x3FAF]  }
0x3d: {  	_ =	shalt  }
0x3e: {  	_ =	shalt  }
0x3f: {  	_ =	shalt  }
0x40: {  	_ =	shalt  }
0x41: {  	_ =	shalt  }
0x42: {  	_ =	shalt  }
0x43: {  	_ =	shalt  }
0x44: {  	_ =	shalt  }
0x45: {  	_ =	shalt  }
0x46: {  	_ =	shalt  }
0x47: {  	_ =	shalt  }
0x48: {  	_ =	shalt  }
0x49: {  	_ =	shalt  }
0x4a: {  	_ =	shalt  }
0x4b: {  	_ =	shalt  }
0x4c: {  	_ =	shalt  }
0x4d: {  	_ =	shalt  }
0x4e: {  	_ =	shalt  }
0x4f: {  	_ =	shalt  }
0x50: {  	_ =	shalt  }
0x51: {  	_ =	shalt  }
0x52: {  	_ =	shalt  }
0x53: {  	_ =	shalt  }
0x54: {  	_ =	shalt  }
0x55: {  	_ =	shalt  }
0x56: {  	_ =	shalt  }
0x57: {  	_ =	shalt  }
0x58: {  	_ =	shalt  }
0x59: {  	_ =	shalt  }
0x5a: {  	_ =	shalt  }
0x5b: {  	_ =	shalt  }
0x5c: {  	_ =	shalt  }
0x5d: {  	_ =	shalt  }
0x5e: {  	_ =	shalt  }
0x5f: {  	_ =	shalt  }
0x60: {  	_ =	shalt  }
0x61: {  	_ =	shalt  }
0x62: {  	_ =	shalt  }
0x63: {  	_ =	shalt  }
0x64: {  	_ =	shalt  }
0x65: {  	_ =	shalt  }
0x66: {  	_ =	shalt  }
0x67: {  	_ =	shalt  }
0x68: {  	_ =	shalt  }
0x69: {  	_ =	shalt  }
0x6a: {  	_ =	shalt  }
0x6b: {  	_ =	shalt  }
0x6c: {  	_ =	shalt  }
0x6d: {  	_ =	shalt  }
0x6e: {  	_ =	shalt  }
0x6f: {  	_ =	shalt  }
0x70: {  	_ =	shalt  }
0x71: {  	_ =	shalt  }
0x72: {  	_ =	shalt  }
0x73: {  	_ =	shalt  }
0x74: {  	_ =	shalt  }
0x75: {  	_ =	shalt  }
0x76: {  	_ =	shalt  }
0x77: {  	_ =	shalt  }
0x78: {  	_ =	shalt  }
0x79: {  	_ =	shalt  }
0x7a: {  	_ =	shalt  }
0x7b: {  	_ =	shalt  }
0x7c: {  	_ =	shalt  }
0x7d: {  	_ =	shalt  }
0x7e: {  	_ =	shalt  }
0x7f: {  	_ =	shalt  }
0x80: {  	_ =	shalt  }
0x81: {  	_ =	shalt  }
0x82: {  	_ =	shalt  }
0x83: {  	_ =	shalt  }
0x84: {  	_ =	shalt  }
0x85: {  	_ =	shalt  }
0x86: {  	_ =	shalt  }
0x87: {  	_ =	shalt  }
.Lfunc_end0:
.L_simem_size_0:
called_computation.2_lowered:
.L_overlay_start_0:
0x88: {  	s2 =	sld [smem:$0x3FD9]  }
0x89: {  	s3 =	sld [smem:$0x3FFE];
	_ =	sdelay $0x1  }
0x8a: {  	s1 =	srdreg.scid  }
0x8b: {  	s0 =	sand.u32 $0x1, s1  }
0x8c: {  	s16 =	sshll.u32 s0, $0xA;
	s2 =	sadd.s32 s3, s2  }
0x8d: {  	s2 =	sadd.s32 s2, s16  }
0x8e: {  	[smem:$0x3FBB] =	sst s2  }
0x8f: {  	_ = 	snop  }
0x90: {  	(tm) =	ssettm $0x1  }
0x91: {  	s17 =	sld [smem:$0x3FFB];
	_ =	sdelay $0x3  }
0x92: {  	_ =	strace s17  }
0x93: {  	s2 =	sld [smem:$0x3FFC];
	_ =	sdelay $0x3  }
0x94: {  	_ =	strace s2  }
0x95: {  	s2 =	sld [smem:$0x3FFD];
	_ =	sdelay $0x3  }
0x96: {  	_ =	strace s2  }
0x97: {  	_ =	strace $0x8FFFFFFF  }
0x98: {  	s18 =	sld [smem:$0x3FDB];
	_ =	sdelay $0x1  }
0x99: {  	s19 =	simm.s32 $_scs_section_size  }
0x9a: {  	s4 =	simm.s32 $_size__tile_overlayer_lowered;
	s5 =	simm.s32 $_tile_overlayer_lowered  }
0x9b: {  	s22 =	simm.s32 $0x1BFF;
	s21 =	sshll.u32 s5, $0x1;
	s2 =	sadd.s32 s19, s18  }
0x9c: {  	s6 =	simm.s32 $0x0;
	s20 =	sshll.u32 s4, $0x1;
	s4 =	sadd.s32 s21, s2  }
0x9d: {  	[timem:s6], [sflag:s22] =	dma.local [hbm:s4], s20  }
0x9e: {  	_ =	swait.ge [sflag:s22], s20  }
0x9f: {  	s3 =	ssub.s32 $0x0, s20;
	[sflag:s22] =	ssyncset.done $0x0  }
0xa0: {  	[sflag:s22] =	ssyncadd.s32 s3;
	_ =	sdelay $0x1  }
0xa1: {  	s23 =	simm.s32 $0x1B8B  }
0xa2: {  	_ =	swait.ge [sflag:s23], $0x1  }
0xa3: {  	[sflag:s23] =	ssyncset.done $0x0  }
0xa4: {  	s25 =	simm.s32 $0x1B8E;
	s24 =	sld [smem:$0x3FFE];
	[sflag:s23] =	ssyncadd.s32 $0xFFFFFFFF  }
0xa5: {  	s26 =	simm.s32 $execute0_lowered;
	[smem:$0x3FD2] =	sst s25  }
0xa6: {  	s4 =	sshll.u32 s26, $0x1;
	_ =	strace $0x8000004C;
	[dreg:$0x1] =	wrdreg $0xFFFFFFFF  }
0xa7: {  	s28 =	simm.s32 $_size_execute0_lowered;
	s2 =	sadd.s32 s2, s4;
	[dreg:$0x0] =	wrdreg $0x0  }
0xa8: {  	s4 =	sshll.u32 s28, $0x1;
	[dreg:$0x2] =	wrdreg s2  }
0xa9: {  	[dreg:$0x3] =	wrdreg s4  }
0xaa: {  	[dreg:$0x4] =	wrdreg $0xC0  }
0xab: {  	_ =	task [dreg:s6], $0x5FFFF  }
0xac: {  	[dreg:$0x1] =	wrdreg $0xFFFFFFFF  }
0xad: {  	[dreg:$0x0] =	wrdreg $0x60  }
0xae: {  	[dreg:$0x2] =	wrdreg s24  }
0xaf: {  	[dreg:$0x3] =	wrdreg $0x0  }
0xb0: {  	[dreg:$0x4] =	wrdreg $0x9  }
0xb1: {  	_ =	task.clear_ibuf [dreg:s6], $0x5FFFF;
	_ =	strace $0x9000004C  }
0xb2: {  	s29 =	simm.s32 $0x9;
	_ =	strace $0x8000004E  }
0xb3: {  	_ =	swait.ge [sflag:s29], $0x1  }
0xb4: {  	[sflag:s29] =	ssyncadd.s32 $0xFFFFFFFF  }
0xb5: {  	_ =	strace $0x9000004E  }
0xb6: {  	_ =	sfence  }
0xb7: {  	s30 =	sld [smem:$0x0];
	_ =	sdelay $0x2  }
0xb8: {  	s31 =	sshll.u32 s1, $0xD;
	s1 =	sshrl.u32 s1, $0x2  }
0xb9: {  	s3 =	sand.u32 $0x4000, s31;
	s1 =	sadd.s32 s1, s30  }
0xba: {  	s0 =	sor.u32 s3, s0;
	s1 =	sshll.u32 s1, $0x11  }
0xbb: {  	s0 =	sor.u32 s1, s0  }
0xbc: {  	s0 =	sadd.s32 $0x8F2B, s0  }
0xbd: {  	[sflag:s0] =	ssyncadd.remote.s32 $0x1  }
0xbe: {  	_ =	sfence.sel $0xFFFF  }
0xbf: {  	[dreg:$0x0] =	wrdreg $0xFFFFFFFF;
	(pc) =	sbr.abs _section_cstart, $3  }
0xc0: {  	[dreg:$0x1] =	wrdreg $0xFFFFFFFF  }
0xc1: {  	_ =	task.clear_ibuf [dreg:s6], $0x2FFFF;
	_ =	strace $0x9FFFFFFF  }
0xc2: {  	(tm) =	ssettm $0x7FFFFFFF  }
0xc3: {  	_ =	shalt  }
tec
execute0_lowered:
.L_overlay_start_1:
0x0: {  	(tag) =	ssettag $0x1  }
0x1: {  	s0 =	rddreg [dreg:$0x0]  }
0x2: {  	s24 =	rddreg [dreg:$0x1]  }
0x3: {  	s2 =	srdreg.scid;
	s3 =	simm.s32 $0x0;
	s1 =	stileid.u32  }
0x4: {  	s2 =	sand.u32 $0x1, s2;
	[smem:$0x7FF] =	sst s3;
	s9 =	smul.u32 $0x4F000, s1  }
0x5: {  	s7 =	smul.u32 $0x13C00, s1;
	s4 =	sadd.s32 $0x4400, s0;
	s8 =	ssub.s32 $0x2, s2  }
0x6: {  	s6 =	smul.u32 $0x140000, s2;
	s13 =	sshrl.u32 s8, $0x1;
	s9 =	sshrl.u32 s9, $0x2  }
0x7: {  	_ =	strace $0x8000004D;
	s10 =	ssub.s32 s8, s13;
	s8 =	sadd.s32 s9, s24  }
0x8: {  	s7 =	sadd.s32 s7, s6;
	s6 =	sadd.s32 $0xEC00, s0;
	[dreg:$0x7] =	wrdreg s8  }
0x9: {  	s14 =	sshll.u32 s1, $0x5;
	s15 =	sadd.s32 $0x3C00, s8;
	[dreg:$0x5] =	wrdreg s6  }
0xa: {  	p0 =	seq.s32 s2, $0x0;
	s16 =	sadd.s32 $0x7800, s8;
	[dreg:$0x8] =	wrdreg s15  }
0xb: {  	s2 =	smul.u32 $0x88, s1;
	s17 =	sadd.s32 $0xB400, s8;
	[dreg:$0x9] =	wrdreg s16  }
0xc: {  	s11 =	sadd.s32 $0x880, s14;
	s18 =	sadd.s32 $0xF000, s8;
	[dreg:$0xa] =	wrdreg s17  }
0xd: {  	s11 =	smov.u32 @p0 s2;
	s19 =	sadd.s32 $0x12C00, s8;
	[dreg:$0xb] =	wrdreg s18  }
0xe: {  	s2 =	sshll.u32 s11, $0x4;
	s30 =	smax.u32 s10, $0x1;
	[dreg:$0xc] =	wrdreg s19  }
0xf: {  	s20 =	sadd.s32 s4, s2;
	[dreg:$0x14] =	wrdreg s30  }
0x10: {  	s21 =	sor.u32 $0x10, s2;
	s22 =	sadd.s32 s6, s2;
	[dreg:$0xd] =	wrdreg s20  }
0x11: {  	s5 =	sadd.s32 $0x41A00, s0;
	[dreg:$0xe] =	wrdreg s22;
	s23 =	sadd.s32 s4, s21  }
0x12: {  	s2 =	sor.u32 $0x20, s2;
	s25 =	sadd.s32 s6, s21;
	[dreg:$0xf] =	wrdreg s23  }
0x13: {  	s7 =	sshrl.u32 s7, $0x3;
	s26 =	sadd.s32 s4, s2;
	[dreg:$0x10] =	wrdreg s25  }
0x14: {  	s0 =	sadd.s32 s7, s0;
	s29 =	sadd.s32 s6, s2;
	[dreg:$0x11] =	wrdreg s26  }
0x15: {  	s7 =	simm.s32 $0x88;
	s0 =	sadd.s32 $0x69A00, s0;
	[dreg:$0x12] =	wrdreg s29  }
0x16: {  	s7 =	simm.s32 @!p0 $0x20;
	[dreg:$0x13] =	wrdreg s0  }
0x17: {  	s31 =	sshll.u32 s11, $0x7;
	s28 =	sadd.s32 $0xFFFFFFFC, s7;
	[dreg:$0x4] =	wrdreg s7  }
0x18: {  	s1 =	simm.s32 $0xC;
	s0 =	sor.u32 $0x180, s31;
	[dreg:$0x3] =	wrdreg s28  }
0x19: {  	v0 =	vimm.f32 $0.0e+00;
	s11 =	simm.s32 $0x78;
	s20 =	sadd.s32 $0xFFFFFFFE, s7;
	[dreg:$0x15] =	wrdreg s0  }
.LBB2_1:
0x1a: {  	s2 =	simm.s32 $0x0;
	s9 =	simm.s32 $0x200  }
.LBB2_2:
0x1b: {  	p0 =	sne.s32 s9, $0xEE00;
	[tilespmem:s2+$0x14070] =	vst v0  }
0x1c: {  	[tilespmem:s2+$0x14000] =	vst v0  }
0x1d: {  	[tilespmem:s2+$0x14010] =	vst v0  }
.Ltmp0:
0x1e: {  	[tilespmem:s2+$0x14020] =	vst v0;
	(pc) =	sbr.rel @p0 .LBB2_2-.Ltmp0, $4  }
0x1f: {  	[tilespmem:s2+$0x14030] =	vst v0  }
0x20: {  	[tilespmem:s2+$0x14040] =	vst v0  }
0x21: {  	[tilespmem:s2+$0x14050] =	vst v0  }
0x22: {  	[tilespmem:s2+$0x14060] =	vst v0;
	s2 =	sshra.s32 s9, $0x2;
	s9 =	sadd.s32 $0x200, s9  }
0x23: {  	[tilespmem:s2+$0x14070] =	vst v0  }
0x24: {  	[tilespmem:s2+$0x14000] =	vst v0  }
0x25: {  	[tilespmem:s2+$0x14010] =	vst v0  }
0x26: {  	[tilespmem:s2+$0x14020] =	vst v0  }
0x27: {  	[tilespmem:s2+$0x14030] =	vst v0  }
0x28: {  	[tilespmem:s2+$0x14040] =	vst v0  }
0x29: {  	[tilespmem:s2+$0x14050] =	vst v0  }
0x2a: {  	[dreg:$0x6] =	wrdreg s3;
	[tilespmem:s2+$0x14060] =	vst v0;
	s2 =	simm.s32 $0x14000  }
0x2b: {  	[spmem:s8] =	stream.linear.scatter [tilespmem:s2], [sflag:$0xC], $0x3C00, $0x38;
	[tilespmem:$0x1F800] =	vst v63  }
0x2c: {  	_ =	swait.ge [sflag:s1], $0x3C00  }
0x2d: {  	[sflag:s1] =	ssyncset.done $0x0  }
0x2e: {  	s0 =	rddreg [dreg:$0x8];
	[sflag:s1] =	ssyncadd.s32 $0xFFFFC400  }
0x2f: {  	[spmem:s0] =	stream.linear.scatter [tilespmem:s2], [sflag:$0xC], $0x3C00, $0x38;
	[tilespmem:$0x1F800] =	vst v63  }
0x30: {  	_ =	swait.ge [sflag:s1], $0x3C00  }
0x31: {  	[sflag:s1] =	ssyncset.done $0x0  }
0x32: {  	s3 =	rddreg [dreg:$0x9];
	[sflag:s1] =	ssyncadd.s32 $0xFFFFC400  }
0x33: {  	[spmem:s3] =	stream.linear.scatter [tilespmem:s2], [sflag:$0xC], $0x3C00, $0x38;
	[tilespmem:$0x1F800] =	vst v63  }
0x34: {  	_ =	swait.ge [sflag:s1], $0x3C00  }
0x35: {  	[sflag:s1] =	ssyncset.done $0x0  }
0x36: {  	s8 =	rddreg [dreg:$0xa];
	[sflag:s1] =	ssyncadd.s32 $0xFFFFC400  }
0x37: {  	[spmem:s8] =	stream.linear.scatter [tilespmem:s2], [sflag:$0xC], $0x3C00, $0x38;
	[tilespmem:$0x1F800] =	vst v63  }
0x38: {  	_ =	swait.ge [sflag:s1], $0x3C00  }
0x39: {  	[sflag:s1] =	ssyncset.done $0x0  }
0x3a: {  	s9 =	rddreg [dreg:$0xb];
	[sflag:s1] =	ssyncadd.s32 $0xFFFFC400  }
0x3b: {  	[spmem:s9] =	stream.linear.scatter [tilespmem:s2], [sflag:$0xC], $0x3C00, $0x38;
	[tilespmem:$0x1F800] =	vst v63  }
0x3c: {  	_ =	swait.ge [sflag:s1], $0x3C00  }
0x3d: {  	[sflag:s1] =	ssyncset.done $0x0  }
0x3e: {  	s10 =	rddreg [dreg:$0xc];
	[sflag:s1] =	ssyncadd.s32 $0xFFFFC400  }
0x3f: {  	[spmem:s10] =	stream.linear.scatter [tilespmem:s2], [sflag:$0xC], $0x1000, $0x38;
	[tilespmem:$0x1F800] =	vst v63  }
0x40: {  	s17 =	simm.s32 $0x0;
	_ =	swait.ge [sflag:s1], $0x1000  }
0x41: {  	s13 =	simm.s32 $0x1F400;
	s15 =	simm.s32 $0x13C00;
	[sflag:s1] =	ssyncset.done $0x0  }
0x42: {  	s18 =	simm.s32 $0x1F480;
	s21 =	simm.s32 $0x13C80;
	[sflag:s1] =	ssyncadd.s32 $0xFFFFF000  }
0x43: {  	s23 =	simm.s32 $0x1F500;
	s26 =	simm.s32 $0x13D00;
	[bflag:$0x0] =	sbarrier.arrive $0xFFFF  }
0x44: {  	s30 =	simm.s32 $0x1;
	p1 =	por $0x1, $0x1;
	s12 =	rddreg [dreg:$0xd]  }
0x45: {  	[tilespmem:s13], [sflag:$0xC] =	stream.linear.gather [hbm4b:s12+s17], $0x80, $0x38;
	[tilespmem:$0x1F800] =	vst v63  }
0x46: {  	p0 =	sne.s32 s7, $0x1;
	p2 =	slt.s32 @!p1 s20, $0x0;
	_ =	swait.ge [sflag:s1], $0x80  }
0x47: {  	s7 =	smulhi.u32 $0xAAAAAAAB, s17;
	s10 =	simm.s32 $0x1;
	[sflag:s1] =	ssyncset.done $0x0  }
0x48: {  	s9 =	smulhi.u32 $0xAAAAAAAB, s10;
	s14 =	rddreg [dreg:$0xe];
	[sflag:s1] =	ssyncadd.s32 $0xFFFFFF80  }
0x49: {  	[tilespmem:s15], [sflag:$0xC] =	stream.linear.gather [hbm4b:s14+s17], $0x80, $0x38;
	[tilespmem:$0x1F800] =	vst v63  }
0x4a: {  	s31 =	simm.s32 $0x0;
	p1 =	por p2, p1;
	_ =	swait.ge [sflag:s1], $0x80  }
0x4b: {  	s28 =	sshrl.u32 s7, $0x1;
	s9 =	sshrl.u32 s9, $0x1;
	[sflag:s1] =	ssyncset.done $0x0  }
0x4c: {  	s12 =	smul.u32 $0xFFFFFFF4, s9;
	s16 =	rddreg [dreg:$0xf];
	[sflag:s1] =	ssyncadd.s32 $0xFFFFFF80  }
0x4d: {  	[tilespmem:s18], [sflag:$0x5] =	stream.linear.gather [hbm4b:s16+s17], $0x80, $0x38;
	[tilespmem:$0x1F800] =	vst v63  }
0x4e: {  	s7 =	smov.u32 s4;
	s19 =	rddreg [dreg:$0x10];
	s16 =	smulhi.u32 $0xCCCCCCCD, s10  }
0x4f: {  	[tilespmem:s21], [sflag:$0x5] =	stream.linear.gather [hbm4b:s19+s17], $0x80, $0x38;
	[tilespmem:$0x1F800] =	vst v63  }
0x50: {  	s12 =	sshra.s32 s12, $0x2;
	s22 =	rddreg [dreg:$0x11];
	s16 =	sshrl.u32 s16, $0x2  }
0x51: {  	[tilespmem:s23], [sflag:$0x6] =	stream.linear.gather [hbm4b:s22+s17], $0x80, $0x38;
	[tilespmem:$0x1F800] =	vst v63  }
0x52: {  	s14 =	sadd.s32 $0xA, s12;
	s25 =	rddreg [dreg:$0x12];
	s22 =	smul.u32 $0xFFFFFFEC, s16  }
0x53: {  	[tilespmem:s26], [sflag:$0x6] =	stream.linear.gather [hbm4b:s25+s17], $0x80, $0x38;
	[tilespmem:$0x1F800] =	vst v63  }
0x54: {  	s14 =	sadd.s32 @!p1 $0x0, s14;
	s1 =	simm.s32 $0x3;
	s17 =	smulhi.u32 $0xCCCCCCCD, s17  }
0x55: {  	[tilespmem:s2], [sflag:$0x1] =	stream.indirect.gather [hbm4b:s5+s11], $0x80, s13, s11, $0xb8;
	[tilespmem:$0x1F800] =	vst v63  }
0x56: {  	s18 =	sadd.s32 $0x2, s12;
	s10 =	simm.s32 $0x1B800;
	s13 =	smul.u32 $0xFFFD3000, s9  }
0x57: {  	s12 =	simm.s32 $0x200;
	s22 =	sshra.s32 s22, $0x2;
	s11 =	smulhi.u32 $0xCCCCCCCD, s1  }
0x58: {  	s9 =	simm.s32 $0x0;
	s17 =	sshrl.u32 s17, $0x2;
	_ =	swait.ge @!p1 [sflag:s14], $0x3C00  }
0x59: {  	s15 =	sshrl.u32 s11, $0x2;
	s21 =	sshra.s32 s13, $0x2;
	s3 =	rddreg [dreg:$0x3]  }
0x5a: {  	s11 =	simm.s32 $0x17C00;
	[sflag:s14] =	ssyncset.done @!p1 $0x0;
	s19 =	smul.u32 $0xFFFFFFEC, s15  }
0x5b: {  	s0 =	rddreg [dreg:$0x15];
	s15 =	smul.u32 $0xFFFFF600, s15;
	p2 =	slt.s32 s3, $0x0  }
0x5c: {  	[sflag:s14] =	ssyncadd.s32 @!p1 $0xFFFFC400;
	p1 =	slt.s32 s20, $0x0;
	s21 =	sadd.s32 $0x17C00, s21  }
0x5d: {  	s26 =	simm.s32 @!p2 $0x0;
	s19 =	sshra.s32 s19, $0x2;
	s15 =	sshra.s32 s15, $0x2  }
0x5e: {  	s13 =	sadd.s32 $0x7, s19;
	s19 =	sshrl.u32 @!p2 s0, $0x3;
	s25 =	sadd.s32 $0x1F580, s15  }
0x5f: {  	s15 =	sadd.s32 $0x13D80, s15;
	s23 =	sadd.s32 @!p2 $0x0, s13;
	s13 =	sadd.s32 @!p2 s4, s19  }
0x60: {  	s14 =	sadd.s32 @!p2 $0x0, s25;
	s19 =	sadd.s32 @!p2 s6, s19;
	s25 =	sadd.s32 $0x5, s22  }
0x61: {  	[tilespmem:s14], [sflag:s23] =	stream.linear.gather @!p2 [hbm4b:s13+s26], $0x80, $0x38;
	[tilespmem:$0x1F800] =	vst v63  }
0x62: {  	s6 =	smul.u32 $0xFFFFF600, s16;
	s15 =	sadd.s32 @!p2 $0x0, s15;
	s16 =	simm.s32 $0x4  }
0x63: {  	[tilespmem:s15], [sflag:s23] =	stream.linear.gather @!p2 [hbm4b:s19+s26], $0x80, $0x38;
	[tilespmem:$0x1F800] =	vst v63  }
.Ltmp1:
0x64: {  	s22 =	simm.s32 @!p1 $0x78;
	s13 =	simm.s32 $0x2;
	(pc) =	sbr.rel @!p0 .LBB2_5-.Ltmp1, $4  }
0x65: {  	s14 =	simm.s32 $0x4;
	s8 =	sshra.s32 s6, $0x2;
	s26 =	sadd.s32 @!p1 $0x0, s25  }
0x66: {  	s15 =	sadd.s32 $0x80, s0;
	s29 =	sadd.s32 $0x1F480, s8;
	_ =	swait.ge @!p1 [sflag:s26], $0x80  }
0x67: {  	s19 =	smul.u32 $0xFFFFFFF4, s28;
	s25 =	sadd.s32 @!p1 $0x0, s18;
	[sflag:s26] =	ssyncset.done @!p1 $0x0  }
0x68: {  	s23 =	smul.u32 $0xFFFFF600, s17;
	s29 =	sadd.s32 @!p1 $0x0, s29;
	[sflag:s26] =	ssyncadd.s32 @!p1 $0xFFFFFF80  }
.LBB2_4:
0x69: {  	s28 =	smul.u32 $0xFFFD3000, s28;
	_ =	swait.ge @!p1 [sflag:s26], $0x80;
	s17 =	smov.u32 s10  }
0x6a: {  	s18 =	smov.u32 s12;
	s0 =	simm.s32 $0x78;
	s10 =	sadd.s32 $0x3C00, s10  }
0x6b: {  	s8 =	sshra.s32 s19, $0x2;
	s19 =	smov.u32 s30;
	[sflag:s26] =	ssyncset.done @!p1 $0x0  }
0x6c: {  	s23 =	sshra.s32 s23, $0x2;
	s30 =	sadd.s32 $0x1, s30;
	s3 =	sadd.s32 $0x1, s8  }
0x6d: {  	s8 =	sadd.s32 $0x9, s8;
	[sflag:s26] =	ssyncadd.s32 @!p1 $0xFFFFFF80;
	s4 =	sshra.s32 s28, $0x2  }
0x6e: {  	[tilespmem:s21], [sflag:s25] =	stream.indirect.gather @!p1 [hbm4b:s5+s22], $0x80, s29, s22, $0xb8;
	[tilespmem:$0x1F800] =	vst v63  }
0x6f: {  	s6 =	sadd.s32 $0x13C00, s23;
	s3 =	sadd.s32 s9, s3;
	s2 =	sadd.s32 s4, s2  }
0x70: {  	s8 =	sadd.s32 s9, s8;
	s21 =	smulhi.u32 $0xAAAAAAAB, s13;
	s22 =	sadd.s32 s31, s6  }
0x71: {  	p1 =	slt.u32 s19, $0x2;
	s31 =	sshra.s32 s12, $0x2;
	s9 =	sshra.s32 s14, $0x2  }
0x72: {  	s4 =	smulhi.u32 $0xCCCCCCCD, s13;
	s12 =	sadd.s32 $0x200, s12;
	s13 =	sadd.s32 $0x1, s13  }
0x73: {  	_ =	swait.ge [sflag:s3], $0x3C00;
	p2 =	sgt.s32 @!p1 s19, s20;
	s23 =	sshrl.u32 s21, $0x1  }
0x74: {  	[sflag:s3] =	ssyncset.done $0x0;
	s25 =	rddreg [dreg:$0x4];
	s26 =	smul.u32 $0xFFFFFFF4, s23  }
0x75: {  	p1 =	por p2, p1;
	[sflag:s3] =	ssyncadd.s32 $0xFFFFC400;
	s3 =	smul.u32 $0xFFFD3000, s23  }
0x76: {  	[spmem:s24] =	stream.indirect.scatter.add.f32 [tilespmem:s2], [sflag:s8], $0x80, s22, s0, $0xb8;
	[tilespmem:$0x1F800] =	vst v63  }
0x77: {  	p0 =	sne.s32 s25, s30;
	s2 =	smov.u32 s11;
	s0 =	smulhi.u32 $0xCCCCCCCD, s16  }
0x78: {  	s22 =	smov.u32 s14;
	s11 =	sadd.s32 $0x3C00, s11;
	s8 =	sshra.s32 s26, $0x2  }
0x79: {  	s21 =	sshra.s32 s3, $0x2;
	s23 =	sadd.s32 $0xA, s8;
	s1 =	sshrl.u32 s0, $0x2  }
0x7a: {  	s25 =	sadd.s32 $0x2, s8;
	s8 =	sshra.s32 @!p1 s14, $0x2;
	s28 =	smul.u32 $0xFFFFFFEC, s1  }
0x7b: {  	s3 =	sadd.s32 @!p1 s8, s23;
	s8 =	smul.u32 $0xFFFFF600, s1;
	s23 =	sshrl.u32 s4, $0x2  }
0x7c: {  	s16 =	sadd.s32 $0x1, s16;
	s14 =	sadd.s32 $0x4, s14;
	s26 =	smul.u32 $0xFFFFFFEC, s23  }
0x7d: {  	s21 =	sadd.s32 s21, s17;
	_ =	swait.ge @!p1 [sflag:s3], $0x3C00;
	s23 =	smul.u32 $0xFFFFF600, s23  }
0x7e: {  	s6 =	rddreg [dreg:$0x3];
	s28 =	sshra.s32 s28, $0x2;
	[sflag:s3] =	ssyncset.done @!p1 $0x0  }
0x7f: {  	s8 =	sshra.s32 s8, $0x2;
	p2 =	sgt.s32 s19, s6;
	s6 =	smov.u32 s5  }
0x80: {  	s5 =	smov.u32 s24;
	s28 =	sadd.s32 $0x7, s28;
	s4 =	sadd.s32 $0x1F580, s8  }
0x81: {  	s8 =	sadd.s32 $0x13D80, s8;
	[sflag:s3] =	ssyncadd.s32 @!p1 $0xFFFFC400;
	s3 =	sshra.s32 s26, $0x2  }
0x82: {  	s26 =	rddreg [dreg:$0x5];
	p1 =	sgt.s32 s19, s20;
	s23 =	sshra.s32 s23, $0x2  }
0x83: {  	s29 =	sshra.s32 @!p2 s22, $0x2;
	s24 =	sshra.s32 @!p2 s18, $0x2;
	s1 =	sshrl.u32 @!p2 s15, $0x3  }
0x84: {  	s0 =	simm.s32 @!p2 $0x0;
	s3 =	sadd.s32 $0x5, s3;
	s15 =	sadd.s32 $0x80, s15  }
0x85: {  	s28 =	sadd.s32 @!p2 s29, s28;
	s29 =	sadd.s32 @!p2 s7, s1;
	s4 =	sadd.s32 @!p2 s24, s4  }
0x86: {  	s1 =	sadd.s32 @!p2 s26, s1;
	s8 =	sadd.s32 @!p2 s24, s8;
	s24 =	sshra.s32 @!p1 s22, $0x2  }
0x87: {  	[tilespmem:s4], [sflag:s28] =	stream.linear.gather @!p2 [hbm4b:s29+s0], $0x80, $0x38;
	[tilespmem:$0x1F800] =	vst v63  }
0x88: {  	s22 =	simm.s32 @!p1 $0x78;
	s4 =	sadd.s32 $0x1F480, s23;
	s23 =	smulhi.u32 $0xAAAAAAAB, s19  }
0x89: {  	[tilespmem:s8], [sflag:s28] =	stream.linear.gather @!p2 [hbm4b:s1+s0], $0x80, $0x38;
	[tilespmem:$0x1F800] =	vst v63  }
.Ltmp2:
0x8a: {  	s26 =	sadd.s32 @!p1 s24, s3;
	s25 =	sadd.s32 @!p1 s24, s25;
	(pc) =	sbr.rel @p0 .LBB2_4-.Ltmp2, $4  }
0x8b: {  	s24 =	smov.u32 s5;
	s28 =	sshrl.u32 s23, $0x1;
	s23 =	smulhi.u32 $0xCCCCCCCD, s19  }
0x8c: {  	s5 =	smov.u32 s6;
	s1 =	sshra.s32 @!p1 s18, $0x2;
	_ =	swait.ge @!p1 [sflag:s26], $0x80  }
0x8d: {  	s19 =	smul.u32 $0xFFFFFFF4, s28;
	[sflag:s26] =	ssyncset.done @!p1 $0x0;
	s0 =	sshrl.u32 s23, $0x2  }
0x8e: {  	s29 =	sadd.s32 @!p1 s1, s4;
	[sflag:s26] =	ssyncadd.s32 @!p1 $0xFFFFFF80;
	s23 =	smul.u32 $0xFFFFF600, s0  }
.LBB2_5:
0x8f: {  	s0 =	sshra.s32 s19, $0x2  }
0x90: {  	_ =	swait.ge @!p1 [sflag:s26], $0x80;
	s1 =	smul.u32 $0xFFFD3000, s28;
	s3 =	sadd.s32 $0x1, s0  }
0x91: {  	[sflag:s26] =	ssyncset.done @!p1 $0x0;
	s0 =	sadd.s32 $0x9, s0;
	s4 =	sshra.s32 s23, $0x2  }
0x92: {  	[sflag:s26] =	ssyncadd.s32 @!p1 $0xFFFFFF80;
	s3 =	sadd.s32 s9, s3;
	s1 =	sshra.s32 s1, $0x2  }
0x93: {  	[tilespmem:s21], [sflag:s25] =	stream.indirect.gather @!p1 [hbm4b:s5+s22], $0x80, s29, s22, $0xb8;
	[tilespmem:$0x1F800] =	vst v63  }
0x94: {  	s4 =	sadd.s32 $0x13C00, s4;
	s0 =	sadd.s32 s9, s0;
	_ =	swait.ge [sflag:s3], $0x3C00  }
0x95: {  	s1 =	sadd.s32 s1, s2;
	s19 =	sadd.s32 s31, s4;
	[sflag:s3] =	ssyncset.done $0x0  }
0x96: {  	s21 =	simm.s32 $0x78;
	s22 =	simm.s32 $0x9;
	[sflag:s3] =	ssyncadd.s32 $0xFFFFC400  }
0x97: {  	[spmem:s24] =	stream.indirect.scatter.add.f32 [tilespmem:s1], [sflag:s0], $0x80, s19, s21, $0xb8;
	[tilespmem:$0x1F800] =	vst v63  }
0x98: {  	_ =	swait.ge [sflag:s22], $0x3C00  }
0x99: {  	[sflag:s22] =	ssyncset.done $0x0  }
0x9a: {  	s23 =	simm.s32 $0xA;
	[sflag:s22] =	ssyncadd.s32 $0xFFFFC400  }
0x9b: {  	_ =	swait.ge [sflag:s23], $0x3C00  }
0x9c: {  	[sflag:s23] =	ssyncset.done $0x0  }
0x9d: {  	s25 =	simm.s32 $0xB;
	[sflag:s23] =	ssyncadd.s32 $0xFFFFC400  }
0x9e: {  	_ =	swait.ge [sflag:s25], $0x3C00  }
0x9f: {  	[sflag:s25] =	ssyncset.done $0x0  }
0xa0: {  	[sflag:s25] =	ssyncadd.s32 $0xFFFFC400  }
0xa1: {  	s26 =	stileid.u32;
	[bflag:$0x0] =	sbarrier.arrive $0xFFFF  }
0xa2: {  	s0 =	sshll.u32 s26, $0x6;
	s1 =	simm.s32 $0xC;
	s8 =	rddreg [dreg:$0x7]  }
0xa3: {  	s0 =	sor.u32 $0x1C0C, s0;
	s29 =	rddreg [dreg:$0x13];
	s28 =	sshrl.u32 s8, $0x3  }
0xa4: {  	[hbm:s29], [sflag:s0] =	dma.local [spmem:s28], $0x2780  }
0xa5: {  	_ =	swait.ge [sflag:s1], $0x2780  }
0xa6: {  	s30 =	rddreg [dreg:$0x6]  }
0xa7: {  	s31 =	rddreg [dreg:$0x14];
	s3 =	sadd.s32 $0x1, s30  }
0xa8: {  	p0 =	sne.s32 s3, s31  }
.Ltmp3:
0xa9: {  	_ = 	snop;
	(pc) =	sbr.rel @p0 .LBB2_1-.Ltmp3, $3  }
0xaa: {  	_ =	sdelay $0x1  }
0xab: {  	s11 =	simm.s32 $0x78;
	[sflag:s1] =	ssyncset.done $0x0;
	s6 =	rddreg [dreg:$0x5]  }
0xac: {  	s4 =	smov.u32 s7;
	s7 =	rddreg [dreg:$0x4];
	[sflag:s1] =	ssyncadd.s32 $0xFFFFD880  }
0xad: {  	_ =	sfence.sel $0x180000  }
0xae: {  	[bflag:$0x0] =	sbarrier.arrive $0xFFFF  }
0xaf: {  	_ =	strace $0x9000004D  }
0xb0: {  	s0 =	stileid.u32;
	[bflag:$0x2] =	sbarrier.arrive $0xFFFF  }
0xb1: {  	p0 =	sne.s32 s0, $0x0;
	s0 =	rddreg [dreg:$0x2]  }
0xb2: {  	s0 =	sadd.s32 @!p0 $0x100000, s0  }
0xb3: {  	[sflag:s0] =	ssyncadd.tile.s32 @!p0 $0x1;
	_ =	shalt  }
.Lfunc_end2:
_tile_overlayer_lowered:
.L_overlay_start_2:
0xb4: {  	(tag) =	ssettag $0x2  }
0xb5: {  	s0 =	rddreg [dreg:$0x0];
	s2 =	stileid.u32  }
0xb6: {  	s1 =	rddreg [dreg:$0x1];
	p0 =	sne.s32 s2, $0x0  }
0xb7: {  	s3 =	rddreg [dreg:$0x2];
	[bflag:$0x3] =	sbarrier.arrive $0xFFFF;
	s2 =	simm.s32 @!p0 $0x1C0C  }
0xb8: {  	[timem:s3], [sflag:s2] =	dma.local @!p0 [hbm:s0], s1  }
0xb9: {  	s0 =	simm.s32 @!p0 $0xC  }
0xba: {  	_ =	swait.ge @!p0 [sflag:s0], s1  }
0xbb: {  	s1 =	ssub.s32 @!p0 $0x0, s1;
	[sflag:s0] =	ssyncset.done @!p0 $0x0  }
0xbc: {  	[sflag:s0] =	ssyncadd.s32 @!p0 s1  }
0xbd: {  	[bflag:$0x3] =	sbarrier.arrive $0xFFFF  }
0xbe: {  	_ =	shalt  }

// kernel: kernel.8.cloned.1.call-start
scs
__scs_entry_jumppad:
0x0: {  	(pc) =	sbr.rel $0x88, $3  }
0x1: {  	(tag) =	ssettag $0x0;
	lr =	simm.s32 $0x1  }
0x2: {  	[smem:$0x3F94] =	sst lr;
	_ =	strace $0xD0000000  }
0x3: {  	_ = 	snop  }
0x4: {  	_ = 	snop  }
0x5: {  	_ = 	snop  }
0x6: {  	_ = 	snop  }
0x7: {  	_ = 	snop  }
__scs_overlays_trampoline_lowered:
0x8: {  	[smem:$0x3FA3] =	sst s0  }
0x9: {  	[smem:$0x3FA4] =	sst s1  }
0xa: {  	[smem:$0x3FA5] =	sst s2  }
0xb: {  	[smem:$0x3FA6] =	sst s3  }
0xc: {  	[smem:$0x3FA7] =	sst s4  }
0xd: {  	[smem:$0x3FA8] =	sst s5  }
0xe: {  	[smem:$0x3FA9] =	sst s6  }
0xf: {  	[smem:$0x3FAA] =	sst s7  }
0x10: {  	[smem:$0x3FAB] =	sst s8  }
0x11: {  	[smem:$0x3FAC] =	sst s9;
	s0 =	simm.s32 @!p0 $0x0  }
0x12: {  	s1 =	sld [smem:$0x3F92];
	s0 =	simm.s32 @p0 $0x1  }
0x13: {  	[smem:$0x3FAD] =	sst s0;
	s0 =	simm.s32 @!p1 $0x0  }
0x14: {  	s2 =	sld [smem:$0x3F91];
	s0 =	simm.s32 @p1 $0x1  }
0x15: {  	[smem:$0x3FAE] =	sst s0;
	s0 =	simm.s32 @!p2 $0x0  }
0x16: {  	s3 =	sld [smem:$0x3FDB];
	s0 =	simm.s32 @p2 $0x1  }
0x17: {  	s4 =	simm.s32 $0x1BF5;
	[smem:$0x3FB0] =	sst s0  }
0x18: {  	s0 =	sld [smem:$0x3F93];
	_ =	swait.ge [sflag:s4], $0x0  }
0x19: {  	s7 =	sld [smem:$0x3F94]  }
0x1a: {  	s8 =	sadd.s32 $0xFFFFE003, lr  }
0x1b: {  	s9 =	sadd.s32 $0xFFFFFEF7, lr;
	s5 =	simm.s32 $0xFFFFFFFF;
	p2 =	slt.u32 s8, $0xFFFFF086  }
0x1c: {  	p1 =	slt.u32 s9, $0xF7A;
	s5 =	simm.s32 @!p2 $0x0  }
0x1d: {  	s5 =	simm.s32 @p1 $0x1;
	p0 =	seq.s32 s7, s2  }
0x1e: {  	s7 =	smul.u32 @!p0 $0xF7A, s2;
	p2 =	seq.s32 @!p0 s5, $0x0  }
0x1f: {  	s9 =	smul.u32 $0xF7A, s1;
	s8 =	simm.s32 @!p0 $0x1BF5;
	p2 =	por !p2, p0  }
0x20: {  	[sflag:s8] =	ssyncset.s32 @!p0 $0xFFFFF086;
	s6 =	sadd.s32 @!p0 s3, s7;
	s7 =	simm.s32 @!p0 $0x108  }
0x21: {  	s3 =	sadd.s32 s3, s9;
	s6 =	sadd.s32 @!p0 $0x88, s6;
	s7 =	simm.s32 @p2 $0x1082  }
0x22: {  	[simem:s7], [sflag:s8] =	dma.local @!p0 [hbm:s6], $0xF7A  }
0x23: {  	s9 =	sor.u32 $0xD0000000, s2;
	s6 =	simm.s32 $0x108;
	_ =	swait.ge @!p0 [sflag:s8], $0x0  }
0x24: {  	s3 =	sadd.s32 $0x88, s3;
	s6 =	simm.s32 @!p1 $0x1082;
	[sflag:s4] =	ssyncset.s32 $0xFFFFF086  }
0x25: {  	[simem:s6], [sflag:s4] =	dma.local [hbm:s3], $0xF7A  }
0x26: {  	[smem:$0x3F94] =	sst s1;
	(tag) =	ssettag s2;
	_ =	strace s9  }
0x27: {  	s1 =	sld [smem:$0x3FA4]  }
0x28: {  	s2 =	sld [smem:$0x3FA5]  }
0x29: {  	s4 =	sld [smem:$0x3FA7]  }
0x2a: {  	p0 =	seq.s32 s5, $0x0;
	s5 =	sld [smem:$0x3FA8]  }
0x2b: {  	s6 =	sld [smem:$0x3FA9]  }
0x2c: {  	s7 =	sld [smem:$0x3FAA]  }
0x2d: {  	s3 =	simm.s32 $0x108;
	s8 =	sld [smem:$0x3FAB]  }
0x2e: {  	s3 =	simm.s32 @!p0 $0x1082;
	s9 =	sld [smem:$0x3FAC]  }
0x2f: {  	lr =	sadd.s32 s0, s3;
	s0 =	sld [smem:$0x3FA3]  }
0x30: {  	s3 =	sld [smem:$0x3FA6]  }
0x31: {  	[smem:$0x3FAF] =	sst s10  }
0x32: {  	s10 =	sld [smem:$0x3FAD];
	_ =	sdelay $0x3  }
0x33: {  	p0 =	seq.s32 s10, $0x1;
	s10 =	sld [smem:$0x3FAF];
	_ =	sdelay $0x3  }
0x34: {  	[smem:$0x3FAF] =	sst s10  }
0x35: {  	s10 =	sld [smem:$0x3FAE];
	_ =	sdelay $0x3  }
0x36: {  	p1 =	seq.s32 s10, $0x1;
	s10 =	sld [smem:$0x3FAF];
	_ =	sdelay $0x3  }
0x37: {  	[smem:$0x3FAF] =	sst s10  }
0x38: {  	s10 =	sld [smem:$0x3FB0]  }
0x39: {  	_ = 	snop;
	(pc) =	sbr.ind lr, $3  }
0x3a: {  	_ = 	snop  }
0x3b: {  	_ = 	snop  }
0x3c: {  	p2 =	seq.s32 s10, $0x1;
	s10 =	sld [smem:$0x3FAF]  }
0x3d: {  	_ =	shalt  }
0x3e: {  	_ =	shalt  }
0x3f: {  	_ =	shalt  }
0x40: {  	_ =	shalt  }
0x41: {  	_ =	shalt  }
0x42: {  	_ =	shalt  }
0x43: {  	_ =	shalt  }
0x44: {  	_ =	shalt  }
0x45: {  	_ =	shalt  }
0x46: {  	_ =	shalt  }
0x47: {  	_ =	shalt  }
0x48: {  	_ =	shalt  }
0x49: {  	_ =	shalt  }
0x4a: {  	_ =	shalt  }
0x4b: {  	_ =	shalt  }
0x4c: {  	_ =	shalt  }
0x4d: {  	_ =	shalt  }
0x4e: {  	_ =	shalt  }
0x4f: {  	_ =	shalt  }
0x50: {  	_ =	shalt  }
0x51: {  	_ =	shalt  }
0x52: {  	_ =	shalt  }
0x53: {  	_ =	shalt  }
0x54: {  	_ =	shalt  }
0x55: {  	_ =	shalt  }
0x56: {  	_ =	shalt  }
0x57: {  	_ =	shalt  }
0x58: {  	_ =	shalt  }
0x59: {  	_ =	shalt  }
0x5a: {  	_ =	shalt  }
0x5b: {  	_ =	shalt  }
0x5c: {  	_ =	shalt  }
0x5d: {  	_ =	shalt  }
0x5e: {  	_ =	shalt  }
0x5f: {  	_ =	shalt  }
0x60: {  	_ =	shalt  }
0x61: {  	_ =	shalt  }
0x62: {  	_ =	shalt  }
0x63: {  	_ =	shalt  }
0x64: {  	_ =	shalt  }
0x65: {  	_ =	shalt  }
0x66: {  	_ =	shalt  }
0x67: {  	_ =	shalt  }
0x68: {  	_ =	shalt  }
0x69: {  	_ =	shalt  }
0x6a: {  	_ =	shalt  }
0x6b: {  	_ =	shalt  }
0x6c: {  	_ =	shalt  }
0x6d: {  	_ =	shalt  }
0x6e: {  	_ =	shalt  }
0x6f: {  	_ =	shalt  }
0x70: {  	_ =	shalt  }
0x71: {  	_ =	shalt  }
0x72: {  	_ =	shalt  }
0x73: {  	_ =	shalt  }
0x74: {  	_ =	shalt  }
0x75: {  	_ =	shalt  }
0x76: {  	_ =	shalt  }
0x77: {  	_ =	shalt  }
0x78: {  	_ =	shalt  }
0x79: {  	_ =	shalt  }
0x7a: {  	_ =	shalt  }
0x7b: {  	_ =	shalt  }
0x7c: {  	_ =	shalt  }
0x7d: {  	_ =	shalt  }
0x7e: {  	_ =	shalt  }
0x7f: {  	_ =	shalt  }
0x80: {  	_ =	shalt  }
0x81: {  	_ =	shalt  }
0x82: {  	_ =	shalt  }
0x83: {  	_ =	shalt  }
0x84: {  	_ =	shalt  }
0x85: {  	_ =	shalt  }
0x86: {  	_ =	shalt  }
0x87: {  	_ =	shalt  }
.Lfunc_end0:
.L_simem_size_0:
called_computation_lowered:
.L_overlay_start_0:
0x88: {  	s2 =	sld [smem:$0x3FD9]  }
0x89: {  	s3 =	sld [smem:$0x3FFE];
	_ =	sdelay $0x1  }
0x8a: {  	s1 =	srdreg.scid  }
0x8b: {  	s0 =	sand.u32 $0x1, s1  }
0x8c: {  	s17 =	sshll.u32 s0, $0xA;
	s2 =	sadd.s32 s3, s2  }
0x8d: {  	s2 =	sadd.s32 s2, s17  }
0x8e: {  	[smem:$0x3FBB] =	sst s2  }
0x8f: {  	_ = 	snop  }
0x90: {  	s2 =	sld [smem:$0x3FD0];
	(tm) =	ssettm $0x1  }
0x91: {  	s18 =	sld [smem:$0x3FFB];
	_ =	sdelay $0x3  }
0x92: {  	_ =	strace s18  }
0x93: {  	s3 =	sld [smem:$0x3FFC];
	_ =	sdelay $0x3  }
0x94: {  	_ =	strace s3  }
0x95: {  	s3 =	sld [smem:$0x3FFD];
	_ =	sdelay $0x3  }
0x96: {  	_ =	strace s3  }
0x97: {  	_ =	strace $0x8FFFFFFF  }
0x98: {  	s19 =	sld [smem:$0x3FDB];
	_ =	sdelay $0x1  }
0x99: {  	s4 =	simm.s32 $_scs_section_size  }
0x9a: {  	s5 =	simm.s32 $_size__tile_overlayer_lowered;
	s6 =	simm.s32 $_tile_overlayer_lowered  }
0x9b: {  	s22 =	simm.s32 $0x1BFF;
	s21 =	sshll.u32 s6, $0x1;
	s3 =	sadd.s32 s4, s19  }
0x9c: {  	s7 =	simm.s32 $0x0;
	s20 =	sshll.u32 s5, $0x1;
	s5 =	sadd.s32 s21, s3  }
0x9d: {  	[timem:s7], [sflag:s22] =	dma.local [hbm:s5], s20  }
0x9e: {  	_ =	swait.ge [sflag:s22], s20  }
0x9f: {  	s4 =	ssub.s32 $0x0, s20;
	[sflag:s22] =	ssyncset.done $0x0  }
0xa0: {  	[sflag:s22] =	ssyncadd.s32 s4;
	_ =	sdelay $0x1  }
0xa1: {  	s23 =	simm.s32 $0x1B8B  }
0xa2: {  	_ =	swait.ge [sflag:s23], $0x1  }
0xa3: {  	[sflag:s23] =	ssyncset.done $0x0  }
0xa4: {  	s25 =	simm.s32 $0x1B8E;
	s24 =	sld [smem:$0x3FFE];
	[sflag:s23] =	ssyncadd.s32 $0xFFFFFFFF  }
0xa5: {  	s26 =	simm.s32 $execute0_lowered;
	[smem:$0x3FD2] =	sst s25  }
0xa6: {  	s5 =	sshll.u32 s26, $0x1;
	_ =	strace $0x80000046;
	[dreg:$0x1] =	wrdreg $0xFFFFFFFF  }
0xa7: {  	s28 =	simm.s32 $_size_execute0_lowered;
	s3 =	sadd.s32 s3, s5;
	[dreg:$0x0] =	wrdreg $0x0  }
0xa8: {  	s5 =	sshll.u32 s28, $0x1;
	[dreg:$0x2] =	wrdreg s3  }
0xa9: {  	[dreg:$0x3] =	wrdreg s5  }
0xaa: {  	[dreg:$0x4] =	wrdreg $0xC0  }
0xab: {  	_ =	task [dreg:s7], $0x5FFFF  }
0xac: {  	[dreg:$0x1] =	wrdreg $0xFFFFFFFF  }
0xad: {  	[dreg:$0x0] =	wrdreg $0x60  }
0xae: {  	[dreg:$0x2] =	wrdreg s24  }
0xaf: {  	[dreg:$0x3] =	wrdreg s2  }
0xb0: {  	[dreg:$0x4] =	wrdreg $0x5000  }
0xb1: {  	[dreg:$0x5] =	wrdreg $0x0  }
0xb2: {  	[dreg:$0x6] =	wrdreg $0x7800  }
0xb3: {  	[dreg:$0x7] =	wrdreg $0x9  }
0xb4: {  	_ =	task.clear_ibuf [dreg:s7], $0x8FFFF;
	_ =	strace $0x90000046  }
0xb5: {  	s29 =	simm.s32 $0x9;
	_ =	strace $0x80000048  }
0xb6: {  	_ =	swait.ge [sflag:s29], $0x1  }
0xb7: {  	[sflag:s29] =	ssyncadd.s32 $0xFFFFFFFF  }
0xb8: {  	_ =	strace $0x90000048  }
0xb9: {  	_ =	sfence  }
0xba: {  	s30 =	sld [smem:$0x0];
	_ =	sdelay $0x2  }
0xbb: {  	s31 =	sshll.u32 s1, $0xD;
	s1 =	sshrl.u32 s1, $0x2  }
0xbc: {  	s3 =	sand.u32 $0x4000, s31;
	s1 =	sadd.s32 s1, s30  }
0xbd: {  	s0 =	sor.u32 s3, s0;
	s1 =	sshll.u32 s1, $0x11  }
0xbe: {  	s0 =	sor.u32 s1, s0  }
0xbf: {  	s0 =	sadd.s32 $0x8F2B, s0  }
0xc0: {  	[sflag:s0] =	ssyncadd.remote.s32 $0x1  }
0xc1: {  	_ =	sfence.sel $0xFFFF  }
0xc2: {  	[dreg:$0x0] =	wrdreg $0xFFFFFFFF;
	(pc) =	sbr.abs _section_cstart, $3  }
0xc3: {  	[dreg:$0x1] =	wrdreg $0xFFFFFFFF  }
0xc4: {  	_ =	task.clear_ibuf [dreg:s7], $0x2FFFF;
	_ =	strace $0x9FFFFFFF  }
0xc5: {  	(tm) =	ssettm $0x7FFFFFFF  }
tec
execute0_lowered:
.L_overlay_start_1:
0x0: {  	(tag) =	ssettag $0x1  }
0x1: {  	s1 =	srdreg.scid  }
0x2: {  	s5 =	rddreg [dreg:$0x0];
	s1 =	sand.u32 $0x1, s1  }
0x3: {  	s4 =	rddreg [dreg:$0x1];
	p0 =	seq.s32 s1, $0x1  }
.Ltmp0:
0x4: {  	s9 =	rddreg [dreg:$0x2];
	(pc) =	sbr.rel @p0 .LBB2_12-.Ltmp0, $4  }
0x5: {  	s2 =	rddreg [dreg:$0x3]  }
0x6: {  	s6 =	rddreg [dreg:$0x4];
	s8 =	simm.s32 $0x0  }
0x7: {  	[smem:$0x7FF] =	sst s8  }
0x8: {  	s0 =	rddreg [dreg:$0x5];
	_ =	strace $0x80000047;
	s1 =	stileid.u32  }
0x9: {  	v0 =	vimm.f32 $0.0e+00  }
0xa: {  	[tilespmem:$0xA00] =	vst v0  }
0xb: {  	[tilespmem:$0xA10] =	vst v0  }
0xc: {  	[tilespmem:$0xA20] =	vst v0  }
0xd: {  	[tilespmem:$0xA30] =	vst v0  }
0xe: {  	[tilespmem:$0xA40] =	vst v0  }
0xf: {  	[tilespmem:$0xA50] =	vst v0  }
0x10: {  	[tilespmem:$0xA60] =	vst v0  }
0x11: {  	[tilespmem:$0xA70] =	vst v0  }
0x12: {  	[tilespmem:$0xA80] =	vst v0  }
0x13: {  	[tilespmem:$0xA90] =	vst v0  }
0x14: {  	[tilespmem:$0xAA0] =	vst v0  }
0x15: {  	[tilespmem:$0xAB0] =	vst v0  }
0x16: {  	[tilespmem:$0xAC0] =	vst v0  }
0x17: {  	[tilespmem:$0xAD0] =	vst v0  }
0x18: {  	[tilespmem:$0xAE0] =	vst v0  }
0x19: {  	[tilespmem:$0xAF0] =	vst v0  }
0x1a: {  	[tilespmem:$0xB00] =	vst v0  }
0x1b: {  	[tilespmem:$0xB10] =	vst v0  }
0x1c: {  	[tilespmem:$0xB20] =	vst v0  }
0x1d: {  	[tilespmem:$0xB30] =	vst v0  }
0x1e: {  	[tilespmem:$0xB40] =	vst v0  }
0x1f: {  	[tilespmem:$0xB50] =	vst v0  }
0x20: {  	[tilespmem:$0xB60] =	vst v0  }
0x21: {  	[tilespmem:$0xB70] =	vst v0  }
0x22: {  	[tilespmem:$0xB80] =	vst v0  }
0x23: {  	[tilespmem:$0xB90] =	vst v0  }
0x24: {  	[tilespmem:$0xBA0] =	vst v0  }
0x25: {  	[tilespmem:$0xBB0] =	vst v0  }
0x26: {  	[tilespmem:$0xBC0] =	vst v0  }
0x27: {  	[tilespmem:$0xBD0] =	vst v0  }
0x28: {  	[tilespmem:$0xBE0] =	vst v0  }
0x29: {  	[tilespmem:$0xBF0] =	vst v0  }
0x2a: {  	[tilespmem:$0xC00] =	vst v0  }
0x2b: {  	[tilespmem:$0xC10] =	vst v0  }
0x2c: {  	[tilespmem:$0xC20] =	vst v0  }
0x2d: {  	[tilespmem:$0xC30] =	vst v0  }
0x2e: {  	[tilespmem:$0xC40] =	vst v0  }
0x2f: {  	s7 =	smul.u32 $0x280, s1;
	[tilespmem:$0xC50] =	vst v0  }
0x30: {  	[tilespmem:$0xC60] =	vst v0  }
0x31: {  	s11 =	simm.s32 $0xA00;
	s12 =	simm.s32 $0x9;
	[tilespmem:$0xC70] =	vst v0;
	s10 =	sadd.s32 s7, s9  }
0x32: {  	[spmem:s10] =	stream.linear.scatter [tilespmem:s11], [sflag:$0x9], $0x280, $0x38;
	[tilespmem:$0x13100] =	vst v63  }
0x33: {  	_ =	swait.ge [sflag:s12], $0x280  }
0x34: {  	[sflag:s12] =	ssyncset.done $0x0  }
0x35: {  	s3 =	sadd.s32 s7, s2;
	[sflag:s12] =	ssyncadd.s32 $0xFFFFFD80  }
0x36: {  	[spmem:s3] =	stream.linear.scatter [tilespmem:s11], [sflag:$0x9], $0x280, $0x38;
	[tilespmem:$0x13100] =	vst v63  }
0x37: {  	_ =	swait.ge [sflag:s12], $0x280  }
0x38: {  	[sflag:s12] =	ssyncset.done $0x0  }
0x39: {  	v63 =	vimm.f32 $1.000000000e+00;
	[sflag:s12] =	ssyncadd.s32 $0xFFFFFD80  }
0x3a: {  	[tilespmem:$0x8880] =	vst v63  }
0x3b: {  	[tilespmem:$0x8890] =	vst v63  }
0x3c: {  	[tilespmem:$0x88A0] =	vst v63  }
0x3d: {  	[tilespmem:$0x88B0] =	vst v63  }
0x3e: {  	[tilespmem:$0x88C0] =	vst v63  }
0x3f: {  	[tilespmem:$0x88D0] =	vst v63  }
0x40: {  	s20 =	smul.u32 $0xA80, s1;
	[tilespmem:$0x88E0] =	vst v63  }
0x41: {  	s22 =	sadd.s32 $0xEC00, s5;
	[tilespmem:$0x88E8] =	vst v63  }
0x42: {  	s13 =	simm.s32 $0xC80;
	s11 =	sadd.s32 s22, s20;
	[bflag:$0x0] =	sbarrier.arrive $0xFFFF  }
0x43: {  	[tilespmem:s13], [sflag:$0x9] =	stream.linear.gather [hbm4b:s11+s8], $0x5400, $0x38;
	[tilespmem:$0x13100] =	vst v63  }
0x44: {  	_ =	swait.ge [sflag:s12], $0x5400  }
0x45: {  	s23 =	simm.s32 $0xC80;
	[sflag:s12] =	ssyncset.done $0x0  }
0x46: {  	s11 =	simm.s32 $0x78;
	[sflag:s12] =	ssyncadd.s32 $0xFFFFAC00;
	s12 =	simm.s32 $0x8880  }
0x47: {  	[spmem:s9] =	stream.indirect.scatter.add.f32 [tilespmem:s12], [sflag:$0x1], $0x1, s23, s11, $0xb8;
	[tilespmem:$0x13100] =	vst v63  }
0x48: {  	s24 =	simm.s32 $0xD00  }
0x49: {  	[spmem:s9] =	stream.indirect.scatter.add.f32 [tilespmem:s12], [sflag:$0x2], $0x1, s24, s11, $0xb8;
	[tilespmem:$0x13100] =	vst v63  }
0x4a: {  	s25 =	simm.s32 $0xD80  }
0x4b: {  	[spmem:s9] =	stream.indirect.scatter.add.f32 [tilespmem:s12], [sflag:$0x3], $0x1, s25, s11, $0xb8;
	[tilespmem:$0x13100] =	vst v63  }
0x4c: {  	s26 =	simm.s32 $0xE00  }
0x4d: {  	[spmem:s9] =	stream.indirect.scatter.add.f32 [tilespmem:s12], [sflag:$0x4], $0x1, s26, s11, $0xb8;
	[tilespmem:$0x13100] =	vst v63  }
0x4e: {  	s28 =	simm.s32 $0xE80  }
0x4f: {  	[spmem:s9] =	stream.indirect.scatter.add.f32 [tilespmem:s12], [sflag:$0x5], $0x1, s28, s11, $0xb8;
	[tilespmem:$0x13100] =	vst v63  }
0x50: {  	s29 =	simm.s32 $0xF00  }
0x51: {  	[spmem:s9] =	stream.indirect.scatter.add.f32 [tilespmem:s12], [sflag:$0x6], $0x1, s29, s11, $0xb8;
	[tilespmem:$0x13100] =	vst v63  }
0x52: {  	s30 =	simm.s32 $0xF80  }
0x53: {  	[spmem:s9] =	stream.indirect.scatter.add.f32 [tilespmem:s12], [sflag:$0x7], $0x1, s30, s11, $0xb8;
	[tilespmem:$0x13100] =	vst v63  }
0x54: {  	s31 =	simm.s32 $0x1000;
	s13 =	simm.s32 $0x1  }
0x55: {  	[spmem:s9] =	stream.indirect.scatter.add.f32 [tilespmem:s12], [sflag:$0x8], $0x1, s31, s11, $0xb8;
	[tilespmem:$0x13100] =	vst v63  }
0x56: {  	_ =	swait.ge [sflag:s13], $0x78  }
0x57: {  	[sflag:s13] =	ssyncset.done $0x0  }
0x58: {  	s14 =	simm.s32 $0x2;
	[sflag:s13] =	ssyncadd.s32 $0xFFFFFF88  }
0x59: {  	_ =	swait.ge [sflag:s14], $0x78  }
0x5a: {  	[sflag:s14] =	ssyncset.done $0x0  }
0x5b: {  	s15 =	simm.s32 $0x3;
	[sflag:s14] =	ssyncadd.s32 $0xFFFFFF88  }
0x5c: {  	_ =	swait.ge [sflag:s15], $0x78  }
0x5d: {  	[sflag:s15] =	ssyncset.done $0x0  }
0x5e: {  	s16 =	simm.s32 $0x4;
	[sflag:s15] =	ssyncadd.s32 $0xFFFFFF88  }
0x5f: {  	_ =	swait.ge [sflag:s16], $0x78  }
0x60: {  	[sflag:s16] =	ssyncset.done $0x0  }
0x61: {  	s17 =	simm.s32 $0x5;
	[sflag:s16] =	ssyncadd.s32 $0xFFFFFF88  }
0x62: {  	_ =	swait.ge [sflag:s17], $0x78  }
0x63: {  	[sflag:s17] =	ssyncset.done $0x0  }
0x64: {  	s18 =	simm.s32 $0x6;
	[sflag:s17] =	ssyncadd.s32 $0xFFFFFF88  }
0x65: {  	_ =	swait.ge [sflag:s18], $0x78  }
0x66: {  	[sflag:s18] =	ssyncset.done $0x0  }
0x67: {  	s19 =	simm.s32 $0x7;
	[sflag:s18] =	ssyncadd.s32 $0xFFFFFF88  }
0x68: {  	s21 =	sshrl.u32 s7, $0x3;
	s20 =	sadd.s32 s20, s5;
	_ =	swait.ge [sflag:s19], $0x78  }
0x69: {  	s22 =	sadd.s32 s21, s5;
	s8 =	sadd.s32 s7, s6;
	[sflag:s19] =	ssyncset.done $0x0  }
0x6a: {  	s7 =	sadd.s32 $0x4400, s20;
	s20 =	simm.s32 $0x8;
	[sflag:s19] =	ssyncadd.s32 $0xFFFFFF88  }
0x6b: {  	s5 =	sadd.s32 s4, s21;
	s4 =	sadd.s32 $0x19400, s22;
	_ =	swait.ge [sflag:s20], $0x78  }
0x6c: {  	s23 =	simm.s32 $0x400;
	s24 =	simm.s32 $0x2000;
	[sflag:s20] =	ssyncset.done $0x0  }
.LBB2_2:
0x6d: {  	s25 =	sadd.s32 $0xC80, s23  }
0x6e: {  	[sflag:s20] =	ssyncadd.s32 $0xFFFFFF88;
	s22 =	smov.u32 s24;
	s21 =	sadd.s32 $0x1000, s24  }
0x6f: {  	[spmem:s9] =	stream.indirect.scatter.add.f32 [tilespmem:s12], [sflag:$0x1], $0x1, s25, s11, $0xb8;
	[tilespmem:$0x13100] =	vst v63  }
0x70: {  	p0 =	sne.s32 s24, $0x14000;
	s24 =	sadd.s32 $0xD00, s23  }
0x71: {  	[spmem:s9] =	stream.indirect.scatter.add.f32 [tilespmem:s12], [sflag:$0x2], $0x1, s24, s11, $0xb8;
	[tilespmem:$0x13100] =	vst v63  }
0x72: {  	s24 =	sadd.s32 $0xD80, s23  }
0x73: {  	[spmem:s9] =	stream.indirect.scatter.add.f32 [tilespmem:s12], [sflag:$0x3], $0x1, s24, s11, $0xb8;
	[tilespmem:$0x13100] =	vst v63  }
0x74: {  	s24 =	sadd.s32 $0xE00, s23  }
0x75: {  	[spmem:s9] =	stream.indirect.scatter.add.f32 [tilespmem:s12], [sflag:$0x4], $0x1, s24, s11, $0xb8;
	[tilespmem:$0x13100] =	vst v63  }
0x76: {  	s24 =	sadd.s32 $0xE80, s23  }
0x77: {  	[spmem:s9] =	stream.indirect.scatter.add.f32 [tilespmem:s12], [sflag:$0x5], $0x1, s24, s11, $0xb8;
	[tilespmem:$0x13100] =	vst v63  }
0x78: {  	s24 =	sadd.s32 $0xF00, s23  }
0x79: {  	[spmem:s9] =	stream.indirect.scatter.add.f32 [tilespmem:s12], [sflag:$0x6], $0x1, s24, s11, $0xb8;
	[tilespmem:$0x13100] =	vst v63  }
0x7a: {  	s24 =	sadd.s32 $0xF80, s23  }
0x7b: {  	[spmem:s9] =	stream.indirect.scatter.add.f32 [tilespmem:s12], [sflag:$0x7], $0x1, s24, s11, $0xb8;
	[tilespmem:$0x13100] =	vst v63  }
0x7c: {  	s23 =	sadd.s32 $0x1000, s23  }
0x7d: {  	[spmem:s9] =	stream.indirect.scatter.add.f32 [tilespmem:s12], [sflag:$0x8], $0x1, s23, s11, $0xb8;
	[tilespmem:$0x13100] =	vst v63  }
0x7e: {  	_ =	swait.ge [sflag:s13], $0x78  }
0x7f: {  	[sflag:s13] =	ssyncset.done $0x0  }
0x80: {  	[sflag:s13] =	ssyncadd.s32 $0xFFFFFF88  }
0x81: {  	_ =	swait.ge [sflag:s14], $0x78  }
0x82: {  	[sflag:s14] =	ssyncset.done $0x0  }
0x83: {  	[sflag:s14] =	ssyncadd.s32 $0xFFFFFF88  }
0x84: {  	_ =	swait.ge [sflag:s15], $0x78  }
0x85: {  	[sflag:s15] =	ssyncset.done $0x0  }
0x86: {  	[sflag:s15] =	ssyncadd.s32 $0xFFFFFF88  }
0x87: {  	_ =	swait.ge [sflag:s16], $0x78  }
0x88: {  	[sflag:s16] =	ssyncset.done $0x0  }
0x89: {  	[sflag:s16] =	ssyncadd.s32 $0xFFFFFF88  }
0x8a: {  	_ =	swait.ge [sflag:s17], $0x78  }
0x8b: {  	[sflag:s17] =	ssyncset.done $0x0  }
0x8c: {  	[sflag:s17] =	ssyncadd.s32 $0xFFFFFF88  }
0x8d: {  	_ =	swait.ge [sflag:s18], $0x78  }
0x8e: {  	[sflag:s18] =	ssyncset.done $0x0  }
0x8f: {  	[sflag:s18] =	ssyncadd.s32 $0xFFFFFF88  }
.Ltmp1:
0x90: {  	_ =	swait.ge [sflag:s19], $0x78;
	(pc) =	sbr.rel @p0 .LBB2_2-.Ltmp1, $4  }
0x91: {  	[sflag:s19] =	ssyncset.done $0x0  }
0x92: {  	[sflag:s19] =	ssyncadd.s32 $0xFFFFFF88  }
0x93: {  	_ =	swait.ge [sflag:s20], $0x78  }
0x94: {  	s24 =	smov.u32 s21;
	s23 =	sshra.s32 s22, $0x2;
	[sflag:s20] =	ssyncset.done $0x0  }
0x95: {  	s21 =	sadd.s32 $0xC80, s23;
	[sflag:s20] =	ssyncadd.s32 $0xFFFFFF88  }
0x96: {  	[spmem:s9] =	stream.indirect.scatter.add.f32 [tilespmem:s12], [sflag:$0x1], $0x1, s21, s11, $0xb8;
	[tilespmem:$0x13100] =	vst v63  }
0x97: {  	s31 =	sadd.s32 $0xD00, s23  }
0x98: {  	[spmem:s9] =	stream.indirect.scatter.add.f32 [tilespmem:s12], [sflag:$0x2], $0x1, s31, s11, $0xb8;
	[tilespmem:$0x13100] =	vst v63  }
0x99: {  	s22 =	sadd.s32 $0xD80, s23  }
0x9a: {  	[spmem:s9] =	stream.indirect.scatter.add.f32 [tilespmem:s12], [sflag:$0x3], $0x1, s22, s11, $0xb8;
	[tilespmem:$0x13100] =	vst v63  }
0x9b: {  	s24 =	sadd.s32 $0xE00, s23  }
0x9c: {  	[spmem:s9] =	stream.indirect.scatter.add.f32 [tilespmem:s12], [sflag:$0x4], $0x1, s24, s11, $0xb8;
	[tilespmem:$0x13100] =	vst v63  }
0x9d: {  	s25 =	sadd.s32 $0xE80, s23  }
0x9e: {  	[spmem:s9] =	stream.indirect.scatter.add.f32 [tilespmem:s12], [sflag:$0x5], $0x1, s25, s11, $0xb8;
	[tilespmem:$0x13100] =	vst v63  }
0x9f: {  	s26 =	sadd.s32 $0xF00, s23  }
0xa0: {  	[spmem:s9] =	stream.indirect.scatter.add.f32 [tilespmem:s12], [sflag:$0x6], $0x1, s26, s11, $0xb8;
	[tilespmem:$0x13100] =	vst v63  }
0xa1: {  	s28 =	sadd.s32 $0xF80, s23  }
0xa2: {  	[spmem:s9] =	stream.indirect.scatter.add.f32 [tilespmem:s12], [sflag:$0x7], $0x1, s28, s11, $0xb8;
	[tilespmem:$0x13100] =	vst v63  }
0xa3: {  	s29 =	sadd.s32 $0x1000, s23  }
0xa4: {  	[spmem:s9] =	stream.indirect.scatter.add.f32 [tilespmem:s12], [sflag:$0x8], $0x1, s29, s11, $0xb8;
	[tilespmem:$0x13100] =	vst v63  }
0xa5: {  	_ =	swait.ge [sflag:s13], $0x78  }
0xa6: {  	[sflag:s13] =	ssyncset.done $0x0  }
0xa7: {  	[sflag:s13] =	ssyncadd.s32 $0xFFFFFF88  }
0xa8: {  	_ =	swait.ge [sflag:s14], $0x78  }
0xa9: {  	[sflag:s14] =	ssyncset.done $0x0  }
0xaa: {  	[sflag:s14] =	ssyncadd.s32 $0xFFFFFF88  }
0xab: {  	_ =	swait.ge [sflag:s15], $0x78  }
0xac: {  	[sflag:s15] =	ssyncset.done $0x0  }
0xad: {  	[sflag:s15] =	ssyncadd.s32 $0xFFFFFF88  }
0xae: {  	_ =	swait.ge [sflag:s16], $0x78  }
0xaf: {  	[sflag:s16] =	ssyncset.done $0x0  }
0xb0: {  	[sflag:s16] =	ssyncadd.s32 $0xFFFFFF88  }
0xb1: {  	_ =	swait.ge [sflag:s17], $0x78  }
0xb2: {  	[sflag:s17] =	ssyncset.done $0x0  }
0xb3: {  	[sflag:s17] =	ssyncadd.s32 $0xFFFFFF88  }
0xb4: {  	_ =	swait.ge [sflag:s18], $0x78  }
0xb5: {  	[sflag:s18] =	ssyncset.done $0x0  }
0xb6: {  	[sflag:s18] =	ssyncadd.s32 $0xFFFFFF88  }
0xb7: {  	_ =	swait.ge [sflag:s19], $0x78  }
0xb8: {  	[sflag:s19] =	ssyncset.done $0x0  }
0xb9: {  	[sflag:s19] =	ssyncadd.s32 $0xFFFFFF88  }
0xba: {  	_ =	swait.ge [sflag:s20], $0x78  }
0xbb: {  	[sflag:s20] =	ssyncset.done $0x0  }
0xbc: {  	[sflag:s20] =	ssyncadd.s32 $0xFFFFFF88  }
0xbd: {  	s30 =	simm.s32 $0x280;
	s31 =	simm.s32 $0x9;
	[bflag:$0x0] =	sbarrier.arrive $0xFFFF  }
0xbe: {  	[tilespmem:s30], [sflag:$0x9] =	stream.linear.gather [spmem:s10], $0x280, $0x38;
	[tilespmem:$0x13100] =	vst v63  }
0xbf: {  	_ =	swait.ge [sflag:s31], $0x280  }
0xc0: {  	[sflag:s31] =	ssyncset.done $0x0  }
0xc1: {  	s9 =	simm.s32 $0x0;
	[sflag:s31] =	ssyncadd.s32 $0xFFFFFD80  }
0xc2: {  	v0 =	vld [tilespmem:s9+$0x280];
	_ =	sdelay $0x4  }
0xc3: {  	v9 =	vadd.f32 $1.000000000e+00, v0;
	_ =	sdelay $0x1  }
0xc4: {  	v0 =	vadd.f32 $1.000000000e+00, v9;
	_ =	sdelay $0x1  }
0xc5: {  	v0 =	vmul.f32 $5.000000000e-01, v0;
	_ =	sdelay $0x1  }
0xc6: {  	(erf) = vrcp.f32 v0;
	_ =	sdelay $0x8  }
0xc7: {  	v1 =	vpop (erf)  }
0xc8: {  	v1 =	vmul.f32 v1, v9;
	_ =	sdelay $0x1  }
0xc9: {  	s10 =	simm.s32 $0x10;
	v0 =	vadd.f32 v1, v0  }
0xca: {  	v1 =	vld [tilespmem:s10+$0x280]  }
0xcb: {  	v0 =	vmul.f32 $5.000000000e-01, v0;
	_ =	sdelay $0x1  }
0xcc: {  	(erf) = vrcp.f32 v0;
	_ =	sdelay $0x1  }
0xcd: {  	v8 =	vadd.f32 $1.000000000e+00, v1;
	_ =	sdelay $0x1  }
0xce: {  	v1 =	vadd.f32 $1.000000000e+00, v8;
	_ =	sdelay $0x1  }
0xcf: {  	v1 =	vmul.f32 $5.000000000e-01, v1;
	_ =	sdelay $0x1  }
0xd0: {  	(erf) = vrcp.f32 v1  }
0xd1: {  	v2 =	vpop (erf)  }
0xd2: {  	v2 =	vmul.f32 v2, v9;
	_ =	sdelay $0x1  }
0xd3: {  	v0 =	vadd.f32 v2, v0;
	_ =	sdelay $0x1  }
0xd4: {  	v0 =	vmul.f32 $5.000000000e-01, v0;
	_ =	sdelay $0x1  }
0xd5: {  	(erf) = vrcp.f32 v0  }
0xd6: {  	v2 =	vpop (erf)  }
0xd7: {  	v2 =	vmul.f32 v2, v8  }
0xd8: {  	s11 =	simm.s32 $0x20  }
0xd9: {  	v3 =	vld [tilespmem:s11+$0x280];
	v1 =	vadd.f32 v2, v1;
	_ =	sdelay $0x1  }
0xda: {  	v1 =	vmul.f32 $5.000000000e-01, v1;
	_ =	sdelay $0x1  }
0xdb: {  	(erf) = vrcp.f32 v1  }
0xdc: {  	v6 =	vadd.f32 $1.000000000e+00, v3;
	v2 =	vpop (erf)  }
0xdd: {  	v2 =	vmul.f32 v2, v9  }
0xde: {  	v3 =	vadd.f32 $1.000000000e+00, v6  }
0xdf: {  	v0 =	vadd.f32 v2, v0  }
0xe0: {  	v2 =	vmul.f32 $5.000000000e-01, v3  }
0xe1: {  	v0 =	vmul.f32 $5.000000000e-01, v0  }
0xe2: {  	(erf) = vrcp.f32 v2  }
0xe3: {  	(erf) = vrcp.f32 v0  }
0xe4: {  	v3 =	vpop (erf)  }
0xe5: {  	v3 =	vmul.f32 v3, v8;
	_ =	sdelay $0x1  }
0xe6: {  	v1 =	vadd.f32 v3, v1;
	_ =	sdelay $0x1  }
0xe7: {  	v1 =	vmul.f32 $5.000000000e-01, v1;
	_ =	sdelay $0x1  }
0xe8: {  	v3 =	vpop (erf);
	(erf) = vrcp.f32 v1  }
0xe9: {  	v3 =	vmul.f32 v3, v6;
	v4 =	vpop (erf)  }
0xea: {  	v4 =	vmul.f32 v4, v9  }
0xeb: {  	s12 =	simm.s32 $0x30;
	v2 =	vadd.f32 v3, v2  }
0xec: {  	v3 =	vld [tilespmem:s12+$0x280];
	v0 =	vadd.f32 v4, v0  }
0xed: {  	v2 =	vmul.f32 $5.000000000e-01, v2  }
0xee: {  	v0 =	vmul.f32 $5.000000000e-01, v0  }
0xef: {  	(erf) = vrcp.f32 v2  }
0xf0: {  	(erf) = vrcp.f32 v0  }
0xf1: {  	v4 =	vadd.f32 $1.000000000e+00, v3;
	v3 =	vpop (erf)  }
0xf2: {  	v3 =	vmul.f32 v3, v8  }
0xf3: {  	v5 =	vadd.f32 $1.000000000e+00, v4  }
0xf4: {  	v1 =	vadd.f32 v3, v1  }
0xf5: {  	v3 =	vmul.f32 $5.000000000e-01, v5  }
0xf6: {  	v1 =	vmul.f32 $5.000000000e-01, v1  }
0xf7: {  	(erf) = vrcp.f32 v3  }
0xf8: {  	v5 =	vpop (erf);
	(erf) = vrcp.f32 v1  }
0xf9: {  	v5 =	vmul.f32 v5, v6;
	v7 =	vpop (erf)  }
0xfa: {  	v7 =	vmul.f32 v7, v9  }
0xfb: {  	v2 =	vadd.f32 v5, v2  }
0xfc: {  	v0 =	vadd.f32 v7, v0  }
0xfd: {  	v5 =	vmul.f32 $5.000000000e-01, v2  }
0xfe: {  	v0 =	vmul.f32 $5.000000000e-01, v0  }
0xff: {  	(erf) = vrcp.f32 v5  }
0x100: {  	v2 =	vpop (erf);
	(erf) = vrcp.f32 v0  }
0x101: {  	v2 =	vmul.f32 v2, v4;
	v7 =	vpop (erf)  }
0x102: {  	s13 =	simm.s32 $0x40;
	v7 =	vmul.f32 v7, v8  }
0x103: {  	v10 =	vld [tilespmem:s13+$0x280];
	v2 =	vadd.f32 v2, v3  }
0x104: {  	v1 =	vadd.f32 v7, v1  }
0x105: {  	v3 =	vmul.f32 $5.000000000e-01, v2  }
0x106: {  	v1 =	vmul.f32 $5.000000000e-01, v1  }
0x107: {  	(erf) = vrcp.f32 v3  }
0x108: {  	v2 =	vadd.f32 $1.000000000e+00, v10;
	v7 =	vpop (erf);
	(erf) = vrcp.f32 v1  }
0x109: {  	v7 =	vmul.f32 v7, v6;
	v10 =	vpop (erf)  }
0x10a: {  	v11 =	vadd.f32 $1.000000000e+00, v2;
	v10 =	vmul.f32 v10, v9  }
0x10b: {  	v5 =	vadd.f32 v7, v5  }
0x10c: {  	v7 =	vmul.f32 $5.000000000e-01, v11;
	v0 =	vadd.f32 v10, v0  }
0x10d: {  	v5 =	vmul.f32 $5.000000000e-01, v5  }
0x10e: {  	(erf) = vrcp.f32 v7;
	v0 =	vmul.f32 $5.000000000e-01, v0  }
0x10f: {  	(erf) = vrcp.f32 v5  }
0x110: {  	v10 =	vpop (erf);
	(erf) = vrcp.f32 v0  }
0x111: {  	v11 =	vpop (erf)  }
0x112: {  	v11 =	vmul.f32 v11, v8  }
0x113: {  	v10 =	vmul.f32 v10, v4  }
0x114: {  	v1 =	vadd.f32 v11, v1  }
0x115: {  	v3 =	vadd.f32 v10, v3;
	_ =	sdelay $0x1  }
0x116: {  	v3 =	vmul.f32 $5.000000000e-01, v3;
	v10 =	vpop (erf)  }
0x117: {  	v11 =	vmul.f32 $5.000000000e-01, v1;
	v1 =	vpop (erf)  }
0x118: {  	(erf) = vrcp.f32 v3;
	v10 =	vmul.f32 v10, v2;
	v12 =	vpop (erf)  }
0x119: {  	(erf) = vrcp.f32 v11;
	v12 =	vmul.f32 v12, v9  }
0x11a: {  	v7 =	vadd.f32 v10, v7  }
0x11b: {  	s14 =	simm.s32 $0x50;
	v1 =	vmul.f32 v1, v6;
	v0 =	vadd.f32 v12, v0  }
0x11c: {  	v10 =	vld [tilespmem:s14+$0x280];
	v7 =	vmul.f32 $5.000000000e-01, v7  }
0x11d: {  	v1 =	vadd.f32 v1, v5;
	v0 =	vmul.f32 $5.000000000e-01, v0  }
0x11e: {  	(erf) = vrcp.f32 v7  }
0x11f: {  	v5 =	vmul.f32 $5.000000000e-01, v1;
	(erf) = vrcp.f32 v0;
	_ =	sdelay $0x1  }
0x120: {  	v1 =	vadd.f32 $1.000000000e+00, v10;
	v10 =	vpop (erf);
	(erf) = vrcp.f32 v5  }
0x121: {  	v10 =	vmul.f32 v10, v4;
	v12 =	vpop (erf)  }
0x122: {  	v13 =	vadd.f32 $1.000000000e+00, v1;
	v12 =	vmul.f32 v12, v8  }
0x123: {  	v3 =	vadd.f32 v10, v3  }
0x124: {  	v10 =	vmul.f32 $5.000000000e-01, v13;
	v11 =	vadd.f32 v12, v11  }
0x125: {  	v3 =	vmul.f32 $5.000000000e-01, v3  }
0x126: {  	(erf) = vrcp.f32 v10;
	v12 =	vpop (erf);
	v11 =	vmul.f32 $5.000000000e-01, v11  }
0x127: {  	(erf) = vrcp.f32 v3;
	v13 =	vpop (erf)  }
0x128: {  	(erf) = vrcp.f32 v11;
	v13 =	vmul.f32 v13, v9  }
0x129: {  	v12 =	vmul.f32 v12, v2;
	v14 =	vpop (erf)  }
0x12a: {  	v0 =	vadd.f32 v13, v0;
	v13 =	vmul.f32 v14, v6  }
0x12b: {  	v7 =	vadd.f32 v12, v7  }
0x12c: {  	v12 =	vmul.f32 $5.000000000e-01, v0;
	v0 =	vadd.f32 v13, v5;
	_ =	sdelay $0x2  }
0x12d: {  	v5 =	vmul.f32 $5.000000000e-01, v7;
	v7 =	vpop (erf);
	(erf) = vrcp.f32 v12  }
0x12e: {  	v13 =	vmul.f32 $5.000000000e-01, v0;
	v0 =	vpop (erf)  }
0x12f: {  	v7 =	vmul.f32 v7, v1;
	(erf) = vrcp.f32 v5;
	v14 =	vpop (erf)  }
0x130: {  	s15 =	simm.s32 $0x60;
	(erf) = vrcp.f32 v13;
	v14 =	vmul.f32 v14, v8  }
0x131: {  	v15 =	vld [tilespmem:s15+$0x280];
	v7 =	vadd.f32 v7, v10  }
0x132: {  	v0 =	vmul.f32 v0, v4;
	v10 =	vadd.f32 v14, v11  }
0x133: {  	v7 =	vmul.f32 $5.000000000e-01, v7  }
0x134: {  	v3 =	vadd.f32 v0, v3;
	v10 =	vmul.f32 $5.000000000e-01, v10  }
0x135: {  	(erf) = vrcp.f32 v7  }
0x136: {  	v0 =	vadd.f32 $1.000000000e+00, v15;
	v3 =	vmul.f32 $5.000000000e-01, v3;
	v11 =	vpop (erf);
	(erf) = vrcp.f32 v10  }
0x137: {  	v11 =	vmul.f32 v11, v9  }
0x138: {  	v14 =	vadd.f32 $1.000000000e+00, v0;
	v15 =	vpop (erf);
	(erf) = vrcp.f32 v3  }
0x139: {  	v16 =	vpop (erf);
	v11 =	vadd.f32 v11, v12  }
0x13a: {  	v12 =	vmul.f32 $5.000000000e-01, v14;
	v14 =	vmul.f32 v16, v6  }
0x13b: {  	v15 =	vmul.f32 v15, v2;
	v11 =	vmul.f32 $5.000000000e-01, v11  }
0x13c: {  	(erf) = vrcp.f32 v12  }
0x13d: {  	v5 =	vadd.f32 v15, v5;
	(erf) = vrcp.f32 v11  }
0x13e: {  	v13 =	vadd.f32 v14, v13;
	v14 =	vpop (erf)  }
0x13f: {  	v5 =	vmul.f32 $5.000000000e-01, v5;
	v15 =	vpop (erf)  }
0x140: {  	v13 =	vmul.f32 $5.000000000e-01, v13;
	v15 =	vmul.f32 v15, v8  }
0x141: {  	(erf) = vrcp.f32 v5;
	v14 =	vmul.f32 v14, v1;
	v16 =	vpop (erf)  }
0x142: {  	(erf) = vrcp.f32 v13;
	v10 =	vadd.f32 v15, v10;
	v15 =	vmul.f32 v16, v4;
	_ =	sdelay $0x2  }
0x143: {  	v7 =	vadd.f32 v14, v7;
	v14 =	vpop (erf)  }
0x144: {  	v3 =	vadd.f32 v15, v3;
	v15 =	vpop (erf)  }
0x145: {  	v15 =	vmul.f32 v15, v9  }
0x146: {  	v10 =	vmul.f32 $5.000000000e-01, v10  }
0x147: {  	v7 =	vmul.f32 $5.000000000e-01, v7  }
0x148: {  	(erf) = vrcp.f32 v10;
	v16 =	vmul.f32 $5.000000000e-01, v3;
	v3 =	vpop (erf)  }
0x149: {  	v14 =	vmul.f32 v14, v0;
	(erf) = vrcp.f32 v7;
	v11 =	vadd.f32 v15, v11;
	v15 =	vpop (erf)  }
0x14a: {  	v15 =	vmul.f32 v15, v6  }
0x14b: {  	s16 =	simm.s32 $0x70;
	v12 =	vadd.f32 v14, v12;
	(erf) = vrcp.f32 v16  }
0x14c: {  	v17 =	vld [tilespmem:s16+$0x280];
	v11 =	vmul.f32 $5.000000000e-01, v11;
	v13 =	vadd.f32 v15, v13  }
0x14d: {  	v12 =	vmul.f32 $5.000000000e-01, v12;
	v3 =	vmul.f32 v3, v2  }
0x14e: {  	(erf) = vrcp.f32 v11;
	v13 =	vmul.f32 $5.000000000e-01, v13  }
0x14f: {  	v5 =	vadd.f32 v3, v5;
	(erf) = vrcp.f32 v12  }
0x150: {  	(erf) = vrcp.f32 v13  }
0x151: {  	v3 =	vadd.f32 $1.000000000e+00, v17;
	v5 =	vmul.f32 $5.000000000e-01, v5;
	v14 =	vpop (erf)  }
0x152: {  	v15 =	vpop (erf);
	v14 =	vmul.f32 v14, v8  }
0x153: {  	v17 =	vadd.f32 $1.000000000e+00, v3;
	v15 =	vmul.f32 v15, v1;
	(erf) = vrcp.f32 v5  }
0x154: {  	v18 =	vpop (erf);
	v10 =	vadd.f32 v14, v10  }
0x155: {  	v14 =	vmul.f32 $5.000000000e-01, v17;
	v7 =	vadd.f32 v15, v7;
	v15 =	vmul.f32 v18, v4  }
0x156: {  	v10 =	vmul.f32 $5.000000000e-01, v10  }
0x157: {  	(erf) = vrcp.f32 v14;
	v7 =	vmul.f32 $5.000000000e-01, v7;
	v15 =	vadd.f32 v15, v16;
	v17 =	vpop (erf)  }
0x158: {  	(erf) = vrcp.f32 v10;
	v16 =	vmul.f32 v17, v9;
	v17 =	vpop (erf)  }
0x159: {  	v15 =	vmul.f32 $5.000000000e-01, v15;
	v18 =	vpop (erf)  }
0x15a: {  	(erf) = vrcp.f32 v7;
	v11 =	vadd.f32 v16, v11;
	v16 =	vmul.f32 v18, v6  }
0x15b: {  	(erf) = vrcp.f32 v15  }
0x15c: {  	v13 =	vadd.f32 v16, v13;
	v16 =	vmul.f32 v17, v0;
	v17 =	vpop (erf)  }
0x15d: {  	v17 =	vmul.f32 v17, v2  }
0x15e: {  	v11 =	vmul.f32 $5.000000000e-01, v11  }
0x15f: {  	v13 =	vmul.f32 $5.000000000e-01, v13;
	v12 =	vadd.f32 v16, v12;
	v5 =	vadd.f32 v17, v5  }
0x160: {  	(erf) = vrcp.f32 v11;
	v16 =	vpop (erf)  }
0x161: {  	(erf) = vrcp.f32 v13;
	v12 =	vmul.f32 $5.000000000e-01, v12;
	v17 =	vpop (erf)  }
0x162: {  	v18 =	vmul.f32 $5.000000000e-01, v5;
	v17 =	vmul.f32 v17, v8  }
0x163: {  	v16 =	vmul.f32 v16, v3;
	(erf) = vrcp.f32 v12;
	v5 =	vpop (erf)  }
0x164: {  	s17 =	simm.s32 $0x80;
	v10 =	vadd.f32 v17, v10;
	v19 =	vpop (erf)  }
0x165: {  	v14 =	vadd.f32 v16, v14;
	v17 =	vld [tilespmem:s17+$0x280];
	v5 =	vmul.f32 v5, v1;
	v16 =	vmul.f32 v19, v4  }
0x166: {  	(erf) = vrcp.f32 v18;
	v10 =	vmul.f32 $5.000000000e-01, v10  }
0x167: {  	v7 =	vadd.f32 v5, v7  }
0x168: {  	v15 =	vadd.f32 v16, v15;
	(erf) = vrcp.f32 v10  }
0x169: {  	v14 =	vmul.f32 $5.000000000e-01, v14;
	v7 =	vmul.f32 $5.000000000e-01, v7;
	v16 =	vpop (erf)  }
0x16a: {  	v5 =	vadd.f32 $1.000000000e+00, v17;
	v15 =	vmul.f32 $5.000000000e-01, v15;
	v16 =	vmul.f32 v16, v9;
	v17 =	vpop (erf)  }
0x16b: {  	(erf) = vrcp.f32 v14;
	v17 =	vmul.f32 v17, v6  }
0x16c: {  	(erf) = vrcp.f32 v15;
	v19 =	vpop (erf);
	v11 =	vadd.f32 v16, v11  }
0x16d: {  	(erf) = vrcp.f32 v7;
	v19 =	vmul.f32 v19, v0  }
0x16e: {  	v11 =	vmul.f32 $5.000000000e-01, v11  }
0x16f: {  	v16 =	vadd.f32 $1.000000000e+00, v5;
	v13 =	vadd.f32 v17, v13;
	v17 =	vpop (erf)  }
0x170: {  	(erf) = vrcp.f32 v11;
	v17 =	vmul.f32 v17, v2  }
0x171: {  	v16 =	vmul.f32 $5.000000000e-01, v16;
	v12 =	vadd.f32 v19, v12;
	v19 =	vpop (erf)  }
0x172: {  	v13 =	vmul.f32 $5.000000000e-01, v13;
	v17 =	vadd.f32 v17, v18;
	v18 =	vmul.f32 v19, v8  }
0x173: {  	v12 =	vmul.f32 $5.000000000e-01, v12;
	(erf) = vrcp.f32 v16  }
0x174: {  	(erf) = vrcp.f32 v13;
	v19 =	vpop (erf);
	v17 =	vmul.f32 $5.000000000e-01, v17  }
0x175: {  	(erf) = vrcp.f32 v12;
	v19 =	vmul.f32 v19, v3;
	v20 =	vpop (erf)  }
0x176: {  	v10 =	vadd.f32 v18, v10;
	v18 =	vpop (erf);
	(erf) = vrcp.f32 v17  }
0x177: {  	v20 =	vmul.f32 v20, v4;
	v18 =	vmul.f32 v18, v1  }
0x178: {  	v14 =	vadd.f32 v19, v14  }
0x179: {  	v10 =	vmul.f32 $5.000000000e-01, v10;
	v15 =	vadd.f32 v20, v15;
	v19 =	vpop (erf);
	v7 =	vadd.f32 v18, v7  }
0x17a: {  	v18 =	vmul.f32 v19, v9  }
0x17b: {  	(erf) = vrcp.f32 v10;
	v15 =	vmul.f32 $5.000000000e-01, v15  }
0x17c: {  	v14 =	vmul.f32 $5.000000000e-01, v14;
	v19 =	vpop (erf)  }
0x17d: {  	v20 =	vmul.f32 $5.000000000e-01, v7;
	(erf) = vrcp.f32 v15;
	v7 =	vpop (erf)  }
0x17e: {  	v19 =	vmul.f32 v19, v5;
	v11 =	vadd.f32 v18, v11;
	v18 =	vpop (erf)  }
0x17f: {  	(erf) = vrcp.f32 v14;
	v7 =	vmul.f32 v7, v6;
	v21 =	vpop (erf)  }
0x180: {  	s18 =	simm.s32 $0x90;
	v16 =	vadd.f32 v19, v16;
	v11 =	vmul.f32 $5.000000000e-01, v11;
	v19 =	vmul.f32 v21, v2  }
0x181: {  	(erf) = vrcp.f32 v20;
	v7 =	vadd.f32 v7, v13;
	v13 =	vld [tilespmem:s18+$0x280]  }
0x182: {  	(erf) = vrcp.f32 v11;
	v17 =	vadd.f32 v19, v17;
	_ =	sdelay $0x1  }
0x183: {  	v21 =	vmul.f32 $5.000000000e-01, v7;
	v7 =	vmul.f32 v18, v0;
	v18 =	vpop (erf)  }
0x184: {  	v16 =	vmul.f32 $5.000000000e-01, v16;
	v18 =	vmul.f32 v18, v8  }
0x185: {  	v12 =	vadd.f32 v7, v12;
	v7 =	vadd.f32 $1.000000000e+00, v13;
	v13 =	vmul.f32 $5.000000000e-01, v17;
	v17 =	vpop (erf)  }
0x186: {  	(erf) = vrcp.f32 v21;
	v17 =	vmul.f32 v17, v4  }
0x187: {  	(erf) = vrcp.f32 v16;
	v12 =	vmul.f32 $5.000000000e-01, v12  }
0x188: {  	v19 =	vpop (erf);
	(erf) = vrcp.f32 v13  }
0x189: {  	v10 =	vadd.f32 v18, v10;
	(erf) = vrcp.f32 v12;
	v22 =	vpop (erf);
	v19 =	vmul.f32 v19, v3  }
0x18a: {  	v18 =	vadd.f32 $1.000000000e+00, v7;
	v15 =	vadd.f32 v17, v15;
	v17 =	vpop (erf)  }
0x18b: {  	v14 =	vadd.f32 v19, v14;
	v19 =	vmul.f32 v22, v1;
	v17 =	vmul.f32 v17, v9  }
0x18c: {  	v10 =	vmul.f32 $5.000000000e-01, v10  }
0x18d: {  	v18 =	vmul.f32 $5.000000000e-01, v18;
	v22 =	vmul.f32 $5.000000000e-01, v14;
	v14 =	vadd.f32 v19, v20  }
0x18e: {  	(erf) = vrcp.f32 v10;
	v15 =	vmul.f32 $5.000000000e-01, v15  }
0x18f: {  	(erf) = vrcp.f32 v18;
	v11 =	vadd.f32 v17, v11;
	v20 =	vmul.f32 $5.000000000e-01, v14;
	v17 =	vpop (erf)  }
0x190: {  	(erf) = vrcp.f32 v15;
	v17 =	vmul.f32 v17, v6;
	v19 =	vpop (erf)  }
0x191: {  	v11 =	vmul.f32 $5.000000000e-01, v11;
	v14 =	vmul.f32 v19, v5;
	v19 =	vpop (erf)  }
0x192: {  	(erf) = vrcp.f32 v22;
	v17 =	vadd.f32 v17, v21;
	v21 =	vpop (erf)  }
0x193: {  	(erf) = vrcp.f32 v11;
	v21 =	vmul.f32 v21, v0  }
0x194: {  	(erf) = vrcp.f32 v20;
	v19 =	vmul.f32 v19, v2  }
0x195: {  	v12 =	vadd.f32 v21, v12  }
0x196: {  	v17 =	vmul.f32 $5.000000000e-01, v17  }
0x197: {  	v14 =	vadd.f32 v14, v16;
	v16 =	vpop (erf);
	v13 =	vadd.f32 v19, v13  }
0x198: {  	v16 =	vmul.f32 v16, v8;
	(erf) = vrcp.f32 v17;
	v19 =	vpop (erf)  }
0x199: {  	v21 =	vmul.f32 $5.000000000e-01, v13;
	v24 =	vmul.f32 $5.000000000e-01, v12;
	v12 =	vpop (erf)  }
0x19a: {  	v23 =	vmul.f32 $5.000000000e-01, v14;
	v10 =	vadd.f32 v16, v10;
	v12 =	vmul.f32 v12, v4  }
0x19b: {  	v14 =	vmul.f32 v19, v7;
	(erf) = vrcp.f32 v21;
	v13 =	vpop (erf)  }
0x19c: {  	v10 =	vmul.f32 $5.000000000e-01, v10;
	(erf) = vrcp.f32 v23;
	v12 =	vadd.f32 v12, v15;
	v15 =	vpop (erf)  }
0x19d: {  	s19 =	simm.s32 $0xA0;
	(erf) = vrcp.f32 v24;
	v16 =	vpop (erf);
	v9 =	vmul.f32 v15, v9;
	v15 =	vadd.f32 v14, v18  }
0x19e: {  	v19 =	vld [tilespmem:s19+$0x280];
	(erf) = vrcp.f32 v10;
	v16 =	vmul.f32 v16, v1  }
0x19f: {  	v14 =	vmul.f32 $5.000000000e-01, v12  }
0x1a0: {  	v12 =	vmul.f32 v13, v3;
	v9 =	vadd.f32 v9, v11;
	v11 =	vadd.f32 v16, v20  }
0x1a1: {  	v13 =	vmul.f32 $5.000000000e-01, v15;
	(erf) = vrcp.f32 v14;
	v15 =	vpop (erf)  }
0x1a2: {  	v12 =	vadd.f32 v12, v22;
	v20 =	vmul.f32 $5.000000000e-01, v9;
	v18 =	vmul.f32 v15, v6  }
0x1a3: {  	(erf) = vrcp.f32 v13;
	v9 =	vadd.f32 $1.000000000e+00, v19;
	v15 =	vmul.f32 $5.000000000e-01, v11  }
0x1a4: {  	v16 =	vmul.f32 $5.000000000e-01, v12;
	v11 =	vpop (erf);
	(erf) = vrcp.f32 v20;
	v12 =	vadd.f32 v18, v17  }
0x1a5: {  	v19 =	vadd.f32 $1.000000000e+00, v9;
	v17 =	vpop (erf);
	(erf) = vrcp.f32 v15;
	v11 =	vmul.f32 v11, v2  }
0x1a6: {  	(erf) = vrcp.f32 v16;
	v20 =	vpop (erf);
	v18 =	vmul.f32 $5.000000000e-01, v12  }
0x1a7: {  	v17 =	vmul.f32 v17, v5;
	v12 =	vmul.f32 $5.000000000e-01, v19;
	v11 =	vadd.f32 v11, v21;
	v21 =	vpop (erf)  }
0x1a8: {  	v21 =	vmul.f32 v21, v8;
	(erf) = vrcp.f32 v18  }
0x1a9: {  	v20 =	vmul.f32 v20, v0;
	v17 =	vadd.f32 v17, v23;
	v19 =	vmul.f32 $5.000000000e-01, v11  }
0x1aa: {  	(erf) = vrcp.f32 v12;
	v22 =	vadd.f32 v21, v10  }
0x1ab: {  	v23 =	vpop (erf);
	v11 =	vmul.f32 $5.000000000e-01, v17;
	v10 =	vadd.f32 v20, v24;
	(erf) = vrcp.f32 v19  }
0x1ac: {  	s20 =	simm.s32 $0x2C0;
	v20 =	vmul.f32 v23, v4;
	v21 =	vpop (erf);
	v17 =	vmul.f32 $5.000000000e-01, v22  }
.LBB2_4:
0x1ad: {  	p0 =	sne.s32 s20, $0x9C0;
	(erf) = vrcp.f32 v11;
	v10 =	vmul.f32 $5.000000000e-01, v10;
	v22 =	vpop (erf)  }
0x1ae: {  	v21 =	vmul.f32 v21, v7;
	v23 =	vpop (erf);
	v14 =	vadd.f32 v20, v14;
	(erf) = vrcp.f32 v17;
	[tilespmem:s9+$0xA00] =	vst v22;
	s9 =	smov.u32 s10;
	s10 =	smov.u32 s11;
	s11 =	smov.u32 s12  }
0x1af: {  	s12 =	smov.u32 s13;
	s13 =	smov.u32 s14;
	s14 =	smov.u32 s15;
	v20 =	vpop (erf);
	(erf) = vrcp.f32 v10;
	v22 =	vmul.f32 v23, v1  }
0x1b0: {  	s15 =	smov.u32 s16;
	s16 =	smov.u32 s17;
	s17 =	smov.u32 s18;
	v24 =	vmul.f32 v20, v3;
	v23 =	vmul.f32 $5.000000000e-01, v14  }
0x1b1: {  	s18 =	smov.u32 s19;
	v25 =	vadd.f32 v21, v13;
	v14 =	vadd.f32 v22, v15;
	v15 =	vpop (erf)  }
0x1b2: {  	v16 =	vadd.f32 v24, v16;
	(erf) = vrcp.f32 v23;
	v15 =	vmul.f32 v15, v6  }
0x1b3: {  	v20 =	vpop (erf);
	v21 =	vmul.f32 $5.000000000e-01, v14  }
0x1b4: {  	v22 =	vmul.f32 $5.000000000e-01, v25;
	v24 =	vmul.f32 $5.000000000e-01, v16;
	v13 =	vpop (erf);
	v14 =	vadd.f32 v15, v18  }
0x1b5: {  	(erf) = vrcp.f32 v21;
	v13 =	vmul.f32 v13, v2  }
0x1b6: {  	(erf) = vrcp.f32 v22;
	v15 =	vpop (erf);
	v25 =	vmul.f32 $5.000000000e-01, v14  }
0x1b7: {  	s19 =	sshra.s32 s20, $0x2;
	v14 =	vmul.f32 v20, v9;
	(erf) = vrcp.f32 v24;
	v13 =	vadd.f32 v13, v19;
	v16 =	vpop (erf)  }
0x1b8: {  	v18 =	vld [tilespmem:s19+$0x280];
	v19 =	vpop (erf);
	(erf) = vrcp.f32 v25;
	v16 =	vmul.f32 v16, v8;
	v8 =	vmov v6  }
0x1b9: {  	v12 =	vadd.f32 v14, v12;
	v6 =	vmovc v4;
	v4 =	vmovc v2;
	v19 =	vmul.f32 v19, v0;
	v14 =	vmul.f32 $5.000000000e-01, v13  }
0x1ba: {  	v15 =	vmul.f32 v15, v5;
	v2 =	vmovc v1;
	v1 =	vmovc v0;
	v0 =	vmov v3;
	v16 =	vadd.f32 v16, v17  }
0x1bb: {  	v13 =	vmul.f32 $5.000000000e-01, v12;
	v19 =	vadd.f32 v19, v10;
	(erf) = vrcp.f32 v14;
	v3 =	vpop (erf)  }
0x1bc: {  	v11 =	vadd.f32 v15, v11;
	v12 =	vmul.f32 v3, v6;
	v20 =	vmul.f32 $5.000000000e-01, v16;
	v3 =	vmovc v5;
	v5 =	vmovc v7  }
0x1bd: {  	v7 =	vmovc v9;
	(erf) = vrcp.f32 v13;
	v15 =	vmul.f32 $5.000000000e-01, v19;
	v9 =	vadd.f32 $1.000000000e+00, v18  }
0x1be: {  	v16 =	vmul.f32 $5.000000000e-01, v11;
	v10 =	vpop (erf);
	v11 =	vadd.f32 v12, v23;
	(erf) = vrcp.f32 v20  }
0x1bf: {  	v12 =	vadd.f32 $1.000000000e+00, v9;
	v17 =	vpop (erf);
	(erf) = vrcp.f32 v15;
	v10 =	vmul.f32 v10, v2  }
0x1c0: {  	(erf) = vrcp.f32 v16;
	v19 =	vpop (erf);
	v18 =	vmul.f32 $5.000000000e-01, v11  }
0x1c1: {  	v11 =	vmul.f32 v17, v5;
	v12 =	vmul.f32 $5.000000000e-01, v12;
	v10 =	vadd.f32 v10, v21;
	v17 =	vpop (erf)  }
.Ltmp2:
0x1c2: {  	(erf) = vrcp.f32 v18;
	v17 =	vmul.f32 v17, v8;
	(pc) =	sbr.rel @p0 .LBB2_4-.Ltmp2, $4  }
0x1c3: {  	v20 =	vmul.f32 v19, v0;
	v11 =	vadd.f32 v11, v22;
	v19 =	vmul.f32 $5.000000000e-01, v10  }
0x1c4: {  	(erf) = vrcp.f32 v12;
	v22 =	vpop (erf);
	v17 =	vadd.f32 v17, v25  }
0x1c5: {  	v10 =	vadd.f32 v20, v24;
	v11 =	vmul.f32 $5.000000000e-01, v11;
	(erf) = vrcp.f32 v19  }
0x1c6: {  	s20 =	sadd.s32 $0x40, s20;
	v20 =	vmul.f32 v22, v4;
	v21 =	vpop (erf);
	v17 =	vmul.f32 $5.000000000e-01, v17  }
0x1c7: {  	v22 =	vmul.f32 $5.000000000e-01, v10;
	v10 =	vpop (erf)  }
0x1c8: {  	v23 =	vpop (erf)  }
0x1c9: {  	(erf) = vrcp.f32 v11;
	v14 =	vadd.f32 v20, v14;
	v23 =	vmul.f32 v23, v1  }
0x1ca: {  	(erf) = vrcp.f32 v17  }
0x1cb: {  	v24 =	vpop (erf);
	(erf) = vrcp.f32 v22;
	v14 =	vmul.f32 $5.000000000e-01, v14;
	v15 =	vadd.f32 v23, v15  }
0x1cc: {  	v21 =	vmul.f32 v21, v7;
	v20 =	vmul.f32 v24, v3  }
0x1cd: {  	v25 =	vpop (erf);
	(erf) = vrcp.f32 v14;
	v15 =	vmul.f32 $5.000000000e-01, v15  }
0x1ce: {  	v13 =	vadd.f32 v21, v13;
	v16 =	vadd.f32 v20, v16;
	v26 =	vmul.f32 v25, v6;
	v27 =	vpop (erf)  }
0x1cf: {  	v28 =	vpop (erf);
	(erf) = vrcp.f32 v15  }
0x1d0: {  	v13 =	vmul.f32 $5.000000000e-01, v13;
	v16 =	vmul.f32 $5.000000000e-01, v16;
	v18 =	vadd.f32 v26, v18  }
0x1d1: {  	v21 =	vmul.f32 v27, v9;
	v29 =	vmul.f32 v28, v2  }
0x1d2: {  	(erf) = vrcp.f32 v13;
	v30 =	vpop (erf);
	v18 =	vmul.f32 $5.000000000e-01, v18  }
0x1d3: {  	(erf) = vrcp.f32 v16;
	v19 =	vadd.f32 v29, v19;
	v31 =	vpop (erf)  }
0x1d4: {  	v12 =	vadd.f32 v21, v12;
	v8 =	vmul.f32 v31, v8;
	v32 =	vpop (erf);
	(erf) = vrcp.f32 v18  }
0x1d5: {  	v20 =	vmul.f32 v32, v0;
	v19 =	vmul.f32 $5.000000000e-01, v19  }
0x1d6: {  	v33 =	vmul.f32 v30, v5;
	v12 =	vmul.f32 $5.000000000e-01, v12;
	v8 =	vadd.f32 v8, v17;
	v35 =	vpop (erf)  }
0x1d7: {  	v34 =	vadd.f32 v20, v22;
	(erf) = vrcp.f32 v19;
	v20 =	vmul.f32 v35, v4  }
0x1d8: {  	v36 =	vadd.f32 v33, v11;
	v8 =	vmul.f32 $5.000000000e-01, v8;
	(erf) = vrcp.f32 v12;
	v37 =	vpop (erf)  }
0x1d9: {  	v17 =	vmul.f32 $5.000000000e-01, v34;
	v38 =	vmul.f32 v37, v1  }
0x1da: {  	v11 =	vmul.f32 $5.000000000e-01, v36;
	v14 =	vadd.f32 v20, v14;
	(erf) = vrcp.f32 v8  }
0x1db: {  	(erf) = vrcp.f32 v17;
	v8 =	vadd.f32 v38, v15  }
0x1dc: {  	v39 =	vpop (erf);
	(erf) = vrcp.f32 v11;
	v14 =	vmul.f32 $5.000000000e-01, v14  }
0x1dd: {  	v40 =	vpop (erf);
	v20 =	vmul.f32 v39, v7;
	v42 =	vmul.f32 $5.000000000e-01, v8  }
0x1de: {  	v41 =	vpop (erf);
	v43 =	vmul.f32 v40, v3;
	(erf) = vrcp.f32 v14  }
0x1df: {  	v15 =	vmul.f32 v41, v6;
	(erf) = vrcp.f32 v42  }
0x1e0: {  	v13 =	vadd.f32 v20, v13  }
0x1e1: {  	v16 =	vadd.f32 v43, v16;
	v44 =	vpop (erf);
	v15 =	vadd.f32 v15, v18  }
0x1e2: {  	v13 =	vmul.f32 $5.000000000e-01, v13;
	v45 =	vpop (erf);
	v21 =	vmul.f32 v44, v2  }
0x1e3: {  	v16 =	vmul.f32 $5.000000000e-01, v16;
	v15 =	vmul.f32 $5.000000000e-01, v15;
	v8 =	vpop (erf)  }
0x1e4: {  	(erf) = vrcp.f32 v13;
	v18 =	vmul.f32 v45, v9;
	v19 =	vadd.f32 v21, v19;
	v46 =	vpop (erf)  }
0x1e5: {  	(erf) = vrcp.f32 v15;
	v22 =	vmul.f32 v46, v0  }
0x1e6: {  	v47 =	vpop (erf);
	(erf) = vrcp.f32 v16;
	v19 =	vmul.f32 $5.000000000e-01, v19  }
0x1e7: {  	v21 =	vmul.f32 v47, v5;
	v17 =	vadd.f32 v22, v17;
	v48 =	vpop (erf)  }
0x1e8: {  	v12 =	vadd.f32 v18, v12;
	(erf) = vrcp.f32 v19;
	v49 =	vmul.f32 v48, v4;
	v50 =	vpop (erf)  }
0x1e9: {  	v11 =	vadd.f32 v21, v11;
	v17 =	vmul.f32 $5.000000000e-01, v17;
	v51 =	vmul.f32 v50, v1  }
0x1ea: {  	v12 =	vmul.f32 $5.000000000e-01, v12;
	v14 =	vadd.f32 v49, v14  }
0x1eb: {  	v11 =	vmul.f32 $5.000000000e-01, v11;
	(erf) = vrcp.f32 v17;
	v18 =	vadd.f32 v51, v42  }
0x1ec: {  	(erf) = vrcp.f32 v12;
	v14 =	vmul.f32 $5.000000000e-01, v14  }
0x1ed: {  	v52 =	vpop (erf);
	(erf) = vrcp.f32 v11;
	v18 =	vmul.f32 $5.000000000e-01, v18  }
0x1ee: {  	v53 =	vpop (erf);
	(erf) = vrcp.f32 v14  }
0x1ef: {  	v54 =	vpop (erf);
	v55 =	vmul.f32 v53, v6;
	(erf) = vrcp.f32 v18  }
0x1f0: {  	v21 =	vmul.f32 v52, v7;
	v56 =	vmul.f32 v54, v3  }
0x1f1: {  	v6 =	vadd.f32 v55, v15;
	v58 =	vpop (erf)  }
0x1f2: {  	v13 =	vadd.f32 v21, v13;
	v57 =	vadd.f32 v56, v16;
	v16 =	vmul.f32 v58, v2  }
0x1f3: {  	v6 =	vmul.f32 $5.000000000e-01, v6  }
0x1f4: {  	v13 =	vmul.f32 $5.000000000e-01, v13;
	v15 =	vmul.f32 $5.000000000e-01, v57;
	v16 =	vadd.f32 v16, v19;
	v59 =	vpop (erf)  }
0x1f5: {  	(erf) = vrcp.f32 v6;
	v60 =	vpop (erf);
	v61 =	vmul.f32 v59, v0  }
0x1f6: {  	v16 =	vmul.f32 $5.000000000e-01, v16;
	v62 =	vpop (erf);
	(erf) = vrcp.f32 v15  }
0x1f7: {  	v63 =	vmul.f32 v60, v9;
	v24 =	vpop (erf);
	v6 =	vadd.f32 v61, v17;
	(erf) = vrcp.f32 v13  }
0x1f8: {  	v19 =	vmul.f32 v62, v5;
	v25 =	vmul.f32 v24, v4;
	v27 =	vpop (erf)  }
0x1f9: {  	v12 =	vadd.f32 v63, v12;
	v26 =	vmul.f32 $5.000000000e-01, v6;
	v6 =	vmul.f32 v27, v1  }
0x1fa: {  	(erf) = vrcp.f32 v16;
	v14 =	vadd.f32 v25, v14  }
0x1fb: {  	v11 =	vadd.f32 v19, v11;
	v12 =	vmul.f32 $5.000000000e-01, v12;
	v6 =	vadd.f32 v6, v18  }
0x1fc: {  	(erf) = vrcp.f32 v26;
	v14 =	vmul.f32 $5.000000000e-01, v14  }
0x1fd: {  	v11 =	vmul.f32 $5.000000000e-01, v11;
	(erf) = vrcp.f32 v12  }
0x1fe: {  	(erf) = vrcp.f32 v14  }
0x1ff: {  	(erf) = vrcp.f32 v11;
	v28 =	vmul.f32 $5.000000000e-01, v6;
	v6 =	vpop (erf)  }
0x200: {  	v29 =	vpop (erf)  }
0x201: {  	(erf) = vrcp.f32 v28;
	v18 =	vmul.f32 v29, v3;
	_ =	sdelay $0x1  }
0x202: {  	v30 =	vpop (erf);
	v15 =	vadd.f32 v18, v15  }
0x203: {  	v19 =	vmul.f32 v30, v7;
	v31 =	vpop (erf)  }
0x204: {  	v32 =	vpop (erf);
	v15 =	vmul.f32 $5.000000000e-01, v15  }
0x205: {  	v18 =	vmul.f32 v31, v2;
	v13 =	vadd.f32 v19, v13;
	v33 =	vpop (erf)  }
0x206: {  	v34 =	vmul.f32 v32, v0;
	v35 =	vpop (erf);
	(erf) = vrcp.f32 v15  }
0x207: {  	v16 =	vadd.f32 v18, v16;
	v13 =	vmul.f32 $5.000000000e-01, v13;
	v36 =	vpop (erf);
	v37 =	vmul.f32 v35, v4  }
0x208: {  	v39 =	vmul.f32 v33, v9;
	v18 =	vadd.f32 v34, v26;
	v38 =	vmul.f32 v36, v5  }
0x209: {  	v16 =	vmul.f32 $5.000000000e-01, v16;
	(erf) = vrcp.f32 v13;
	v4 =	vadd.f32 v37, v14;
	v40 =	vpop (erf)  }
0x20a: {  	v18 =	vmul.f32 $5.000000000e-01, v18;
	v11 =	vadd.f32 v38, v11;
	v14 =	vmul.f32 v40, v1  }
0x20b: {  	v12 =	vadd.f32 v39, v12;
	(erf) = vrcp.f32 v16;
	v4 =	vmul.f32 $5.000000000e-01, v4  }
0x20c: {  	(erf) = vrcp.f32 v18;
	v11 =	vmul.f32 $5.000000000e-01, v11;
	v14 =	vadd.f32 v14, v28  }
0x20d: {  	v12 =	vmul.f32 $5.000000000e-01, v12;
	(erf) = vrcp.f32 v4  }
0x20e: {  	(erf) = vrcp.f32 v11;
	v14 =	vmul.f32 $5.000000000e-01, v14  }
0x20f: {  	(erf) = vrcp.f32 v12;
	v41 =	vpop (erf)  }
0x210: {  	(erf) = vrcp.f32 v14;
	v4 =	vmul.f32 v41, v3;
	_ =	sdelay $0x1  }
0x211: {  	v4 =	vadd.f32 v4, v15  }
0x212: {  	v42 =	vpop (erf)  }
0x213: {  	v43 =	vpop (erf)  }
0x214: {  	v15 =	vmul.f32 v43, v2;
	v44 =	vpop (erf)  }
0x215: {  	v17 =	vmul.f32 v42, v7;
	v45 =	vmul.f32 $5.000000000e-01, v4;
	v4 =	vpop (erf)  }
0x216: {  	v46 =	vmul.f32 v44, v0;
	v15 =	vadd.f32 v15, v16;
	v47 =	vpop (erf)  }
0x217: {  	v13 =	vadd.f32 v17, v13;
	(erf) = vrcp.f32 v45;
	v48 =	vpop (erf);
	v19 =	vmul.f32 v47, v5  }
0x218: {  	v16 =	vadd.f32 v46, v18;
	v15 =	vmul.f32 $5.000000000e-01, v15;
	v17 =	vmul.f32 v48, v9;
	v49 =	vpop (erf)  }
0x219: {  	v13 =	vmul.f32 $5.000000000e-01, v13;
	v11 =	vadd.f32 v19, v11;
	v18 =	vmul.f32 v49, v1  }
0x21a: {  	v16 =	vmul.f32 $5.000000000e-01, v16;
	(erf) = vrcp.f32 v15;
	v12 =	vadd.f32 v17, v12  }
0x21b: {  	(erf) = vrcp.f32 v13;
	v11 =	vmul.f32 $5.000000000e-01, v11;
	v14 =	vadd.f32 v18, v14  }
0x21c: {  	(erf) = vrcp.f32 v16;
	v12 =	vmul.f32 $5.000000000e-01, v12  }
0x21d: {  	(erf) = vrcp.f32 v11;
	v14 =	vmul.f32 $5.000000000e-01, v14  }
0x21e: {  	(erf) = vrcp.f32 v12  }
0x21f: {  	(erf) = vrcp.f32 v14;
	_ =	sdelay $0x1  }
0x220: {  	v50 =	vpop (erf)  }
0x221: {  	v17 =	vmul.f32 v50, v3  }
0x222: {  	v51 =	vpop (erf)  }
0x223: {  	v17 =	vadd.f32 v17, v45;
	v52 =	vpop (erf)  }
0x224: {  	v2 =	vmul.f32 v51, v2;
	v53 =	vpop (erf)  }
0x225: {  	v19 =	vmul.f32 v52, v7;
	v17 =	vmul.f32 $5.000000000e-01, v17;
	v54 =	vpop (erf)  }
0x226: {  	v2 =	vadd.f32 v2, v15;
	v55 =	vmul.f32 v53, v0;
	v56 =	vpop (erf)  }
0x227: {  	v13 =	vadd.f32 v19, v13;
	(erf) = vrcp.f32 v17;
	v57 =	vmul.f32 v54, v5;
	v58 =	vpop (erf)  }
0x228: {  	v2 =	vmul.f32 $5.000000000e-01, v2;
	v15 =	vadd.f32 v55, v16;
	v59 =	vmul.f32 v58, v1  }
0x229: {  	v13 =	vmul.f32 $5.000000000e-01, v13;
	v18 =	vmul.f32 v56, v9;
	v11 =	vadd.f32 v57, v11  }
0x22a: {  	(erf) = vrcp.f32 v2;
	v15 =	vmul.f32 $5.000000000e-01, v15;
	v2 =	vadd.f32 v59, v14  }
0x22b: {  	(erf) = vrcp.f32 v13;
	v12 =	vadd.f32 v18, v12;
	v11 =	vmul.f32 $5.000000000e-01, v11  }
0x22c: {  	(erf) = vrcp.f32 v15;
	v14 =	vmul.f32 $5.000000000e-01, v2  }
0x22d: {  	v12 =	vmul.f32 $5.000000000e-01, v12;
	(erf) = vrcp.f32 v11  }
0x22e: {  	(erf) = vrcp.f32 v14  }
0x22f: {  	(erf) = vrcp.f32 v12;
	_ =	sdelay $0x1  }
0x230: {  	v60 =	vpop (erf)  }
0x231: {  	v16 =	vmul.f32 v60, v3  }
0x232: {  	v2 =	vpop (erf)  }
0x233: {  	v61 =	vpop (erf);
	v16 =	vadd.f32 v16, v17  }
0x234: {  	v18 =	vmul.f32 v61, v7;
	v62 =	vpop (erf)  }
0x235: {  	v63 =	vmul.f32 v62, v0;
	v16 =	vmul.f32 $5.000000000e-01, v16;
	v21 =	vpop (erf)  }
0x236: {  	v13 =	vadd.f32 v18, v13;
	v22 =	vmul.f32 v21, v5;
	v23 =	vpop (erf)  }
0x237: {  	v15 =	vadd.f32 v63, v15;
	(erf) = vrcp.f32 v16;
	v24 =	vpop (erf);
	v1 =	vmul.f32 v23, v1  }
0x238: {  	v13 =	vmul.f32 $5.000000000e-01, v13;
	v11 =	vadd.f32 v22, v11;
	v17 =	vmul.f32 v24, v9  }
0x239: {  	v15 =	vmul.f32 $5.000000000e-01, v15;
	v1 =	vadd.f32 v1, v14  }
0x23a: {  	(erf) = vrcp.f32 v13;
	v11 =	vmul.f32 $5.000000000e-01, v11;
	v12 =	vadd.f32 v17, v12  }
0x23b: {  	(erf) = vrcp.f32 v15;
	v1 =	vmul.f32 $5.000000000e-01, v1  }
0x23c: {  	(erf) = vrcp.f32 v11;
	v12 =	vmul.f32 $5.000000000e-01, v12  }
0x23d: {  	(erf) = vrcp.f32 v1  }
0x23e: {  	(erf) = vrcp.f32 v12;
	_ =	sdelay $0x2  }
0x23f: {  	v1 =	vpop (erf)  }
0x240: {  	v1 =	vmul.f32 v1, v3  }
0x241: {  	v25 =	vpop (erf)  }
0x242: {  	v26 =	vpop (erf)  }
0x243: {  	v14 =	vmul.f32 v25, v7;
	v27 =	vpop (erf)  }
0x244: {  	v16 =	vadd.f32 v1, v16;
	v17 =	vmul.f32 v26, v0;
	v1 =	vpop (erf)  }
0x245: {  	v13 =	vadd.f32 v14, v13;
	v28 =	vmul.f32 v27, v5;
	v29 =	vpop (erf)  }
0x246: {  	v16 =	vmul.f32 $5.000000000e-01, v16;
	v15 =	vadd.f32 v17, v15;
	v30 =	vmul.f32 v29, v9  }
0x247: {  	v13 =	vmul.f32 $5.000000000e-01, v13;
	v11 =	vadd.f32 v28, v11  }
0x248: {  	(erf) = vrcp.f32 v16;
	v31 =	vmul.f32 $5.000000000e-01, v15;
	v12 =	vadd.f32 v30, v12  }
0x249: {  	(erf) = vrcp.f32 v13;
	v11 =	vmul.f32 $5.000000000e-01, v11  }
0x24a: {  	(erf) = vrcp.f32 v31;
	v12 =	vmul.f32 $5.000000000e-01, v12  }
0x24b: {  	(erf) = vrcp.f32 v11  }
0x24c: {  	(erf) = vrcp.f32 v12;
	_ =	sdelay $0x4  }
0x24d: {  	v32 =	vpop (erf)  }
0x24e: {  	v15 =	vmul.f32 v32, v3;
	v33 =	vpop (erf)  }
0x24f: {  	v17 =	vmul.f32 v33, v7;
	v34 =	vpop (erf)  }
0x250: {  	v15 =	vadd.f32 v15, v16;
	v0 =	vmul.f32 v34, v0;
	v35 =	vpop (erf)  }
0x251: {  	v13 =	vadd.f32 v17, v13;
	v16 =	vmul.f32 v35, v5;
	v36 =	vpop (erf)  }
0x252: {  	v15 =	vmul.f32 $5.000000000e-01, v15;
	v0 =	vadd.f32 v0, v31;
	v37 =	vmul.f32 v36, v9  }
0x253: {  	v13 =	vmul.f32 $5.000000000e-01, v13;
	v11 =	vadd.f32 v16, v11  }
0x254: {  	(erf) = vrcp.f32 v15;
	v0 =	vmul.f32 $5.000000000e-01, v0;
	v12 =	vadd.f32 v37, v12  }
0x255: {  	(erf) = vrcp.f32 v13;
	v11 =	vmul.f32 $5.000000000e-01, v11  }
0x256: {  	(erf) = vrcp.f32 v0;
	v0 =	vmul.f32 $5.000000000e-01, v12  }
0x257: {  	(erf) = vrcp.f32 v11  }
0x258: {  	(erf) = vrcp.f32 v0;
	_ =	sdelay $0x4  }
0x259: {  	v38 =	vpop (erf)  }
0x25a: {  	v39 =	vpop (erf)  }
0x25b: {  	v12 =	vmul.f32 v38, v3;
	v40 =	vpop (erf)  }
0x25c: {  	v14 =	vmul.f32 v39, v7;
	v41 =	vpop (erf)  }
0x25d: {  	v12 =	vadd.f32 v12, v15;
	v42 =	vmul.f32 v41, v5;
	v43 =	vpop (erf)  }
0x25e: {  	v13 =	vadd.f32 v14, v13;
	v44 =	vmul.f32 v43, v9  }
0x25f: {  	v12 =	vmul.f32 $5.000000000e-01, v12;
	v11 =	vadd.f32 v42, v11  }
0x260: {  	v13 =	vmul.f32 $5.000000000e-01, v13;
	v0 =	vadd.f32 v44, v0  }
0x261: {  	(erf) = vrcp.f32 v12;
	v11 =	vmul.f32 $5.000000000e-01, v11  }
0x262: {  	(erf) = vrcp.f32 v13;
	v0 =	vmul.f32 $5.000000000e-01, v0  }
0x263: {  	(erf) = vrcp.f32 v11  }
0x264: {  	(erf) = vrcp.f32 v0;
	_ =	sdelay $0x5  }
0x265: {  	v45 =	vpop (erf)  }
0x266: {  	v3 =	vmul.f32 v45, v3;
	v46 =	vpop (erf)  }
0x267: {  	v14 =	vmul.f32 v46, v7;
	v47 =	vpop (erf)  }
0x268: {  	v3 =	vadd.f32 v3, v12;
	v48 =	vmul.f32 v47, v5;
	v49 =	vpop (erf)  }
0x269: {  	v13 =	vadd.f32 v14, v13;
	v50 =	vmul.f32 v49, v9  }
0x26a: {  	v3 =	vmul.f32 $5.000000000e-01, v3;
	v11 =	vadd.f32 v48, v11  }
0x26b: {  	v51 =	vmul.f32 $5.000000000e-01, v13;
	v0 =	vadd.f32 v50, v0  }
0x26c: {  	(erf) = vrcp.f32 v3;
	v3 =	vmul.f32 $5.000000000e-01, v11  }
0x26d: {  	(erf) = vrcp.f32 v51;
	v0 =	vmul.f32 $5.000000000e-01, v0  }
0x26e: {  	(erf) = vrcp.f32 v3  }
0x26f: {  	(erf) = vrcp.f32 v0;
	_ =	sdelay $0x5  }
0x270: {  	v52 =	vpop (erf)  }
0x271: {  	v53 =	vpop (erf)  }
0x272: {  	v13 =	vmul.f32 v53, v7;
	v54 =	vpop (erf)  }
0x273: {  	v55 =	vmul.f32 v54, v5;
	v56 =	vpop (erf)  }
0x274: {  	v12 =	vadd.f32 v13, v51;
	v57 =	vmul.f32 v56, v9  }
0x275: {  	v3 =	vadd.f32 v55, v3  }
0x276: {  	v58 =	vmul.f32 $5.000000000e-01, v12;
	v0 =	vadd.f32 v57, v0  }
0x277: {  	v3 =	vmul.f32 $5.000000000e-01, v3  }
0x278: {  	(erf) = vrcp.f32 v58;
	v0 =	vmul.f32 $5.000000000e-01, v0  }
0x279: {  	(erf) = vrcp.f32 v3  }
0x27a: {  	(erf) = vrcp.f32 v0;
	_ =	sdelay $0x6  }
0x27b: {  	v3 =	vpop (erf)  }
0x27c: {  	v59 =	vpop (erf)  }
0x27d: {  	v3 =	vmul.f32 v3, v7;
	v60 =	vpop (erf)  }
0x27e: {  	v13 =	vmul.f32 v60, v9  }
0x27f: {  	v3 =	vadd.f32 v3, v58  }
0x280: {  	v0 =	vadd.f32 v13, v0  }
0x281: {  	v3 =	vmul.f32 $5.000000000e-01, v3  }
0x282: {  	v0 =	vmul.f32 $5.000000000e-01, v0  }
0x283: {  	(erf) = vrcp.f32 v3  }
0x284: {  	(erf) = vrcp.f32 v0;
	_ =	sdelay $0x7  }
0x285: {  	v61 =	vpop (erf)  }
0x286: {  	v5 =	vmul.f32 v61, v7;
	v62 =	vpop (erf)  }
0x287: {  	v7 =	vmul.f32 v62, v9  }
0x288: {  	v3 =	vadd.f32 v5, v3  }
0x289: {  	v0 =	vadd.f32 v7, v0  }
0x28a: {  	v3 =	vmul.f32 $5.000000000e-01, v3  }
0x28b: {  	v0 =	vmul.f32 $5.000000000e-01, v0  }
0x28c: {  	(erf) = vrcp.f32 v3  }
0x28d: {  	(erf) = vrcp.f32 v0;
	_ =	sdelay $0x7  }
0x28e: {  	v3 =	vpop (erf)  }
0x28f: {  	v63 =	vpop (erf)  }
0x290: {  	v5 =	vmul.f32 v63, v9;
	_ =	sdelay $0x1  }
0x291: {  	v0 =	vadd.f32 v5, v0;
	_ =	sdelay $0x1  }
0x292: {  	v0 =	vmul.f32 $5.000000000e-01, v0;
	_ =	sdelay $0x1  }
0x293: {  	[tilespmem:s9+$0xA00] =	vst v10;
	(erf) = vrcp.f32 v0  }
0x294: {  	[tilespmem:s10+$0xA00] =	vst v8  }
0x295: {  	[tilespmem:s11+$0xA00] =	vst v6  }
0x296: {  	[tilespmem:s12+$0xA00] =	vst v4  }
0x297: {  	[tilespmem:s13+$0xA00] =	vst v2  }
0x298: {  	[tilespmem:s14+$0xA00] =	vst v1  }
0x299: {  	[tilespmem:s15+$0xA00] =	vst v40  }
0x29a: {  	[tilespmem:s16+$0xA00] =	vst v52  }
0x29b: {  	[tilespmem:s17+$0xA00] =	vst v59  }
0x29c: {  	[tilespmem:s18+$0xA00] =	vst v3;
	v0 =	vpop (erf)  }
0x29d: {  	s28 =	simm.s32 $0xA00;
	s29 =	simm.s32 $0x9;
	[tilespmem:s19+$0xA00] =	vst v0  }
0x29e: {  	[spmem:s8] =	stream.linear.scatter [tilespmem:s28], [sflag:$0x9], $0x280, $0x38;
	[tilespmem:$0x13100] =	vst v63  }
0x29f: {  	_ =	swait.ge [sflag:s29], $0x280  }
0x2a0: {  	[sflag:s29] =	ssyncset.done $0x0  }
0x2a1: {  	[sflag:s29] =	ssyncadd.s32 $0xFFFFFD80  }
0x2a2: {  	s8 =	simm.s32 $0x6080;
	[bflag:$0x0] =	sbarrier.arrive $0xFFFF  }
0x2a3: {  	[tilespmem:s8], [sflag:$0x9] =	stream.linear.gather [spmem:s6], $0x2800, $0x38;
	[tilespmem:$0x13100] =	vst v63  }
0x2a4: {  	_ =	swait.ge [sflag:s29], $0x2800  }
0x2a5: {  	[sflag:s29] =	ssyncset.done $0x0  }
0x2a6: {  	s30 =	simm.s32 $0x0;
	s31 =	simm.s32 $0x8900;
	[sflag:s29] =	ssyncadd.s32 $0xFFFFD800  }
0x2a7: {  	[tilespmem:s31], [sflag:$0x9] =	stream.linear.gather [hbm4b:s7+s30], $0x5400, $0x38;
	[tilespmem:$0x13100] =	vst v63  }
0x2a8: {  	_ =	swait.ge [sflag:s29], $0x5400  }
0x2a9: {  	[sflag:s29] =	ssyncset.done $0x0  }
0x2aa: {  	s6 =	simm.s32 $0x0;
	[sflag:s29] =	ssyncadd.s32 $0xFFFFAC00  }
0x2ab: {  	v0 =	vld [tilespmem:s6+$0x8900];
	_ =	sdelay $0x5  }
0x2ac: {  	v1 =	vld [tilespmem:s6+$0x8910];
	_ =	sdelay $0x1  }
0x2ad: {  	v0 =	vld.idx.msk [tilespmem:v0+s8+$0x0], $0xffff;
	_ =	sdelay $0x4  }
0x2ae: {  	[tilespmem:s6+$0xDD00] =	vst v0;
	v0 =	vld [tilespmem:s6+$0x8920]  }
0x2af: {  	v1 =	vld.idx.msk [tilespmem:v1+s8+$0x0], $0xffff;
	_ =	sdelay $0x4  }
0x2b0: {  	[tilespmem:s6+$0xDD10] =	vst v1;
	v1 =	vld [tilespmem:s6+$0x8930];
	_ =	sdelay $0x1  }
0x2b1: {  	v0 =	vld.idx.msk [tilespmem:v0+s8+$0x0], $0xffff;
	_ =	sdelay $0x4  }
0x2b2: {  	[tilespmem:s6+$0xDD20] =	vst v0;
	v0 =	vld [tilespmem:s6+$0x8940]  }
0x2b3: {  	v1 =	vld.idx.msk [tilespmem:v1+s8+$0x0], $0xffff;
	_ =	sdelay $0x4  }
0x2b4: {  	[tilespmem:s6+$0xDD30] =	vst v1;
	v1 =	vld [tilespmem:s6+$0x8950];
	_ =	sdelay $0x1  }
0x2b5: {  	v0 =	vld.idx.msk [tilespmem:v0+s8+$0x0], $0xffff;
	_ =	sdelay $0x4  }
0x2b6: {  	v2 =	vld [tilespmem:s6+$0x8960];
	[tilespmem:s6+$0xDD40] =	vst v0  }
0x2b7: {  	v0 =	vld.idx.msk [tilespmem:v1+s8+$0x0], $0xffff;
	_ =	sdelay $0x4  }
0x2b8: {  	[tilespmem:s6+$0xDD50] =	vst v0;
	v0 =	vld [tilespmem:s6+$0x8968];
	_ =	sdelay $0x1  }
0x2b9: {  	v1 =	vld.idx.msk [tilespmem:v2+s8+$0x0], $0xffff;
	_ =	sdelay $0x3  }
0x2ba: {  	s9 =	simm.s32 $0x80;
	s7 =	simm.s32 $0x400  }
.LBB2_6:
0x2bb: {  	p0 =	sne.s32 s7, $0x14E00;
	v2 =	vld [tilespmem:s9+$0x8900];
	[tilespmem:s6+$0xDD60] =	vst v1  }
0x2bc: {  	v0 =	vld.idx.msk [tilespmem:v0+s8+$0x0], $0xffff;
	_ =	sdelay $0x5  }
0x2bd: {  	v1 =	vld [tilespmem:s9+$0x8910];
	[tilespmem:s6+$0xDD68] =	vst v0;
	s6 =	smov.u32 s9  }
0x2be: {  	v0 =	vld.idx.msk [tilespmem:v2+s8+$0x0], $0xffff;
	_ =	sdelay $0x5  }
0x2bf: {  	[tilespmem:s6+$0xDD00] =	vst v0;
	v0 =	vld [tilespmem:s6+$0x8920]  }
0x2c0: {  	v1 =	vld.idx.msk [tilespmem:v1+s8+$0x0], $0xffff;
	_ =	sdelay $0x5  }
0x2c1: {  	[tilespmem:s6+$0xDD10] =	vst v1;
	v1 =	vld [tilespmem:s6+$0x8930]  }
0x2c2: {  	v0 =	vld.idx.msk [tilespmem:v0+s8+$0x0], $0xffff;
	_ =	sdelay $0x5  }
0x2c3: {  	[tilespmem:s6+$0xDD20] =	vst v0;
	v0 =	vld [tilespmem:s6+$0x8940]  }
0x2c4: {  	v1 =	vld.idx.msk [tilespmem:v1+s8+$0x0], $0xffff;
	_ =	sdelay $0x5  }
0x2c5: {  	[tilespmem:s6+$0xDD30] =	vst v1;
	v1 =	vld [tilespmem:s6+$0x8950]  }
0x2c6: {  	v0 =	vld.idx.msk [tilespmem:v0+s8+$0x0], $0xffff;
	_ =	sdelay $0x5  }
0x2c7: {  	[tilespmem:s6+$0xDD40] =	vst v0;
	v2 =	vld [tilespmem:s6+$0x8960]  }
0x2c8: {  	v0 =	vld.idx.msk [tilespmem:v1+s8+$0x0], $0xffff;
	_ =	sdelay $0x5  }
0x2c9: {  	[tilespmem:s6+$0xDD50] =	vst v0;
	v0 =	vld [tilespmem:s6+$0x8968]  }
0x2ca: {  	v1 =	vld.idx.msk [tilespmem:v2+s8+$0x0], $0xffff  }
.Ltmp3:
0x2cb: {  	(pc) =	sbr.rel @p0 .LBB2_6-.Ltmp3, $2  }
0x2cc: {  	_ =	sdelay $0x2  }
0x2cd: {  	s9 =	sshra.s32 s7, $0x2;
	s7 =	sadd.s32 $0x200, s7  }
0x2ce: {  	_ =	sdelay $0x1  }
0x2cf: {  	v2 =	vld [tilespmem:s9+$0x8900]  }
0x2d0: {  	[tilespmem:s6+$0xDD60] =	vst v1  }
0x2d1: {  	v0 =	vld.idx.msk [tilespmem:v0+s8+$0x0], $0xffff;
	_ =	sdelay $0x3  }
0x2d2: {  	v1 =	vld [tilespmem:s9+$0x8910]  }
0x2d3: {  	[tilespmem:s6+$0xDD68] =	vst v0  }
0x2d4: {  	v0 =	vld.idx.msk [tilespmem:v2+s8+$0x0], $0xffff;
	_ =	sdelay $0x3  }
0x2d5: {  	v58 =	vld [tilespmem:s9+$0x8920]  }
0x2d6: {  	[tilespmem:s9+$0xDD00] =	vst v0  }
0x2d7: {  	v1 =	vld.idx.msk [tilespmem:v1+s8+$0x0], $0xffff;
	_ =	sdelay $0x3  }
0x2d8: {  	v59 =	vld [tilespmem:s9+$0x8930]  }
0x2d9: {  	[tilespmem:s9+$0xDD10] =	vst v1  }
0x2da: {  	v0 =	vld.idx.msk [tilespmem:v58+s8+$0x0], $0xffff;
	_ =	sdelay $0x3  }
0x2db: {  	v60 =	vld [tilespmem:s9+$0x8940]  }
0x2dc: {  	[tilespmem:s9+$0xDD20] =	vst v0  }
0x2dd: {  	v1 =	vld.idx.msk [tilespmem:v59+s8+$0x0], $0xffff;
	_ =	sdelay $0x3  }
0x2de: {  	v61 =	vld [tilespmem:s9+$0x8950]  }
0x2df: {  	[tilespmem:s9+$0xDD30] =	vst v1  }
0x2e0: {  	v0 =	vld.idx.msk [tilespmem:v60+s8+$0x0], $0xffff;
	_ =	sdelay $0x3  }
0x2e1: {  	v62 =	vld [tilespmem:s9+$0x8960]  }
0x2e2: {  	[tilespmem:s9+$0xDD40] =	vst v0  }
0x2e3: {  	v1 =	vld.idx.msk [tilespmem:v61+s8+$0x0], $0xffff;
	_ =	sdelay $0x3  }
0x2e4: {  	v63 =	vld [tilespmem:s9+$0x8968]  }
0x2e5: {  	[tilespmem:s9+$0xDD50] =	vst v1  }
0x2e6: {  	v0 =	vld.idx.msk [tilespmem:v62+s8+$0x0], $0xffff;
	_ =	sdelay $0x4  }
0x2e7: {  	[tilespmem:s9+$0xDD60] =	vst v0  }
0x2e8: {  	v0 =	vld.idx.msk [tilespmem:v63+s8+$0x0], $0xffff;
	_ =	sdelay $0x4  }
0x2e9: {  	s7 =	simm.s32 $0xDD00;
	s16 =	simm.s32 $0xC80;
	s6 =	simm.s32 $0x78;
	[tilespmem:s9+$0xDD68] =	vst v0  }
0x2ea: {  	[spmem:s2] =	stream.indirect.scatter.add.f32 [tilespmem:s7], [sflag:$0x1], $0x1, s16, s6, $0xb8;
	[tilespmem:$0x13100] =	vst v63  }
0x2eb: {  	s17 =	simm.s32 $0xDD80;
	s18 =	simm.s32 $0xD00  }
0x2ec: {  	[spmem:s2] =	stream.indirect.scatter.add.f32 [tilespmem:s17], [sflag:$0x2], $0x1, s18, s6, $0xb8;
	[tilespmem:$0x13100] =	vst v63  }
0x2ed: {  	s19 =	simm.s32 $0xDE00;
	s20 =	simm.s32 $0xD80  }
0x2ee: {  	[spmem:s2] =	stream.indirect.scatter.add.f32 [tilespmem:s19], [sflag:$0x3], $0x1, s20, s6, $0xb8;
	[tilespmem:$0x13100] =	vst v63  }
0x2ef: {  	s21 =	simm.s32 $0xDE80;
	s22 =	simm.s32 $0xE00  }
0x2f0: {  	[spmem:s2] =	stream.indirect.scatter.add.f32 [tilespmem:s21], [sflag:$0x4], $0x1, s22, s6, $0xb8;
	[tilespmem:$0x13100] =	vst v63  }
0x2f1: {  	s23 =	simm.s32 $0xDF00;
	s24 =	simm.s32 $0xE80  }
0x2f2: {  	[spmem:s2] =	stream.indirect.scatter.add.f32 [tilespmem:s23], [sflag:$0x5], $0x1, s24, s6, $0xb8;
	[tilespmem:$0x13100] =	vst v63  }
0x2f3: {  	s25 =	simm.s32 $0xDF80;
	s26 =	simm.s32 $0xF00  }
0x2f4: {  	[spmem:s2] =	stream.indirect.scatter.add.f32 [tilespmem:s25], [sflag:$0x6], $0x1, s26, s6, $0xb8;
	[tilespmem:$0x13100] =	vst v63  }
0x2f5: {  	s28 =	simm.s32 $0xE000;
	s29 =	simm.s32 $0xF80  }
0x2f6: {  	[spmem:s2] =	stream.indirect.scatter.add.f32 [tilespmem:s28], [sflag:$0x7], $0x1, s29, s6, $0xb8;
	[tilespmem:$0x13100] =	vst v63  }
0x2f7: {  	s30 =	simm.s32 $0xE080;
	s31 =	simm.s32 $0x1000;
	s7 =	simm.s32 $0x1  }
0x2f8: {  	[spmem:s2] =	stream.indirect.scatter.add.f32 [tilespmem:s30], [sflag:$0x8], $0x1, s31, s6, $0xb8;
	[tilespmem:$0x13100] =	vst v63  }
0x2f9: {  	_ =	swait.ge [sflag:s7], $0x78  }
0x2fa: {  	[sflag:s7] =	ssyncset.done $0x0  }
0x2fb: {  	s8 =	simm.s32 $0x2;
	[sflag:s7] =	ssyncadd.s32 $0xFFFFFF88  }
0x2fc: {  	_ =	swait.ge [sflag:s8], $0x78  }
0x2fd: {  	[sflag:s8] =	ssyncset.done $0x0  }
0x2fe: {  	s9 =	simm.s32 $0x3;
	[sflag:s8] =	ssyncadd.s32 $0xFFFFFF88  }
0x2ff: {  	_ =	swait.ge [sflag:s9], $0x78  }
0x300: {  	[sflag:s9] =	ssyncset.done $0x0  }
0x301: {  	s10 =	simm.s32 $0x4;
	[sflag:s9] =	ssyncadd.s32 $0xFFFFFF88  }
0x302: {  	_ =	swait.ge [sflag:s10], $0x78  }
0x303: {  	[sflag:s10] =	ssyncset.done $0x0  }
0x304: {  	s11 =	simm.s32 $0x5;
	[sflag:s10] =	ssyncadd.s32 $0xFFFFFF88  }
0x305: {  	_ =	swait.ge [sflag:s11], $0x78  }
0x306: {  	[sflag:s11] =	ssyncset.done $0x0  }
0x307: {  	s12 =	simm.s32 $0x6;
	[sflag:s11] =	ssyncadd.s32 $0xFFFFFF88  }
0x308: {  	_ =	swait.ge [sflag:s12], $0x78  }
0x309: {  	[sflag:s12] =	ssyncset.done $0x0  }
0x30a: {  	s13 =	simm.s32 $0x7;
	[sflag:s12] =	ssyncadd.s32 $0xFFFFFF88  }
0x30b: {  	_ =	swait.ge [sflag:s13], $0x78  }
0x30c: {  	[sflag:s13] =	ssyncset.done $0x0  }
0x30d: {  	s14 =	simm.s32 $0x8;
	[sflag:s13] =	ssyncadd.s32 $0xFFFFFF88  }
0x30e: {  	_ =	swait.ge [sflag:s14], $0x78  }
0x30f: {  	s18 =	simm.s32 $0x2000;
	s17 =	simm.s32 $0x400;
	[sflag:s14] =	ssyncset.done $0x0  }
.LBB2_8:
0x310: {  	s16 =	sadd.s32 $0xDD00, s17  }
0x311: {  	s19 =	sadd.s32 $0xC80, s17;
	[sflag:s14] =	ssyncadd.s32 $0xFFFFFF88;
	s15 =	smov.u32 s18  }
0x312: {  	[spmem:s2] =	stream.indirect.scatter.add.f32 [tilespmem:s16], [sflag:$0x1], $0x1, s19, s6, $0xb8;
	[tilespmem:$0x13100] =	vst v63  }
0x313: {  	s20 =	sadd.s32 $0xD00, s17;
	s16 =	sadd.s32 $0x1000, s18;
	s19 =	sadd.s32 $0xDD80, s17  }
0x314: {  	[spmem:s2] =	stream.indirect.scatter.add.f32 [tilespmem:s19], [sflag:$0x2], $0x1, s20, s6, $0xb8;
	[tilespmem:$0x13100] =	vst v63  }
0x315: {  	p0 =	sne.s32 s18, $0x14000;
	s18 =	sadd.s32 $0xDE00, s17;
	s19 =	sadd.s32 $0xD80, s17  }
0x316: {  	[spmem:s2] =	stream.indirect.scatter.add.f32 [tilespmem:s18], [sflag:$0x3], $0x1, s19, s6, $0xb8;
	[tilespmem:$0x13100] =	vst v63  }
0x317: {  	s18 =	sadd.s32 $0xDE80, s17;
	s19 =	sadd.s32 $0xE00, s17  }
0x318: {  	[spmem:s2] =	stream.indirect.scatter.add.f32 [tilespmem:s18], [sflag:$0x4], $0x1, s19, s6, $0xb8;
	[tilespmem:$0x13100] =	vst v63  }
0x319: {  	s18 =	sadd.s32 $0xDF00, s17;
	s19 =	sadd.s32 $0xE80, s17  }
0x31a: {  	[spmem:s2] =	stream.indirect.scatter.add.f32 [tilespmem:s18], [sflag:$0x5], $0x1, s19, s6, $0xb8;
	[tilespmem:$0x13100] =	vst v63  }
0x31b: {  	s18 =	sadd.s32 $0xDF80, s17;
	s19 =	sadd.s32 $0xF00, s17  }
0x31c: {  	[spmem:s2] =	stream.indirect.scatter.add.f32 [tilespmem:s18], [sflag:$0x6], $0x1, s19, s6, $0xb8;
	[tilespmem:$0x13100] =	vst v63  }
0x31d: {  	s18 =	sadd.s32 $0xE000, s17;
	s19 =	sadd.s32 $0xF80, s17  }
0x31e: {  	[spmem:s2] =	stream.indirect.scatter.add.f32 [tilespmem:s18], [sflag:$0x7], $0x1, s19, s6, $0xb8;
	[tilespmem:$0x13100] =	vst v63  }
0x31f: {  	s18 =	sadd.s32 $0xE080, s17;
	s17 =	sadd.s32 $0x1000, s17  }
0x320: {  	[spmem:s2] =	stream.indirect.scatter.add.f32 [tilespmem:s18], [sflag:$0x8], $0x1, s17, s6, $0xb8;
	[tilespmem:$0x13100] =	vst v63  }
0x321: {  	_ =	swait.ge [sflag:s7], $0x78  }
0x322: {  	[sflag:s7] =	ssyncset.done $0x0  }
0x323: {  	[sflag:s7] =	ssyncadd.s32 $0xFFFFFF88  }
0x324: {  	_ =	swait.ge [sflag:s8], $0x78  }
0x325: {  	[sflag:s8] =	ssyncset.done $0x0  }
0x326: {  	[sflag:s8] =	ssyncadd.s32 $0xFFFFFF88  }
0x327: {  	_ =	swait.ge [sflag:s9], $0x78  }
0x328: {  	[sflag:s9] =	ssyncset.done $0x0  }
0x329: {  	[sflag:s9] =	ssyncadd.s32 $0xFFFFFF88  }
0x32a: {  	_ =	swait.ge [sflag:s10], $0x78  }
0x32b: {  	[sflag:s10] =	ssyncset.done $0x0  }
0x32c: {  	[sflag:s10] =	ssyncadd.s32 $0xFFFFFF88  }
0x32d: {  	_ =	swait.ge [sflag:s11], $0x78  }
0x32e: {  	[sflag:s11] =	ssyncset.done $0x0  }
0x32f: {  	[sflag:s11] =	ssyncadd.s32 $0xFFFFFF88  }
0x330: {  	_ =	swait.ge [sflag:s12], $0x78  }
0x331: {  	[sflag:s12] =	ssyncset.done $0x0  }
0x332: {  	[sflag:s12] =	ssyncadd.s32 $0xFFFFFF88  }
.Ltmp4:
0x333: {  	_ =	swait.ge [sflag:s13], $0x78;
	(pc) =	sbr.rel @p0 .LBB2_8-.Ltmp4, $4  }
0x334: {  	[sflag:s13] =	ssyncset.done $0x0  }
0x335: {  	[sflag:s13] =	ssyncadd.s32 $0xFFFFFF88  }
0x336: {  	_ =	swait.ge [sflag:s14], $0x78  }
0x337: {  	s17 =	sshra.s32 s15, $0x2;
	s18 =	smov.u32 s16;
	[sflag:s14] =	ssyncset.done $0x0  }
0x338: {  	s15 =	sadd.s32 $0xDD00, s17;
	s16 =	sadd.s32 $0xC80, s17;
	[sflag:s14] =	ssyncadd.s32 $0xFFFFFF88  }
0x339: {  	[spmem:s2] =	stream.indirect.scatter.add.f32 [tilespmem:s15], [sflag:$0x1], $0x1, s16, s6, $0xb8;
	[tilespmem:$0x13100] =	vst v63  }
0x33a: {  	s30 =	sadd.s32 $0xDD80, s17;
	s31 =	sadd.s32 $0xD00, s17  }
0x33b: {  	[spmem:s2] =	stream.indirect.scatter.add.f32 [tilespmem:s30], [sflag:$0x2], $0x1, s31, s6, $0xb8;
	[tilespmem:$0x13100] =	vst v63  }
0x33c: {  	s18 =	sadd.s32 $0xD80, s17;
	s16 =	sadd.s32 $0xDE00, s17  }
0x33d: {  	[spmem:s2] =	stream.indirect.scatter.add.f32 [tilespmem:s16], [sflag:$0x3], $0x1, s18, s6, $0xb8;
	[tilespmem:$0x13100] =	vst v63  }
0x33e: {  	s19 =	sadd.s32 $0xDE80, s17;
	s20 =	sadd.s32 $0xE00, s17  }
0x33f: {  	[spmem:s2] =	stream.indirect.scatter.add.f32 [tilespmem:s19], [sflag:$0x4], $0x1, s20, s6, $0xb8;
	[tilespmem:$0x13100] =	vst v63  }
0x340: {  	s21 =	sadd.s32 $0xDF00, s17;
	s22 =	sadd.s32 $0xE80, s17  }
0x341: {  	[spmem:s2] =	stream.indirect.scatter.add.f32 [tilespmem:s21], [sflag:$0x5], $0x1, s22, s6, $0xb8;
	[tilespmem:$0x13100] =	vst v63  }
0x342: {  	s23 =	sadd.s32 $0xDF80, s17;
	s24 =	sadd.s32 $0xF00, s17  }
0x343: {  	[spmem:s2] =	stream.indirect.scatter.add.f32 [tilespmem:s23], [sflag:$0x6], $0x1, s24, s6, $0xb8;
	[tilespmem:$0x13100] =	vst v63  }
0x344: {  	s25 =	sadd.s32 $0xE000, s17;
	s26 =	sadd.s32 $0xF80, s17  }
0x345: {  	[spmem:s2] =	stream.indirect.scatter.add.f32 [tilespmem:s25], [sflag:$0x7], $0x1, s26, s6, $0xb8;
	[tilespmem:$0x13100] =	vst v63  }
0x346: {  	s28 =	sadd.s32 $0xE080, s17;
	s29 =	sadd.s32 $0x1000, s17  }
0x347: {  	[spmem:s2] =	stream.indirect.scatter.add.f32 [tilespmem:s28], [sflag:$0x8], $0x1, s29, s6, $0xb8;
	[tilespmem:$0x13100] =	vst v63  }
0x348: {  	_ =	swait.ge [sflag:s7], $0x78  }
0x349: {  	[sflag:s7] =	ssyncset.done $0x0  }
0x34a: {  	[sflag:s7] =	ssyncadd.s32 $0xFFFFFF88  }
0x34b: {  	_ =	swait.ge [sflag:s8], $0x78  }
0x34c: {  	[sflag:s8] =	ssyncset.done $0x0  }
0x34d: {  	[sflag:s8] =	ssyncadd.s32 $0xFFFFFF88  }
0x34e: {  	_ =	swait.ge [sflag:s9], $0x78  }
0x34f: {  	[sflag:s9] =	ssyncset.done $0x0  }
0x350: {  	[sflag:s9] =	ssyncadd.s32 $0xFFFFFF88  }
0x351: {  	_ =	swait.ge [sflag:s10], $0x78  }
0x352: {  	[sflag:s10] =	ssyncset.done $0x0  }
0x353: {  	[sflag:s10] =	ssyncadd.s32 $0xFFFFFF88  }
0x354: {  	_ =	swait.ge [sflag:s11], $0x78  }
0x355: {  	[sflag:s11] =	ssyncset.done $0x0  }
0x356: {  	[sflag:s11] =	ssyncadd.s32 $0xFFFFFF88  }
0x357: {  	_ =	swait.ge [sflag:s12], $0x78  }
0x358: {  	[sflag:s12] =	ssyncset.done $0x0  }
0x359: {  	[sflag:s12] =	ssyncadd.s32 $0xFFFFFF88  }
0x35a: {  	_ =	swait.ge [sflag:s13], $0x78  }
0x35b: {  	[sflag:s13] =	ssyncset.done $0x0  }
0x35c: {  	[sflag:s13] =	ssyncadd.s32 $0xFFFFFF88  }
0x35d: {  	_ =	swait.ge [sflag:s14], $0x78  }
0x35e: {  	[sflag:s14] =	ssyncset.done $0x0  }
0x35f: {  	[sflag:s14] =	ssyncadd.s32 $0xFFFFFF88  }
0x360: {  	s30 =	simm.s32 $0x280;
	s31 =	simm.s32 $0x9;
	[bflag:$0x0] =	sbarrier.arrive $0xFFFF  }
0x361: {  	[tilespmem:s30], [sflag:$0x9] =	stream.linear.gather [spmem:s3], $0x280, $0x38;
	[tilespmem:$0x13100] =	vst v63  }
0x362: {  	_ =	swait.ge [sflag:s31], $0x280  }
0x363: {  	[sflag:s31] =	ssyncset.done $0x0  }
0x364: {  	s2 =	simm.s32 $0x0;
	[sflag:s31] =	ssyncadd.s32 $0xFFFFFD80  }
0x365: {  	s3 =	simm.s32 $0x40;
	v0 =	vld [tilespmem:s2+$0xA00]  }
.LBB2_10:
0x366: {  	p0 =	sne.s32 s3, $0x9C0;
	v1 =	vld [tilespmem:s2+$0x280];
	_ =	sdelay $0x4  }
.Ltmp5:
0x367: {  	v1 =	vadd.f32 v1, v0;
	(pc) =	sbr.rel @p0 .LBB2_10-.Ltmp5, $4  }
0x368: {  	_ = 	snop  }
0x369: {  	v1 =	vmul.f32 v1, v0  }
0x36a: {  	s6 =	sshra.s32 s3, $0x2  }
0x36b: {  	s3 =	sadd.s32 $0x40, s3;
	v0 =	vld [tilespmem:s6+$0xA00];
	[tilespmem:s2+$0x280] =	vst v1;
	s2 =	smov.u32 s6  }
0x36c: {  	v1 =	vld [tilespmem:s2+$0x280];
	_ =	sdelay $0x4  }
0x36d: {  	v1 =	vadd.f32 v1, v0;
	_ =	sdelay $0x1  }
0x36e: {  	v0 =	vmul.f32 v1, v0;
	_ =	sdelay $0x1  }
0x36f: {  	s29 =	simm.s32 $0x0;
	s3 =	simm.s32 $0xA00;
	s30 =	simm.s32 $0x9;
	[tilespmem:s2+$0x280] =	vst v0  }
0x370: {  	[hbm4b:s5+s29] =	stream.linear.scatter [tilespmem:s3], [sflag:$0x9], $0x280, $0x38;
	[tilespmem:$0x13100] =	vst v63  }
0x371: {  	_ =	swait.ge [sflag:s30], $0x280  }
0x372: {  	[sflag:s30] =	ssyncset.done $0x0  }
0x373: {  	s31 =	simm.s32 $0x280;
	[sflag:s30] =	ssyncadd.s32 $0xFFFFFD80  }
0x374: {  	[hbm4b:s4+s29] =	stream.linear.scatter [tilespmem:s31], [sflag:$0x9], $0x280, $0x38;
	[tilespmem:$0x13100] =	vst v63  }
0x375: {  	_ =	swait.ge [sflag:s30], $0x280  }
0x376: {  	[sflag:s30] =	ssyncset.done $0x0  }
0x377: {  	[sflag:s30] =	ssyncadd.s32 $0xFFFFFD80  }
.LBB2_12:
0x378: {  	_ =	sfence.sel $0x180000  }
0x379: {  	[bflag:$0x0] =	sbarrier.arrive $0xFFFF  }
0x37a: {  	p0 =	sne.s32 s1, $0x0;
	_ =	strace $0x90000047  }
0x37b: {  	s0 =	sadd.s32 @!p0 $0x100000, s0;
	[bflag:$0x2] =	sbarrier.arrive $0xFFFF  }
0x37c: {  	[sflag:s0] =	ssyncadd.tile.s32 @!p0 $0x1;
	_ =	shalt  }
.Lfunc_end2:
_tile_overlayer_lowered:
.L_overlay_start_2:
0x37d: {  	(tag) =	ssettag $0x2  }
0x37e: {  	s0 =	rddreg [dreg:$0x0];
	s2 =	stileid.u32  }
0x37f: {  	s1 =	rddreg [dreg:$0x1];
	p0 =	sne.s32 s2, $0x0  }
0x380: {  	s3 =	rddreg [dreg:$0x2];
	[bflag:$0x3] =	sbarrier.arrive $0xFFFF;
	s2 =	simm.s32 @!p0 $0x1C09  }
0x381: {  	[timem:s3], [sflag:s2] =	dma.local @!p0 [hbm:s0], s1  }
0x382: {  	s0 =	simm.s32 @!p0 $0x9  }
0x383: {  	_ =	swait.ge @!p0 [sflag:s0], s1  }
0x384: {  	s1 =	ssub.s32 @!p0 $0x0, s1;
	[sflag:s0] =	ssyncset.done @!p0 $0x0  }
0x385: {  	[sflag:s0] =	ssyncadd.s32 @!p0 s1  }
0x386: {  	[bflag:$0x3] =	sbarrier.arrive $0xFFFF  }
0x387: {  	_ =	shalt  }

</sc_bundles>
